<compile_context>
chip_gen: v7x
topology: tpu7x:2x2x1
jax: 0.10.2.dev20260603
libtpu: 0.0.44.dev20260713+nightly
codegen_flags: <defaults>
</compile_context>

<pallas_src>
import functools

import jax
import jax.numpy as jnp
from jax import lax
from jax.experimental import pallas as pl
from jax.experimental.pallas import tpu as pltpu
from jax.experimental.pallas import tpu_sc as plsc

N = 10000
E = 320000
F = 128

N_PAD = 10112
RPT = N_PAD // 16

TILES = 32
CW = 40
CH = 256
EPT = CH * CW
EPAD = TILES * EPT

_mesh = plsc.VectorSubcoreMesh(core_axis_name="c", subcore_axis_name="s")
_sc_params = pltpu.CompilerParams(needs_layout_passes=False,
                                  use_tc_tiling_on_sc=False)


@functools.partial(
    pl.kernel,
    mesh=_mesh,
    compiler_params=_sc_params,
    out_type=jax.ShapeDtypeStruct((TILES, N_PAD), jnp.float32),
    scratch_types=[
        pltpu.VMEM((EPT // 16, 16), jnp.int32),
        pltpu.VMEM((N_PAD,), jnp.float32),
    ],
)
def _deg_kernel(dst_hbm, out_hbm, idx_v, deg_v):
    cid = lax.axis_index("c")
    sid = lax.axis_index("s")
    t = cid * 16 + sid

    pltpu.sync_copy(dst_hbm.at[t], idx_v)

    def _zero(r, _):
        deg_v[pl.ds(r * 16, 16)] = jnp.zeros((16,), jnp.float32)
        return _
    lax.fori_loop(0, N_PAD // 16, _zero, None)

    def _scat(j, _):
        ones = jnp.full((16,), 1.0, jnp.float32)
        v = idx_v[j, :]
        plsc.addupdate_scatter(deg_v, [v], ones)
        return _
    lax.fori_loop(0, EPT // 16, _scat, None)

    pltpu.sync_copy(deg_v, out_hbm.at[t])


def _lin_body(dp_ref, x_ref, w_ref, y_ref, y2_ref, dinv_ref):
    deg = jnp.sum(dp_ref[...], axis=1, keepdims=True) + 1.0
    dinv = lax.rsqrt(deg)
    xw = jnp.dot(x_ref[...], w_ref[...], preferred_element_type=jnp.float32)
    y = xw * dinv
    y_ref[...] = y
    y2_ref[0] = y
    y2_ref[1] = y
    dinv_ref[...] = dinv


_lin_call = pl.pallas_call(
    _lin_body,
    out_shape=(
        jax.ShapeDtypeStruct((N_PAD, F), jnp.float32),
        jax.ShapeDtypeStruct((2, N_PAD, F), jnp.float32),
        jax.ShapeDtypeStruct((N_PAD, 1), jnp.float32),
    ),
)


@functools.partial(
    pl.kernel,
    mesh=_mesh,
    compiler_params=_sc_params,
    out_type=jax.ShapeDtypeStruct((2, N_PAD, F), jnp.float32),
    scratch_types=[
        pltpu.VMEM((CH, CW), jnp.int32),
        pltpu.VMEM((CH, CW), jnp.int32),
        pltpu.VMEM((4, CW, F), jnp.float32),
        pltpu.VMEM_SHARED((N_PAD, F), jnp.float32),
        [pltpu.SemaphoreType.DMA] * 4,
        [pltpu.SemaphoreType.DMA] * 4,
    ],
)
def _agg_kernel(y_hbm, src_hbm, dst_hbm, out_hbm, idx_s, idx_d, rows, acc,
                sg, ss):
    cid = lax.axis_index("c")
    sid = lax.axis_index("s")
    t = cid * 16 + sid

    pltpu.sync_copy(src_hbm.at[t], idx_s)
    pltpu.sync_copy(dst_hbm.at[t], idx_d)

    def _zero(r, _):
        for k in range(F // 16):
            rows[0, r, pl.ds(k * 16, 16)] = jnp.zeros((16,), jnp.float32)
        return _
    lax.fori_loop(0, CW, _zero, None)

    base = sid * RPT
    nfull, rem = divmod(RPT, CW)
    for q in range(nfull):
        pltpu.sync_copy(rows.at[0], acc.at[pl.ds(base + q * CW, CW)])
    if rem:
        pltpu.sync_copy(rows.at[0, pl.ds(0, rem)],
                        acc.at[pl.ds(base + nfull * CW, rem)])
    plsc.subcore_barrier()

    def _gath(j, b):
        return pltpu.async_copy(y_hbm.at[cid].at[idx_s.at[j]], rows.at[b],
                                sg[b])

    def _gath_wait(j, b):
        pltpu.make_async_copy(y_hbm.at[cid].at[idx_s.at[j]], rows.at[b],
                              sg[b]).wait()

    def _scat(j, b):
        return pltpu.async_copy(rows.at[b], acc.at[idx_d.at[j]], ss[b],
                                add=True)

    def _scat_wait(j, b):
        pltpu.make_async_copy(rows.at[b], acc.at[idx_d.at[j]], ss[b]).wait()

    _gath(0, 0)
    _gath(1, 1)

    def _quad(k, _):
        j0 = 4 * k
        for u in range(4):
            j = j0 + u
            b = u
            bg = (u + 2) % 4

            @pl.when(jnp.logical_and(j >= 2, j + 2 < CH))
            def _():
                _scat_wait(j - 2, bg)
                _gath(j + 2, bg)

            @pl.when(jnp.logical_and(j < 2, j + 2 < CH))
            def _():
                _gath(j + 2, bg)

            _gath_wait(j, b)
            _scat(j, b)
        return _
    lax.fori_loop(0, CH // 4, _quad, None)
    for u in range(4):
        _scat_wait(CH - 4 + u, u)

    plsc.subcore_barrier()
    for q in range(nfull):
        pltpu.sync_copy(acc.at[pl.ds(base + q * CW, CW)], rows.at[0])
        pltpu.sync_copy(rows.at[0], out_hbm.at[cid, pl.ds(base + q * CW, CW)])
    pltpu.sync_copy(acc.at[pl.ds(base + nfull * CW, rem)],
                    rows.at[0, pl.ds(0, rem)])
    pltpu.sync_copy(rows.at[0, pl.ds(0, rem)],
                    out_hbm.at[cid, pl.ds(base + nfull * CW, rem)])


def _fin_body(a_ref, y_ref, dinv_ref, b_ref, o_ref):
    s = (a_ref[0] + a_ref[1] + y_ref[...]) * dinv_ref[...] + b_ref[...]
    o_ref[...] = jnp.maximum(s, 0.0)


_fin_call = pl.pallas_call(
    _fin_body,
    out_shape=jax.ShapeDtypeStruct((N_PAD, F), jnp.float32),
)


def kernel(x, edge_index, W, b):
    src = edge_index[0].astype(jnp.int32)
    dst = edge_index[1].astype(jnp.int32)
    pad = EPAD - E
    src_p = jnp.concatenate([src, jnp.full((pad,), N, jnp.int32)]).reshape(TILES, CH, CW)
    dst_p = jnp.concatenate([dst, jnp.full((pad,), N, jnp.int32)]).reshape(TILES, CH, CW)
    x_p = jnp.pad(x, ((0, N_PAD - N), (0, 0)))

    dst_a = dst_p.reshape(TILES, EPT // 16, 16)
    dp = _deg_kernel(dst_a)
    y, y2, dinv = _lin_call(dp.T, x_p, W)
    agg = _agg_kernel(y2, src_p, dst_p)
    out = _fin_call(agg, y, dinv, b.reshape(1, F))
    return out[:N]

# --- scband reference (transcript-rebuilt; emitter-appended) ---
"""Pipeline reference for scband-gcnlayer-57071525429600 (READ-ONLY COPY).

The authoritative reference and input builder live on the scoring server;
editing this copy changes nothing except your own understanding.
"""

import jax, jax.numpy as jnp
import numpy as np

N_NODES = 10000
N_EDGES = 320000
IN_FEATS = 128
OUT_FEATS = 128


def setup_inputs(seed: int = 0) -> dict:
    key = jax.random.key(seed)
    k_x, k_e, k_w = jax.random.split(key, 3)
    x = jax.random.normal(k_x, (N_NODES, IN_FEATS), dtype=jnp.float32)
    edge_index = jax.random.randint(k_e, (2, N_EDGES), 0, N_NODES, dtype=jnp.int64)
    # GCNConv linear weight (glorot) and bias (zeros init in PyG)
    limit = float(np.sqrt(6.0 / (IN_FEATS + OUT_FEATS)))
    W = jax.random.uniform(k_w, (IN_FEATS, OUT_FEATS), minval=-limit, maxval=limit, dtype=jnp.float32)
    b = jnp.zeros((OUT_FEATS,), dtype=jnp.float32)
    return {"x": x, "edge_index": edge_index, "W": W, "b": b}


def reference(x, edge_index, W, b):
    # GCNLayer.forward: relu(GCNConv(x, edge_index))
    # GCNConv: add self-loops, symmetric normalization, linear transform,
    # message = norm * x_w[src], aggregate sum at dst, add bias.
    N = x.shape[0]
    src = edge_index[0]
    dst = edge_index[1]
    loop = jnp.arange(N, dtype=edge_index.dtype)
    src = jnp.concatenate([src, loop])
    dst = jnp.concatenate([dst, loop])

    # linear transform first (PyG applies lin before propagate)
    xw = x @ W  # [N, out_feats]

    # degree computed on dst (col) with edge_weight = 1
    ones = jnp.ones(src.shape[0], dtype=x.dtype)
    deg = jnp.zeros((N,), dtype=x.dtype).at[dst].add(ones)
    deg_inv_sqrt = jnp.where(deg > 0, 1.0 / jnp.sqrt(deg), 0.0)
    norm = deg_inv_sqrt[src] * deg_inv_sqrt[dst]  # [E+N]

    msg = xw[src] * norm[:, None]  # gather + scale
    out = jnp.zeros((N, xw.shape[1]), dtype=x.dtype).at[dst].add(msg)  # scatter-add
    out = out + b
    return jax.nn.relu(out)

if __name__ == "__main__":
    import jax
    _d = setup_inputs()
    print(jax.jit(kernel)(*tuple(_d.values())))

</pallas_src>

<mosaic_0001>
#map = affine_map<(d0, d1) -> (0, 0, 0)>
#map1 = affine_map<(d0, d1) -> (0, 0)>
module attributes {stable_mosaic.version = 14 : i64} {
  func.func @_deg_kernel(%arg0: i32, %arg1: i32, %arg2: memref<32x640x16xi32, #tpu.memory_space<hbm>>, %arg3: memref<32x10112xf32, #tpu.memory_space<hbm>>, %arg4: memref<640x16xi32, #tpu.memory_space<vmem>>, %arg5: memref<10112xf32, #tpu.memory_space<vmem>>) attributes {dimension_semantics = [#tpu.dimension_semantics<core_parallel>, #tpu.dimension_semantics<subcore_parallel>], iteration_bounds = array<i64: 2, 16>, scalar_prefetch = 0 : i64, scratch_operands = 2 : i64, tpu.core_type = #tpu.core_type<sc_vector_subcore>, window_params = [{transform_indices = #map}, {transform_indices = #map1}]} {
    %mul3A = arith.constant 16 : i32
    %mul3A_0 = arith.muli %arg0, %mul3A : i32
    %add3A = arith.addi %mul3A_0, %arg1 : i32
    "tpu.region"() ({
      %run_scoped3A = tpu.sem_alloc : memref<!tpu.dma_semaphore, #tpu.memory_space<semaphore_mem>>
      %dma_start3A = arith.constant 0 : i32
      %dma_start3A_10 = arith.constant 0 : i32
      %dma_start3A_11 = tpu.memref_slice %arg2[%add3A, %dma_start3A, %dma_start3A_10] : memref<32x640x16xi32, #tpu.memory_space<hbm>> -> memref<1x640x16xi32, #tpu.memory_space<hbm>>
      %dma_start3A_12 = tpu.memref_squeeze %dma_start3A_11 : memref<1x640x16xi32, #tpu.memory_space<hbm>> -> memref<640x16xi32, #tpu.memory_space<hbm>>
      %dma_start3A_13 = arith.constant 0 : i32
      %dma_start3A_14 = arith.constant 0 : i32
      %dma_start3A_15 = tpu.memref_slice %arg2[%add3A, %dma_start3A_13, %dma_start3A_14] : memref<32x640x16xi32, #tpu.memory_space<hbm>> -> memref<1x640x16xi32, #tpu.memory_space<hbm>>
      %dma_start3A_16 = tpu.memref_squeeze %dma_start3A_15 : memref<1x640x16xi32, #tpu.memory_space<hbm>> -> memref<640x16xi32, #tpu.memory_space<hbm>>
      tpu.enqueue_dma source(%dma_start3A_16 : memref<640x16xi32, #tpu.memory_space<hbm>>) target(%arg4 : memref<640x16xi32, #tpu.memory_space<vmem>>) target_semaphore(%run_scoped3A : memref<!tpu.dma_semaphore, #tpu.memory_space<semaphore_mem>>)
      %dma_wait3A = arith.constant 0 : i32
      %dma_wait3A_17 = arith.constant 0 : i32
      %dma_wait3A_18 = tpu.memref_slice %arg2[%add3A, %dma_wait3A, %dma_wait3A_17] : memref<32x640x16xi32, #tpu.memory_space<hbm>> -> memref<1x640x16xi32, #tpu.memory_space<hbm>>
      %dma_wait3A_19 = tpu.memref_squeeze %dma_wait3A_18 : memref<1x640x16xi32, #tpu.memory_space<hbm>> -> memref<640x16xi32, #tpu.memory_space<hbm>>
      %dma_wait3A_20 = arith.constant 0 : i32
      %dma_wait3A_21 = arith.constant 0 : i32
      %dma_wait3A_22 = tpu.memref_slice %arg2[%add3A, %dma_wait3A_20, %dma_wait3A_21] : memref<32x640x16xi32, #tpu.memory_space<hbm>> -> memref<1x640x16xi32, #tpu.memory_space<hbm>>
      %dma_wait3A_23 = tpu.memref_squeeze %dma_wait3A_22 : memref<1x640x16xi32, #tpu.memory_space<hbm>> -> memref<640x16xi32, #tpu.memory_space<hbm>>
      tpu.wait_dma2 semaphore(%run_scoped3A : memref<!tpu.dma_semaphore, #tpu.memory_space<semaphore_mem>>) src(%dma_wait3A_23 : memref<640x16xi32, #tpu.memory_space<hbm>>) dst(%arg4 : memref<640x16xi32, #tpu.memory_space<vmem>>)
      tpu.yield
    }) : () -> ()
    %scan3A = arith.constant 0 : i32
    %scan3A_1 = arith.constant 632 : i32
    %scan3A_2 = arith.addi %scan3A, %scan3A_1 : i32
    %scan3A_3 = arith.constant 1 : i32
    scf.for %scan3A_10 = %scan3A to %scan3A_2 step %scan3A_3  : i32 {
      %broadcast_in_dim3A = arith.constant 0.000000e+00 : f32
      %broadcast_in_dim3A_11 = vector.broadcast %broadcast_in_dim3A : f32 to vector<16xf32>
      %mul3A_12 = arith.constant 16 : i32
      %mul3A_13 = arith.muli %scan3A_10, %mul3A_12 : i32
      %swap3A = arith.index_cast %mul3A_13 : i32 to index
      %swap3A_14 = tpu.vector_load %arg5[%swap3A] {strides = array<i32>} : memref<10112xf32, #tpu.memory_space<vmem>>, vector<16xf32>,
      tpu.vector_store %arg5[%swap3A], %broadcast_in_dim3A_11 {strides = array<i32>} : memref<10112xf32, #tpu.memory_space<vmem>>, vector<16xf32>,
    }
    %scan3A_4 = arith.constant 632 : i32
    %scan3A_5 = arith.constant 0 : i32
    %scan3A_6 = arith.constant 640 : i32
    %scan3A_7 = arith.addi %scan3A_5, %scan3A_6 : i32
    %scan3A_8 = arith.constant 1 : i32
    scf.for %scan3A_10 = %scan3A_5 to %scan3A_7 step %scan3A_8  : i32 {
      %broadcast_in_dim3A = arith.constant 1.000000e+00 : f32
      %broadcast_in_dim3A_11 = vector.broadcast %broadcast_in_dim3A : f32 to vector<16xf32>
      %get3A = arith.index_cast %scan3A_10 : i32 to index
      %get3A_12 = arith.constant 0 : index
      %get3A_13 = tpu.vector_load %arg4[%get3A, %get3A_12] {strides = array<i32>} : memref<640x16xi32, #tpu.memory_space<vmem>>, vector<16xi32>,
      tpu.vector_store_idx %arg5[%get3A_13], %broadcast_in_dim3A_11 {add = true} : memref<10112xf32, #tpu.memory_space<vmem>>[vector<16xi32>], vector<16xf32>,
    }
    %scan3A_9 = arith.constant 640 : i32
    "tpu.region"() ({
      %run_scoped3A = tpu.sem_alloc : memref<!tpu.dma_semaphore, #tpu.memory_space<semaphore_mem>>
      %dma_start3A = arith.constant 0 : i32
      %dma_start3A_10 = tpu.memref_slice %arg3[%add3A, %dma_start3A] : memref<32x10112xf32, #tpu.memory_space<hbm>> -> memref<1x10112xf32, #tpu.memory_space<hbm>>
      %dma_start3A_11 = tpu.memref_squeeze %dma_start3A_10 : memref<1x10112xf32, #tpu.memory_space<hbm>> -> memref<10112xf32, #tpu.memory_space<hbm>>
      %dma_start3A_12 = arith.constant 0 : i32
      %dma_start3A_13 = tpu.memref_slice %arg3[%add3A, %dma_start3A_12] : memref<32x10112xf32, #tpu.memory_space<hbm>> -> memref<1x10112xf32, #tpu.memory_space<hbm>>
      %dma_start3A_14 = tpu.memref_squeeze %dma_start3A_13 : memref<1x10112xf32, #tpu.memory_space<hbm>> -> memref<10112xf32, #tpu.memory_space<hbm>>
      tpu.enqueue_dma source(%arg5 : memref<10112xf32, #tpu.memory_space<vmem>>) target(%dma_start3A_14 : memref<10112xf32, #tpu.memory_space<hbm>>) target_semaphore(%run_scoped3A : memref<!tpu.dma_semaphore, #tpu.memory_space<semaphore_mem>>)
      %dma_wait3A = arith.constant 0 : i32
      %dma_wait3A_15 = tpu.memref_slice %arg3[%add3A, %dma_wait3A] : memref<32x10112xf32, #tpu.memory_space<hbm>> -> memref<1x10112xf32, #tpu.memory_space<hbm>>
      %dma_wait3A_16 = tpu.memref_squeeze %dma_wait3A_15 : memref<1x10112xf32, #tpu.memory_space<hbm>> -> memref<10112xf32, #tpu.memory_space<hbm>>
      %dma_wait3A_17 = arith.constant 0 : i32
      %dma_wait3A_18 = tpu.memref_slice %arg3[%add3A, %dma_wait3A_17] : memref<32x10112xf32, #tpu.memory_space<hbm>> -> memref<1x10112xf32, #tpu.memory_space<hbm>>
      %dma_wait3A_19 = tpu.memref_squeeze %dma_wait3A_18 : memref<1x10112xf32, #tpu.memory_space<hbm>> -> memref<10112xf32, #tpu.memory_space<hbm>>
      tpu.wait_dma2 semaphore(%run_scoped3A : memref<!tpu.dma_semaphore, #tpu.memory_space<semaphore_mem>>) src(%arg5 : memref<10112xf32, #tpu.memory_space<vmem>>) dst(%dma_wait3A_19 : memref<10112xf32, #tpu.memory_space<hbm>>)
      tpu.yield
    }) : () -> ()
    return
  }
}

#map = affine_map<(d0, d1) -> (0, 0, 0)>
module attributes {stable_mosaic.version = 14 : i64} {
  func.func @_agg_kernel(%arg0: i32, %arg1: i32, %arg2: memref<2x10112x128xf32, #tpu.memory_space<hbm>>, %arg3: memref<32x256x40xi32, #tpu.memory_space<hbm>>, %arg4: memref<32x256x40xi32, #tpu.memory_space<hbm>>, %arg5: memref<2x10112x128xf32, #tpu.memory_space<hbm>>, %arg6: memref<256x40xi32, #tpu.memory_space<vmem>>, %arg7: memref<256x40xi32, #tpu.memory_space<vmem>>, %arg8: memref<4x40x128xf32, #tpu.memory_space<vmem>>, %arg9: memref<10112x128xf32, #tpu.memory_space<vmem_shared>>, %arg10: memref<!tpu.dma_semaphore, #tpu.memory_space<semaphore_mem>>, %arg11: memref<!tpu.dma_semaphore, #tpu.memory_space<semaphore_mem>>, %arg12: memref<!tpu.dma_semaphore, #tpu.memory_space<semaphore_mem>>, %arg13: memref<!tpu.dma_semaphore, #tpu.memory_space<semaphore_mem>>, %arg14: memref<!tpu.dma_semaphore, #tpu.memory_space<semaphore_mem>>, %arg15: memref<!tpu.dma_semaphore, #tpu.memory_space<semaphore_mem>>, %arg16: memref<!tpu.dma_semaphore, #tpu.memory_space<semaphore_mem>>, %arg17: memref<!tpu.dma_semaphore, #tpu.memory_space<semaphore_mem>>) attributes {dimension_semantics = [#tpu.dimension_semantics<core_parallel>, #tpu.dimension_semantics<subcore_parallel>], iteration_bounds = array<i64: 2, 16>, scalar_prefetch = 0 : i64, scratch_operands = 12 : i64, tpu.core_type = #tpu.core_type<sc_vector_subcore>, window_params = [{transform_indices = #map}, {transform_indices = #map}, {transform_indices = #map}, {transform_indices = #map}]} {
    %mul3A = arith.constant 16 : i32
    %mul3A_0 = arith.muli %arg0, %mul3A : i32
    %add3A = arith.addi %mul3A_0, %arg1 : i32
    "tpu.region"() ({
      %run_scoped3A_234 = tpu.sem_alloc : memref<!tpu.dma_semaphore, #tpu.memory_space<semaphore_mem>>
      %dma_start3A_235 = arith.constant 0 : i32
      %dma_start3A_236 = arith.constant 0 : i32
      %dma_start3A_237 = tpu.memref_slice %arg3[%add3A, %dma_start3A_235, %dma_start3A_236] : memref<32x256x40xi32, #tpu.memory_space<hbm>> -> memref<1x256x40xi32, #tpu.memory_space<hbm>>
      %dma_start3A_238 = tpu.memref_squeeze %dma_start3A_237 : memref<1x256x40xi32, #tpu.memory_space<hbm>> -> memref<256x40xi32, #tpu.memory_space<hbm>>
      %dma_start3A_239 = arith.constant 0 : i32
      %dma_start3A_240 = arith.constant 0 : i32
      %dma_start3A_241 = tpu.memref_slice %arg3[%add3A, %dma_start3A_239, %dma_start3A_240] : memref<32x256x40xi32, #tpu.memory_space<hbm>> -> memref<1x256x40xi32, #tpu.memory_space<hbm>>
      %dma_start3A_242 = tpu.memref_squeeze %dma_start3A_241 : memref<1x256x40xi32, #tpu.memory_space<hbm>> -> memref<256x40xi32, #tpu.memory_space<hbm>>
      tpu.enqueue_dma source(%dma_start3A_242 : memref<256x40xi32, #tpu.memory_space<hbm>>) target(%arg6 : memref<256x40xi32, #tpu.memory_space<vmem>>) target_semaphore(%run_scoped3A_234 : memref<!tpu.dma_semaphore, #tpu.memory_space<semaphore_mem>>)
      %dma_wait3A_243 = arith.constant 0 : i32
      %dma_wait3A_244 = arith.constant 0 : i32
      %dma_wait3A_245 = tpu.memref_slice %arg3[%add3A, %dma_wait3A_243, %dma_wait3A_244] : memref<32x256x40xi32, #tpu.memory_space<hbm>> -> memref<1x256x40xi32, #tpu.memory_space<hbm>>
      %dma_wait3A_246 = tpu.memref_squeeze %dma_wait3A_245 : memref<1x256x40xi32, #tpu.memory_space<hbm>> -> memref<256x40xi32, #tpu.memory_space<hbm>>
      %dma_wait3A_247 = arith.constant 0 : i32
      %dma_wait3A_248 = arith.constant 0 : i32
      %dma_wait3A_249 = tpu.memref_slice %arg3[%add3A, %dma_wait3A_247, %dma_wait3A_248] : memref<32x256x40xi32, #tpu.memory_space<hbm>> -> memref<1x256x40xi32, #tpu.memory_space<hbm>>
      %dma_wait3A_250 = tpu.memref_squeeze %dma_wait3A_249 : memref<1x256x40xi32, #tpu.memory_space<hbm>> -> memref<256x40xi32, #tpu.memory_space<hbm>>
      tpu.wait_dma2 semaphore(%run_scoped3A_234 : memref<!tpu.dma_semaphore, #tpu.memory_space<semaphore_mem>>) src(%dma_wait3A_250 : memref<256x40xi32, #tpu.memory_space<hbm>>) dst(%arg6 : memref<256x40xi32, #tpu.memory_space<vmem>>)
      tpu.yield
    }) : () -> ()
    "tpu.region"() ({
      %run_scoped3A_234 = tpu.sem_alloc : memref<!tpu.dma_semaphore, #tpu.memory_space<semaphore_mem>>
      %dma_start3A_235 = arith.constant 0 : i32
      %dma_start3A_236 = arith.constant 0 : i32
      %dma_start3A_237 = tpu.memref_slice %arg4[%add3A, %dma_start3A_235, %dma_start3A_236] : memref<32x256x40xi32, #tpu.memory_space<hbm>> -> memref<1x256x40xi32, #tpu.memory_space<hbm>>
      %dma_start3A_238 = tpu.memref_squeeze %dma_start3A_237 : memref<1x256x40xi32, #tpu.memory_space<hbm>> -> memref<256x40xi32, #tpu.memory_space<hbm>>
      %dma_start3A_239 = arith.constant 0 : i32
      %dma_start3A_240 = arith.constant 0 : i32
      %dma_start3A_241 = tpu.memref_slice %arg4[%add3A, %dma_start3A_239, %dma_start3A_240] : memref<32x256x40xi32, #tpu.memory_space<hbm>> -> memref<1x256x40xi32, #tpu.memory_space<hbm>>
      %dma_start3A_242 = tpu.memref_squeeze %dma_start3A_241 : memref<1x256x40xi32, #tpu.memory_space<hbm>> -> memref<256x40xi32, #tpu.memory_space<hbm>>
      tpu.enqueue_dma source(%dma_start3A_242 : memref<256x40xi32, #tpu.memory_space<hbm>>) target(%arg7 : memref<256x40xi32, #tpu.memory_space<vmem>>) target_semaphore(%run_scoped3A_234 : memref<!tpu.dma_semaphore, #tpu.memory_space<semaphore_mem>>)
      %dma_wait3A_243 = arith.constant 0 : i32
      %dma_wait3A_244 = arith.constant 0 : i32
      %dma_wait3A_245 = tpu.memref_slice %arg4[%add3A, %dma_wait3A_243, %dma_wait3A_244] : memref<32x256x40xi32, #tpu.memory_space<hbm>> -> memref<1x256x40xi32, #tpu.memory_space<hbm>>
      %dma_wait3A_246 = tpu.memref_squeeze %dma_wait3A_245 : memref<1x256x40xi32, #tpu.memory_space<hbm>> -> memref<256x40xi32, #tpu.memory_space<hbm>>
      %dma_wait3A_247 = arith.constant 0 : i32
      %dma_wait3A_248 = arith.constant 0 : i32
      %dma_wait3A_249 = tpu.memref_slice %arg4[%add3A, %dma_wait3A_247, %dma_wait3A_248] : memref<32x256x40xi32, #tpu.memory_space<hbm>> -> memref<1x256x40xi32, #tpu.memory_space<hbm>>
      %dma_wait3A_250 = tpu.memref_squeeze %dma_wait3A_249 : memref<1x256x40xi32, #tpu.memory_space<hbm>> -> memref<256x40xi32, #tpu.memory_space<hbm>>
      tpu.wait_dma2 semaphore(%run_scoped3A_234 : memref<!tpu.dma_semaphore, #tpu.memory_space<semaphore_mem>>) src(%dma_wait3A_250 : memref<256x40xi32, #tpu.memory_space<hbm>>) dst(%arg7 : memref<256x40xi32, #tpu.memory_space<vmem>>)
      tpu.yield
    }) : () -> ()
    %scan3A = arith.constant 0 : i32
    %scan3A_1 = arith.constant 40 : i32
    %scan3A_2 = arith.addi %scan3A, %scan3A_1 : i32
    %scan3A_3 = arith.constant 1 : i32
    scf.for %scan3A_234 = %scan3A to %scan3A_2 step %scan3A_3  : i32 {
      %broadcast_in_dim3A = arith.constant 0.000000e+00 : f32
      %broadcast_in_dim3A_235 = vector.broadcast %broadcast_in_dim3A : f32 to vector<16xf32>
      %swap3A = arith.constant 0 : i32
      %swap3A_236 = arith.index_cast %swap3A : i32 to index
      %swap3A_237 = arith.index_cast %scan3A_234 : i32 to index
      %swap3A_238 = arith.constant 0 : index
      %swap3A_239 = tpu.vector_load %arg8[%swap3A_236, %swap3A_237, %swap3A_238] {strides = array<i32>} : memref<4x40x128xf32, #tpu.memory_space<vmem>>, vector<16xf32>,
      tpu.vector_store %arg8[%swap3A_236, %swap3A_237, %swap3A_238], %broadcast_in_dim3A_235 {strides = array<i32>} : memref<4x40x128xf32, #tpu.memory_space<vmem>>, vector<16xf32>,
      %broadcast_in_dim3A_240 = arith.constant 0.000000e+00 : f32
      %broadcast_in_dim3A_241 = vector.broadcast %broadcast_in_dim3A_240 : f32 to vector<16xf32>
      %swap3A_242 = arith.constant 0 : i32
      %swap3A_243 = arith.index_cast %swap3A_242 : i32 to index
      %swap3A_244 = arith.index_cast %scan3A_234 : i32 to index
      %swap3A_245 = arith.constant 16 : index
      %swap3A_246 = tpu.vector_load %arg8[%swap3A_243, %swap3A_244, %swap3A_245] {strides = array<i32>} : memref<4x40x128xf32, #tpu.memory_space<vmem>>, vector<16xf32>,
      tpu.vector_store %arg8[%swap3A_243, %swap3A_244, %swap3A_245], %broadcast_in_dim3A_241 {strides = array<i32>} : memref<4x40x128xf32, #tpu.memory_space<vmem>>, vector<16xf32>,
      %broadcast_in_dim3A_247 = arith.constant 0.000000e+00 : f32
      %broadcast_in_dim3A_248 = vector.broadcast %broadcast_in_dim3A_247 : f32 to vector<16xf32>
      %swap3A_249 = arith.constant 0 : i32
      %swap3A_250 = arith.index_cast %swap3A_249 : i32 to index
      %swap3A_251 = arith.index_cast %scan3A_234 : i32 to index
      %swap3A_252 = arith.constant 32 : index
      %swap3A_253 = tpu.vector_load %arg8[%swap3A_250, %swap3A_251, %swap3A_252] {strides = array<i32>} : memref<4x40x128xf32, #tpu.memory_space<vmem>>, vector<16xf32>,
      tpu.vector_store %arg8[%swap3A_250, %swap3A_251, %swap3A_252], %broadcast_in_dim3A_248 {strides = array<i32>} : memref<4x40x128xf32, #tpu.memory_space<vmem>>, vector<16xf32>,
      %broadcast_in_dim3A_254 = arith.constant 0.000000e+00 : f32
      %broadcast_in_dim3A_255 = vector.broadcast %broadcast_in_dim3A_254 : f32 to vector<16xf32>
      %swap3A_256 = arith.constant 0 : i32
      %swap3A_257 = arith.index_cast %swap3A_256 : i32 to index
      %swap3A_258 = arith.index_cast %scan3A_234 : i32 to index
      %swap3A_259 = arith.constant 48 : index
      %swap3A_260 = tpu.vector_load %arg8[%swap3A_257, %swap3A_258, %swap3A_259] {strides = array<i32>} : memref<4x40x128xf32, #tpu.memory_space<vmem>>, vector<16xf32>,
      tpu.vector_store %arg8[%swap3A_257, %swap3A_258, %swap3A_259], %broadcast_in_dim3A_255 {strides = array<i32>} : memref<4x40x128xf32, #tpu.memory_space<vmem>>, vector<16xf32>,
      %broadcast_in_dim3A_261 = arith.constant 0.000000e+00 : f32
      %broadcast_in_dim3A_262 = vector.broadcast %broadcast_in_dim3A_261 : f32 to vector<16xf32>
      %swap3A_263 = arith.constant 0 : i32
      %swap3A_264 = arith.index_cast %swap3A_263 : i32 to index
      %swap3A_265 = arith.index_cast %scan3A_234 : i32 to index
      %swap3A_266 = arith.constant 64 : index
      %swap3A_267 = tpu.vector_load %arg8[%swap3A_264, %swap3A_265, %swap3A_266] {strides = array<i32>} : memref<4x40x128xf32, #tpu.memory_space<vmem>>, vector<16xf32>,
      tpu.vector_store %arg8[%swap3A_264, %swap3A_265, %swap3A_266], %broadcast_in_dim3A_262 {strides = array<i32>} : memref<4x40x128xf32, #tpu.memory_space<vmem>>, vector<16xf32>,
      %broadcast_in_dim3A_268 = arith.constant 0.000000e+00 : f32
      %broadcast_in_dim3A_269 = vector.broadcast %broadcast_in_dim3A_268 : f32 to vector<16xf32>
      %swap3A_270 = arith.constant 0 : i32
      %swap3A_271 = arith.index_cast %swap3A_270 : i32 to index
      %swap3A_272 = arith.index_cast %scan3A_234 : i32 to index
      %swap3A_273 = arith.constant 80 : index
      %swap3A_274 = tpu.vector_load %arg8[%swap3A_271, %swap3A_272, %swap3A_273] {strides = array<i32>} : memref<4x40x128xf32, #tpu.memory_space<vmem>>, vector<16xf32>,
      tpu.vector_store %arg8[%swap3A_271, %swap3A_272, %swap3A_273], %broadcast_in_dim3A_269 {strides = array<i32>} : memref<4x40x128xf32, #tpu.memory_space<vmem>>, vector<16xf32>,
      %broadcast_in_dim3A_275 = arith.constant 0.000000e+00 : f32
      %broadcast_in_dim3A_276 = vector.broadcast %broadcast_in_dim3A_275 : f32 to vector<16xf32>
      %swap3A_277 = arith.constant 0 : i32
      %swap3A_278 = arith.index_cast %swap3A_277 : i32 to index
      %swap3A_279 = arith.index_cast %scan3A_234 : i32 to index
      %swap3A_280 = arith.constant 96 : index
      %swap3A_281 = tpu.vector_load %arg8[%swap3A_278, %swap3A_279, %swap3A_280] {strides = array<i32>} : memref<4x40x128xf32, #tpu.memory_space<vmem>>, vector<16xf32>,
      tpu.vector_store %arg8[%swap3A_278, %swap3A_279, %swap3A_280], %broadcast_in_dim3A_276 {strides = array<i32>} : memref<4x40x128xf32, #tpu.memory_space<vmem>>, vector<16xf32>,
      %broadcast_in_dim3A_282 = arith.constant 0.000000e+00 : f32
      %broadcast_in_dim3A_283 = vector.broadcast %broadcast_in_dim3A_282 : f32 to vector<16xf32>
      %swap3A_284 = arith.constant 0 : i32
      %swap3A_285 = arith.index_cast %swap3A_284 : i32 to index
      %swap3A_286 = arith.index_cast %scan3A_234 : i32 to index
      %swap3A_287 = arith.constant 112 : index
      %swap3A_288 = tpu.vector_load %arg8[%swap3A_285, %swap3A_286, %swap3A_287] {strides = array<i32>} : memref<4x40x128xf32, #tpu.memory_space<vmem>>, vector<16xf32>,
      tpu.vector_store %arg8[%swap3A_285, %swap3A_286, %swap3A_287], %broadcast_in_dim3A_283 {strides = array<i32>} : memref<4x40x128xf32, #tpu.memory_space<vmem>>, vector<16xf32>,
    }
    %scan3A_4 = arith.constant 40 : i32
    %mul3A_5 = arith.constant 632 : i32
    %mul3A_6 = arith.muli %arg1, %mul3A_5 : i32
    %add3A_7 = arith.constant 0 : i32
    %add3A_8 = arith.addi %mul3A_6, %add3A_7 : i32
    %run_scoped3A = arith.constant 0 : i32
    "tpu.region"() ({
      %run_scoped3A_234 = tpu.sem_alloc : memref<!tpu.dma_semaphore, #tpu.memory_space<semaphore_mem>>
      %dma_start3A_235 = arith.constant 0 : i32
      %dma_start3A_236 = arith.constant 0 : i32
      %dma_start3A_237 = tpu.memref_slice %arg8[%run_scoped3A, %dma_start3A_235, %dma_start3A_236] : memref<4x40x128xf32, #tpu.memory_space<vmem>> -> memref<1x40x128xf32, #tpu.memory_space<vmem>>
      %dma_start3A_238 = tpu.memref_squeeze %dma_start3A_237 : memref<1x40x128xf32, #tpu.memory_space<vmem>> -> memref<40x128xf32, #tpu.memory_space<vmem>>
      %dma_start3A_239 = arith.constant 0 : i32
      %dma_start3A_240 = tpu.memref_slice %arg9[%add3A_8, %dma_start3A_239] : memref<10112x128xf32, #tpu.memory_space<vmem_shared>> -> memref<40x128xf32, #tpu.memory_space<vmem_shared>>
      %dma_start3A_241 = arith.constant 0 : i32
      %dma_start3A_242 = tpu.memref_slice %arg9[%add3A_8, %dma_start3A_241] : memref<10112x128xf32, #tpu.memory_space<vmem_shared>> -> memref<40x128xf32, #tpu.memory_space<vmem_shared>>
      %dma_start3A_243 = arith.constant 0 : i32
      %dma_start3A_244 = arith.constant 0 : i32
      %dma_start3A_245 = tpu.memref_slice %arg8[%run_scoped3A, %dma_start3A_243, %dma_start3A_244] : memref<4x40x128xf32, #tpu.memory_space<vmem>> -> memref<1x40x128xf32, #tpu.memory_space<vmem>>
      %dma_start3A_246 = tpu.memref_squeeze %dma_start3A_245 : memref<1x40x128xf32, #tpu.memory_space<vmem>> -> memref<40x128xf32, #tpu.memory_space<vmem>>
      tpu.enqueue_dma source(%dma_start3A_246 : memref<40x128xf32, #tpu.memory_space<vmem>>) target(%dma_start3A_242 : memref<40x128xf32, #tpu.memory_space<vmem_shared>>) target_semaphore(%run_scoped3A_234 : memref<!tpu.dma_semaphore, #tpu.memory_space<semaphore_mem>>)
      %dma_wait3A_247 = arith.constant 0 : i32
      %dma_wait3A_248 = arith.constant 0 : i32
      %dma_wait3A_249 = tpu.memref_slice %arg8[%run_scoped3A, %dma_wait3A_247, %dma_wait3A_248] : memref<4x40x128xf32, #tpu.memory_space<vmem>> -> memref<1x40x128xf32, #tpu.memory_space<vmem>>
      %dma_wait3A_250 = tpu.memref_squeeze %dma_wait3A_249 : memref<1x40x128xf32, #tpu.memory_space<vmem>> -> memref<40x128xf32, #tpu.memory_space<vmem>>
      %dma_wait3A_251 = arith.constant 0 : i32
      %dma_wait3A_252 = tpu.memref_slice %arg9[%add3A_8, %dma_wait3A_251] : memref<10112x128xf32, #tpu.memory_space<vmem_shared>> -> memref<40x128xf32, #tpu.memory_space<vmem_shared>>
      %dma_wait3A_253 = arith.constant 0 : i32
      %dma_wait3A_254 = tpu.memref_slice %arg9[%add3A_8, %dma_wait3A_253] : memref<10112x128xf32, #tpu.memory_space<vmem_shared>> -> memref<40x128xf32, #tpu.memory_space<vmem_shared>>
      %dma_wait3A_255 = arith.constant 0 : i32
      %dma_wait3A_256 = arith.constant 0 : i32
      %dma_wait3A_257 = tpu.memref_slice %arg8[%run_scoped3A, %dma_wait3A_255, %dma_wait3A_256] : memref<4x40x128xf32, #tpu.memory_space<vmem>> -> memref<1x40x128xf32, #tpu.memory_space<vmem>>
      %dma_wait3A_258 = tpu.memref_squeeze %dma_wait3A_257 : memref<1x40x128xf32, #tpu.memory_space<vmem>> -> memref<40x128xf32, #tpu.memory_space<vmem>>
      tpu.wait_dma2 semaphore(%run_scoped3A_234 : memref<!tpu.dma_semaphore, #tpu.memory_space<semaphore_mem>>) src(%dma_wait3A_258 : memref<40x128xf32, #tpu.memory_space<vmem>>) dst(%dma_wait3A_254 : memref<40x128xf32, #tpu.memory_space<vmem_shared>>)
      tpu.yield
    }) : () -> ()
    %add3A_9 = arith.constant 40 : i32
    %add3A_10 = arith.addi %mul3A_6, %add3A_9 : i32
    %run_scoped3A_11 = arith.constant 0 : i32
    "tpu.region"() ({
      %run_scoped3A_234 = tpu.sem_alloc : memref<!tpu.dma_semaphore, #tpu.memory_space<semaphore_mem>>
      %dma_start3A_235 = arith.constant 0 : i32
      %dma_start3A_236 = arith.constant 0 : i32
      %dma_start3A_237 = tpu.memref_slice %arg8[%run_scoped3A_11, %dma_start3A_235, %dma_start3A_236] : memref<4x40x128xf32, #tpu.memory_space<vmem>> -> memref<1x40x128xf32, #tpu.memory_space<vmem>>
      %dma_start3A_238 = tpu.memref_squeeze %dma_start3A_237 : memref<1x40x128xf32, #tpu.memory_space<vmem>> -> memref<40x128xf32, #tpu.memory_space<vmem>>
      %dma_start3A_239 = arith.constant 0 : i32
      %dma_start3A_240 = tpu.memref_slice %arg9[%add3A_10, %dma_start3A_239] : memref<10112x128xf32, #tpu.memory_space<vmem_shared>> -> memref<40x128xf32, #tpu.memory_space<vmem_shared>>
      %dma_start3A_241 = arith.constant 0 : i32
      %dma_start3A_242 = tpu.memref_slice %arg9[%add3A_10, %dma_start3A_241] : memref<10112x128xf32, #tpu.memory_space<vmem_shared>> -> memref<40x128xf32, #tpu.memory_space<vmem_shared>>
      %dma_start3A_243 = arith.constant 0 : i32
      %dma_start3A_244 = arith.constant 0 : i32
      %dma_start3A_245 = tpu.memref_slice %arg8[%run_scoped3A_11, %dma_start3A_243, %dma_start3A_244] : memref<4x40x128xf32, #tpu.memory_space<vmem>> -> memref<1x40x128xf32, #tpu.memory_space<vmem>>
      %dma_start3A_246 = tpu.memref_squeeze %dma_start3A_245 : memref<1x40x128xf32, #tpu.memory_space<vmem>> -> memref<40x128xf32, #tpu.memory_space<vmem>>
      tpu.enqueue_dma source(%dma_start3A_246 : memref<40x128xf32, #tpu.memory_space<vmem>>) target(%dma_start3A_242 : memref<40x128xf32, #tpu.memory_space<vmem_shared>>) target_semaphore(%run_scoped3A_234 : memref<!tpu.dma_semaphore, #tpu.memory_space<semaphore_mem>>)
      %dma_wait3A_247 = arith.constant 0 : i32
      %dma_wait3A_248 = arith.constant 0 : i32
      %dma_wait3A_249 = tpu.memref_slice %arg8[%run_scoped3A_11, %dma_wait3A_247, %dma_wait3A_248] : memref<4x40x128xf32, #tpu.memory_space<vmem>> -> memref<1x40x128xf32, #tpu.memory_space<vmem>>
      %dma_wait3A_250 = tpu.memref_squeeze %dma_wait3A_249 : memref<1x40x128xf32, #tpu.memory_space<vmem>> -> memref<40x128xf32, #tpu.memory_space<vmem>>
      %dma_wait3A_251 = arith.constant 0 : i32
      %dma_wait3A_252 = tpu.memref_slice %arg9[%add3A_10, %dma_wait3A_251] : memref<10112x128xf32, #tpu.memory_space<vmem_shared>> -> memref<40x128xf32, #tpu.memory_space<vmem_shared>>
      %dma_wait3A_253 = arith.constant 0 : i32
      %dma_wait3A_254 = tpu.memref_slice %arg9[%add3A_10, %dma_wait3A_253] : memref<10112x128xf32, #tpu.memory_space<vmem_shared>> -> memref<40x128xf32, #tpu.memory_space<vmem_shared>>
      %dma_wait3A_255 = arith.constant 0 : i32
      %dma_wait3A_256 = arith.constant 0 : i32
      %dma_wait3A_257 = tpu.memref_slice %arg8[%run_scoped3A_11, %dma_wait3A_255, %dma_wait3A_256] : memref<4x40x128xf32, #tpu.memory_space<vmem>> -> memref<1x40x128xf32, #tpu.memory_space<vmem>>
      %dma_wait3A_258 = tpu.memref_squeeze %dma_wait3A_257 : memref<1x40x128xf32, #tpu.memory_space<vmem>> -> memref<40x128xf32, #tpu.memory_space<vmem>>
      tpu.wait_dma2 semaphore(%run_scoped3A_234 : memref<!tpu.dma_semaphore, #tpu.memory_space<semaphore_mem>>) src(%dma_wait3A_258 : memref<40x128xf32, #tpu.memory_space<vmem>>) dst(%dma_wait3A_254 : memref<40x128xf32, #tpu.memory_space<vmem_shared>>)
      tpu.yield
    }) : () -> ()
    %add3A_12 = arith.constant 80 : i32
    %add3A_13 = arith.addi %mul3A_6, %add3A_12 : i32
    %run_scoped3A_14 = arith.constant 0 : i32
    "tpu.region"() ({
      %run_scoped3A_234 = tpu.sem_alloc : memref<!tpu.dma_semaphore, #tpu.memory_space<semaphore_mem>>
      %dma_start3A_235 = arith.constant 0 : i32
      %dma_start3A_236 = arith.constant 0 : i32
      %dma_start3A_237 = tpu.memref_slice %arg8[%run_scoped3A_14, %dma_start3A_235, %dma_start3A_236] : memref<4x40x128xf32, #tpu.memory_space<vmem>> -> memref<1x40x128xf32, #tpu.memory_space<vmem>>
      %dma_start3A_238 = tpu.memref_squeeze %dma_start3A_237 : memref<1x40x128xf32, #tpu.memory_space<vmem>> -> memref<40x128xf32, #tpu.memory_space<vmem>>
      %dma_start3A_239 = arith.constant 0 : i32
      %dma_start3A_240 = tpu.memref_slice %arg9[%add3A_13, %dma_start3A_239] : memref<10112x128xf32, #tpu.memory_space<vmem_shared>> -> memref<40x128xf32, #tpu.memory_space<vmem_shared>>
      %dma_start3A_241 = arith.constant 0 : i32
      %dma_start3A_242 = tpu.memref_slice %arg9[%add3A_13, %dma_start3A_241] : memref<10112x128xf32, #tpu.memory_space<vmem_shared>> -> memref<40x128xf32, #tpu.memory_space<vmem_shared>>
      %dma_start3A_243 = arith.constant 0 : i32
      %dma_start3A_244 = arith.constant 0 : i32
      %dma_start3A_245 = tpu.memref_slice %arg8[%run_scoped3A_14, %dma_start3A_243, %dma_start3A_244] : memref<4x40x128xf32, #tpu.memory_space<vmem>> -> memref<1x40x128xf32, #tpu.memory_space<vmem>>
      %dma_start3A_246 = tpu.memref_squeeze %dma_start3A_245 : memref<1x40x128xf32, #tpu.memory_space<vmem>> -> memref<40x128xf32, #tpu.memory_space<vmem>>
      tpu.enqueue_dma source(%dma_start3A_246 : memref<40x128xf32, #tpu.memory_space<vmem>>) target(%dma_start3A_242 : memref<40x128xf32, #tpu.memory_space<vmem_shared>>) target_semaphore(%run_scoped3A_234 : memref<!tpu.dma_semaphore, #tpu.memory_space<semaphore_mem>>)
      %dma_wait3A_247 = arith.constant 0 : i32
      %dma_wait3A_248 = arith.constant 0 : i32
      %dma_wait3A_249 = tpu.memref_slice %arg8[%run_scoped3A_14, %dma_wait3A_247, %dma_wait3A_248] : memref<4x40x128xf32, #tpu.memory_space<vmem>> -> memref<1x40x128xf32, #tpu.memory_space<vmem>>
      %dma_wait3A_250 = tpu.memref_squeeze %dma_wait3A_249 : memref<1x40x128xf32, #tpu.memory_space<vmem>> -> memref<40x128xf32, #tpu.memory_space<vmem>>
      %dma_wait3A_251 = arith.constant 0 : i32
      %dma_wait3A_252 = tpu.memref_slice %arg9[%add3A_13, %dma_wait3A_251] : memref<10112x128xf32, #tpu.memory_space<vmem_shared>> -> memref<40x128xf32, #tpu.memory_space<vmem_shared>>
      %dma_wait3A_253 = arith.constant 0 : i32
      %dma_wait3A_254 = tpu.memref_slice %arg9[%add3A_13, %dma_wait3A_253] : memref<10112x128xf32, #tpu.memory_space<vmem_shared>> -> memref<40x128xf32, #tpu.memory_space<vmem_shared>>
      %dma_wait3A_255 = arith.constant 0 : i32
      %dma_wait3A_256 = arith.constant 0 : i32
      %dma_wait3A_257 = tpu.memref_slice %arg8[%run_scoped3A_14, %dma_wait3A_255, %dma_wait3A_256] : memref<4x40x128xf32, #tpu.memory_space<vmem>> -> memref<1x40x128xf32, #tpu.memory_space<vmem>>
      %dma_wait3A_258 = tpu.memref_squeeze %dma_wait3A_257 : memref<1x40x128xf32, #tpu.memory_space<vmem>> -> memref<40x128xf32, #tpu.memory_space<vmem>>
      tpu.wait_dma2 semaphore(%run_scoped3A_234 : memref<!tpu.dma_semaphore, #tpu.memory_space<semaphore_mem>>) src(%dma_wait3A_258 : memref<40x128xf32, #tpu.memory_space<vmem>>) dst(%dma_wait3A_254 : memref<40x128xf32, #tpu.memory_space<vmem_shared>>)
      tpu.yield
    }) : () -> ()
    %add3A_15 = arith.constant 120 : i32
    %add3A_16 = arith.addi %mul3A_6, %add3A_15 : i32
    %run_scoped3A_17 = arith.constant 0 : i32
    "tpu.region"() ({
      %run_scoped3A_234 = tpu.sem_alloc : memref<!tpu.dma_semaphore, #tpu.memory_space<semaphore_mem>>
      %dma_start3A_235 = arith.constant 0 : i32
      %dma_start3A_236 = arith.constant 0 : i32
      %dma_start3A_237 = tpu.memref_slice %arg8[%run_scoped3A_17, %dma_start3A_235, %dma_start3A_236] : memref<4x40x128xf32, #tpu.memory_space<vmem>> -> memref<1x40x128xf32, #tpu.memory_space<vmem>>
      %dma_start3A_238 = tpu.memref_squeeze %dma_start3A_237 : memref<1x40x128xf32, #tpu.memory_space<vmem>> -> memref<40x128xf32, #tpu.memory_space<vmem>>
      %dma_start3A_239 = arith.constant 0 : i32
      %dma_start3A_240 = tpu.memref_slice %arg9[%add3A_16, %dma_start3A_239] : memref<10112x128xf32, #tpu.memory_space<vmem_shared>> -> memref<40x128xf32, #tpu.memory_space<vmem_shared>>
      %dma_start3A_241 = arith.constant 0 : i32
      %dma_start3A_242 = tpu.memref_slice %arg9[%add3A_16, %dma_start3A_241] : memref<10112x128xf32, #tpu.memory_space<vmem_shared>> -> memref<40x128xf32, #tpu.memory_space<vmem_shared>>
      %dma_start3A_243 = arith.constant 0 : i32
      %dma_start3A_244 = arith.constant 0 : i32
      %dma_start3A_245 = tpu.memref_slice %arg8[%run_scoped3A_17, %dma_start3A_243, %dma_start3A_244] : memref<4x40x128xf32, #tpu.memory_space<vmem>> -> memref<1x40x128xf32, #tpu.memory_space<vmem>>
      %dma_start3A_246 = tpu.memref_squeeze %dma_start3A_245 : memref<1x40x128xf32, #tpu.memory_space<vmem>> -> memref<40x128xf32, #tpu.memory_space<vmem>>
      tpu.enqueue_dma source(%dma_start3A_246 : memref<40x128xf32, #tpu.memory_space<vmem>>) target(%dma_start3A_242 : memref<40x128xf32, #tpu.memory_space<vmem_shared>>) target_semaphore(%run_scoped3A_234 : memref<!tpu.dma_semaphore, #tpu.memory_space<semaphore_mem>>)
      %dma_wait3A_247 = arith.constant 0 : i32
      %dma_wait3A_248 = arith.constant 0 : i32
      %dma_wait3A_249 = tpu.memref_slice %arg8[%run_scoped3A_17, %dma_wait3A_247, %dma_wait3A_248] : memref<4x40x128xf32, #tpu.memory_space<vmem>> -> memref<1x40x128xf32, #tpu.memory_space<vmem>>
      %dma_wait3A_250 = tpu.memref_squeeze %dma_wait3A_249 : memref<1x40x128xf32, #tpu.memory_space<vmem>> -> memref<40x128xf32, #tpu.memory_space<vmem>>
      %dma_wait3A_251 = arith.constant 0 : i32
      %dma_wait3A_252 = tpu.memref_slice %arg9[%add3A_16, %dma_wait3A_251] : memref<10112x128xf32, #tpu.memory_space<vmem_shared>> -> memref<40x128xf32, #tpu.memory_space<vmem_shared>>
      %dma_wait3A_253 = arith.constant 0 : i32
      %dma_wait3A_254 = tpu.memref_slice %arg9[%add3A_16, %dma_wait3A_253] : memref<10112x128xf32, #tpu.memory_space<vmem_shared>> -> memref<40x128xf32, #tpu.memory_space<vmem_shared>>
      %dma_wait3A_255 = arith.constant 0 : i32
      %dma_wait3A_256 = arith.constant 0 : i32
      %dma_wait3A_257 = tpu.memref_slice %arg8[%run_scoped3A_17, %dma_wait3A_255, %dma_wait3A_256] : memref<4x40x128xf32, #tpu.memory_space<vmem>> -> memref<1x40x128xf32, #tpu.memory_space<vmem>>
      %dma_wait3A_258 = tpu.memref_squeeze %dma_wait3A_257 : memref<1x40x128xf32, #tpu.memory_space<vmem>> -> memref<40x128xf32, #tpu.memory_space<vmem>>
      tpu.wait_dma2 semaphore(%run_scoped3A_234 : memref<!tpu.dma_semaphore, #tpu.memory_space<semaphore_mem>>) src(%dma_wait3A_258 : memref<40x128xf32, #tpu.memory_space<vmem>>) dst(%dma_wait3A_254 : memref<40x128xf32, #tpu.memory_space<vmem_shared>>)
      tpu.yield
    }) : () -> ()
    %add3A_18 = arith.constant 160 : i32
    %add3A_19 = arith.addi %mul3A_6, %add3A_18 : i32
    %run_scoped3A_20 = arith.constant 0 : i32
    "tpu.region"() ({
      %run_scoped3A_234 = tpu.sem_alloc : memref<!tpu.dma_semaphore, #tpu.memory_space<semaphore_mem>>
      %dma_start3A_235 = arith.constant 0 : i32
      %dma_start3A_236 = arith.constant 0 : i32
      %dma_start3A_237 = tpu.memref_slice %arg8[%run_scoped3A_20, %dma_start3A_235, %dma_start3A_236] : memref<4x40x128xf32, #tpu.memory_space<vmem>> -> memref<1x40x128xf32, #tpu.memory_space<vmem>>
      %dma_start3A_238 = tpu.memref_squeeze %dma_start3A_237 : memref<1x40x128xf32, #tpu.memory_space<vmem>> -> memref<40x128xf32, #tpu.memory_space<vmem>>
      %dma_start3A_239 = arith.constant 0 : i32
      %dma_start3A_240 = tpu.memref_slice %arg9[%add3A_19, %dma_start3A_239] : memref<10112x128xf32, #tpu.memory_space<vmem_shared>> -> memref<40x128xf32, #tpu.memory_space<vmem_shared>>
      %dma_start3A_241 = arith.constant 0 : i32
      %dma_start3A_242 = tpu.memref_slice %arg9[%add3A_19, %dma_start3A_241] : memref<10112x128xf32, #tpu.memory_space<vmem_shared>> -> memref<40x128xf32, #tpu.memory_space<vmem_shared>>
      %dma_start3A_243 = arith.constant 0 : i32
      %dma_start3A_244 = arith.constant 0 : i32
      %dma_start3A_245 = tpu.memref_slice %arg8[%run_scoped3A_20, %dma_start3A_243, %dma_start3A_244] : memref<4x40x128xf32, #tpu.memory_space<vmem>> -> memref<1x40x128xf32, #tpu.memory_space<vmem>>
      %dma_start3A_246 = tpu.memref_squeeze %dma_start3A_245 : memref<1x40x128xf32, #tpu.memory_space<vmem>> -> memref<40x128xf32, #tpu.memory_space<vmem>>
      tpu.enqueue_dma source(%dma_start3A_246 : memref<40x128xf32, #tpu.memory_space<vmem>>) target(%dma_start3A_242 : memref<40x128xf32, #tpu.memory_space<vmem_shared>>) target_semaphore(%run_scoped3A_234 : memref<!tpu.dma_semaphore, #tpu.memory_space<semaphore_mem>>)
      %dma_wait3A_247 = arith.constant 0 : i32
      %dma_wait3A_248 = arith.constant 0 : i32
      %dma_wait3A_249 = tpu.memref_slice %arg8[%run_scoped3A_20, %dma_wait3A_247, %dma_wait3A_248] : memref<4x40x128xf32, #tpu.memory_space<vmem>> -> memref<1x40x128xf32, #tpu.memory_space<vmem>>
      %dma_wait3A_250 = tpu.memref_squeeze %dma_wait3A_249 : memref<1x40x128xf32, #tpu.memory_space<vmem>> -> memref<40x128xf32, #tpu.memory_space<vmem>>
      %dma_wait3A_251 = arith.constant 0 : i32
      %dma_wait3A_252 = tpu.memref_slice %arg9[%add3A_19, %dma_wait3A_251] : memref<10112x128xf32, #tpu.memory_space<vmem_shared>> -> memref<40x128xf32, #tpu.memory_space<vmem_shared>>
      %dma_wait3A_253 = arith.constant 0 : i32
      %dma_wait3A_254 = tpu.memref_slice %arg9[%add3A_19, %dma_wait3A_253] : memref<10112x128xf32, #tpu.memory_space<vmem_shared>> -> memref<40x128xf32, #tpu.memory_space<vmem_shared>>
      %dma_wait3A_255 = arith.constant 0 : i32
      %dma_wait3A_256 = arith.constant 0 : i32
      %dma_wait3A_257 = tpu.memref_slice %arg8[%run_scoped3A_20, %dma_wait3A_255, %dma_wait3A_256] : memref<4x40x128xf32, #tpu.memory_space<vmem>> -> memref<1x40x128xf32, #tpu.memory_space<vmem>>
      %dma_wait3A_258 = tpu.memref_squeeze %dma_wait3A_257 : memref<1x40x128xf32, #tpu.memory_space<vmem>> -> memref<40x128xf32, #tpu.memory_space<vmem>>
      tpu.wait_dma2 semaphore(%run_scoped3A_234 : memref<!tpu.dma_semaphore, #tpu.memory_space<semaphore_mem>>) src(%dma_wait3A_258 : memref<40x128xf32, #tpu.memory_space<vmem>>) dst(%dma_wait3A_254 : memref<40x128xf32, #tpu.memory_space<vmem_shared>>)
      tpu.yield
    }) : () -> ()
    %add3A_21 = arith.constant 200 : i32
    %add3A_22 = arith.addi %mul3A_6, %add3A_21 : i32
    %run_scoped3A_23 = arith.constant 0 : i32
    "tpu.region"() ({
      %run_scoped3A_234 = tpu.sem_alloc : memref<!tpu.dma_semaphore, #tpu.memory_space<semaphore_mem>>
      %dma_start3A_235 = arith.constant 0 : i32
      %dma_start3A_236 = arith.constant 0 : i32
      %dma_start3A_237 = tpu.memref_slice %arg8[%run_scoped3A_23, %dma_start3A_235, %dma_start3A_236] : memref<4x40x128xf32, #tpu.memory_space<vmem>> -> memref<1x40x128xf32, #tpu.memory_space<vmem>>
      %dma_start3A_238 = tpu.memref_squeeze %dma_start3A_237 : memref<1x40x128xf32, #tpu.memory_space<vmem>> -> memref<40x128xf32, #tpu.memory_space<vmem>>
      %dma_start3A_239 = arith.constant 0 : i32
      %dma_start3A_240 = tpu.memref_slice %arg9[%add3A_22, %dma_start3A_239] : memref<10112x128xf32, #tpu.memory_space<vmem_shared>> -> memref<40x128xf32, #tpu.memory_space<vmem_shared>>
      %dma_start3A_241 = arith.constant 0 : i32
      %dma_start3A_242 = tpu.memref_slice %arg9[%add3A_22, %dma_start3A_241] : memref<10112x128xf32, #tpu.memory_space<vmem_shared>> -> memref<40x128xf32, #tpu.memory_space<vmem_shared>>
      %dma_start3A_243 = arith.constant 0 : i32
      %dma_start3A_244 = arith.constant 0 : i32
      %dma_start3A_245 = tpu.memref_slice %arg8[%run_scoped3A_23, %dma_start3A_243, %dma_start3A_244] : memref<4x40x128xf32, #tpu.memory_space<vmem>> -> memref<1x40x128xf32, #tpu.memory_space<vmem>>
      %dma_start3A_246 = tpu.memref_squeeze %dma_start3A_245 : memref<1x40x128xf32, #tpu.memory_space<vmem>> -> memref<40x128xf32, #tpu.memory_space<vmem>>
      tpu.enqueue_dma source(%dma_start3A_246 : memref<40x128xf32, #tpu.memory_space<vmem>>) target(%dma_start3A_242 : memref<40x128xf32, #tpu.memory_space<vmem_shared>>) target_semaphore(%run_scoped3A_234 : memref<!tpu.dma_semaphore, #tpu.memory_space<semaphore_mem>>)
      %dma_wait3A_247 = arith.constant 0 : i32
      %dma_wait3A_248 = arith.constant 0 : i32
      %dma_wait3A_249 = tpu.memref_slice %arg8[%run_scoped3A_23, %dma_wait3A_247, %dma_wait3A_248] : memref<4x40x128xf32, #tpu.memory_space<vmem>> -> memref<1x40x128xf32, #tpu.memory_space<vmem>>
      %dma_wait3A_250 = tpu.memref_squeeze %dma_wait3A_249 : memref<1x40x128xf32, #tpu.memory_space<vmem>> -> memref<40x128xf32, #tpu.memory_space<vmem>>
      %dma_wait3A_251 = arith.constant 0 : i32
      %dma_wait3A_252 = tpu.memref_slice %arg9[%add3A_22, %dma_wait3A_251] : memref<10112x128xf32, #tpu.memory_space<vmem_shared>> -> memref<40x128xf32, #tpu.memory_space<vmem_shared>>
      %dma_wait3A_253 = arith.constant 0 : i32
      %dma_wait3A_254 = tpu.memref_slice %arg9[%add3A_22, %dma_wait3A_253] : memref<10112x128xf32, #tpu.memory_space<vmem_shared>> -> memref<40x128xf32, #tpu.memory_space<vmem_shared>>
      %dma_wait3A_255 = arith.constant 0 : i32
      %dma_wait3A_256 = arith.constant 0 : i32
      %dma_wait3A_257 = tpu.memref_slice %arg8[%run_scoped3A_23, %dma_wait3A_255, %dma_wait3A_256] : memref<4x40x128xf32, #tpu.memory_space<vmem>> -> memref<1x40x128xf32, #tpu.memory_space<vmem>>
      %dma_wait3A_258 = tpu.memref_squeeze %dma_wait3A_257 : memref<1x40x128xf32, #tpu.memory_space<vmem>> -> memref<40x128xf32, #tpu.memory_space<vmem>>
      tpu.wait_dma2 semaphore(%run_scoped3A_234 : memref<!tpu.dma_semaphore, #tpu.memory_space<semaphore_mem>>) src(%dma_wait3A_258 : memref<40x128xf32, #tpu.memory_space<vmem>>) dst(%dma_wait3A_254 : memref<40x128xf32, #tpu.memory_space<vmem_shared>>)
      tpu.yield
    }) : () -> ()
    %add3A_24 = arith.constant 240 : i32
    %add3A_25 = arith.addi %mul3A_6, %add3A_24 : i32
    %run_scoped3A_26 = arith.constant 0 : i32
    "tpu.region"() ({
      %run_scoped3A_234 = tpu.sem_alloc : memref<!tpu.dma_semaphore, #tpu.memory_space<semaphore_mem>>
      %dma_start3A_235 = arith.constant 0 : i32
      %dma_start3A_236 = arith.constant 0 : i32
      %dma_start3A_237 = tpu.memref_slice %arg8[%run_scoped3A_26, %dma_start3A_235, %dma_start3A_236] : memref<4x40x128xf32, #tpu.memory_space<vmem>> -> memref<1x40x128xf32, #tpu.memory_space<vmem>>
      %dma_start3A_238 = tpu.memref_squeeze %dma_start3A_237 : memref<1x40x128xf32, #tpu.memory_space<vmem>> -> memref<40x128xf32, #tpu.memory_space<vmem>>
      %dma_start3A_239 = arith.constant 0 : i32
      %dma_start3A_240 = tpu.memref_slice %arg9[%add3A_25, %dma_start3A_239] : memref<10112x128xf32, #tpu.memory_space<vmem_shared>> -> memref<40x128xf32, #tpu.memory_space<vmem_shared>>
      %dma_start3A_241 = arith.constant 0 : i32
      %dma_start3A_242 = tpu.memref_slice %arg9[%add3A_25, %dma_start3A_241] : memref<10112x128xf32, #tpu.memory_space<vmem_shared>> -> memref<40x128xf32, #tpu.memory_space<vmem_shared>>
      %dma_start3A_243 = arith.constant 0 : i32
      %dma_start3A_244 = arith.constant 0 : i32
      %dma_start3A_245 = tpu.memref_slice %arg8[%run_scoped3A_26, %dma_start3A_243, %dma_start3A_244] : memref<4x40x128xf32, #tpu.memory_space<vmem>> -> memref<1x40x128xf32, #tpu.memory_space<vmem>>
      %dma_start3A_246 = tpu.memref_squeeze %dma_start3A_245 : memref<1x40x128xf32, #tpu.memory_space<vmem>> -> memref<40x128xf32, #tpu.memory_space<vmem>>
      tpu.enqueue_dma source(%dma_start3A_246 : memref<40x128xf32, #tpu.memory_space<vmem>>) target(%dma_start3A_242 : memref<40x128xf32, #tpu.memory_space<vmem_shared>>) target_semaphore(%run_scoped3A_234 : memref<!tpu.dma_semaphore, #tpu.memory_space<semaphore_mem>>)
      %dma_wait3A_247 = arith.constant 0 : i32
      %dma_wait3A_248 = arith.constant 0 : i32
      %dma_wait3A_249 = tpu.memref_slice %arg8[%run_scoped3A_26, %dma_wait3A_247, %dma_wait3A_248] : memref<4x40x128xf32, #tpu.memory_space<vmem>> -> memref<1x40x128xf32, #tpu.memory_space<vmem>>
      %dma_wait3A_250 = tpu.memref_squeeze %dma_wait3A_249 : memref<1x40x128xf32, #tpu.memory_space<vmem>> -> memref<40x128xf32, #tpu.memory_space<vmem>>
      %dma_wait3A_251 = arith.constant 0 : i32
      %dma_wait3A_252 = tpu.memref_slice %arg9[%add3A_25, %dma_wait3A_251] : memref<10112x128xf32, #tpu.memory_space<vmem_shared>> -> memref<40x128xf32, #tpu.memory_space<vmem_shared>>
      %dma_wait3A_253 = arith.constant 0 : i32
      %dma_wait3A_254 = tpu.memref_slice %arg9[%add3A_25, %dma_wait3A_253] : memref<10112x128xf32, #tpu.memory_space<vmem_shared>> -> memref<40x128xf32, #tpu.memory_space<vmem_shared>>
      %dma_wait3A_255 = arith.constant 0 : i32
      %dma_wait3A_256 = arith.constant 0 : i32
      %dma_wait3A_257 = tpu.memref_slice %arg8[%run_scoped3A_26, %dma_wait3A_255, %dma_wait3A_256] : memref<4x40x128xf32, #tpu.memory_space<vmem>> -> memref<1x40x128xf32, #tpu.memory_space<vmem>>
      %dma_wait3A_258 = tpu.memref_squeeze %dma_wait3A_257 : memref<1x40x128xf32, #tpu.memory_space<vmem>> -> memref<40x128xf32, #tpu.memory_space<vmem>>
      tpu.wait_dma2 semaphore(%run_scoped3A_234 : memref<!tpu.dma_semaphore, #tpu.memory_space<semaphore_mem>>) src(%dma_wait3A_258 : memref<40x128xf32, #tpu.memory_space<vmem>>) dst(%dma_wait3A_254 : memref<40x128xf32, #tpu.memory_space<vmem_shared>>)
      tpu.yield
    }) : () -> ()
    %add3A_27 = arith.constant 280 : i32
    %add3A_28 = arith.addi %mul3A_6, %add3A_27 : i32
    %run_scoped3A_29 = arith.constant 0 : i32
    "tpu.region"() ({
      %run_scoped3A_234 = tpu.sem_alloc : memref<!tpu.dma_semaphore, #tpu.memory_space<semaphore_mem>>
      %dma_start3A_235 = arith.constant 0 : i32
      %dma_start3A_236 = arith.constant 0 : i32
      %dma_start3A_237 = tpu.memref_slice %arg8[%run_scoped3A_29, %dma_start3A_235, %dma_start3A_236] : memref<4x40x128xf32, #tpu.memory_space<vmem>> -> memref<1x40x128xf32, #tpu.memory_space<vmem>>
      %dma_start3A_238 = tpu.memref_squeeze %dma_start3A_237 : memref<1x40x128xf32, #tpu.memory_space<vmem>> -> memref<40x128xf32, #tpu.memory_space<vmem>>
      %dma_start3A_239 = arith.constant 0 : i32
      %dma_start3A_240 = tpu.memref_slice %arg9[%add3A_28, %dma_start3A_239] : memref<10112x128xf32, #tpu.memory_space<vmem_shared>> -> memref<40x128xf32, #tpu.memory_space<vmem_shared>>
      %dma_start3A_241 = arith.constant 0 : i32
      %dma_start3A_242 = tpu.memref_slice %arg9[%add3A_28, %dma_start3A_241] : memref<10112x128xf32, #tpu.memory_space<vmem_shared>> -> memref<40x128xf32, #tpu.memory_space<vmem_shared>>
      %dma_start3A_243 = arith.constant 0 : i32
      %dma_start3A_244 = arith.constant 0 : i32
      %dma_start3A_245 = tpu.memref_slice %arg8[%run_scoped3A_29, %dma_start3A_243, %dma_start3A_244] : memref<4x40x128xf32, #tpu.memory_space<vmem>> -> memref<1x40x128xf32, #tpu.memory_space<vmem>>
      %dma_start3A_246 = tpu.memref_squeeze %dma_start3A_245 : memref<1x40x128xf32, #tpu.memory_space<vmem>> -> memref<40x128xf32, #tpu.memory_space<vmem>>
      tpu.enqueue_dma source(%dma_start3A_246 : memref<40x128xf32, #tpu.memory_space<vmem>>) target(%dma_start3A_242 : memref<40x128xf32, #tpu.memory_space<vmem_shared>>) target_semaphore(%run_scoped3A_234 : memref<!tpu.dma_semaphore, #tpu.memory_space<semaphore_mem>>)
      %dma_wait3A_247 = arith.constant 0 : i32
      %dma_wait3A_248 = arith.constant 0 : i32
      %dma_wait3A_249 = tpu.memref_slice %arg8[%run_scoped3A_29, %dma_wait3A_247, %dma_wait3A_248] : memref<4x40x128xf32, #tpu.memory_space<vmem>> -> memref<1x40x128xf32, #tpu.memory_space<vmem>>
      %dma_wait3A_250 = tpu.memref_squeeze %dma_wait3A_249 : memref<1x40x128xf32, #tpu.memory_space<vmem>> -> memref<40x128xf32, #tpu.memory_space<vmem>>
      %dma_wait3A_251 = arith.constant 0 : i32
      %dma_wait3A_252 = tpu.memref_slice %arg9[%add3A_28, %dma_wait3A_251] : memref<10112x128xf32, #tpu.memory_space<vmem_shared>> -> memref<40x128xf32, #tpu.memory_space<vmem_shared>>
      %dma_wait3A_253 = arith.constant 0 : i32
      %dma_wait3A_254 = tpu.memref_slice %arg9[%add3A_28, %dma_wait3A_253] : memref<10112x128xf32, #tpu.memory_space<vmem_shared>> -> memref<40x128xf32, #tpu.memory_space<vmem_shared>>
      %dma_wait3A_255 = arith.constant 0 : i32
      %dma_wait3A_256 = arith.constant 0 : i32
      %dma_wait3A_257 = tpu.memref_slice %arg8[%run_scoped3A_29, %dma_wait3A_255, %dma_wait3A_256] : memref<4x40x128xf32, #tpu.memory_space<vmem>> -> memref<1x40x128xf32, #tpu.memory_space<vmem>>
      %dma_wait3A_258 = tpu.memref_squeeze %dma_wait3A_257 : memref<1x40x128xf32, #tpu.memory_space<vmem>> -> memref<40x128xf32, #tpu.memory_space<vmem>>
      tpu.wait_dma2 semaphore(%run_scoped3A_234 : memref<!tpu.dma_semaphore, #tpu.memory_space<semaphore_mem>>) src(%dma_wait3A_258 : memref<40x128xf32, #tpu.memory_space<vmem>>) dst(%dma_wait3A_254 : memref<40x128xf32, #tpu.memory_space<vmem_shared>>)
      tpu.yield
    }) : () -> ()
    %add3A_30 = arith.constant 320 : i32
    %add3A_31 = arith.addi %mul3A_6, %add3A_30 : i32
    %run_scoped3A_32 = arith.constant 0 : i32
    "tpu.region"() ({
      %run_scoped3A_234 = tpu.sem_alloc : memref<!tpu.dma_semaphore, #tpu.memory_space<semaphore_mem>>
      %dma_start3A_235 = arith.constant 0 : i32
      %dma_start3A_236 = arith.constant 0 : i32
      %dma_start3A_237 = tpu.memref_slice %arg8[%run_scoped3A_32, %dma_start3A_235, %dma_start3A_236] : memref<4x40x128xf32, #tpu.memory_space<vmem>> -> memref<1x40x128xf32, #tpu.memory_space<vmem>>
      %dma_start3A_238 = tpu.memref_squeeze %dma_start3A_237 : memref<1x40x128xf32, #tpu.memory_space<vmem>> -> memref<40x128xf32, #tpu.memory_space<vmem>>
      %dma_start3A_239 = arith.constant 0 : i32
      %dma_start3A_240 = tpu.memref_slice %arg9[%add3A_31, %dma_start3A_239] : memref<10112x128xf32, #tpu.memory_space<vmem_shared>> -> memref<40x128xf32, #tpu.memory_space<vmem_shared>>
      %dma_start3A_241 = arith.constant 0 : i32
      %dma_start3A_242 = tpu.memref_slice %arg9[%add3A_31, %dma_start3A_241] : memref<10112x128xf32, #tpu.memory_space<vmem_shared>> -> memref<40x128xf32, #tpu.memory_space<vmem_shared>>
      %dma_start3A_243 = arith.constant 0 : i32
      %dma_start3A_244 = arith.constant 0 : i32
      %dma_start3A_245 = tpu.memref_slice %arg8[%run_scoped3A_32, %dma_start3A_243, %dma_start3A_244] : memref<4x40x128xf32, #tpu.memory_space<vmem>> -> memref<1x40x128xf32, #tpu.memory_space<vmem>>
      %dma_start3A_246 = tpu.memref_squeeze %dma_start3A_245 : memref<1x40x128xf32, #tpu.memory_space<vmem>> -> memref<40x128xf32, #tpu.memory_space<vmem>>
      tpu.enqueue_dma source(%dma_start3A_246 : memref<40x128xf32, #tpu.memory_space<vmem>>) target(%dma_start3A_242 : memref<40x128xf32, #tpu.memory_space<vmem_shared>>) target_semaphore(%run_scoped3A_234 : memref<!tpu.dma_semaphore, #tpu.memory_space<semaphore_mem>>)
      %dma_wait3A_247 = arith.constant 0 : i32
      %dma_wait3A_248 = arith.constant 0 : i32
      %dma_wait3A_249 = tpu.memref_slice %arg8[%run_scoped3A_32, %dma_wait3A_247, %dma_wait3A_248] : memref<4x40x128xf32, #tpu.memory_space<vmem>> -> memref<1x40x128xf32, #tpu.memory_space<vmem>>
      %dma_wait3A_250 = tpu.memref_squeeze %dma_wait3A_249 : memref<1x40x128xf32, #tpu.memory_space<vmem>> -> memref<40x128xf32, #tpu.memory_space<vmem>>
      %dma_wait3A_251 = arith.constant 0 : i32
      %dma_wait3A_252 = tpu.memref_slice %arg9[%add3A_31, %dma_wait3A_251] : memref<10112x128xf32, #tpu.memory_space<vmem_shared>> -> memref<40x128xf32, #tpu.memory_space<vmem_shared>>
      %dma_wait3A_253 = arith.constant 0 : i32
      %dma_wait3A_254 = tpu.memref_slice %arg9[%add3A_31, %dma_wait3A_253] : memref<10112x128xf32, #tpu.memory_space<vmem_shared>> -> memref<40x128xf32, #tpu.memory_space<vmem_shared>>
      %dma_wait3A_255 = arith.constant 0 : i32
      %dma_wait3A_256 = arith.constant 0 : i32
      %dma_wait3A_257 = tpu.memref_slice %arg8[%run_scoped3A_32, %dma_wait3A_255, %dma_wait3A_256] : memref<4x40x128xf32, #tpu.memory_space<vmem>> -> memref<1x40x128xf32, #tpu.memory_space<vmem>>
      %dma_wait3A_258 = tpu.memref_squeeze %dma_wait3A_257 : memref<1x40x128xf32, #tpu.memory_space<vmem>> -> memref<40x128xf32, #tpu.memory_space<vmem>>
      tpu.wait_dma2 semaphore(%run_scoped3A_234 : memref<!tpu.dma_semaphore, #tpu.memory_space<semaphore_mem>>) src(%dma_wait3A_258 : memref<40x128xf32, #tpu.memory_space<vmem>>) dst(%dma_wait3A_254 : memref<40x128xf32, #tpu.memory_space<vmem_shared>>)
      tpu.yield
    }) : () -> ()
    %add3A_33 = arith.constant 360 : i32
    %add3A_34 = arith.addi %mul3A_6, %add3A_33 : i32
    %run_scoped3A_35 = arith.constant 0 : i32
    "tpu.region"() ({
      %run_scoped3A_234 = tpu.sem_alloc : memref<!tpu.dma_semaphore, #tpu.memory_space<semaphore_mem>>
      %dma_start3A_235 = arith.constant 0 : i32
      %dma_start3A_236 = arith.constant 0 : i32
      %dma_start3A_237 = tpu.memref_slice %arg8[%run_scoped3A_35, %dma_start3A_235, %dma_start3A_236] : memref<4x40x128xf32, #tpu.memory_space<vmem>> -> memref<1x40x128xf32, #tpu.memory_space<vmem>>
      %dma_start3A_238 = tpu.memref_squeeze %dma_start3A_237 : memref<1x40x128xf32, #tpu.memory_space<vmem>> -> memref<40x128xf32, #tpu.memory_space<vmem>>
      %dma_start3A_239 = arith.constant 0 : i32
      %dma_start3A_240 = tpu.memref_slice %arg9[%add3A_34, %dma_start3A_239] : memref<10112x128xf32, #tpu.memory_space<vmem_shared>> -> memref<40x128xf32, #tpu.memory_space<vmem_shared>>
      %dma_start3A_241 = arith.constant 0 : i32
      %dma_start3A_242 = tpu.memref_slice %arg9[%add3A_34, %dma_start3A_241] : memref<10112x128xf32, #tpu.memory_space<vmem_shared>> -> memref<40x128xf32, #tpu.memory_space<vmem_shared>>
      %dma_start3A_243 = arith.constant 0 : i32
      %dma_start3A_244 = arith.constant 0 : i32
      %dma_start3A_245 = tpu.memref_slice %arg8[%run_scoped3A_35, %dma_start3A_243, %dma_start3A_244] : memref<4x40x128xf32, #tpu.memory_space<vmem>> -> memref<1x40x128xf32, #tpu.memory_space<vmem>>
      %dma_start3A_246 = tpu.memref_squeeze %dma_start3A_245 : memref<1x40x128xf32, #tpu.memory_space<vmem>> -> memref<40x128xf32, #tpu.memory_space<vmem>>
      tpu.enqueue_dma source(%dma_start3A_246 : memref<40x128xf32, #tpu.memory_space<vmem>>) target(%dma_start3A_242 : memref<40x128xf32, #tpu.memory_space<vmem_shared>>) target_semaphore(%run_scoped3A_234 : memref<!tpu.dma_semaphore, #tpu.memory_space<semaphore_mem>>)
      %dma_wait3A_247 = arith.constant 0 : i32
      %dma_wait3A_248 = arith.constant 0 : i32
      %dma_wait3A_249 = tpu.memref_slice %arg8[%run_scoped3A_35, %dma_wait3A_247, %dma_wait3A_248] : memref<4x40x128xf32, #tpu.memory_space<vmem>> -> memref<1x40x128xf32, #tpu.memory_space<vmem>>
      %dma_wait3A_250 = tpu.memref_squeeze %dma_wait3A_249 : memref<1x40x128xf32, #tpu.memory_space<vmem>> -> memref<40x128xf32, #tpu.memory_space<vmem>>
      %dma_wait3A_251 = arith.constant 0 : i32
      %dma_wait3A_252 = tpu.memref_slice %arg9[%add3A_34, %dma_wait3A_251] : memref<10112x128xf32, #tpu.memory_space<vmem_shared>> -> memref<40x128xf32, #tpu.memory_space<vmem_shared>>
      %dma_wait3A_253 = arith.constant 0 : i32
      %dma_wait3A_254 = tpu.memref_slice %arg9[%add3A_34, %dma_wait3A_253] : memref<10112x128xf32, #tpu.memory_space<vmem_shared>> -> memref<40x128xf32, #tpu.memory_space<vmem_shared>>
      %dma_wait3A_255 = arith.constant 0 : i32
      %dma_wait3A_256 = arith.constant 0 : i32
      %dma_wait3A_257 = tpu.memref_slice %arg8[%run_scoped3A_35, %dma_wait3A_255, %dma_wait3A_256] : memref<4x40x128xf32, #tpu.memory_space<vmem>> -> memref<1x40x128xf32, #tpu.memory_space<vmem>>
      %dma_wait3A_258 = tpu.memref_squeeze %dma_wait3A_257 : memref<1x40x128xf32, #tpu.memory_space<vmem>> -> memref<40x128xf32, #tpu.memory_space<vmem>>
      tpu.wait_dma2 semaphore(%run_scoped3A_234 : memref<!tpu.dma_semaphore, #tpu.memory_space<semaphore_mem>>) src(%dma_wait3A_258 : memref<40x128xf32, #tpu.memory_space<vmem>>) dst(%dma_wait3A_254 : memref<40x128xf32, #tpu.memory_space<vmem_shared>>)
      tpu.yield
    }) : () -> ()
    %add3A_36 = arith.constant 400 : i32
    %add3A_37 = arith.addi %mul3A_6, %add3A_36 : i32
    %run_scoped3A_38 = arith.constant 0 : i32
    "tpu.region"() ({
      %run_scoped3A_234 = tpu.sem_alloc : memref<!tpu.dma_semaphore, #tpu.memory_space<semaphore_mem>>
      %dma_start3A_235 = arith.constant 0 : i32
      %dma_start3A_236 = arith.constant 0 : i32
      %dma_start3A_237 = tpu.memref_slice %arg8[%run_scoped3A_38, %dma_start3A_235, %dma_start3A_236] : memref<4x40x128xf32, #tpu.memory_space<vmem>> -> memref<1x40x128xf32, #tpu.memory_space<vmem>>
      %dma_start3A_238 = tpu.memref_squeeze %dma_start3A_237 : memref<1x40x128xf32, #tpu.memory_space<vmem>> -> memref<40x128xf32, #tpu.memory_space<vmem>>
      %dma_start3A_239 = arith.constant 0 : i32
      %dma_start3A_240 = tpu.memref_slice %arg9[%add3A_37, %dma_start3A_239] : memref<10112x128xf32, #tpu.memory_space<vmem_shared>> -> memref<40x128xf32, #tpu.memory_space<vmem_shared>>
      %dma_start3A_241 = arith.constant 0 : i32
      %dma_start3A_242 = tpu.memref_slice %arg9[%add3A_37, %dma_start3A_241] : memref<10112x128xf32, #tpu.memory_space<vmem_shared>> -> memref<40x128xf32, #tpu.memory_space<vmem_shared>>
      %dma_start3A_243 = arith.constant 0 : i32
      %dma_start3A_244 = arith.constant 0 : i32
      %dma_start3A_245 = tpu.memref_slice %arg8[%run_scoped3A_38, %dma_start3A_243, %dma_start3A_244] : memref<4x40x128xf32, #tpu.memory_space<vmem>> -> memref<1x40x128xf32, #tpu.memory_space<vmem>>
      %dma_start3A_246 = tpu.memref_squeeze %dma_start3A_245 : memref<1x40x128xf32, #tpu.memory_space<vmem>> -> memref<40x128xf32, #tpu.memory_space<vmem>>
      tpu.enqueue_dma source(%dma_start3A_246 : memref<40x128xf32, #tpu.memory_space<vmem>>) target(%dma_start3A_242 : memref<40x128xf32, #tpu.memory_space<vmem_shared>>) target_semaphore(%run_scoped3A_234 : memref<!tpu.dma_semaphore, #tpu.memory_space<semaphore_mem>>)
      %dma_wait3A_247 = arith.constant 0 : i32
      %dma_wait3A_248 = arith.constant 0 : i32
      %dma_wait3A_249 = tpu.memref_slice %arg8[%run_scoped3A_38, %dma_wait3A_247, %dma_wait3A_248] : memref<4x40x128xf32, #tpu.memory_space<vmem>> -> memref<1x40x128xf32, #tpu.memory_space<vmem>>
      %dma_wait3A_250 = tpu.memref_squeeze %dma_wait3A_249 : memref<1x40x128xf32, #tpu.memory_space<vmem>> -> memref<40x128xf32, #tpu.memory_space<vmem>>
      %dma_wait3A_251 = arith.constant 0 : i32
      %dma_wait3A_252 = tpu.memref_slice %arg9[%add3A_37, %dma_wait3A_251] : memref<10112x128xf32, #tpu.memory_space<vmem_shared>> -> memref<40x128xf32, #tpu.memory_space<vmem_shared>>
      %dma_wait3A_253 = arith.constant 0 : i32
      %dma_wait3A_254 = tpu.memref_slice %arg9[%add3A_37, %dma_wait3A_253] : memref<10112x128xf32, #tpu.memory_space<vmem_shared>> -> memref<40x128xf32, #tpu.memory_space<vmem_shared>>
      %dma_wait3A_255 = arith.constant 0 : i32
      %dma_wait3A_256 = arith.constant 0 : i32
      %dma_wait3A_257 = tpu.memref_slice %arg8[%run_scoped3A_38, %dma_wait3A_255, %dma_wait3A_256] : memref<4x40x128xf32, #tpu.memory_space<vmem>> -> memref<1x40x128xf32, #tpu.memory_space<vmem>>
      %dma_wait3A_258 = tpu.memref_squeeze %dma_wait3A_257 : memref<1x40x128xf32, #tpu.memory_space<vmem>> -> memref<40x128xf32, #tpu.memory_space<vmem>>
      tpu.wait_dma2 semaphore(%run_scoped3A_234 : memref<!tpu.dma_semaphore, #tpu.memory_space<semaphore_mem>>) src(%dma_wait3A_258 : memref<40x128xf32, #tpu.memory_space<vmem>>) dst(%dma_wait3A_254 : memref<40x128xf32, #tpu.memory_space<vmem_shared>>)
      tpu.yield
    }) : () -> ()
    %add3A_39 = arith.constant 440 : i32
    %add3A_40 = arith.addi %mul3A_6, %add3A_39 : i32
    %run_scoped3A_41 = arith.constant 0 : i32
    "tpu.region"() ({
      %run_scoped3A_234 = tpu.sem_alloc : memref<!tpu.dma_semaphore, #tpu.memory_space<semaphore_mem>>
      %dma_start3A_235 = arith.constant 0 : i32
      %dma_start3A_236 = arith.constant 0 : i32
      %dma_start3A_237 = tpu.memref_slice %arg8[%run_scoped3A_41, %dma_start3A_235, %dma_start3A_236] : memref<4x40x128xf32, #tpu.memory_space<vmem>> -> memref<1x40x128xf32, #tpu.memory_space<vmem>>
      %dma_start3A_238 = tpu.memref_squeeze %dma_start3A_237 : memref<1x40x128xf32, #tpu.memory_space<vmem>> -> memref<40x128xf32, #tpu.memory_space<vmem>>
      %dma_start3A_239 = arith.constant 0 : i32
      %dma_start3A_240 = tpu.memref_slice %arg9[%add3A_40, %dma_start3A_239] : memref<10112x128xf32, #tpu.memory_space<vmem_shared>> -> memref<40x128xf32, #tpu.memory_space<vmem_shared>>
      %dma_start3A_241 = arith.constant 0 : i32
      %dma_start3A_242 = tpu.memref_slice %arg9[%add3A_40, %dma_start3A_241] : memref<10112x128xf32, #tpu.memory_space<vmem_shared>> -> memref<40x128xf32, #tpu.memory_space<vmem_shared>>
      %dma_start3A_243 = arith.constant 0 : i32
      %dma_start3A_244 = arith.constant 0 : i32
      %dma_start3A_245 = tpu.memref_slice %arg8[%run_scoped3A_41, %dma_start3A_243, %dma_start3A_244] : memref<4x40x128xf32, #tpu.memory_space<vmem>> -> memref<1x40x128xf32, #tpu.memory_space<vmem>>
      %dma_start3A_246 = tpu.memref_squeeze %dma_start3A_245 : memref<1x40x128xf32, #tpu.memory_space<vmem>> -> memref<40x128xf32, #tpu.memory_space<vmem>>
      tpu.enqueue_dma source(%dma_start3A_246 : memref<40x128xf32, #tpu.memory_space<vmem>>) target(%dma_start3A_242 : memref<40x128xf32, #tpu.memory_space<vmem_shared>>) target_semaphore(%run_scoped3A_234 : memref<!tpu.dma_semaphore, #tpu.memory_space<semaphore_mem>>)
      %dma_wait3A_247 = arith.constant 0 : i32
      %dma_wait3A_248 = arith.constant 0 : i32
      %dma_wait3A_249 = tpu.memref_slice %arg8[%run_scoped3A_41, %dma_wait3A_247, %dma_wait3A_248] : memref<4x40x128xf32, #tpu.memory_space<vmem>> -> memref<1x40x128xf32, #tpu.memory_space<vmem>>
      %dma_wait3A_250 = tpu.memref_squeeze %dma_wait3A_249 : memref<1x40x128xf32, #tpu.memory_space<vmem>> -> memref<40x128xf32, #tpu.memory_space<vmem>>
      %dma_wait3A_251 = arith.constant 0 : i32
      %dma_wait3A_252 = tpu.memref_slice %arg9[%add3A_40, %dma_wait3A_251] : memref<10112x128xf32, #tpu.memory_space<vmem_shared>> -> memref<40x128xf32, #tpu.memory_space<vmem_shared>>
      %dma_wait3A_253 = arith.constant 0 : i32
      %dma_wait3A_254 = tpu.memref_slice %arg9[%add3A_40, %dma_wait3A_253] : memref<10112x128xf32, #tpu.memory_space<vmem_shared>> -> memref<40x128xf32, #tpu.memory_space<vmem_shared>>
      %dma_wait3A_255 = arith.constant 0 : i32
      %dma_wait3A_256 = arith.constant 0 : i32
      %dma_wait3A_257 = tpu.memref_slice %arg8[%run_scoped3A_41, %dma_wait3A_255, %dma_wait3A_256] : memref<4x40x128xf32, #tpu.memory_space<vmem>> -> memref<1x40x128xf32, #tpu.memory_space<vmem>>
      %dma_wait3A_258 = tpu.memref_squeeze %dma_wait3A_257 : memref<1x40x128xf32, #tpu.memory_space<vmem>> -> memref<40x128xf32, #tpu.memory_space<vmem>>
      tpu.wait_dma2 semaphore(%run_scoped3A_234 : memref<!tpu.dma_semaphore, #tpu.memory_space<semaphore_mem>>) src(%dma_wait3A_258 : memref<40x128xf32, #tpu.memory_space<vmem>>) dst(%dma_wait3A_254 : memref<40x128xf32, #tpu.memory_space<vmem_shared>>)
      tpu.yield
    }) : () -> ()
    %add3A_42 = arith.constant 480 : i32
    %add3A_43 = arith.addi %mul3A_6, %add3A_42 : i32
    %run_scoped3A_44 = arith.constant 0 : i32
    "tpu.region"() ({
      %run_scoped3A_234 = tpu.sem_alloc : memref<!tpu.dma_semaphore, #tpu.memory_space<semaphore_mem>>
      %dma_start3A_235 = arith.constant 0 : i32
      %dma_start3A_236 = arith.constant 0 : i32
      %dma_start3A_237 = tpu.memref_slice %arg8[%run_scoped3A_44, %dma_start3A_235, %dma_start3A_236] : memref<4x40x128xf32, #tpu.memory_space<vmem>> -> memref<1x40x128xf32, #tpu.memory_space<vmem>>
      %dma_start3A_238 = tpu.memref_squeeze %dma_start3A_237 : memref<1x40x128xf32, #tpu.memory_space<vmem>> -> memref<40x128xf32, #tpu.memory_space<vmem>>
      %dma_start3A_239 = arith.constant 0 : i32
      %dma_start3A_240 = tpu.memref_slice %arg9[%add3A_43, %dma_start3A_239] : memref<10112x128xf32, #tpu.memory_space<vmem_shared>> -> memref<40x128xf32, #tpu.memory_space<vmem_shared>>
      %dma_start3A_241 = arith.constant 0 : i32
      %dma_start3A_242 = tpu.memref_slice %arg9[%add3A_43, %dma_start3A_241] : memref<10112x128xf32, #tpu.memory_space<vmem_shared>> -> memref<40x128xf32, #tpu.memory_space<vmem_shared>>
      %dma_start3A_243 = arith.constant 0 : i32
      %dma_start3A_244 = arith.constant 0 : i32
      %dma_start3A_245 = tpu.memref_slice %arg8[%run_scoped3A_44, %dma_start3A_243, %dma_start3A_244] : memref<4x40x128xf32, #tpu.memory_space<vmem>> -> memref<1x40x128xf32, #tpu.memory_space<vmem>>
      %dma_start3A_246 = tpu.memref_squeeze %dma_start3A_245 : memref<1x40x128xf32, #tpu.memory_space<vmem>> -> memref<40x128xf32, #tpu.memory_space<vmem>>
      tpu.enqueue_dma source(%dma_start3A_246 : memref<40x128xf32, #tpu.memory_space<vmem>>) target(%dma_start3A_242 : memref<40x128xf32, #tpu.memory_space<vmem_shared>>) target_semaphore(%run_scoped3A_234 : memref<!tpu.dma_semaphore, #tpu.memory_space<semaphore_mem>>)
      %dma_wait3A_247 = arith.constant 0 : i32
      %dma_wait3A_248 = arith.constant 0 : i32
      %dma_wait3A_249 = tpu.memref_slice %arg8[%run_scoped3A_44, %dma_wait3A_247, %dma_wait3A_248] : memref<4x40x128xf32, #tpu.memory_space<vmem>> -> memref<1x40x128xf32, #tpu.memory_space<vmem>>
      %dma_wait3A_250 = tpu.memref_squeeze %dma_wait3A_249 : memref<1x40x128xf32, #tpu.memory_space<vmem>> -> memref<40x128xf32, #tpu.memory_space<vmem>>
      %dma_wait3A_251 = arith.constant 0 : i32
      %dma_wait3A_252 = tpu.memref_slice %arg9[%add3A_43, %dma_wait3A_251] : memref<10112x128xf32, #tpu.memory_space<vmem_shared>> -> memref<40x128xf32, #tpu.memory_space<vmem_shared>>
      %dma_wait3A_253 = arith.constant 0 : i32
      %dma_wait3A_254 = tpu.memref_slice %arg9[%add3A_43, %dma_wait3A_253] : memref<10112x128xf32, #tpu.memory_space<vmem_shared>> -> memref<40x128xf32, #tpu.memory_space<vmem_shared>>
      %dma_wait3A_255 = arith.constant 0 : i32
      %dma_wait3A_256 = arith.constant 0 : i32
      %dma_wait3A_257 = tpu.memref_slice %arg8[%run_scoped3A_44, %dma_wait3A_255, %dma_wait3A_256] : memref<4x40x128xf32, #tpu.memory_space<vmem>> -> memref<1x40x128xf32, #tpu.memory_space<vmem>>
      %dma_wait3A_258 = tpu.memref_squeeze %dma_wait3A_257 : memref<1x40x128xf32, #tpu.memory_space<vmem>> -> memref<40x128xf32, #tpu.memory_space<vmem>>
      tpu.wait_dma2 semaphore(%run_scoped3A_234 : memref<!tpu.dma_semaphore, #tpu.memory_space<semaphore_mem>>) src(%dma_wait3A_258 : memref<40x128xf32, #tpu.memory_space<vmem>>) dst(%dma_wait3A_254 : memref<40x128xf32, #tpu.memory_space<vmem_shared>>)
      tpu.yield
    }) : () -> ()
    %add3A_45 = arith.constant 520 : i32
    %add3A_46 = arith.addi %mul3A_6, %add3A_45 : i32
    %run_scoped3A_47 = arith.constant 0 : i32
    "tpu.region"() ({
      %run_scoped3A_234 = tpu.sem_alloc : memref<!tpu.dma_semaphore, #tpu.memory_space<semaphore_mem>>
      %dma_start3A_235 = arith.constant 0 : i32
      %dma_start3A_236 = arith.constant 0 : i32
      %dma_start3A_237 = tpu.memref_slice %arg8[%run_scoped3A_47, %dma_start3A_235, %dma_start3A_236] : memref<4x40x128xf32, #tpu.memory_space<vmem>> -> memref<1x40x128xf32, #tpu.memory_space<vmem>>
      %dma_start3A_238 = tpu.memref_squeeze %dma_start3A_237 : memref<1x40x128xf32, #tpu.memory_space<vmem>> -> memref<40x128xf32, #tpu.memory_space<vmem>>
      %dma_start3A_239 = arith.constant 0 : i32
      %dma_start3A_240 = tpu.memref_slice %arg9[%add3A_46, %dma_start3A_239] : memref<10112x128xf32, #tpu.memory_space<vmem_shared>> -> memref<40x128xf32, #tpu.memory_space<vmem_shared>>
      %dma_start3A_241 = arith.constant 0 : i32
      %dma_start3A_242 = tpu.memref_slice %arg9[%add3A_46, %dma_start3A_241] : memref<10112x128xf32, #tpu.memory_space<vmem_shared>> -> memref<40x128xf32, #tpu.memory_space<vmem_shared>>
      %dma_start3A_243 = arith.constant 0 : i32
      %dma_start3A_244 = arith.constant 0 : i32
      %dma_start3A_245 = tpu.memref_slice %arg8[%run_scoped3A_47, %dma_start3A_243, %dma_start3A_244] : memref<4x40x128xf32, #tpu.memory_space<vmem>> -> memref<1x40x128xf32, #tpu.memory_space<vmem>>
      %dma_start3A_246 = tpu.memref_squeeze %dma_start3A_245 : memref<1x40x128xf32, #tpu.memory_space<vmem>> -> memref<40x128xf32, #tpu.memory_space<vmem>>
      tpu.enqueue_dma source(%dma_start3A_246 : memref<40x128xf32, #tpu.memory_space<vmem>>) target(%dma_start3A_242 : memref<40x128xf32, #tpu.memory_space<vmem_shared>>) target_semaphore(%run_scoped3A_234 : memref<!tpu.dma_semaphore, #tpu.memory_space<semaphore_mem>>)
      %dma_wait3A_247 = arith.constant 0 : i32
      %dma_wait3A_248 = arith.constant 0 : i32
      %dma_wait3A_249 = tpu.memref_slice %arg8[%run_scoped3A_47, %dma_wait3A_247, %dma_wait3A_248] : memref<4x40x128xf32, #tpu.memory_space<vmem>> -> memref<1x40x128xf32, #tpu.memory_space<vmem>>
      %dma_wait3A_250 = tpu.memref_squeeze %dma_wait3A_249 : memref<1x40x128xf32, #tpu.memory_space<vmem>> -> memref<40x128xf32, #tpu.memory_space<vmem>>
      %dma_wait3A_251 = arith.constant 0 : i32
      %dma_wait3A_252 = tpu.memref_slice %arg9[%add3A_46, %dma_wait3A_251] : memref<10112x128xf32, #tpu.memory_space<vmem_shared>> -> memref<40x128xf32, #tpu.memory_space<vmem_shared>>
      %dma_wait3A_253 = arith.constant 0 : i32
      %dma_wait3A_254 = tpu.memref_slice %arg9[%add3A_46, %dma_wait3A_253] : memref<10112x128xf32, #tpu.memory_space<vmem_shared>> -> memref<40x128xf32, #tpu.memory_space<vmem_shared>>
      %dma_wait3A_255 = arith.constant 0 : i32
      %dma_wait3A_256 = arith.constant 0 : i32
      %dma_wait3A_257 = tpu.memref_slice %arg8[%run_scoped3A_47, %dma_wait3A_255, %dma_wait3A_256] : memref<4x40x128xf32, #tpu.memory_space<vmem>> -> memref<1x40x128xf32, #tpu.memory_space<vmem>>
      %dma_wait3A_258 = tpu.memref_squeeze %dma_wait3A_257 : memref<1x40x128xf32, #tpu.memory_space<vmem>> -> memref<40x128xf32, #tpu.memory_space<vmem>>
      tpu.wait_dma2 semaphore(%run_scoped3A_234 : memref<!tpu.dma_semaphore, #tpu.memory_space<semaphore_mem>>) src(%dma_wait3A_258 : memref<40x128xf32, #tpu.memory_space<vmem>>) dst(%dma_wait3A_254 : memref<40x128xf32, #tpu.memory_space<vmem_shared>>)
      tpu.yield
    }) : () -> ()
    %add3A_48 = arith.constant 560 : i32
    %add3A_49 = arith.addi %mul3A_6, %add3A_48 : i32
    %run_scoped3A_50 = arith.constant 0 : i32
    "tpu.region"() ({
      %run_scoped3A_234 = tpu.sem_alloc : memref<!tpu.dma_semaphore, #tpu.memory_space<semaphore_mem>>
      %dma_start3A_235 = arith.constant 0 : i32
      %dma_start3A_236 = arith.constant 0 : i32
      %dma_start3A_237 = tpu.memref_slice %arg8[%run_scoped3A_50, %dma_start3A_235, %dma_start3A_236] : memref<4x40x128xf32, #tpu.memory_space<vmem>> -> memref<1x40x128xf32, #tpu.memory_space<vmem>>
      %dma_start3A_238 = tpu.memref_squeeze %dma_start3A_237 : memref<1x40x128xf32, #tpu.memory_space<vmem>> -> memref<40x128xf32, #tpu.memory_space<vmem>>
      %dma_start3A_239 = arith.constant 0 : i32
      %dma_start3A_240 = tpu.memref_slice %arg9[%add3A_49, %dma_start3A_239] : memref<10112x128xf32, #tpu.memory_space<vmem_shared>> -> memref<40x128xf32, #tpu.memory_space<vmem_shared>>
      %dma_start3A_241 = arith.constant 0 : i32
      %dma_start3A_242 = tpu.memref_slice %arg9[%add3A_49, %dma_start3A_241] : memref<10112x128xf32, #tpu.memory_space<vmem_shared>> -> memref<40x128xf32, #tpu.memory_space<vmem_shared>>
      %dma_start3A_243 = arith.constant 0 : i32
      %dma_start3A_244 = arith.constant 0 : i32
      %dma_start3A_245 = tpu.memref_slice %arg8[%run_scoped3A_50, %dma_start3A_243, %dma_start3A_244] : memref<4x40x128xf32, #tpu.memory_space<vmem>> -> memref<1x40x128xf32, #tpu.memory_space<vmem>>
      %dma_start3A_246 = tpu.memref_squeeze %dma_start3A_245 : memref<1x40x128xf32, #tpu.memory_space<vmem>> -> memref<40x128xf32, #tpu.memory_space<vmem>>
      tpu.enqueue_dma source(%dma_start3A_246 : memref<40x128xf32, #tpu.memory_space<vmem>>) target(%dma_start3A_242 : memref<40x128xf32, #tpu.memory_space<vmem_shared>>) target_semaphore(%run_scoped3A_234 : memref<!tpu.dma_semaphore, #tpu.memory_space<semaphore_mem>>)
      %dma_wait3A_247 = arith.constant 0 : i32
      %dma_wait3A_248 = arith.constant 0 : i32
      %dma_wait3A_249 = tpu.memref_slice %arg8[%run_scoped3A_50, %dma_wait3A_247, %dma_wait3A_248] : memref<4x40x128xf32, #tpu.memory_space<vmem>> -> memref<1x40x128xf32, #tpu.memory_space<vmem>>
      %dma_wait3A_250 = tpu.memref_squeeze %dma_wait3A_249 : memref<1x40x128xf32, #tpu.memory_space<vmem>> -> memref<40x128xf32, #tpu.memory_space<vmem>>
      %dma_wait3A_251 = arith.constant 0 : i32
      %dma_wait3A_252 = tpu.memref_slice %arg9[%add3A_49, %dma_wait3A_251] : memref<10112x128xf32, #tpu.memory_space<vmem_shared>> -> memref<40x128xf32, #tpu.memory_space<vmem_shared>>
      %dma_wait3A_253 = arith.constant 0 : i32
      %dma_wait3A_254 = tpu.memref_slice %arg9[%add3A_49, %dma_wait3A_253] : memref<10112x128xf32, #tpu.memory_space<vmem_shared>> -> memref<40x128xf32, #tpu.memory_space<vmem_shared>>
      %dma_wait3A_255 = arith.constant 0 : i32
      %dma_wait3A_256 = arith.constant 0 : i32
      %dma_wait3A_257 = tpu.memref_slice %arg8[%run_scoped3A_50, %dma_wait3A_255, %dma_wait3A_256] : memref<4x40x128xf32, #tpu.memory_space<vmem>> -> memref<1x40x128xf32, #tpu.memory_space<vmem>>
      %dma_wait3A_258 = tpu.memref_squeeze %dma_wait3A_257 : memref<1x40x128xf32, #tpu.memory_space<vmem>> -> memref<40x128xf32, #tpu.memory_space<vmem>>
      tpu.wait_dma2 semaphore(%run_scoped3A_234 : memref<!tpu.dma_semaphore, #tpu.memory_space<semaphore_mem>>) src(%dma_wait3A_258 : memref<40x128xf32, #tpu.memory_space<vmem>>) dst(%dma_wait3A_254 : memref<40x128xf32, #tpu.memory_space<vmem_shared>>)
      tpu.yield
    }) : () -> ()
    %add3A_51 = arith.constant 600 : i32
    %add3A_52 = arith.addi %mul3A_6, %add3A_51 : i32
    %run_scoped3A_53 = arith.constant 0 : i32
    "tpu.region"() ({
      %run_scoped3A_234 = tpu.sem_alloc : memref<!tpu.dma_semaphore, #tpu.memory_space<semaphore_mem>>
      %dma_start3A_235 = arith.constant 0 : i32
      %dma_start3A_236 = arith.constant 0 : i32
      %dma_start3A_237 = tpu.memref_slice %arg8[%run_scoped3A_53, %dma_start3A_235, %dma_start3A_236] : memref<4x40x128xf32, #tpu.memory_space<vmem>> -> memref<1x32x128xf32, #tpu.memory_space<vmem>>
      %dma_start3A_238 = tpu.memref_squeeze %dma_start3A_237 : memref<1x32x128xf32, #tpu.memory_space<vmem>> -> memref<32x128xf32, #tpu.memory_space<vmem>>
      %dma_start3A_239 = arith.constant 0 : i32
      %dma_start3A_240 = tpu.memref_slice %arg9[%add3A_52, %dma_start3A_239] : memref<10112x128xf32, #tpu.memory_space<vmem_shared>> -> memref<32x128xf32, #tpu.memory_space<vmem_shared>>
      %dma_start3A_241 = arith.constant 0 : i32
      %dma_start3A_242 = tpu.memref_slice %arg9[%add3A_52, %dma_start3A_241] : memref<10112x128xf32, #tpu.memory_space<vmem_shared>> -> memref<32x128xf32, #tpu.memory_space<vmem_shared>>
      %dma_start3A_243 = arith.constant 0 : i32
      %dma_start3A_244 = arith.constant 0 : i32
      %dma_start3A_245 = tpu.memref_slice %arg8[%run_scoped3A_53, %dma_start3A_243, %dma_start3A_244] : memref<4x40x128xf32, #tpu.memory_space<vmem>> -> memref<1x32x128xf32, #tpu.memory_space<vmem>>
      %dma_start3A_246 = tpu.memref_squeeze %dma_start3A_245 : memref<1x32x128xf32, #tpu.memory_space<vmem>> -> memref<32x128xf32, #tpu.memory_space<vmem>>
      tpu.enqueue_dma source(%dma_start3A_246 : memref<32x128xf32, #tpu.memory_space<vmem>>) target(%dma_start3A_242 : memref<32x128xf32, #tpu.memory_space<vmem_shared>>) target_semaphore(%run_scoped3A_234 : memref<!tpu.dma_semaphore, #tpu.memory_space<semaphore_mem>>)
      %dma_wait3A_247 = arith.constant 0 : i32
      %dma_wait3A_248 = arith.constant 0 : i32
      %dma_wait3A_249 = tpu.memref_slice %arg8[%run_scoped3A_53, %dma_wait3A_247, %dma_wait3A_248] : memref<4x40x128xf32, #tpu.memory_space<vmem>> -> memref<1x32x128xf32, #tpu.memory_space<vmem>>
      %dma_wait3A_250 = tpu.memref_squeeze %dma_wait3A_249 : memref<1x32x128xf32, #tpu.memory_space<vmem>> -> memref<32x128xf32, #tpu.memory_space<vmem>>
      %dma_wait3A_251 = arith.constant 0 : i32
      %dma_wait3A_252 = tpu.memref_slice %arg9[%add3A_52, %dma_wait3A_251] : memref<10112x128xf32, #tpu.memory_space<vmem_shared>> -> memref<32x128xf32, #tpu.memory_space<vmem_shared>>
      %dma_wait3A_253 = arith.constant 0 : i32
      %dma_wait3A_254 = tpu.memref_slice %arg9[%add3A_52, %dma_wait3A_253] : memref<10112x128xf32, #tpu.memory_space<vmem_shared>> -> memref<32x128xf32, #tpu.memory_space<vmem_shared>>
      %dma_wait3A_255 = arith.constant 0 : i32
      %dma_wait3A_256 = arith.constant 0 : i32
      %dma_wait3A_257 = tpu.memref_slice %arg8[%run_scoped3A_53, %dma_wait3A_255, %dma_wait3A_256] : memref<4x40x128xf32, #tpu.memory_space<vmem>> -> memref<1x32x128xf32, #tpu.memory_space<vmem>>
      %dma_wait3A_258 = tpu.memref_squeeze %dma_wait3A_257 : memref<1x32x128xf32, #tpu.memory_space<vmem>> -> memref<32x128xf32, #tpu.memory_space<vmem>>
      tpu.wait_dma2 semaphore(%run_scoped3A_234 : memref<!tpu.dma_semaphore, #tpu.memory_space<semaphore_mem>>) src(%dma_wait3A_258 : memref<32x128xf32, #tpu.memory_space<vmem>>) dst(%dma_wait3A_254 : memref<32x128xf32, #tpu.memory_space<vmem_shared>>)
      tpu.yield
    }) : () -> ()
    %barrier3A = arith.constant 0 : index
    tpu.barrier barrier_id(%barrier3A)
    %dma_start3A = arith.constant 0 : i32
    %dma_start3A_54 = arith.constant 0 : i32
    %dma_start3A_55 = arith.constant 0 : i32
    %dma_start3A_56 = arith.constant 0 : i32
    %dma_start3A_57 = tpu.memref_slice %arg8[%dma_start3A_54, %dma_start3A_55, %dma_start3A_56] : memref<4x40x128xf32, #tpu.memory_space<vmem>> -> memref<1x40x128xf32, #tpu.memory_space<vmem>>
    %dma_start3A_58 = tpu.memref_squeeze %dma_start3A_57 : memref<1x40x128xf32, #tpu.memory_space<vmem>> -> memref<40x128xf32, #tpu.memory_space<vmem>>
    %dma_start3A_59 = arith.constant 0 : i32
    %dma_start3A_60 = tpu.memref_slice %arg6[%dma_start3A, %dma_start3A_59] : memref<256x40xi32, #tpu.memory_space<vmem>> -> memref<1x40xi32, #tpu.memory_space<vmem>>
    %dma_start3A_61 = tpu.memref_squeeze %dma_start3A_60 : memref<1x40xi32, #tpu.memory_space<vmem>> -> memref<40xi32, #tpu.memory_space<vmem>>
    %dma_start3A_62 = arith.constant 0 : i32
    %dma_start3A_63 = arith.constant 0 : i32
    %dma_start3A_64 = tpu.memref_slice %arg2[%arg0, %dma_start3A_62, %dma_start3A_63] : memref<2x10112x128xf32, #tpu.memory_space<hbm>> -> memref<1x10112x128xf32, #tpu.memory_space<hbm>>
    %dma_start3A_65 = tpu.memref_squeeze %dma_start3A_64 : memref<1x10112x128xf32, #tpu.memory_space<hbm>> -> memref<10112x128xf32, #tpu.memory_space<hbm>>
    %dma_start3A_66 = arith.constant 0 : i32
    %dma_start3A_67 = arith.constant 0 : i32
    %dma_start3A_68 = tpu.memref_slice %dma_start3A_65[%dma_start3A_66, %dma_start3A_67] : memref<10112x128xf32, #tpu.memory_space<hbm>> -> memref<10112x128xf32, #tpu.memory_space<hbm>>
    tpu.enqueue_indirect_dma source(%dma_start3A_68 : memref<10112x128xf32, #tpu.memory_space<hbm>>) target(%dma_start3A_58 : memref<40x128xf32, #tpu.memory_space<vmem>>) offsets(%dma_start3A_61 : memref<40xi32, #tpu.memory_space<vmem>>) semaphore(%arg10 : memref<!tpu.dma_semaphore, #tpu.memory_space<semaphore_mem>>)
    %dma_start3A_69 = arith.constant 1 : i32
    %dma_start3A_70 = arith.constant 1 : i32
    %dma_start3A_71 = arith.constant 0 : i32
    %dma_start3A_72 = arith.constant 0 : i32
    %dma_start3A_73 = tpu.memref_slice %arg8[%dma_start3A_70, %dma_start3A_71, %dma_start3A_72] : memref<4x40x128xf32, #tpu.memory_space<vmem>> -> memref<1x40x128xf32, #tpu.memory_space<vmem>>
    %dma_start3A_74 = tpu.memref_squeeze %dma_start3A_73 : memref<1x40x128xf32, #tpu.memory_space<vmem>> -> memref<40x128xf32, #tpu.memory_space<vmem>>
    %dma_start3A_75 = arith.constant 0 : i32
    %dma_start3A_76 = tpu.memref_slice %arg6[%dma_start3A_69, %dma_start3A_75] : memref<256x40xi32, #tpu.memory_space<vmem>> -> memref<1x40xi32, #tpu.memory_space<vmem>>
    %dma_start3A_77 = tpu.memref_squeeze %dma_start3A_76 : memref<1x40xi32, #tpu.memory_space<vmem>> -> memref<40xi32, #tpu.memory_space<vmem>>
    %dma_start3A_78 = arith.constant 0 : i32
    %dma_start3A_79 = arith.constant 0 : i32
    %dma_start3A_80 = tpu.memref_slice %arg2[%arg0, %dma_start3A_78, %dma_start3A_79] : memref<2x10112x128xf32, #tpu.memory_space<hbm>> -> memref<1x10112x128xf32, #tpu.memory_space<hbm>>
    %dma_start3A_81 = tpu.memref_squeeze %dma_start3A_80 : memref<1x10112x128xf32, #tpu.memory_space<hbm>> -> memref<10112x128xf32, #tpu.memory_space<hbm>>
    %dma_start3A_82 = arith.constant 0 : i32
    %dma_start3A_83 = arith.constant 0 : i32
    %dma_start3A_84 = tpu.memref_slice %dma_start3A_81[%dma_start3A_82, %dma_start3A_83] : memref<10112x128xf32, #tpu.memory_space<hbm>> -> memref<10112x128xf32, #tpu.memory_space<hbm>>
    tpu.enqueue_indirect_dma source(%dma_start3A_84 : memref<10112x128xf32, #tpu.memory_space<hbm>>) target(%dma_start3A_74 : memref<40x128xf32, #tpu.memory_space<vmem>>) offsets(%dma_start3A_77 : memref<40xi32, #tpu.memory_space<vmem>>) semaphore(%arg11 : memref<!tpu.dma_semaphore, #tpu.memory_space<semaphore_mem>>)
    %scan3A_85 = arith.constant 0 : i32
    %scan3A_86 = arith.constant 64 : i32
    %scan3A_87 = arith.addi %scan3A_85, %scan3A_86 : i32
    %scan3A_88 = arith.constant 1 : i32
    scf.for %scan3A_234 = %scan3A_85 to %scan3A_87 step %scan3A_88  : i32 {
      %mul3A_235 = arith.constant 4 : i32
      %mul3A_236 = arith.muli %mul3A_235, %scan3A_234 : i32
      %add3A_237 = arith.constant 0 : i32
      %add3A_238 = arith.addi %mul3A_236, %add3A_237 : i32
      %ge3A = arith.constant 2 : i32
      %ge3A_239 = arith.cmpi sge, %add3A_238, %ge3A : i32
      %add3A_240 = arith.constant 2 : i32
      %add3A_241 = arith.addi %add3A_238, %add3A_240 : i32
      %lt3A = arith.constant 256 : i32
      %lt3A_242 = arith.cmpi slt, %add3A_241, %lt3A : i32
      %and3A = arith.andi %ge3A_239, %lt3A_242 : i1
      %convert_element_type3A = arith.extui %and3A : i1 to i32
      %cond3A = arith.constant 0 : i32
      %cond3A_243 = arith.cmpi ne, %convert_element_type3A, %cond3A : i32
      scf.if %cond3A_243 {
        %sub3A = arith.constant 2 : i32
        %sub3A_424 = arith.subi %add3A_238, %sub3A : i32
        %dma_wait3A_425 = arith.constant 2 : i32
        %dma_wait3A_426 = arith.constant 0 : i32
        %dma_wait3A_427 = arith.constant 0 : i32
        %dma_wait3A_428 = tpu.memref_slice %arg8[%dma_wait3A_425, %dma_wait3A_426, %dma_wait3A_427] : memref<4x40x128xf32, #tpu.memory_space<vmem>> -> memref<1x40x128xf32, #tpu.memory_space<vmem>>
        %dma_wait3A_429 = tpu.memref_squeeze %dma_wait3A_428 : memref<1x40x128xf32, #tpu.memory_space<vmem>> -> memref<40x128xf32, #tpu.memory_space<vmem>>
        %dma_wait3A_430 = arith.constant 0 : i32
        %dma_wait3A_431 = tpu.memref_slice %arg7[%sub3A_424, %dma_wait3A_430] : memref<256x40xi32, #tpu.memory_space<vmem>> -> memref<1x40xi32, #tpu.memory_space<vmem>>
        %dma_wait3A_432 = tpu.memref_squeeze %dma_wait3A_431 : memref<1x40xi32, #tpu.memory_space<vmem>> -> memref<40xi32, #tpu.memory_space<vmem>>
        %dma_wait3A_433 = arith.constant 0 : i32
        %dma_wait3A_434 = arith.constant 0 : i32
        %dma_wait3A_435 = tpu.memref_slice %arg9[%dma_wait3A_433, %dma_wait3A_434] : memref<10112x128xf32, #tpu.memory_space<vmem_shared>> -> memref<10112x128xf32, #tpu.memory_space<vmem_shared>>
        tpu.wait_indirect_dma semaphore(%arg16 : memref<!tpu.dma_semaphore, #tpu.memory_space<semaphore_mem>>) src(%dma_wait3A_429 : memref<40x128xf32, #tpu.memory_space<vmem>>) dst(%dma_wait3A_435 : memref<10112x128xf32, #tpu.memory_space<vmem_shared>>)
        %add3A_436 = arith.constant 2 : i32
        %add3A_437 = arith.addi %add3A_238, %add3A_436 : i32
        %dma_start3A_438 = arith.constant 2 : i32
        %dma_start3A_439 = arith.constant 0 : i32
        %dma_start3A_440 = arith.constant 0 : i32
        %dma_start3A_441 = tpu.memref_slice %arg8[%dma_start3A_438, %dma_start3A_439, %dma_start3A_440] : memref<4x40x128xf32, #tpu.memory_space<vmem>> -> memref<1x40x128xf32, #tpu.memory_space<vmem>>
        %dma_start3A_442 = tpu.memref_squeeze %dma_start3A_441 : memref<1x40x128xf32, #tpu.memory_space<vmem>> -> memref<40x128xf32, #tpu.memory_space<vmem>>
        %dma_start3A_443 = arith.constant 0 : i32
        %dma_start3A_444 = tpu.memref_slice %arg6[%add3A_437, %dma_start3A_443] : memref<256x40xi32, #tpu.memory_space<vmem>> -> memref<1x40xi32, #tpu.memory_space<vmem>>
        %dma_start3A_445 = tpu.memref_squeeze %dma_start3A_444 : memref<1x40xi32, #tpu.memory_space<vmem>> -> memref<40xi32, #tpu.memory_space<vmem>>
        %dma_start3A_446 = arith.constant 0 : i32
        %dma_start3A_447 = arith.constant 0 : i32
        %dma_start3A_448 = tpu.memref_slice %arg2[%arg0, %dma_start3A_446, %dma_start3A_447] : memref<2x10112x128xf32, #tpu.memory_space<hbm>> -> memref<1x10112x128xf32, #tpu.memory_space<hbm>>
        %dma_start3A_449 = tpu.memref_squeeze %dma_start3A_448 : memref<1x10112x128xf32, #tpu.memory_space<hbm>> -> memref<10112x128xf32, #tpu.memory_space<hbm>>
        %dma_start3A_450 = arith.constant 0 : i32
        %dma_start3A_451 = arith.constant 0 : i32
        %dma_start3A_452 = tpu.memref_slice %dma_start3A_449[%dma_start3A_450, %dma_start3A_451] : memref<10112x128xf32, #tpu.memory_space<hbm>> -> memref<10112x128xf32, #tpu.memory_space<hbm>>
        tpu.enqueue_indirect_dma source(%dma_start3A_452 : memref<10112x128xf32, #tpu.memory_space<hbm>>) target(%dma_start3A_442 : memref<40x128xf32, #tpu.memory_space<vmem>>) offsets(%dma_start3A_445 : memref<40xi32, #tpu.memory_space<vmem>>) semaphore(%arg12 : memref<!tpu.dma_semaphore, #tpu.memory_space<semaphore_mem>>)
      } else {
      }
      %lt3A_244 = arith.constant 2 : i32
      %lt3A_245 = arith.cmpi slt, %add3A_238, %lt3A_244 : i32
      %add3A_246 = arith.constant 2 : i32
      %add3A_247 = arith.addi %add3A_238, %add3A_246 : i32
      %lt3A_248 = arith.constant 256 : i32
      %lt3A_249 = arith.cmpi slt, %add3A_247, %lt3A_248 : i32
      %and3A_250 = arith.andi %lt3A_245, %lt3A_249 : i1
      %convert_element_type3A_251 = arith.extui %and3A_250 : i1 to i32
      %cond3A_252 = arith.constant 0 : i32
      %cond3A_253 = arith.cmpi ne, %convert_element_type3A_251, %cond3A_252 : i32
      scf.if %cond3A_253 {
        %add3A_424 = arith.constant 2 : i32
        %add3A_425 = arith.addi %add3A_238, %add3A_424 : i32
        %dma_start3A_426 = arith.constant 2 : i32
        %dma_start3A_427 = arith.constant 0 : i32
        %dma_start3A_428 = arith.constant 0 : i32
        %dma_start3A_429 = tpu.memref_slice %arg8[%dma_start3A_426, %dma_start3A_427, %dma_start3A_428] : memref<4x40x128xf32, #tpu.memory_space<vmem>> -> memref<1x40x128xf32, #tpu.memory_space<vmem>>
        %dma_start3A_430 = tpu.memref_squeeze %dma_start3A_429 : memref<1x40x128xf32, #tpu.memory_space<vmem>> -> memref<40x128xf32, #tpu.memory_space<vmem>>
        %dma_start3A_431 = arith.constant 0 : i32
        %dma_start3A_432 = tpu.memref_slice %arg6[%add3A_425, %dma_start3A_431] : memref<256x40xi32, #tpu.memory_space<vmem>> -> memref<1x40xi32, #tpu.memory_space<vmem>>
        %dma_start3A_433 = tpu.memref_squeeze %dma_start3A_432 : memref<1x40xi32, #tpu.memory_space<vmem>> -> memref<40xi32, #tpu.memory_space<vmem>>
        %dma_start3A_434 = arith.constant 0 : i32
        %dma_start3A_435 = arith.constant 0 : i32
        %dma_start3A_436 = tpu.memref_slice %arg2[%arg0, %dma_start3A_434, %dma_start3A_435] : memref<2x10112x128xf32, #tpu.memory_space<hbm>> -> memref<1x10112x128xf32, #tpu.memory_space<hbm>>
        %dma_start3A_437 = tpu.memref_squeeze %dma_start3A_436 : memref<1x10112x128xf32, #tpu.memory_space<hbm>> -> memref<10112x128xf32, #tpu.memory_space<hbm>>
        %dma_start3A_438 = arith.constant 0 : i32
        %dma_start3A_439 = arith.constant 0 : i32
        %dma_start3A_440 = tpu.memref_slice %dma_start3A_437[%dma_start3A_438, %dma_start3A_439] : memref<10112x128xf32, #tpu.memory_space<hbm>> -> memref<10112x128xf32, #tpu.memory_space<hbm>>
        tpu.enqueue_indirect_dma source(%dma_start3A_440 : memref<10112x128xf32, #tpu.memory_space<hbm>>) target(%dma_start3A_430 : memref<40x128xf32, #tpu.memory_space<vmem>>) offsets(%dma_start3A_433 : memref<40xi32, #tpu.memory_space<vmem>>) semaphore(%arg12 : memref<!tpu.dma_semaphore, #tpu.memory_space<semaphore_mem>>)
      } else {
      }
      %dma_wait3A_254 = arith.constant 0 : i32
      %dma_wait3A_255 = arith.constant 0 : i32
      %dma_wait3A_256 = arith.constant 0 : i32
      %dma_wait3A_257 = tpu.memref_slice %arg8[%dma_wait3A_254, %dma_wait3A_255, %dma_wait3A_256] : memref<4x40x128xf32, #tpu.memory_space<vmem>> -> memref<1x40x128xf32, #tpu.memory_space<vmem>>
      %dma_wait3A_258 = tpu.memref_squeeze %dma_wait3A_257 : memref<1x40x128xf32, #tpu.memory_space<vmem>> -> memref<40x128xf32, #tpu.memory_space<vmem>>
      %dma_wait3A_259 = arith.constant 0 : i32
      %dma_wait3A_260 = tpu.memref_slice %arg6[%add3A_238, %dma_wait3A_259] : memref<256x40xi32, #tpu.memory_space<vmem>> -> memref<1x40xi32, #tpu.memory_space<vmem>>
      %dma_wait3A_261 = tpu.memref_squeeze %dma_wait3A_260 : memref<1x40xi32, #tpu.memory_space<vmem>> -> memref<40xi32, #tpu.memory_space<vmem>>
      %dma_wait3A_262 = arith.constant 0 : i32
      %dma_wait3A_263 = arith.constant 0 : i32
      %dma_wait3A_264 = tpu.memref_slice %arg2[%arg0, %dma_wait3A_262, %dma_wait3A_263] : memref<2x10112x128xf32, #tpu.memory_space<hbm>> -> memref<1x10112x128xf32, #tpu.memory_space<hbm>>
      %dma_wait3A_265 = tpu.memref_squeeze %dma_wait3A_264 : memref<1x10112x128xf32, #tpu.memory_space<hbm>> -> memref<10112x128xf32, #tpu.memory_space<hbm>>
      %dma_wait3A_266 = arith.constant 0 : i32
      %dma_wait3A_267 = arith.constant 0 : i32
      %dma_wait3A_268 = tpu.memref_slice %dma_wait3A_265[%dma_wait3A_266, %dma_wait3A_267] : memref<10112x128xf32, #tpu.memory_space<hbm>> -> memref<10112x128xf32, #tpu.memory_space<hbm>>
      tpu.wait_indirect_dma semaphore(%arg10 : memref<!tpu.dma_semaphore, #tpu.memory_space<semaphore_mem>>) src(%dma_wait3A_268 : memref<10112x128xf32, #tpu.memory_space<hbm>>) dst(%dma_wait3A_258 : memref<40x128xf32, #tpu.memory_space<vmem>>)
      %dma_start3A_269 = arith.constant 0 : i32
      %dma_start3A_270 = arith.constant 0 : i32
      %dma_start3A_271 = arith.constant 0 : i32
      %dma_start3A_272 = tpu.memref_slice %arg8[%dma_start3A_269, %dma_start3A_270, %dma_start3A_271] : memref<4x40x128xf32, #tpu.memory_space<vmem>> -> memref<1x40x128xf32, #tpu.memory_space<vmem>>
      %dma_start3A_273 = tpu.memref_squeeze %dma_start3A_272 : memref<1x40x128xf32, #tpu.memory_space<vmem>> -> memref<40x128xf32, #tpu.memory_space<vmem>>
      %dma_start3A_274 = arith.constant 0 : i32
      %dma_start3A_275 = tpu.memref_slice %arg7[%add3A_238, %dma_start3A_274] : memref<256x40xi32, #tpu.memory_space<vmem>> -> memref<1x40xi32, #tpu.memory_space<vmem>>
      %dma_start3A_276 = tpu.memref_squeeze %dma_start3A_275 : memref<1x40xi32, #tpu.memory_space<vmem>> -> memref<40xi32, #tpu.memory_space<vmem>>
      %dma_start3A_277 = arith.constant 0 : i32
      %dma_start3A_278 = arith.constant 0 : i32
      %dma_start3A_279 = tpu.memref_slice %arg9[%dma_start3A_277, %dma_start3A_278] : memref<10112x128xf32, #tpu.memory_space<vmem_shared>> -> memref<10112x128xf32, #tpu.memory_space<vmem_shared>>
      tpu.enqueue_indirect_dma source(%dma_start3A_273 : memref<40x128xf32, #tpu.memory_space<vmem>>) target(%dma_start3A_279 : memref<10112x128xf32, #tpu.memory_space<vmem_shared>>) offsets(%dma_start3A_276 : memref<40xi32, #tpu.memory_space<vmem>>) semaphore(%arg14 : memref<!tpu.dma_semaphore, #tpu.memory_space<semaphore_mem>>) {add = true}
      %add3A_280 = arith.constant 1 : i32
      %add3A_281 = arith.addi %mul3A_236, %add3A_280 : i32
      %ge3A_282 = arith.constant 2 : i32
      %ge3A_283 = arith.cmpi sge, %add3A_281, %ge3A_282 : i32
      %add3A_284 = arith.constant 2 : i32
      %add3A_285 = arith.addi %add3A_281, %add3A_284 : i32
      %lt3A_286 = arith.constant 256 : i32
      %lt3A_287 = arith.cmpi slt, %add3A_285, %lt3A_286 : i32
      %and3A_288 = arith.andi %ge3A_283, %lt3A_287 : i1
      %convert_element_type3A_289 = arith.extui %and3A_288 : i1 to i32
      %cond3A_290 = arith.constant 0 : i32
      %cond3A_291 = arith.cmpi ne, %convert_element_type3A_289, %cond3A_290 : i32
      scf.if %cond3A_291 {
        %sub3A = arith.constant 2 : i32
        %sub3A_424 = arith.subi %add3A_281, %sub3A : i32
        %dma_wait3A_425 = arith.constant 3 : i32
        %dma_wait3A_426 = arith.constant 0 : i32
        %dma_wait3A_427 = arith.constant 0 : i32
        %dma_wait3A_428 = tpu.memref_slice %arg8[%dma_wait3A_425, %dma_wait3A_426, %dma_wait3A_427] : memref<4x40x128xf32, #tpu.memory_space<vmem>> -> memref<1x40x128xf32, #tpu.memory_space<vmem>>
        %dma_wait3A_429 = tpu.memref_squeeze %dma_wait3A_428 : memref<1x40x128xf32, #tpu.memory_space<vmem>> -> memref<40x128xf32, #tpu.memory_space<vmem>>
        %dma_wait3A_430 = arith.constant 0 : i32
        %dma_wait3A_431 = tpu.memref_slice %arg7[%sub3A_424, %dma_wait3A_430] : memref<256x40xi32, #tpu.memory_space<vmem>> -> memref<1x40xi32, #tpu.memory_space<vmem>>
        %dma_wait3A_432 = tpu.memref_squeeze %dma_wait3A_431 : memref<1x40xi32, #tpu.memory_space<vmem>> -> memref<40xi32, #tpu.memory_space<vmem>>
        %dma_wait3A_433 = arith.constant 0 : i32
        %dma_wait3A_434 = arith.constant 0 : i32
        %dma_wait3A_435 = tpu.memref_slice %arg9[%dma_wait3A_433, %dma_wait3A_434] : memref<10112x128xf32, #tpu.memory_space<vmem_shared>> -> memref<10112x128xf32, #tpu.memory_space<vmem_shared>>
        tpu.wait_indirect_dma semaphore(%arg17 : memref<!tpu.dma_semaphore, #tpu.memory_space<semaphore_mem>>) src(%dma_wait3A_429 : memref<40x128xf32, #tpu.memory_space<vmem>>) dst(%dma_wait3A_435 : memref<10112x128xf32, #tpu.memory_space<vmem_shared>>)
        %add3A_436 = arith.constant 2 : i32
        %add3A_437 = arith.addi %add3A_281, %add3A_436 : i32
        %dma_start3A_438 = arith.constant 3 : i32
        %dma_start3A_439 = arith.constant 0 : i32
        %dma_start3A_440 = arith.constant 0 : i32
        %dma_start3A_441 = tpu.memref_slice %arg8[%dma_start3A_438, %dma_start3A_439, %dma_start3A_440] : memref<4x40x128xf32, #tpu.memory_space<vmem>> -> memref<1x40x128xf32, #tpu.memory_space<vmem>>
        %dma_start3A_442 = tpu.memref_squeeze %dma_start3A_441 : memref<1x40x128xf32, #tpu.memory_space<vmem>> -> memref<40x128xf32, #tpu.memory_space<vmem>>
        %dma_start3A_443 = arith.constant 0 : i32
        %dma_start3A_444 = tpu.memref_slice %arg6[%add3A_437, %dma_start3A_443] : memref<256x40xi32, #tpu.memory_space<vmem>> -> memref<1x40xi32, #tpu.memory_space<vmem>>
        %dma_start3A_445 = tpu.memref_squeeze %dma_start3A_444 : memref<1x40xi32, #tpu.memory_space<vmem>> -> memref<40xi32, #tpu.memory_space<vmem>>
        %dma_start3A_446 = arith.constant 0 : i32
        %dma_start3A_447 = arith.constant 0 : i32
        %dma_start3A_448 = tpu.memref_slice %arg2[%arg0, %dma_start3A_446, %dma_start3A_447] : memref<2x10112x128xf32, #tpu.memory_space<hbm>> -> memref<1x10112x128xf32, #tpu.memory_space<hbm>>
        %dma_start3A_449 = tpu.memref_squeeze %dma_start3A_448 : memref<1x10112x128xf32, #tpu.memory_space<hbm>> -> memref<10112x128xf32, #tpu.memory_space<hbm>>
        %dma_start3A_450 = arith.constant 0 : i32
        %dma_start3A_451 = arith.constant 0 : i32
        %dma_start3A_452 = tpu.memref_slice %dma_start3A_449[%dma_start3A_450, %dma_start3A_451] : memref<10112x128xf32, #tpu.memory_space<hbm>> -> memref<10112x128xf32, #tpu.memory_space<hbm>>
        tpu.enqueue_indirect_dma source(%dma_start3A_452 : memref<10112x128xf32, #tpu.memory_space<hbm>>) target(%dma_start3A_442 : memref<40x128xf32, #tpu.memory_space<vmem>>) offsets(%dma_start3A_445 : memref<40xi32, #tpu.memory_space<vmem>>) semaphore(%arg13 : memref<!tpu.dma_semaphore, #tpu.memory_space<semaphore_mem>>)
      } else {
      }
      %lt3A_292 = arith.constant 2 : i32
      %lt3A_293 = arith.cmpi slt, %add3A_281, %lt3A_292 : i32
      %add3A_294 = arith.constant 2 : i32
      %add3A_295 = arith.addi %add3A_281, %add3A_294 : i32
      %lt3A_296 = arith.constant 256 : i32
      %lt3A_297 = arith.cmpi slt, %add3A_295, %lt3A_296 : i32
      %and3A_298 = arith.andi %lt3A_293, %lt3A_297 : i1
      %convert_element_type3A_299 = arith.extui %and3A_298 : i1 to i32
      %cond3A_300 = arith.constant 0 : i32
      %cond3A_301 = arith.cmpi ne, %convert_element_type3A_299, %cond3A_300 : i32
      scf.if %cond3A_301 {
        %add3A_424 = arith.constant 2 : i32
        %add3A_425 = arith.addi %add3A_281, %add3A_424 : i32
        %dma_start3A_426 = arith.constant 3 : i32
        %dma_start3A_427 = arith.constant 0 : i32
        %dma_start3A_428 = arith.constant 0 : i32
        %dma_start3A_429 = tpu.memref_slice %arg8[%dma_start3A_426, %dma_start3A_427, %dma_start3A_428] : memref<4x40x128xf32, #tpu.memory_space<vmem>> -> memref<1x40x128xf32, #tpu.memory_space<vmem>>
        %dma_start3A_430 = tpu.memref_squeeze %dma_start3A_429 : memref<1x40x128xf32, #tpu.memory_space<vmem>> -> memref<40x128xf32, #tpu.memory_space<vmem>>
        %dma_start3A_431 = arith.constant 0 : i32
        %dma_start3A_432 = tpu.memref_slice %arg6[%add3A_425, %dma_start3A_431] : memref<256x40xi32, #tpu.memory_space<vmem>> -> memref<1x40xi32, #tpu.memory_space<vmem>>
        %dma_start3A_433 = tpu.memref_squeeze %dma_start3A_432 : memref<1x40xi32, #tpu.memory_space<vmem>> -> memref<40xi32, #tpu.memory_space<vmem>>
        %dma_start3A_434 = arith.constant 0 : i32
        %dma_start3A_435 = arith.constant 0 : i32
        %dma_start3A_436 = tpu.memref_slice %arg2[%arg0, %dma_start3A_434, %dma_start3A_435] : memref<2x10112x128xf32, #tpu.memory_space<hbm>> -> memref<1x10112x128xf32, #tpu.memory_space<hbm>>
        %dma_start3A_437 = tpu.memref_squeeze %dma_start3A_436 : memref<1x10112x128xf32, #tpu.memory_space<hbm>> -> memref<10112x128xf32, #tpu.memory_space<hbm>>
        %dma_start3A_438 = arith.constant 0 : i32
        %dma_start3A_439 = arith.constant 0 : i32
        %dma_start3A_440 = tpu.memref_slice %dma_start3A_437[%dma_start3A_438, %dma_start3A_439] : memref<10112x128xf32, #tpu.memory_space<hbm>> -> memref<10112x128xf32, #tpu.memory_space<hbm>>
        tpu.enqueue_indirect_dma source(%dma_start3A_440 : memref<10112x128xf32, #tpu.memory_space<hbm>>) target(%dma_start3A_430 : memref<40x128xf32, #tpu.memory_space<vmem>>) offsets(%dma_start3A_433 : memref<40xi32, #tpu.memory_space<vmem>>) semaphore(%arg13 : memref<!tpu.dma_semaphore, #tpu.memory_space<semaphore_mem>>)
      } else {
      }
      %dma_wait3A_302 = arith.constant 1 : i32
      %dma_wait3A_303 = arith.constant 0 : i32
      %dma_wait3A_304 = arith.constant 0 : i32
      %dma_wait3A_305 = tpu.memref_slice %arg8[%dma_wait3A_302, %dma_wait3A_303, %dma_wait3A_304] : memref<4x40x128xf32, #tpu.memory_space<vmem>> -> memref<1x40x128xf32, #tpu.memory_space<vmem>>
      %dma_wait3A_306 = tpu.memref_squeeze %dma_wait3A_305 : memref<1x40x128xf32, #tpu.memory_space<vmem>> -> memref<40x128xf32, #tpu.memory_space<vmem>>
      %dma_wait3A_307 = arith.constant 0 : i32
      %dma_wait3A_308 = tpu.memref_slice %arg6[%add3A_281, %dma_wait3A_307] : memref<256x40xi32, #tpu.memory_space<vmem>> -> memref<1x40xi32, #tpu.memory_space<vmem>>
      %dma_wait3A_309 = tpu.memref_squeeze %dma_wait3A_308 : memref<1x40xi32, #tpu.memory_space<vmem>> -> memref<40xi32, #tpu.memory_space<vmem>>
      %dma_wait3A_310 = arith.constant 0 : i32
      %dma_wait3A_311 = arith.constant 0 : i32
      %dma_wait3A_312 = tpu.memref_slice %arg2[%arg0, %dma_wait3A_310, %dma_wait3A_311] : memref<2x10112x128xf32, #tpu.memory_space<hbm>> -> memref<1x10112x128xf32, #tpu.memory_space<hbm>>
      %dma_wait3A_313 = tpu.memref_squeeze %dma_wait3A_312 : memref<1x10112x128xf32, #tpu.memory_space<hbm>> -> memref<10112x128xf32, #tpu.memory_space<hbm>>
      %dma_wait3A_314 = arith.constant 0 : i32
      %dma_wait3A_315 = arith.constant 0 : i32
      %dma_wait3A_316 = tpu.memref_slice %dma_wait3A_313[%dma_wait3A_314, %dma_wait3A_315] : memref<10112x128xf32, #tpu.memory_space<hbm>> -> memref<10112x128xf32, #tpu.memory_space<hbm>>
      tpu.wait_indirect_dma semaphore(%arg11 : memref<!tpu.dma_semaphore, #tpu.memory_space<semaphore_mem>>) src(%dma_wait3A_316 : memref<10112x128xf32, #tpu.memory_space<hbm>>) dst(%dma_wait3A_306 : memref<40x128xf32, #tpu.memory_space<vmem>>)
      %dma_start3A_317 = arith.constant 1 : i32
      %dma_start3A_318 = arith.constant 0 : i32
      %dma_start3A_319 = arith.constant 0 : i32
      %dma_start3A_320 = tpu.memref_slice %arg8[%dma_start3A_317, %dma_start3A_318, %dma_start3A_319] : memref<4x40x128xf32, #tpu.memory_space<vmem>> -> memref<1x40x128xf32, #tpu.memory_space<vmem>>
      %dma_start3A_321 = tpu.memref_squeeze %dma_start3A_320 : memref<1x40x128xf32, #tpu.memory_space<vmem>> -> memref<40x128xf32, #tpu.memory_space<vmem>>
      %dma_start3A_322 = arith.constant 0 : i32
      %dma_start3A_323 = tpu.memref_slice %arg7[%add3A_281, %dma_start3A_322] : memref<256x40xi32, #tpu.memory_space<vmem>> -> memref<1x40xi32, #tpu.memory_space<vmem>>
      %dma_start3A_324 = tpu.memref_squeeze %dma_start3A_323 : memref<1x40xi32, #tpu.memory_space<vmem>> -> memref<40xi32, #tpu.memory_space<vmem>>
      %dma_start3A_325 = arith.constant 0 : i32
      %dma_start3A_326 = arith.constant 0 : i32
      %dma_start3A_327 = tpu.memref_slice %arg9[%dma_start3A_325, %dma_start3A_326] : memref<10112x128xf32, #tpu.memory_space<vmem_shared>> -> memref<10112x128xf32, #tpu.memory_space<vmem_shared>>
      tpu.enqueue_indirect_dma source(%dma_start3A_321 : memref<40x128xf32, #tpu.memory_space<vmem>>) target(%dma_start3A_327 : memref<10112x128xf32, #tpu.memory_space<vmem_shared>>) offsets(%dma_start3A_324 : memref<40xi32, #tpu.memory_space<vmem>>) semaphore(%arg15 : memref<!tpu.dma_semaphore, #tpu.memory_space<semaphore_mem>>) {add = true}
      %add3A_328 = arith.constant 2 : i32
      %add3A_329 = arith.addi %mul3A_236, %add3A_328 : i32
      %ge3A_330 = arith.constant 2 : i32
      %ge3A_331 = arith.cmpi sge, %add3A_329, %ge3A_330 : i32
      %add3A_332 = arith.constant 2 : i32
      %add3A_333 = arith.addi %add3A_329, %add3A_332 : i32
      %lt3A_334 = arith.constant 256 : i32
      %lt3A_335 = arith.cmpi slt, %add3A_333, %lt3A_334 : i32
      %and3A_336 = arith.andi %ge3A_331, %lt3A_335 : i1
      %convert_element_type3A_337 = arith.extui %and3A_336 : i1 to i32
      %cond3A_338 = arith.constant 0 : i32
      %cond3A_339 = arith.cmpi ne, %convert_element_type3A_337, %cond3A_338 : i32
      scf.if %cond3A_339 {
        %sub3A = arith.constant 2 : i32
        %sub3A_424 = arith.subi %add3A_329, %sub3A : i32
        %dma_wait3A_425 = arith.constant 0 : i32
        %dma_wait3A_426 = arith.constant 0 : i32
        %dma_wait3A_427 = arith.constant 0 : i32
        %dma_wait3A_428 = tpu.memref_slice %arg8[%dma_wait3A_425, %dma_wait3A_426, %dma_wait3A_427] : memref<4x40x128xf32, #tpu.memory_space<vmem>> -> memref<1x40x128xf32, #tpu.memory_space<vmem>>
        %dma_wait3A_429 = tpu.memref_squeeze %dma_wait3A_428 : memref<1x40x128xf32, #tpu.memory_space<vmem>> -> memref<40x128xf32, #tpu.memory_space<vmem>>
        %dma_wait3A_430 = arith.constant 0 : i32
        %dma_wait3A_431 = tpu.memref_slice %arg7[%sub3A_424, %dma_wait3A_430] : memref<256x40xi32, #tpu.memory_space<vmem>> -> memref<1x40xi32, #tpu.memory_space<vmem>>
        %dma_wait3A_432 = tpu.memref_squeeze %dma_wait3A_431 : memref<1x40xi32, #tpu.memory_space<vmem>> -> memref<40xi32, #tpu.memory_space<vmem>>
        %dma_wait3A_433 = arith.constant 0 : i32
        %dma_wait3A_434 = arith.constant 0 : i32
        %dma_wait3A_435 = tpu.memref_slice %arg9[%dma_wait3A_433, %dma_wait3A_434] : memref<10112x128xf32, #tpu.memory_space<vmem_shared>> -> memref<10112x128xf32, #tpu.memory_space<vmem_shared>>
        tpu.wait_indirect_dma semaphore(%arg14 : memref<!tpu.dma_semaphore, #tpu.memory_space<semaphore_mem>>) src(%dma_wait3A_429 : memref<40x128xf32, #tpu.memory_space<vmem>>) dst(%dma_wait3A_435 : memref<10112x128xf32, #tpu.memory_space<vmem_shared>>)
        %add3A_436 = arith.constant 2 : i32
        %add3A_437 = arith.addi %add3A_329, %add3A_436 : i32
        %dma_start3A_438 = arith.constant 0 : i32
        %dma_start3A_439 = arith.constant 0 : i32
        %dma_start3A_440 = arith.constant 0 : i32
        %dma_start3A_441 = tpu.memref_slice %arg8[%dma_start3A_438, %dma_start3A_439, %dma_start3A_440] : memref<4x40x128xf32, #tpu.memory_space<vmem>> -> memref<1x40x128xf32, #tpu.memory_space<vmem>>
        %dma_start3A_442 = tpu.memref_squeeze %dma_start3A_441 : memref<1x40x128xf32, #tpu.memory_space<vmem>> -> memref<40x128xf32, #tpu.memory_space<vmem>>
        %dma_start3A_443 = arith.constant 0 : i32
        %dma_start3A_444 = tpu.memref_slice %arg6[%add3A_437, %dma_start3A_443] : memref<256x40xi32, #tpu.memory_space<vmem>> -> memref<1x40xi32, #tpu.memory_space<vmem>>
        %dma_start3A_445 = tpu.memref_squeeze %dma_start3A_444 : memref<1x40xi32, #tpu.memory_space<vmem>> -> memref<40xi32, #tpu.memory_space<vmem>>
        %dma_start3A_446 = arith.constant 0 : i32
        %dma_start3A_447 = arith.constant 0 : i32
        %dma_start3A_448 = tpu.memref_slice %arg2[%arg0, %dma_start3A_446, %dma_start3A_447] : memref<2x10112x128xf32, #tpu.memory_space<hbm>> -> memref<1x10112x128xf32, #tpu.memory_space<hbm>>
        %dma_start3A_449 = tpu.memref_squeeze %dma_start3A_448 : memref<1x10112x128xf32, #tpu.memory_space<hbm>> -> memref<10112x128xf32, #tpu.memory_space<hbm>>
        %dma_start3A_450 = arith.constant 0 : i32
        %dma_start3A_451 = arith.constant 0 : i32
        %dma_start3A_452 = tpu.memref_slice %dma_start3A_449[%dma_start3A_450, %dma_start3A_451] : memref<10112x128xf32, #tpu.memory_space<hbm>> -> memref<10112x128xf32, #tpu.memory_space<hbm>>
        tpu.enqueue_indirect_dma source(%dma_start3A_452 : memref<10112x128xf32, #tpu.memory_space<hbm>>) target(%dma_start3A_442 : memref<40x128xf32, #tpu.memory_space<vmem>>) offsets(%dma_start3A_445 : memref<40xi32, #tpu.memory_space<vmem>>) semaphore(%arg10 : memref<!tpu.dma_semaphore, #tpu.memory_space<semaphore_mem>>)
      } else {
      }
      %lt3A_340 = arith.constant 2 : i32
      %lt3A_341 = arith.cmpi slt, %add3A_329, %lt3A_340 : i32
      %add3A_342 = arith.constant 2 : i32
      %add3A_343 = arith.addi %add3A_329, %add3A_342 : i32
      %lt3A_344 = arith.constant 256 : i32
      %lt3A_345 = arith.cmpi slt, %add3A_343, %lt3A_344 : i32
      %and3A_346 = arith.andi %lt3A_341, %lt3A_345 : i1
      %convert_element_type3A_347 = arith.extui %and3A_346 : i1 to i32
      %cond3A_348 = arith.constant 0 : i32
      %cond3A_349 = arith.cmpi ne, %convert_element_type3A_347, %cond3A_348 : i32
      scf.if %cond3A_349 {
        %add3A_424 = arith.constant 2 : i32
        %add3A_425 = arith.addi %add3A_329, %add3A_424 : i32
        %dma_start3A_426 = arith.constant 0 : i32
        %dma_start3A_427 = arith.constant 0 : i32
        %dma_start3A_428 = arith.constant 0 : i32
        %dma_start3A_429 = tpu.memref_slice %arg8[%dma_start3A_426, %dma_start3A_427, %dma_start3A_428] : memref<4x40x128xf32, #tpu.memory_space<vmem>> -> memref<1x40x128xf32, #tpu.memory_space<vmem>>
        %dma_start3A_430 = tpu.memref_squeeze %dma_start3A_429 : memref<1x40x128xf32, #tpu.memory_space<vmem>> -> memref<40x128xf32, #tpu.memory_space<vmem>>
        %dma_start3A_431 = arith.constant 0 : i32
        %dma_start3A_432 = tpu.memref_slice %arg6[%add3A_425, %dma_start3A_431] : memref<256x40xi32, #tpu.memory_space<vmem>> -> memref<1x40xi32, #tpu.memory_space<vmem>>
        %dma_start3A_433 = tpu.memref_squeeze %dma_start3A_432 : memref<1x40xi32, #tpu.memory_space<vmem>> -> memref<40xi32, #tpu.memory_space<vmem>>
        %dma_start3A_434 = arith.constant 0 : i32
        %dma_start3A_435 = arith.constant 0 : i32
        %dma_start3A_436 = tpu.memref_slice %arg2[%arg0, %dma_start3A_434, %dma_start3A_435] : memref<2x10112x128xf32, #tpu.memory_space<hbm>> -> memref<1x10112x128xf32, #tpu.memory_space<hbm>>
        %dma_start3A_437 = tpu.memref_squeeze %dma_start3A_436 : memref<1x10112x128xf32, #tpu.memory_space<hbm>> -> memref<10112x128xf32, #tpu.memory_space<hbm>>
        %dma_start3A_438 = arith.constant 0 : i32
        %dma_start3A_439 = arith.constant 0 : i32
        %dma_start3A_440 = tpu.memref_slice %dma_start3A_437[%dma_start3A_438, %dma_start3A_439] : memref<10112x128xf32, #tpu.memory_space<hbm>> -> memref<10112x128xf32, #tpu.memory_space<hbm>>
        tpu.enqueue_indirect_dma source(%dma_start3A_440 : memref<10112x128xf32, #tpu.memory_space<hbm>>) target(%dma_start3A_430 : memref<40x128xf32, #tpu.memory_space<vmem>>) offsets(%dma_start3A_433 : memref<40xi32, #tpu.memory_space<vmem>>) semaphore(%arg10 : memref<!tpu.dma_semaphore, #tpu.memory_space<semaphore_mem>>)
      } else {
      }
      %dma_wait3A_350 = arith.constant 2 : i32
      %dma_wait3A_351 = arith.constant 0 : i32
      %dma_wait3A_352 = arith.constant 0 : i32
      %dma_wait3A_353 = tpu.memref_slice %arg8[%dma_wait3A_350, %dma_wait3A_351, %dma_wait3A_352] : memref<4x40x128xf32, #tpu.memory_space<vmem>> -> memref<1x40x128xf32, #tpu.memory_space<vmem>>
      %dma_wait3A_354 = tpu.memref_squeeze %dma_wait3A_353 : memref<1x40x128xf32, #tpu.memory_space<vmem>> -> memref<40x128xf32, #tpu.memory_space<vmem>>
      %dma_wait3A_355 = arith.constant 0 : i32
      %dma_wait3A_356 = tpu.memref_slice %arg6[%add3A_329, %dma_wait3A_355] : memref<256x40xi32, #tpu.memory_space<vmem>> -> memref<1x40xi32, #tpu.memory_space<vmem>>
      %dma_wait3A_357 = tpu.memref_squeeze %dma_wait3A_356 : memref<1x40xi32, #tpu.memory_space<vmem>> -> memref<40xi32, #tpu.memory_space<vmem>>
      %dma_wait3A_358 = arith.constant 0 : i32
      %dma_wait3A_359 = arith.constant 0 : i32
      %dma_wait3A_360 = tpu.memref_slice %arg2[%arg0, %dma_wait3A_358, %dma_wait3A_359] : memref<2x10112x128xf32, #tpu.memory_space<hbm>> -> memref<1x10112x128xf32, #tpu.memory_space<hbm>>
      %dma_wait3A_361 = tpu.memref_squeeze %dma_wait3A_360 : memref<1x10112x128xf32, #tpu.memory_space<hbm>> -> memref<10112x128xf32, #tpu.memory_space<hbm>>
      %dma_wait3A_362 = arith.constant 0 : i32
      %dma_wait3A_363 = arith.constant 0 : i32
      %dma_wait3A_364 = tpu.memref_slice %dma_wait3A_361[%dma_wait3A_362, %dma_wait3A_363] : memref<10112x128xf32, #tpu.memory_space<hbm>> -> memref<10112x128xf32, #tpu.memory_space<hbm>>
      tpu.wait_indirect_dma semaphore(%arg12 : memref<!tpu.dma_semaphore, #tpu.memory_space<semaphore_mem>>) src(%dma_wait3A_364 : memref<10112x128xf32, #tpu.memory_space<hbm>>) dst(%dma_wait3A_354 : memref<40x128xf32, #tpu.memory_space<vmem>>)
      %dma_start3A_365 = arith.constant 2 : i32
      %dma_start3A_366 = arith.constant 0 : i32
      %dma_start3A_367 = arith.constant 0 : i32
      %dma_start3A_368 = tpu.memref_slice %arg8[%dma_start3A_365, %dma_start3A_366, %dma_start3A_367] : memref<4x40x128xf32, #tpu.memory_space<vmem>> -> memref<1x40x128xf32, #tpu.memory_space<vmem>>
      %dma_start3A_369 = tpu.memref_squeeze %dma_start3A_368 : memref<1x40x128xf32, #tpu.memory_space<vmem>> -> memref<40x128xf32, #tpu.memory_space<vmem>>
      %dma_start3A_370 = arith.constant 0 : i32
      %dma_start3A_371 = tpu.memref_slice %arg7[%add3A_329, %dma_start3A_370] : memref<256x40xi32, #tpu.memory_space<vmem>> -> memref<1x40xi32, #tpu.memory_space<vmem>>
      %dma_start3A_372 = tpu.memref_squeeze %dma_start3A_371 : memref<1x40xi32, #tpu.memory_space<vmem>> -> memref<40xi32, #tpu.memory_space<vmem>>
      %dma_start3A_373 = arith.constant 0 : i32
      %dma_start3A_374 = arith.constant 0 : i32
      %dma_start3A_375 = tpu.memref_slice %arg9[%dma_start3A_373, %dma_start3A_374] : memref<10112x128xf32, #tpu.memory_space<vmem_shared>> -> memref<10112x128xf32, #tpu.memory_space<vmem_shared>>
      tpu.enqueue_indirect_dma source(%dma_start3A_369 : memref<40x128xf32, #tpu.memory_space<vmem>>) target(%dma_start3A_375 : memref<10112x128xf32, #tpu.memory_space<vmem_shared>>) offsets(%dma_start3A_372 : memref<40xi32, #tpu.memory_space<vmem>>) semaphore(%arg16 : memref<!tpu.dma_semaphore, #tpu.memory_space<semaphore_mem>>) {add = true}
      %add3A_376 = arith.constant 3 : i32
      %add3A_377 = arith.addi %mul3A_236, %add3A_376 : i32
      %ge3A_378 = arith.constant 2 : i32
      %ge3A_379 = arith.cmpi sge, %add3A_377, %ge3A_378 : i32
      %add3A_380 = arith.constant 2 : i32
      %add3A_381 = arith.addi %add3A_377, %add3A_380 : i32
      %lt3A_382 = arith.constant 256 : i32
      %lt3A_383 = arith.cmpi slt, %add3A_381, %lt3A_382 : i32
      %and3A_384 = arith.andi %ge3A_379, %lt3A_383 : i1
      %convert_element_type3A_385 = arith.extui %and3A_384 : i1 to i32
      %cond3A_386 = arith.constant 0 : i32
      %cond3A_387 = arith.cmpi ne, %convert_element_type3A_385, %cond3A_386 : i32
      scf.if %cond3A_387 {
        %sub3A = arith.constant 2 : i32
        %sub3A_424 = arith.subi %add3A_377, %sub3A : i32
        %dma_wait3A_425 = arith.constant 1 : i32
        %dma_wait3A_426 = arith.constant 0 : i32
        %dma_wait3A_427 = arith.constant 0 : i32
        %dma_wait3A_428 = tpu.memref_slice %arg8[%dma_wait3A_425, %dma_wait3A_426, %dma_wait3A_427] : memref<4x40x128xf32, #tpu.memory_space<vmem>> -> memref<1x40x128xf32, #tpu.memory_space<vmem>>
        %dma_wait3A_429 = tpu.memref_squeeze %dma_wait3A_428 : memref<1x40x128xf32, #tpu.memory_space<vmem>> -> memref<40x128xf32, #tpu.memory_space<vmem>>
        %dma_wait3A_430 = arith.constant 0 : i32
        %dma_wait3A_431 = tpu.memref_slice %arg7[%sub3A_424, %dma_wait3A_430] : memref<256x40xi32, #tpu.memory_space<vmem>> -> memref<1x40xi32, #tpu.memory_space<vmem>>
        %dma_wait3A_432 = tpu.memref_squeeze %dma_wait3A_431 : memref<1x40xi32, #tpu.memory_space<vmem>> -> memref<40xi32, #tpu.memory_space<vmem>>
        %dma_wait3A_433 = arith.constant 0 : i32
        %dma_wait3A_434 = arith.constant 0 : i32
        %dma_wait3A_435 = tpu.memref_slice %arg9[%dma_wait3A_433, %dma_wait3A_434] : memref<10112x128xf32, #tpu.memory_space<vmem_shared>> -> memref<10112x128xf32, #tpu.memory_space<vmem_shared>>
        tpu.wait_indirect_dma semaphore(%arg15 : memref<!tpu.dma_semaphore, #tpu.memory_space<semaphore_mem>>) src(%dma_wait3A_429 : memref<40x128xf32, #tpu.memory_space<vmem>>) dst(%dma_wait3A_435 : memref<10112x128xf32, #tpu.memory_space<vmem_shared>>)
        %add3A_436 = arith.constant 2 : i32
        %add3A_437 = arith.addi %add3A_377, %add3A_436 : i32
        %dma_start3A_438 = arith.constant 1 : i32
        %dma_start3A_439 = arith.constant 0 : i32
        %dma_start3A_440 = arith.constant 0 : i32
        %dma_start3A_441 = tpu.memref_slice %arg8[%dma_start3A_438, %dma_start3A_439, %dma_start3A_440] : memref<4x40x128xf32, #tpu.memory_space<vmem>> -> memref<1x40x128xf32, #tpu.memory_space<vmem>>
        %dma_start3A_442 = tpu.memref_squeeze %dma_start3A_441 : memref<1x40x128xf32, #tpu.memory_space<vmem>> -> memref<40x128xf32, #tpu.memory_space<vmem>>
        %dma_start3A_443 = arith.constant 0 : i32
        %dma_start3A_444 = tpu.memref_slice %arg6[%add3A_437, %dma_start3A_443] : memref<256x40xi32, #tpu.memory_space<vmem>> -> memref<1x40xi32, #tpu.memory_space<vmem>>
        %dma_start3A_445 = tpu.memref_squeeze %dma_start3A_444 : memref<1x40xi32, #tpu.memory_space<vmem>> -> memref<40xi32, #tpu.memory_space<vmem>>
        %dma_start3A_446 = arith.constant 0 : i32
        %dma_start3A_447 = arith.constant 0 : i32
        %dma_start3A_448 = tpu.memref_slice %arg2[%arg0, %dma_start3A_446, %dma_start3A_447] : memref<2x10112x128xf32, #tpu.memory_space<hbm>> -> memref<1x10112x128xf32, #tpu.memory_space<hbm>>
        %dma_start3A_449 = tpu.memref_squeeze %dma_start3A_448 : memref<1x10112x128xf32, #tpu.memory_space<hbm>> -> memref<10112x128xf32, #tpu.memory_space<hbm>>
        %dma_start3A_450 = arith.constant 0 : i32
        %dma_start3A_451 = arith.constant 0 : i32
        %dma_start3A_452 = tpu.memref_slice %dma_start3A_449[%dma_start3A_450, %dma_start3A_451] : memref<10112x128xf32, #tpu.memory_space<hbm>> -> memref<10112x128xf32, #tpu.memory_space<hbm>>
        tpu.enqueue_indirect_dma source(%dma_start3A_452 : memref<10112x128xf32, #tpu.memory_space<hbm>>) target(%dma_start3A_442 : memref<40x128xf32, #tpu.memory_space<vmem>>) offsets(%dma_start3A_445 : memref<40xi32, #tpu.memory_space<vmem>>) semaphore(%arg11 : memref<!tpu.dma_semaphore, #tpu.memory_space<semaphore_mem>>)
      } else {
      }
      %lt3A_388 = arith.constant 2 : i32
      %lt3A_389 = arith.cmpi slt, %add3A_377, %lt3A_388 : i32
      %add3A_390 = arith.constant 2 : i32
      %add3A_391 = arith.addi %add3A_377, %add3A_390 : i32
      %lt3A_392 = arith.constant 256 : i32
      %lt3A_393 = arith.cmpi slt, %add3A_391, %lt3A_392 : i32
      %and3A_394 = arith.andi %lt3A_389, %lt3A_393 : i1
      %convert_element_type3A_395 = arith.extui %and3A_394 : i1 to i32
      %cond3A_396 = arith.constant 0 : i32
      %cond3A_397 = arith.cmpi ne, %convert_element_type3A_395, %cond3A_396 : i32
      scf.if %cond3A_397 {
        %add3A_424 = arith.constant 2 : i32
        %add3A_425 = arith.addi %add3A_377, %add3A_424 : i32
        %dma_start3A_426 = arith.constant 1 : i32
        %dma_start3A_427 = arith.constant 0 : i32
        %dma_start3A_428 = arith.constant 0 : i32
        %dma_start3A_429 = tpu.memref_slice %arg8[%dma_start3A_426, %dma_start3A_427, %dma_start3A_428] : memref<4x40x128xf32, #tpu.memory_space<vmem>> -> memref<1x40x128xf32, #tpu.memory_space<vmem>>
        %dma_start3A_430 = tpu.memref_squeeze %dma_start3A_429 : memref<1x40x128xf32, #tpu.memory_space<vmem>> -> memref<40x128xf32, #tpu.memory_space<vmem>>
        %dma_start3A_431 = arith.constant 0 : i32
        %dma_start3A_432 = tpu.memref_slice %arg6[%add3A_425, %dma_start3A_431] : memref<256x40xi32, #tpu.memory_space<vmem>> -> memref<1x40xi32, #tpu.memory_space<vmem>>
        %dma_start3A_433 = tpu.memref_squeeze %dma_start3A_432 : memref<1x40xi32, #tpu.memory_space<vmem>> -> memref<40xi32, #tpu.memory_space<vmem>>
        %dma_start3A_434 = arith.constant 0 : i32
        %dma_start3A_435 = arith.constant 0 : i32
        %dma_start3A_436 = tpu.memref_slice %arg2[%arg0, %dma_start3A_434, %dma_start3A_435] : memref<2x10112x128xf32, #tpu.memory_space<hbm>> -> memref<1x10112x128xf32, #tpu.memory_space<hbm>>
        %dma_start3A_437 = tpu.memref_squeeze %dma_start3A_436 : memref<1x10112x128xf32, #tpu.memory_space<hbm>> -> memref<10112x128xf32, #tpu.memory_space<hbm>>
        %dma_start3A_438 = arith.constant 0 : i32
        %dma_start3A_439 = arith.constant 0 : i32
        %dma_start3A_440 = tpu.memref_slice %dma_start3A_437[%dma_start3A_438, %dma_start3A_439] : memref<10112x128xf32, #tpu.memory_space<hbm>> -> memref<10112x128xf32, #tpu.memory_space<hbm>>
        tpu.enqueue_indirect_dma source(%dma_start3A_440 : memref<10112x128xf32, #tpu.memory_space<hbm>>) target(%dma_start3A_430 : memref<40x128xf32, #tpu.memory_space<vmem>>) offsets(%dma_start3A_433 : memref<40xi32, #tpu.memory_space<vmem>>) semaphore(%arg11 : memref<!tpu.dma_semaphore, #tpu.memory_space<semaphore_mem>>)
      } else {
      }
      %dma_wait3A_398 = arith.constant 3 : i32
      %dma_wait3A_399 = arith.constant 0 : i32
      %dma_wait3A_400 = arith.constant 0 : i32
      %dma_wait3A_401 = tpu.memref_slice %arg8[%dma_wait3A_398, %dma_wait3A_399, %dma_wait3A_400] : memref<4x40x128xf32, #tpu.memory_space<vmem>> -> memref<1x40x128xf32, #tpu.memory_space<vmem>>
      %dma_wait3A_402 = tpu.memref_squeeze %dma_wait3A_401 : memref<1x40x128xf32, #tpu.memory_space<vmem>> -> memref<40x128xf32, #tpu.memory_space<vmem>>
      %dma_wait3A_403 = arith.constant 0 : i32
      %dma_wait3A_404 = tpu.memref_slice %arg6[%add3A_377, %dma_wait3A_403] : memref<256x40xi32, #tpu.memory_space<vmem>> -> memref<1x40xi32, #tpu.memory_space<vmem>>
      %dma_wait3A_405 = tpu.memref_squeeze %dma_wait3A_404 : memref<1x40xi32, #tpu.memory_space<vmem>> -> memref<40xi32, #tpu.memory_space<vmem>>
      %dma_wait3A_406 = arith.constant 0 : i32
      %dma_wait3A_407 = arith.constant 0 : i32
      %dma_wait3A_408 = tpu.memref_slice %arg2[%arg0, %dma_wait3A_406, %dma_wait3A_407] : memref<2x10112x128xf32, #tpu.memory_space<hbm>> -> memref<1x10112x128xf32, #tpu.memory_space<hbm>>
      %dma_wait3A_409 = tpu.memref_squeeze %dma_wait3A_408 : memref<1x10112x128xf32, #tpu.memory_space<hbm>> -> memref<10112x128xf32, #tpu.memory_space<hbm>>
      %dma_wait3A_410 = arith.constant 0 : i32
      %dma_wait3A_411 = arith.constant 0 : i32
      %dma_wait3A_412 = tpu.memref_slice %dma_wait3A_409[%dma_wait3A_410, %dma_wait3A_411] : memref<10112x128xf32, #tpu.memory_space<hbm>> -> memref<10112x128xf32, #tpu.memory_space<hbm>>
      tpu.wait_indirect_dma semaphore(%arg13 : memref<!tpu.dma_semaphore, #tpu.memory_space<semaphore_mem>>) src(%dma_wait3A_412 : memref<10112x128xf32, #tpu.memory_space<hbm>>) dst(%dma_wait3A_402 : memref<40x128xf32, #tpu.memory_space<vmem>>)
      %dma_start3A_413 = arith.constant 3 : i32
      %dma_start3A_414 = arith.constant 0 : i32
      %dma_start3A_415 = arith.constant 0 : i32
      %dma_start3A_416 = tpu.memref_slice %arg8[%dma_start3A_413, %dma_start3A_414, %dma_start3A_415] : memref<4x40x128xf32, #tpu.memory_space<vmem>> -> memref<1x40x128xf32, #tpu.memory_space<vmem>>
      %dma_start3A_417 = tpu.memref_squeeze %dma_start3A_416 : memref<1x40x128xf32, #tpu.memory_space<vmem>> -> memref<40x128xf32, #tpu.memory_space<vmem>>
      %dma_start3A_418 = arith.constant 0 : i32
      %dma_start3A_419 = tpu.memref_slice %arg7[%add3A_377, %dma_start3A_418] : memref<256x40xi32, #tpu.memory_space<vmem>> -> memref<1x40xi32, #tpu.memory_space<vmem>>
      %dma_start3A_420 = tpu.memref_squeeze %dma_start3A_419 : memref<1x40xi32, #tpu.memory_space<vmem>> -> memref<40xi32, #tpu.memory_space<vmem>>
      %dma_start3A_421 = arith.constant 0 : i32
      %dma_start3A_422 = arith.constant 0 : i32
      %dma_start3A_423 = tpu.memref_slice %arg9[%dma_start3A_421, %dma_start3A_422] : memref<10112x128xf32, #tpu.memory_space<vmem_shared>> -> memref<10112x128xf32, #tpu.memory_space<vmem_shared>>
      tpu.enqueue_indirect_dma source(%dma_start3A_417 : memref<40x128xf32, #tpu.memory_space<vmem>>) target(%dma_start3A_423 : memref<10112x128xf32, #tpu.memory_space<vmem_shared>>) offsets(%dma_start3A_420 : memref<40xi32, #tpu.memory_space<vmem>>) semaphore(%arg17 : memref<!tpu.dma_semaphore, #tpu.memory_space<semaphore_mem>>) {add = true}
    }
    %scan3A_89 = arith.constant 64 : i32
    %dma_wait3A = arith.constant 0 : i32
    %dma_wait3A_90 = arith.constant 252 : i32
    %dma_wait3A_91 = arith.constant 0 : i32
    %dma_wait3A_92 = arith.constant 0 : i32
    %dma_wait3A_93 = tpu.memref_slice %arg8[%dma_wait3A, %dma_wait3A_91, %dma_wait3A_92] : memref<4x40x128xf32, #tpu.memory_space<vmem>> -> memref<1x40x128xf32, #tpu.memory_space<vmem>>
    %dma_wait3A_94 = tpu.memref_squeeze %dma_wait3A_93 : memref<1x40x128xf32, #tpu.memory_space<vmem>> -> memref<40x128xf32, #tpu.memory_space<vmem>>
    %dma_wait3A_95 = arith.constant 0 : i32
    %dma_wait3A_96 = tpu.memref_slice %arg7[%dma_wait3A_90, %dma_wait3A_95] : memref<256x40xi32, #tpu.memory_space<vmem>> -> memref<1x40xi32, #tpu.memory_space<vmem>>
    %dma_wait3A_97 = tpu.memref_squeeze %dma_wait3A_96 : memref<1x40xi32, #tpu.memory_space<vmem>> -> memref<40xi32, #tpu.memory_space<vmem>>
    %dma_wait3A_98 = arith.constant 0 : i32
    %dma_wait3A_99 = arith.constant 0 : i32
    %dma_wait3A_100 = tpu.memref_slice %arg9[%dma_wait3A_98, %dma_wait3A_99] : memref<10112x128xf32, #tpu.memory_space<vmem_shared>> -> memref<10112x128xf32, #tpu.memory_space<vmem_shared>>
    tpu.wait_indirect_dma semaphore(%arg14 : memref<!tpu.dma_semaphore, #tpu.memory_space<semaphore_mem>>) src(%dma_wait3A_94 : memref<40x128xf32, #tpu.memory_space<vmem>>) dst(%dma_wait3A_100 : memref<10112x128xf32, #tpu.memory_space<vmem_shared>>)
    %dma_wait3A_101 = arith.constant 1 : i32
    %dma_wait3A_102 = arith.constant 253 : i32
    %dma_wait3A_103 = arith.constant 0 : i32
    %dma_wait3A_104 = arith.constant 0 : i32
    %dma_wait3A_105 = tpu.memref_slice %arg8[%dma_wait3A_101, %dma_wait3A_103, %dma_wait3A_104] : memref<4x40x128xf32, #tpu.memory_space<vmem>> -> memref<1x40x128xf32, #tpu.memory_space<vmem>>
    %dma_wait3A_106 = tpu.memref_squeeze %dma_wait3A_105 : memref<1x40x128xf32, #tpu.memory_space<vmem>> -> memref<40x128xf32, #tpu.memory_space<vmem>>
    %dma_wait3A_107 = arith.constant 0 : i32
    %dma_wait3A_108 = tpu.memref_slice %arg7[%dma_wait3A_102, %dma_wait3A_107] : memref<256x40xi32, #tpu.memory_space<vmem>> -> memref<1x40xi32, #tpu.memory_space<vmem>>
    %dma_wait3A_109 = tpu.memref_squeeze %dma_wait3A_108 : memref<1x40xi32, #tpu.memory_space<vmem>> -> memref<40xi32, #tpu.memory_space<vmem>>
    %dma_wait3A_110 = arith.constant 0 : i32
    %dma_wait3A_111 = arith.constant 0 : i32
    %dma_wait3A_112 = tpu.memref_slice %arg9[%dma_wait3A_110, %dma_wait3A_111] : memref<10112x128xf32, #tpu.memory_space<vmem_shared>> -> memref<10112x128xf32, #tpu.memory_space<vmem_shared>>
    tpu.wait_indirect_dma semaphore(%arg15 : memref<!tpu.dma_semaphore, #tpu.memory_space<semaphore_mem>>) src(%dma_wait3A_106 : memref<40x128xf32, #tpu.memory_space<vmem>>) dst(%dma_wait3A_112 : memref<10112x128xf32, #tpu.memory_space<vmem_shared>>)
    %dma_wait3A_113 = arith.constant 2 : i32
    %dma_wait3A_114 = arith.constant 254 : i32
    %dma_wait3A_115 = arith.constant 0 : i32
    %dma_wait3A_116 = arith.constant 0 : i32
    %dma_wait3A_117 = tpu.memref_slice %arg8[%dma_wait3A_113, %dma_wait3A_115, %dma_wait3A_116] : memref<4x40x128xf32, #tpu.memory_space<vmem>> -> memref<1x40x128xf32, #tpu.memory_space<vmem>>
    %dma_wait3A_118 = tpu.memref_squeeze %dma_wait3A_117 : memref<1x40x128xf32, #tpu.memory_space<vmem>> -> memref<40x128xf32, #tpu.memory_space<vmem>>
    %dma_wait3A_119 = arith.constant 0 : i32
    %dma_wait3A_120 = tpu.memref_slice %arg7[%dma_wait3A_114, %dma_wait3A_119] : memref<256x40xi32, #tpu.memory_space<vmem>> -> memref<1x40xi32, #tpu.memory_space<vmem>>
    %dma_wait3A_121 = tpu.memref_squeeze %dma_wait3A_120 : memref<1x40xi32, #tpu.memory_space<vmem>> -> memref<40xi32, #tpu.memory_space<vmem>>
    %dma_wait3A_122 = arith.constant 0 : i32
    %dma_wait3A_123 = arith.constant 0 : i32
    %dma_wait3A_124 = tpu.memref_slice %arg9[%dma_wait3A_122, %dma_wait3A_123] : memref<10112x128xf32, #tpu.memory_space<vmem_shared>> -> memref<10112x128xf32, #tpu.memory_space<vmem_shared>>
    tpu.wait_indirect_dma semaphore(%arg16 : memref<!tpu.dma_semaphore, #tpu.memory_space<semaphore_mem>>) src(%dma_wait3A_118 : memref<40x128xf32, #tpu.memory_space<vmem>>) dst(%dma_wait3A_124 : memref<10112x128xf32, #tpu.memory_space<vmem_shared>>)
    %dma_wait3A_125 = arith.constant 3 : i32
    %dma_wait3A_126 = arith.constant 255 : i32
    %dma_wait3A_127 = arith.constant 0 : i32
    %dma_wait3A_128 = arith.constant 0 : i32
    %dma_wait3A_129 = tpu.memref_slice %arg8[%dma_wait3A_125, %dma_wait3A_127, %dma_wait3A_128] : memref<4x40x128xf32, #tpu.memory_space<vmem>> -> memref<1x40x128xf32, #tpu.memory_space<vmem>>
    %dma_wait3A_130 = tpu.memref_squeeze %dma_wait3A_129 : memref<1x40x128xf32, #tpu.memory_space<vmem>> -> memref<40x128xf32, #tpu.memory_space<vmem>>
    %dma_wait3A_131 = arith.constant 0 : i32
    %dma_wait3A_132 = tpu.memref_slice %arg7[%dma_wait3A_126, %dma_wait3A_131] : memref<256x40xi32, #tpu.memory_space<vmem>> -> memref<1x40xi32, #tpu.memory_space<vmem>>
    %dma_wait3A_133 = tpu.memref_squeeze %dma_wait3A_132 : memref<1x40xi32, #tpu.memory_space<vmem>> -> memref<40xi32, #tpu.memory_space<vmem>>
    %dma_wait3A_134 = arith.constant 0 : i32
    %dma_wait3A_135 = arith.constant 0 : i32
    %dma_wait3A_136 = tpu.memref_slice %arg9[%dma_wait3A_134, %dma_wait3A_135] : memref<10112x128xf32, #tpu.memory_space<vmem_shared>> -> memref<10112x128xf32, #tpu.memory_space<vmem_shared>>
    tpu.wait_indirect_dma semaphore(%arg17 : memref<!tpu.dma_semaphore, #tpu.memory_space<semaphore_mem>>) src(%dma_wait3A_130 : memref<40x128xf32, #tpu.memory_space<vmem>>) dst(%dma_wait3A_136 : memref<10112x128xf32, #tpu.memory_space<vmem_shared>>)
    %barrier3A_137 = arith.constant 0 : index
    tpu.barrier barrier_id(%barrier3A_137)
    %add3A_138 = arith.constant 0 : i32
    %add3A_139 = arith.addi %mul3A_6, %add3A_138 : i32
    %run_scoped3A_140 = arith.constant 0 : i32
    "tpu.region"() ({
      %run_scoped3A_234 = tpu.sem_alloc : memref<!tpu.dma_semaphore, #tpu.memory_space<semaphore_mem>>
      %dma_start3A_235 = arith.constant 0 : i32
      %dma_start3A_236 = arith.constant 0 : i32
      %dma_start3A_237 = tpu.memref_slice %arg8[%run_scoped3A_140, %dma_start3A_235, %dma_start3A_236] : memref<4x40x128xf32, #tpu.memory_space<vmem>> -> memref<1x40x128xf32, #tpu.memory_space<vmem>>
      %dma_start3A_238 = tpu.memref_squeeze %dma_start3A_237 : memref<1x40x128xf32, #tpu.memory_space<vmem>> -> memref<40x128xf32, #tpu.memory_space<vmem>>
      %dma_start3A_239 = arith.constant 0 : i32
      %dma_start3A_240 = tpu.memref_slice %arg9[%add3A_139, %dma_start3A_239] : memref<10112x128xf32, #tpu.memory_space<vmem_shared>> -> memref<40x128xf32, #tpu.memory_space<vmem_shared>>
      %dma_start3A_241 = arith.constant 0 : i32
      %dma_start3A_242 = arith.constant 0 : i32
      %dma_start3A_243 = tpu.memref_slice %arg8[%run_scoped3A_140, %dma_start3A_241, %dma_start3A_242] : memref<4x40x128xf32, #tpu.memory_space<vmem>> -> memref<1x40x128xf32, #tpu.memory_space<vmem>>
      %dma_start3A_244 = tpu.memref_squeeze %dma_start3A_243 : memref<1x40x128xf32, #tpu.memory_space<vmem>> -> memref<40x128xf32, #tpu.memory_space<vmem>>
      %dma_start3A_245 = arith.constant 0 : i32
      %dma_start3A_246 = tpu.memref_slice %arg9[%add3A_139, %dma_start3A_245] : memref<10112x128xf32, #tpu.memory_space<vmem_shared>> -> memref<40x128xf32, #tpu.memory_space<vmem_shared>>
      tpu.enqueue_dma source(%dma_start3A_246 : memref<40x128xf32, #tpu.memory_space<vmem_shared>>) target(%dma_start3A_244 : memref<40x128xf32, #tpu.memory_space<vmem>>) target_semaphore(%run_scoped3A_234 : memref<!tpu.dma_semaphore, #tpu.memory_space<semaphore_mem>>)
      %dma_wait3A_247 = arith.constant 0 : i32
      %dma_wait3A_248 = arith.constant 0 : i32
      %dma_wait3A_249 = tpu.memref_slice %arg8[%run_scoped3A_140, %dma_wait3A_247, %dma_wait3A_248] : memref<4x40x128xf32, #tpu.memory_space<vmem>> -> memref<1x40x128xf32, #tpu.memory_space<vmem>>
      %dma_wait3A_250 = tpu.memref_squeeze %dma_wait3A_249 : memref<1x40x128xf32, #tpu.memory_space<vmem>> -> memref<40x128xf32, #tpu.memory_space<vmem>>
      %dma_wait3A_251 = arith.constant 0 : i32
      %dma_wait3A_252 = tpu.memref_slice %arg9[%add3A_139, %dma_wait3A_251] : memref<10112x128xf32, #tpu.memory_space<vmem_shared>> -> memref<40x128xf32, #tpu.memory_space<vmem_shared>>
      %dma_wait3A_253 = arith.constant 0 : i32
      %dma_wait3A_254 = arith.constant 0 : i32
      %dma_wait3A_255 = tpu.memref_slice %arg8[%run_scoped3A_140, %dma_wait3A_253, %dma_wait3A_254] : memref<4x40x128xf32, #tpu.memory_space<vmem>> -> memref<1x40x128xf32, #tpu.memory_space<vmem>>
      %dma_wait3A_256 = tpu.memref_squeeze %dma_wait3A_255 : memref<1x40x128xf32, #tpu.memory_space<vmem>> -> memref<40x128xf32, #tpu.memory_space<vmem>>
      %dma_wait3A_257 = arith.constant 0 : i32
      %dma_wait3A_258 = tpu.memref_slice %arg9[%add3A_139, %dma_wait3A_257] : memref<10112x128xf32, #tpu.memory_space<vmem_shared>> -> memref<40x128xf32, #tpu.memory_space<vmem_shared>>
      tpu.wait_dma2 semaphore(%run_scoped3A_234 : memref<!tpu.dma_semaphore, #tpu.memory_space<semaphore_mem>>) src(%dma_wait3A_258 : memref<40x128xf32, #tpu.memory_space<vmem_shared>>) dst(%dma_wait3A_256 : memref<40x128xf32, #tpu.memory_space<vmem>>)
      tpu.yield
    }) : () -> ()
    %add3A_141 = arith.constant 0 : i32
    %add3A_142 = arith.addi %mul3A_6, %add3A_141 : i32
    %run_scoped3A_143 = arith.constant 0 : i32
    "tpu.region"() ({
      %run_scoped3A_234 = tpu.sem_alloc : memref<!tpu.dma_semaphore, #tpu.memory_space<semaphore_mem>>
      %dma_start3A_235 = arith.constant 0 : i32
      %dma_start3A_236 = arith.constant 0 : i32
      %dma_start3A_237 = tpu.memref_slice %arg8[%run_scoped3A_143, %dma_start3A_235, %dma_start3A_236] : memref<4x40x128xf32, #tpu.memory_space<vmem>> -> memref<1x40x128xf32, #tpu.memory_space<vmem>>
      %dma_start3A_238 = tpu.memref_squeeze %dma_start3A_237 : memref<1x40x128xf32, #tpu.memory_space<vmem>> -> memref<40x128xf32, #tpu.memory_space<vmem>>
      %dma_start3A_239 = arith.constant 0 : i32
      %dma_start3A_240 = tpu.memref_slice %arg5[%arg0, %add3A_142, %dma_start3A_239] : memref<2x10112x128xf32, #tpu.memory_space<hbm>> -> memref<1x40x128xf32, #tpu.memory_space<hbm>>
      %dma_start3A_241 = tpu.memref_squeeze %dma_start3A_240 : memref<1x40x128xf32, #tpu.memory_space<hbm>> -> memref<40x128xf32, #tpu.memory_space<hbm>>
      %dma_start3A_242 = arith.constant 0 : i32
      %dma_start3A_243 = tpu.memref_slice %arg5[%arg0, %add3A_142, %dma_start3A_242] : memref<2x10112x128xf32, #tpu.memory_space<hbm>> -> memref<1x40x128xf32, #tpu.memory_space<hbm>>
      %dma_start3A_244 = tpu.memref_squeeze %dma_start3A_243 : memref<1x40x128xf32, #tpu.memory_space<hbm>> -> memref<40x128xf32, #tpu.memory_space<hbm>>
      %dma_start3A_245 = arith.constant 0 : i32
      %dma_start3A_246 = arith.constant 0 : i32
      %dma_start3A_247 = tpu.memref_slice %arg8[%run_scoped3A_143, %dma_start3A_245, %dma_start3A_246] : memref<4x40x128xf32, #tpu.memory_space<vmem>> -> memref<1x40x128xf32, #tpu.memory_space<vmem>>
      %dma_start3A_248 = tpu.memref_squeeze %dma_start3A_247 : memref<1x40x128xf32, #tpu.memory_space<vmem>> -> memref<40x128xf32, #tpu.memory_space<vmem>>
      tpu.enqueue_dma source(%dma_start3A_248 : memref<40x128xf32, #tpu.memory_space<vmem>>) target(%dma_start3A_244 : memref<40x128xf32, #tpu.memory_space<hbm>>) target_semaphore(%run_scoped3A_234 : memref<!tpu.dma_semaphore, #tpu.memory_space<semaphore_mem>>)
      %dma_wait3A_249 = arith.constant 0 : i32
      %dma_wait3A_250 = arith.constant 0 : i32
      %dma_wait3A_251 = tpu.memref_slice %arg8[%run_scoped3A_143, %dma_wait3A_249, %dma_wait3A_250] : memref<4x40x128xf32, #tpu.memory_space<vmem>> -> memref<1x40x128xf32, #tpu.memory_space<vmem>>
      %dma_wait3A_252 = tpu.memref_squeeze %dma_wait3A_251 : memref<1x40x128xf32, #tpu.memory_space<vmem>> -> memref<40x128xf32, #tpu.memory_space<vmem>>
      %dma_wait3A_253 = arith.constant 0 : i32
      %dma_wait3A_254 = tpu.memref_slice %arg5[%arg0, %add3A_142, %dma_wait3A_253] : memref<2x10112x128xf32, #tpu.memory_space<hbm>> -> memref<1x40x128xf32, #tpu.memory_space<hbm>>
      %dma_wait3A_255 = tpu.memref_squeeze %dma_wait3A_254 : memref<1x40x128xf32, #tpu.memory_space<hbm>> -> memref<40x128xf32, #tpu.memory_space<hbm>>
      %dma_wait3A_256 = arith.constant 0 : i32
      %dma_wait3A_257 = tpu.memref_slice %arg5[%arg0, %add3A_142, %dma_wait3A_256] : memref<2x10112x128xf32, #tpu.memory_space<hbm>> -> memref<1x40x128xf32, #tpu.memory_space<hbm>>
      %dma_wait3A_258 = tpu.memref_squeeze %dma_wait3A_257 : memref<1x40x128xf32, #tpu.memory_space<hbm>> -> memref<40x128xf32, #tpu.memory_space<hbm>>
      %dma_wait3A_259 = arith.constant 0 : i32
      %dma_wait3A_260 = arith.constant 0 : i32
      %dma_wait3A_261 = tpu.memref_slice %arg8[%run_scoped3A_143, %dma_wait3A_259, %dma_wait3A_260] : memref<4x40x128xf32, #tpu.memory_space<vmem>> -> memref<1x40x128xf32, #tpu.memory_space<vmem>>
      %dma_wait3A_262 = tpu.memref_squeeze %dma_wait3A_261 : memref<1x40x128xf32, #tpu.memory_space<vmem>> -> memref<40x128xf32, #tpu.memory_space<vmem>>
      tpu.wait_dma2 semaphore(%run_scoped3A_234 : memref<!tpu.dma_semaphore, #tpu.memory_space<semaphore_mem>>) src(%dma_wait3A_262 : memref<40x128xf32, #tpu.memory_space<vmem>>) dst(%dma_wait3A_258 : memref<40x128xf32, #tpu.memory_space<hbm>>)
      tpu.yield
    }) : () -> ()
    %add3A_144 = arith.constant 40 : i32
    %add3A_145 = arith.addi %mul3A_6, %add3A_144 : i32
    %run_scoped3A_146 = arith.constant 0 : i32
    "tpu.region"() ({
      %run_scoped3A_234 = tpu.sem_alloc : memref<!tpu.dma_semaphore, #tpu.memory_space<semaphore_mem>>
      %dma_start3A_235 = arith.constant 0 : i32
      %dma_start3A_236 = arith.constant 0 : i32
      %dma_start3A_237 = tpu.memref_slice %arg8[%run_scoped3A_146, %dma_start3A_235, %dma_start3A_236] : memref<4x40x128xf32, #tpu.memory_space<vmem>> -> memref<1x40x128xf32, #tpu.memory_space<vmem>>
      %dma_start3A_238 = tpu.memref_squeeze %dma_start3A_237 : memref<1x40x128xf32, #tpu.memory_space<vmem>> -> memref<40x128xf32, #tpu.memory_space<vmem>>
      %dma_start3A_239 = arith.constant 0 : i32
      %dma_start3A_240 = tpu.memref_slice %arg9[%add3A_145, %dma_start3A_239] : memref<10112x128xf32, #tpu.memory_space<vmem_shared>> -> memref<40x128xf32, #tpu.memory_space<vmem_shared>>
      %dma_start3A_241 = arith.constant 0 : i32
      %dma_start3A_242 = arith.constant 0 : i32
      %dma_start3A_243 = tpu.memref_slice %arg8[%run_scoped3A_146, %dma_start3A_241, %dma_start3A_242] : memref<4x40x128xf32, #tpu.memory_space<vmem>> -> memref<1x40x128xf32, #tpu.memory_space<vmem>>
      %dma_start3A_244 = tpu.memref_squeeze %dma_start3A_243 : memref<1x40x128xf32, #tpu.memory_space<vmem>> -> memref<40x128xf32, #tpu.memory_space<vmem>>
      %dma_start3A_245 = arith.constant 0 : i32
      %dma_start3A_246 = tpu.memref_slice %arg9[%add3A_145, %dma_start3A_245] : memref<10112x128xf32, #tpu.memory_space<vmem_shared>> -> memref<40x128xf32, #tpu.memory_space<vmem_shared>>
      tpu.enqueue_dma source(%dma_start3A_246 : memref<40x128xf32, #tpu.memory_space<vmem_shared>>) target(%dma_start3A_244 : memref<40x128xf32, #tpu.memory_space<vmem>>) target_semaphore(%run_scoped3A_234 : memref<!tpu.dma_semaphore, #tpu.memory_space<semaphore_mem>>)
      %dma_wait3A_247 = arith.constant 0 : i32
      %dma_wait3A_248 = arith.constant 0 : i32
      %dma_wait3A_249 = tpu.memref_slice %arg8[%run_scoped3A_146, %dma_wait3A_247, %dma_wait3A_248] : memref<4x40x128xf32, #tpu.memory_space<vmem>> -> memref<1x40x128xf32, #tpu.memory_space<vmem>>
      %dma_wait3A_250 = tpu.memref_squeeze %dma_wait3A_249 : memref<1x40x128xf32, #tpu.memory_space<vmem>> -> memref<40x128xf32, #tpu.memory_space<vmem>>
      %dma_wait3A_251 = arith.constant 0 : i32
      %dma_wait3A_252 = tpu.memref_slice %arg9[%add3A_145, %dma_wait3A_251] : memref<10112x128xf32, #tpu.memory_space<vmem_shared>> -> memref<40x128xf32, #tpu.memory_space<vmem_shared>>
      %dma_wait3A_253 = arith.constant 0 : i32
      %dma_wait3A_254 = arith.constant 0 : i32
      %dma_wait3A_255 = tpu.memref_slice %arg8[%run_scoped3A_146, %dma_wait3A_253, %dma_wait3A_254] : memref<4x40x128xf32, #tpu.memory_space<vmem>> -> memref<1x40x128xf32, #tpu.memory_space<vmem>>
      %dma_wait3A_256 = tpu.memref_squeeze %dma_wait3A_255 : memref<1x40x128xf32, #tpu.memory_space<vmem>> -> memref<40x128xf32, #tpu.memory_space<vmem>>
      %dma_wait3A_257 = arith.constant 0 : i32
      %dma_wait3A_258 = tpu.memref_slice %arg9[%add3A_145, %dma_wait3A_257] : memref<10112x128xf32, #tpu.memory_space<vmem_shared>> -> memref<40x128xf32, #tpu.memory_space<vmem_shared>>
      tpu.wait_dma2 semaphore(%run_scoped3A_234 : memref<!tpu.dma_semaphore, #tpu.memory_space<semaphore_mem>>) src(%dma_wait3A_258 : memref<40x128xf32, #tpu.memory_space<vmem_shared>>) dst(%dma_wait3A_256 : memref<40x128xf32, #tpu.memory_space<vmem>>)
      tpu.yield
    }) : () -> ()
    %add3A_147 = arith.constant 40 : i32
    %add3A_148 = arith.addi %mul3A_6, %add3A_147 : i32
    %run_scoped3A_149 = arith.constant 0 : i32
    "tpu.region"() ({
      %run_scoped3A_234 = tpu.sem_alloc : memref<!tpu.dma_semaphore, #tpu.memory_space<semaphore_mem>>
      %dma_start3A_235 = arith.constant 0 : i32
      %dma_start3A_236 = arith.constant 0 : i32
      %dma_start3A_237 = tpu.memref_slice %arg8[%run_scoped3A_149, %dma_start3A_235, %dma_start3A_236] : memref<4x40x128xf32, #tpu.memory_space<vmem>> -> memref<1x40x128xf32, #tpu.memory_space<vmem>>
      %dma_start3A_238 = tpu.memref_squeeze %dma_start3A_237 : memref<1x40x128xf32, #tpu.memory_space<vmem>> -> memref<40x128xf32, #tpu.memory_space<vmem>>
      %dma_start3A_239 = arith.constant 0 : i32
      %dma_start3A_240 = tpu.memref_slice %arg5[%arg0, %add3A_148, %dma_start3A_239] : memref<2x10112x128xf32, #tpu.memory_space<hbm>> -> memref<1x40x128xf32, #tpu.memory_space<hbm>>
      %dma_start3A_241 = tpu.memref_squeeze %dma_start3A_240 : memref<1x40x128xf32, #tpu.memory_space<hbm>> -> memref<40x128xf32, #tpu.memory_space<hbm>>
      %dma_start3A_242 = arith.constant 0 : i32
      %dma_start3A_243 = tpu.memref_slice %arg5[%arg0, %add3A_148, %dma_start3A_242] : memref<2x10112x128xf32, #tpu.memory_space<hbm>> -> memref<1x40x128xf32, #tpu.memory_space<hbm>>
      %dma_start3A_244 = tpu.memref_squeeze %dma_start3A_243 : memref<1x40x128xf32, #tpu.memory_space<hbm>> -> memref<40x128xf32, #tpu.memory_space<hbm>>
      %dma_start3A_245 = arith.constant 0 : i32
      %dma_start3A_246 = arith.constant 0 : i32
      %dma_start3A_247 = tpu.memref_slice %arg8[%run_scoped3A_149, %dma_start3A_245, %dma_start3A_246] : memref<4x40x128xf32, #tpu.memory_space<vmem>> -> memref<1x40x128xf32, #tpu.memory_space<vmem>>
      %dma_start3A_248 = tpu.memref_squeeze %dma_start3A_247 : memref<1x40x128xf32, #tpu.memory_space<vmem>> -> memref<40x128xf32, #tpu.memory_space<vmem>>
      tpu.enqueue_dma source(%dma_start3A_248 : memref<40x128xf32, #tpu.memory_space<vmem>>) target(%dma_start3A_244 : memref<40x128xf32, #tpu.memory_space<hbm>>) target_semaphore(%run_scoped3A_234 : memref<!tpu.dma_semaphore, #tpu.memory_space<semaphore_mem>>)
      %dma_wait3A_249 = arith.constant 0 : i32
      %dma_wait3A_250 = arith.constant 0 : i32
      %dma_wait3A_251 = tpu.memref_slice %arg8[%run_scoped3A_149, %dma_wait3A_249, %dma_wait3A_250] : memref<4x40x128xf32, #tpu.memory_space<vmem>> -> memref<1x40x128xf32, #tpu.memory_space<vmem>>
      %dma_wait3A_252 = tpu.memref_squeeze %dma_wait3A_251 : memref<1x40x128xf32, #tpu.memory_space<vmem>> -> memref<40x128xf32, #tpu.memory_space<vmem>>
      %dma_wait3A_253 = arith.constant 0 : i32
      %dma_wait3A_254 = tpu.memref_slice %arg5[%arg0, %add3A_148, %dma_wait3A_253] : memref<2x10112x128xf32, #tpu.memory_space<hbm>> -> memref<1x40x128xf32, #tpu.memory_space<hbm>>
      %dma_wait3A_255 = tpu.memref_squeeze %dma_wait3A_254 : memref<1x40x128xf32, #tpu.memory_space<hbm>> -> memref<40x128xf32, #tpu.memory_space<hbm>>
      %dma_wait3A_256 = arith.constant 0 : i32
      %dma_wait3A_257 = tpu.memref_slice %arg5[%arg0, %add3A_148, %dma_wait3A_256] : memref<2x10112x128xf32, #tpu.memory_space<hbm>> -> memref<1x40x128xf32, #tpu.memory_space<hbm>>
      %dma_wait3A_258 = tpu.memref_squeeze %dma_wait3A_257 : memref<1x40x128xf32, #tpu.memory_space<hbm>> -> memref<40x128xf32, #tpu.memory_space<hbm>>
      %dma_wait3A_259 = arith.constant 0 : i32
      %dma_wait3A_260 = arith.constant 0 : i32
      %dma_wait3A_261 = tpu.memref_slice %arg8[%run_scoped3A_149, %dma_wait3A_259, %dma_wait3A_260] : memref<4x40x128xf32, #tpu.memory_space<vmem>> -> memref<1x40x128xf32, #tpu.memory_space<vmem>>
      %dma_wait3A_262 = tpu.memref_squeeze %dma_wait3A_261 : memref<1x40x128xf32, #tpu.memory_space<vmem>> -> memref<40x128xf32, #tpu.memory_space<vmem>>
      tpu.wait_dma2 semaphore(%run_scoped3A_234 : memref<!tpu.dma_semaphore, #tpu.memory_space<semaphore_mem>>) src(%dma_wait3A_262 : memref<40x128xf32, #tpu.memory_space<vmem>>) dst(%dma_wait3A_258 : memref<40x128xf32, #tpu.memory_space<hbm>>)
      tpu.yield
    }) : () -> ()
    %add3A_150 = arith.constant 80 : i32
    %add3A_151 = arith.addi %mul3A_6, %add3A_150 : i32
    %run_scoped3A_152 = arith.constant 0 : i32
    "tpu.region"() ({
      %run_scoped3A_234 = tpu.sem_alloc : memref<!tpu.dma_semaphore, #tpu.memory_space<semaphore_mem>>
      %dma_start3A_235 = arith.constant 0 : i32
      %dma_start3A_236 = arith.constant 0 : i32
      %dma_start3A_237 = tpu.memref_slice %arg8[%run_scoped3A_152, %dma_start3A_235, %dma_start3A_236] : memref<4x40x128xf32, #tpu.memory_space<vmem>> -> memref<1x40x128xf32, #tpu.memory_space<vmem>>
      %dma_start3A_238 = tpu.memref_squeeze %dma_start3A_237 : memref<1x40x128xf32, #tpu.memory_space<vmem>> -> memref<40x128xf32, #tpu.memory_space<vmem>>
      %dma_start3A_239 = arith.constant 0 : i32
      %dma_start3A_240 = tpu.memref_slice %arg9[%add3A_151, %dma_start3A_239] : memref<10112x128xf32, #tpu.memory_space<vmem_shared>> -> memref<40x128xf32, #tpu.memory_space<vmem_shared>>
      %dma_start3A_241 = arith.constant 0 : i32
      %dma_start3A_242 = arith.constant 0 : i32
      %dma_start3A_243 = tpu.memref_slice %arg8[%run_scoped3A_152, %dma_start3A_241, %dma_start3A_242] : memref<4x40x128xf32, #tpu.memory_space<vmem>> -> memref<1x40x128xf32, #tpu.memory_space<vmem>>
      %dma_start3A_244 = tpu.memref_squeeze %dma_start3A_243 : memref<1x40x128xf32, #tpu.memory_space<vmem>> -> memref<40x128xf32, #tpu.memory_space<vmem>>
      %dma_start3A_245 = arith.constant 0 : i32
      %dma_start3A_246 = tpu.memref_slice %arg9[%add3A_151, %dma_start3A_245] : memref<10112x128xf32, #tpu.memory_space<vmem_shared>> -> memref<40x128xf32, #tpu.memory_space<vmem_shared>>
      tpu.enqueue_dma source(%dma_start3A_246 : memref<40x128xf32, #tpu.memory_space<vmem_shared>>) target(%dma_start3A_244 : memref<40x128xf32, #tpu.memory_space<vmem>>) target_semaphore(%run_scoped3A_234 : memref<!tpu.dma_semaphore, #tpu.memory_space<semaphore_mem>>)
      %dma_wait3A_247 = arith.constant 0 : i32
      %dma_wait3A_248 = arith.constant 0 : i32
      %dma_wait3A_249 = tpu.memref_slice %arg8[%run_scoped3A_152, %dma_wait3A_247, %dma_wait3A_248] : memref<4x40x128xf32, #tpu.memory_space<vmem>> -> memref<1x40x128xf32, #tpu.memory_space<vmem>>
      %dma_wait3A_250 = tpu.memref_squeeze %dma_wait3A_249 : memref<1x40x128xf32, #tpu.memory_space<vmem>> -> memref<40x128xf32, #tpu.memory_space<vmem>>
      %dma_wait3A_251 = arith.constant 0 : i32
      %dma_wait3A_252 = tpu.memref_slice %arg9[%add3A_151, %dma_wait3A_251] : memref<10112x128xf32, #tpu.memory_space<vmem_shared>> -> memref<40x128xf32, #tpu.memory_space<vmem_shared>>
      %dma_wait3A_253 = arith.constant 0 : i32
      %dma_wait3A_254 = arith.constant 0 : i32
      %dma_wait3A_255 = tpu.memref_slice %arg8[%run_scoped3A_152, %dma_wait3A_253, %dma_wait3A_254] : memref<4x40x128xf32, #tpu.memory_space<vmem>> -> memref<1x40x128xf32, #tpu.memory_space<vmem>>
      %dma_wait3A_256 = tpu.memref_squeeze %dma_wait3A_255 : memref<1x40x128xf32, #tpu.memory_space<vmem>> -> memref<40x128xf32, #tpu.memory_space<vmem>>
      %dma_wait3A_257 = arith.constant 0 : i32
      %dma_wait3A_258 = tpu.memref_slice %arg9[%add3A_151, %dma_wait3A_257] : memref<10112x128xf32, #tpu.memory_space<vmem_shared>> -> memref<40x128xf32, #tpu.memory_space<vmem_shared>>
      tpu.wait_dma2 semaphore(%run_scoped3A_234 : memref<!tpu.dma_semaphore, #tpu.memory_space<semaphore_mem>>) src(%dma_wait3A_258 : memref<40x128xf32, #tpu.memory_space<vmem_shared>>) dst(%dma_wait3A_256 : memref<40x128xf32, #tpu.memory_space<vmem>>)
      tpu.yield
    }) : () -> ()
    %add3A_153 = arith.constant 80 : i32
    %add3A_154 = arith.addi %mul3A_6, %add3A_153 : i32
    %run_scoped3A_155 = arith.constant 0 : i32
    "tpu.region"() ({
      %run_scoped3A_234 = tpu.sem_alloc : memref<!tpu.dma_semaphore, #tpu.memory_space<semaphore_mem>>
      %dma_start3A_235 = arith.constant 0 : i32
      %dma_start3A_236 = arith.constant 0 : i32
      %dma_start3A_237 = tpu.memref_slice %arg8[%run_scoped3A_155, %dma_start3A_235, %dma_start3A_236] : memref<4x40x128xf32, #tpu.memory_space<vmem>> -> memref<1x40x128xf32, #tpu.memory_space<vmem>>
      %dma_start3A_238 = tpu.memref_squeeze %dma_start3A_237 : memref<1x40x128xf32, #tpu.memory_space<vmem>> -> memref<40x128xf32, #tpu.memory_space<vmem>>
      %dma_start3A_239 = arith.constant 0 : i32
      %dma_start3A_240 = tpu.memref_slice %arg5[%arg0, %add3A_154, %dma_start3A_239] : memref<2x10112x128xf32, #tpu.memory_space<hbm>> -> memref<1x40x128xf32, #tpu.memory_space<hbm>>
      %dma_start3A_241 = tpu.memref_squeeze %dma_start3A_240 : memref<1x40x128xf32, #tpu.memory_space<hbm>> -> memref<40x128xf32, #tpu.memory_space<hbm>>
      %dma_start3A_242 = arith.constant 0 : i32
      %dma_start3A_243 = tpu.memref_slice %arg5[%arg0, %add3A_154, %dma_start3A_242] : memref<2x10112x128xf32, #tpu.memory_space<hbm>> -> memref<1x40x128xf32, #tpu.memory_space<hbm>>
      %dma_start3A_244 = tpu.memref_squeeze %dma_start3A_243 : memref<1x40x128xf32, #tpu.memory_space<hbm>> -> memref<40x128xf32, #tpu.memory_space<hbm>>
      %dma_start3A_245 = arith.constant 0 : i32
      %dma_start3A_246 = arith.constant 0 : i32
      %dma_start3A_247 = tpu.memref_slice %arg8[%run_scoped3A_155, %dma_start3A_245, %dma_start3A_246] : memref<4x40x128xf32, #tpu.memory_space<vmem>> -> memref<1x40x128xf32, #tpu.memory_space<vmem>>
      %dma_start3A_248 = tpu.memref_squeeze %dma_start3A_247 : memref<1x40x128xf32, #tpu.memory_space<vmem>> -> memref<40x128xf32, #tpu.memory_space<vmem>>
      tpu.enqueue_dma source(%dma_start3A_248 : memref<40x128xf32, #tpu.memory_space<vmem>>) target(%dma_start3A_244 : memref<40x128xf32, #tpu.memory_space<hbm>>) target_semaphore(%run_scoped3A_234 : memref<!tpu.dma_semaphore, #tpu.memory_space<semaphore_mem>>)
      %dma_wait3A_249 = arith.constant 0 : i32
      %dma_wait3A_250 = arith.constant 0 : i32
      %dma_wait3A_251 = tpu.memref_slice %arg8[%run_scoped3A_155, %dma_wait3A_249, %dma_wait3A_250] : memref<4x40x128xf32, #tpu.memory_space<vmem>> -> memref<1x40x128xf32, #tpu.memory_space<vmem>>
      %dma_wait3A_252 = tpu.memref_squeeze %dma_wait3A_251 : memref<1x40x128xf32, #tpu.memory_space<vmem>> -> memref<40x128xf32, #tpu.memory_space<vmem>>
      %dma_wait3A_253 = arith.constant 0 : i32
      %dma_wait3A_254 = tpu.memref_slice %arg5[%arg0, %add3A_154, %dma_wait3A_253] : memref<2x10112x128xf32, #tpu.memory_space<hbm>> -> memref<1x40x128xf32, #tpu.memory_space<hbm>>
      %dma_wait3A_255 = tpu.memref_squeeze %dma_wait3A_254 : memref<1x40x128xf32, #tpu.memory_space<hbm>> -> memref<40x128xf32, #tpu.memory_space<hbm>>
      %dma_wait3A_256 = arith.constant 0 : i32
      %dma_wait3A_257 = tpu.memref_slice %arg5[%arg0, %add3A_154, %dma_wait3A_256] : memref<2x10112x128xf32, #tpu.memory_space<hbm>> -> memref<1x40x128xf32, #tpu.memory_space<hbm>>
      %dma_wait3A_258 = tpu.memref_squeeze %dma_wait3A_257 : memref<1x40x128xf32, #tpu.memory_space<hbm>> -> memref<40x128xf32, #tpu.memory_space<hbm>>
      %dma_wait3A_259 = arith.constant 0 : i32
      %dma_wait3A_260 = arith.constant 0 : i32
      %dma_wait3A_261 = tpu.memref_slice %arg8[%run_scoped3A_155, %dma_wait3A_259, %dma_wait3A_260] : memref<4x40x128xf32, #tpu.memory_space<vmem>> -> memref<1x40x128xf32, #tpu.memory_space<vmem>>
      %dma_wait3A_262 = tpu.memref_squeeze %dma_wait3A_261 : memref<1x40x128xf32, #tpu.memory_space<vmem>> -> memref<40x128xf32, #tpu.memory_space<vmem>>
      tpu.wait_dma2 semaphore(%run_scoped3A_234 : memref<!tpu.dma_semaphore, #tpu.memory_space<semaphore_mem>>) src(%dma_wait3A_262 : memref<40x128xf32, #tpu.memory_space<vmem>>) dst(%dma_wait3A_258 : memref<40x128xf32, #tpu.memory_space<hbm>>)
      tpu.yield
    }) : () -> ()
    %add3A_156 = arith.constant 120 : i32
    %add3A_157 = arith.addi %mul3A_6, %add3A_156 : i32
    %run_scoped3A_158 = arith.constant 0 : i32
    "tpu.region"() ({
      %run_scoped3A_234 = tpu.sem_alloc : memref<!tpu.dma_semaphore, #tpu.memory_space<semaphore_mem>>
      %dma_start3A_235 = arith.constant 0 : i32
      %dma_start3A_236 = arith.constant 0 : i32
      %dma_start3A_237 = tpu.memref_slice %arg8[%run_scoped3A_158, %dma_start3A_235, %dma_start3A_236] : memref<4x40x128xf32, #tpu.memory_space<vmem>> -> memref<1x40x128xf32, #tpu.memory_space<vmem>>
      %dma_start3A_238 = tpu.memref_squeeze %dma_start3A_237 : memref<1x40x128xf32, #tpu.memory_space<vmem>> -> memref<40x128xf32, #tpu.memory_space<vmem>>
      %dma_start3A_239 = arith.constant 0 : i32
      %dma_start3A_240 = tpu.memref_slice %arg9[%add3A_157, %dma_start3A_239] : memref<10112x128xf32, #tpu.memory_space<vmem_shared>> -> memref<40x128xf32, #tpu.memory_space<vmem_shared>>
      %dma_start3A_241 = arith.constant 0 : i32
      %dma_start3A_242 = arith.constant 0 : i32
      %dma_start3A_243 = tpu.memref_slice %arg8[%run_scoped3A_158, %dma_start3A_241, %dma_start3A_242] : memref<4x40x128xf32, #tpu.memory_space<vmem>> -> memref<1x40x128xf32, #tpu.memory_space<vmem>>
      %dma_start3A_244 = tpu.memref_squeeze %dma_start3A_243 : memref<1x40x128xf32, #tpu.memory_space<vmem>> -> memref<40x128xf32, #tpu.memory_space<vmem>>
      %dma_start3A_245 = arith.constant 0 : i32
      %dma_start3A_246 = tpu.memref_slice %arg9[%add3A_157, %dma_start3A_245] : memref<10112x128xf32, #tpu.memory_space<vmem_shared>> -> memref<40x128xf32, #tpu.memory_space<vmem_shared>>
      tpu.enqueue_dma source(%dma_start3A_246 : memref<40x128xf32, #tpu.memory_space<vmem_shared>>) target(%dma_start3A_244 : memref<40x128xf32, #tpu.memory_space<vmem>>) target_semaphore(%run_scoped3A_234 : memref<!tpu.dma_semaphore, #tpu.memory_space<semaphore_mem>>)
      %dma_wait3A_247 = arith.constant 0 : i32
      %dma_wait3A_248 = arith.constant 0 : i32
      %dma_wait3A_249 = tpu.memref_slice %arg8[%run_scoped3A_158, %dma_wait3A_247, %dma_wait3A_248] : memref<4x40x128xf32, #tpu.memory_space<vmem>> -> memref<1x40x128xf32, #tpu.memory_space<vmem>>
      %dma_wait3A_250 = tpu.memref_squeeze %dma_wait3A_249 : memref<1x40x128xf32, #tpu.memory_space<vmem>> -> memref<40x128xf32, #tpu.memory_space<vmem>>
      %dma_wait3A_251 = arith.constant 0 : i32
      %dma_wait3A_252 = tpu.memref_slice %arg9[%add3A_157, %dma_wait3A_251] : memref<10112x128xf32, #tpu.memory_space<vmem_shared>> -> memref<40x128xf32, #tpu.memory_space<vmem_shared>>
      %dma_wait3A_253 = arith.constant 0 : i32
      %dma_wait3A_254 = arith.constant 0 : i32
      %dma_wait3A_255 = tpu.memref_slice %arg8[%run_scoped3A_158, %dma_wait3A_253, %dma_wait3A_254] : memref<4x40x128xf32, #tpu.memory_space<vmem>> -> memref<1x40x128xf32, #tpu.memory_space<vmem>>
      %dma_wait3A_256 = tpu.memref_squeeze %dma_wait3A_255 : memref<1x40x128xf32, #tpu.memory_space<vmem>> -> memref<40x128xf32, #tpu.memory_space<vmem>>
      %dma_wait3A_257 = arith.constant 0 : i32
      %dma_wait3A_258 = tpu.memref_slice %arg9[%add3A_157, %dma_wait3A_257] : memref<10112x128xf32, #tpu.memory_space<vmem_shared>> -> memref<40x128xf32, #tpu.memory_space<vmem_shared>>
      tpu.wait_dma2 semaphore(%run_scoped3A_234 : memref<!tpu.dma_semaphore, #tpu.memory_space<semaphore_mem>>) src(%dma_wait3A_258 : memref<40x128xf32, #tpu.memory_space<vmem_shared>>) dst(%dma_wait3A_256 : memref<40x128xf32, #tpu.memory_space<vmem>>)
      tpu.yield
    }) : () -> ()
    %add3A_159 = arith.constant 120 : i32
    %add3A_160 = arith.addi %mul3A_6, %add3A_159 : i32
    %run_scoped3A_161 = arith.constant 0 : i32
    "tpu.region"() ({
      %run_scoped3A_234 = tpu.sem_alloc : memref<!tpu.dma_semaphore, #tpu.memory_space<semaphore_mem>>
      %dma_start3A_235 = arith.constant 0 : i32
      %dma_start3A_236 = arith.constant 0 : i32
      %dma_start3A_237 = tpu.memref_slice %arg8[%run_scoped3A_161, %dma_start3A_235, %dma_start3A_236] : memref<4x40x128xf32, #tpu.memory_space<vmem>> -> memref<1x40x128xf32, #tpu.memory_space<vmem>>
      %dma_start3A_238 = tpu.memref_squeeze %dma_start3A_237 : memref<1x40x128xf32, #tpu.memory_space<vmem>> -> memref<40x128xf32, #tpu.memory_space<vmem>>
      %dma_start3A_239 = arith.constant 0 : i32
      %dma_start3A_240 = tpu.memref_slice %arg5[%arg0, %add3A_160, %dma_start3A_239] : memref<2x10112x128xf32, #tpu.memory_space<hbm>> -> memref<1x40x128xf32, #tpu.memory_space<hbm>>
      %dma_start3A_241 = tpu.memref_squeeze %dma_start3A_240 : memref<1x40x128xf32, #tpu.memory_space<hbm>> -> memref<40x128xf32, #tpu.memory_space<hbm>>
      %dma_start3A_242 = arith.constant 0 : i32
      %dma_start3A_243 = tpu.memref_slice %arg5[%arg0, %add3A_160, %dma_start3A_242] : memref<2x10112x128xf32, #tpu.memory_space<hbm>> -> memref<1x40x128xf32, #tpu.memory_space<hbm>>
      %dma_start3A_244 = tpu.memref_squeeze %dma_start3A_243 : memref<1x40x128xf32, #tpu.memory_space<hbm>> -> memref<40x128xf32, #tpu.memory_space<hbm>>
      %dma_start3A_245 = arith.constant 0 : i32
      %dma_start3A_246 = arith.constant 0 : i32
      %dma_start3A_247 = tpu.memref_slice %arg8[%run_scoped3A_161, %dma_start3A_245, %dma_start3A_246] : memref<4x40x128xf32, #tpu.memory_space<vmem>> -> memref<1x40x128xf32, #tpu.memory_space<vmem>>
      %dma_start3A_248 = tpu.memref_squeeze %dma_start3A_247 : memref<1x40x128xf32, #tpu.memory_space<vmem>> -> memref<40x128xf32, #tpu.memory_space<vmem>>
      tpu.enqueue_dma source(%dma_start3A_248 : memref<40x128xf32, #tpu.memory_space<vmem>>) target(%dma_start3A_244 : memref<40x128xf32, #tpu.memory_space<hbm>>) target_semaphore(%run_scoped3A_234 : memref<!tpu.dma_semaphore, #tpu.memory_space<semaphore_mem>>)
      %dma_wait3A_249 = arith.constant 0 : i32
      %dma_wait3A_250 = arith.constant 0 : i32
      %dma_wait3A_251 = tpu.memref_slice %arg8[%run_scoped3A_161, %dma_wait3A_249, %dma_wait3A_250] : memref<4x40x128xf32, #tpu.memory_space<vmem>> -> memref<1x40x128xf32, #tpu.memory_space<vmem>>
      %dma_wait3A_252 = tpu.memref_squeeze %dma_wait3A_251 : memref<1x40x128xf32, #tpu.memory_space<vmem>> -> memref<40x128xf32, #tpu.memory_space<vmem>>
      %dma_wait3A_253 = arith.constant 0 : i32
      %dma_wait3A_254 = tpu.memref_slice %arg5[%arg0, %add3A_160, %dma_wait3A_253] : memref<2x10112x128xf32, #tpu.memory_space<hbm>> -> memref<1x40x128xf32, #tpu.memory_space<hbm>>
      %dma_wait3A_255 = tpu.memref_squeeze %dma_wait3A_254 : memref<1x40x128xf32, #tpu.memory_space<hbm>> -> memref<40x128xf32, #tpu.memory_space<hbm>>
      %dma_wait3A_256 = arith.constant 0 : i32
      %dma_wait3A_257 = tpu.memref_slice %arg5[%arg0, %add3A_160, %dma_wait3A_256] : memref<2x10112x128xf32, #tpu.memory_space<hbm>> -> memref<1x40x128xf32, #tpu.memory_space<hbm>>
      %dma_wait3A_258 = tpu.memref_squeeze %dma_wait3A_257 : memref<1x40x128xf32, #tpu.memory_space<hbm>> -> memref<40x128xf32, #tpu.memory_space<hbm>>
      %dma_wait3A_259 = arith.constant 0 : i32
      %dma_wait3A_260 = arith.constant 0 : i32
      %dma_wait3A_261 = tpu.memref_slice %arg8[%run_scoped3A_161, %dma_wait3A_259, %dma_wait3A_260] : memref<4x40x128xf32, #tpu.memory_space<vmem>> -> memref<1x40x128xf32, #tpu.memory_space<vmem>>
      %dma_wait3A_262 = tpu.memref_squeeze %dma_wait3A_261 : memref<1x40x128xf32, #tpu.memory_space<vmem>> -> memref<40x128xf32, #tpu.memory_space<vmem>>
      tpu.wait_dma2 semaphore(%run_scoped3A_234 : memref<!tpu.dma_semaphore, #tpu.memory_space<semaphore_mem>>) src(%dma_wait3A_262 : memref<40x128xf32, #tpu.memory_space<vmem>>) dst(%dma_wait3A_258 : memref<40x128xf32, #tpu.memory_space<hbm>>)
      tpu.yield
    }) : () -> ()
    %add3A_162 = arith.constant 160 : i32
    %add3A_163 = arith.addi %mul3A_6, %add3A_162 : i32
    %run_scoped3A_164 = arith.constant 0 : i32
    "tpu.region"() ({
      %run_scoped3A_234 = tpu.sem_alloc : memref<!tpu.dma_semaphore, #tpu.memory_space<semaphore_mem>>
      %dma_start3A_235 = arith.constant 0 : i32
      %dma_start3A_236 = arith.constant 0 : i32
      %dma_start3A_237 = tpu.memref_slice %arg8[%run_scoped3A_164, %dma_start3A_235, %dma_start3A_236] : memref<4x40x128xf32, #tpu.memory_space<vmem>> -> memref<1x40x128xf32, #tpu.memory_space<vmem>>
      %dma_start3A_238 = tpu.memref_squeeze %dma_start3A_237 : memref<1x40x128xf32, #tpu.memory_space<vmem>> -> memref<40x128xf32, #tpu.memory_space<vmem>>
      %dma_start3A_239 = arith.constant 0 : i32
      %dma_start3A_240 = tpu.memref_slice %arg9[%add3A_163, %dma_start3A_239] : memref<10112x128xf32, #tpu.memory_space<vmem_shared>> -> memref<40x128xf32, #tpu.memory_space<vmem_shared>>
      %dma_start3A_241 = arith.constant 0 : i32
      %dma_start3A_242 = arith.constant 0 : i32
      %dma_start3A_243 = tpu.memref_slice %arg8[%run_scoped3A_164, %dma_start3A_241, %dma_start3A_242] : memref<4x40x128xf32, #tpu.memory_space<vmem>> -> memref<1x40x128xf32, #tpu.memory_space<vmem>>
      %dma_start3A_244 = tpu.memref_squeeze %dma_start3A_243 : memref<1x40x128xf32, #tpu.memory_space<vmem>> -> memref<40x128xf32, #tpu.memory_space<vmem>>
      %dma_start3A_245 = arith.constant 0 : i32
      %dma_start3A_246 = tpu.memref_slice %arg9[%add3A_163, %dma_start3A_245] : memref<10112x128xf32, #tpu.memory_space<vmem_shared>> -> memref<40x128xf32, #tpu.memory_space<vmem_shared>>
      tpu.enqueue_dma source(%dma_start3A_246 : memref<40x128xf32, #tpu.memory_space<vmem_shared>>) target(%dma_start3A_244 : memref<40x128xf32, #tpu.memory_space<vmem>>) target_semaphore(%run_scoped3A_234 : memref<!tpu.dma_semaphore, #tpu.memory_space<semaphore_mem>>)
      %dma_wait3A_247 = arith.constant 0 : i32
      %dma_wait3A_248 = arith.constant 0 : i32
      %dma_wait3A_249 = tpu.memref_slice %arg8[%run_scoped3A_164, %dma_wait3A_247, %dma_wait3A_248] : memref<4x40x128xf32, #tpu.memory_space<vmem>> -> memref<1x40x128xf32, #tpu.memory_space<vmem>>
      %dma_wait3A_250 = tpu.memref_squeeze %dma_wait3A_249 : memref<1x40x128xf32, #tpu.memory_space<vmem>> -> memref<40x128xf32, #tpu.memory_space<vmem>>
      %dma_wait3A_251 = arith.constant 0 : i32
      %dma_wait3A_252 = tpu.memref_slice %arg9[%add3A_163, %dma_wait3A_251] : memref<10112x128xf32, #tpu.memory_space<vmem_shared>> -> memref<40x128xf32, #tpu.memory_space<vmem_shared>>
      %dma_wait3A_253 = arith.constant 0 : i32
      %dma_wait3A_254 = arith.constant 0 : i32
      %dma_wait3A_255 = tpu.memref_slice %arg8[%run_scoped3A_164, %dma_wait3A_253, %dma_wait3A_254] : memref<4x40x128xf32, #tpu.memory_space<vmem>> -> memref<1x40x128xf32, #tpu.memory_space<vmem>>
      %dma_wait3A_256 = tpu.memref_squeeze %dma_wait3A_255 : memref<1x40x128xf32, #tpu.memory_space<vmem>> -> memref<40x128xf32, #tpu.memory_space<vmem>>
      %dma_wait3A_257 = arith.constant 0 : i32
      %dma_wait3A_258 = tpu.memref_slice %arg9[%add3A_163, %dma_wait3A_257] : memref<10112x128xf32, #tpu.memory_space<vmem_shared>> -> memref<40x128xf32, #tpu.memory_space<vmem_shared>>
      tpu.wait_dma2 semaphore(%run_scoped3A_234 : memref<!tpu.dma_semaphore, #tpu.memory_space<semaphore_mem>>) src(%dma_wait3A_258 : memref<40x128xf32, #tpu.memory_space<vmem_shared>>) dst(%dma_wait3A_256 : memref<40x128xf32, #tpu.memory_space<vmem>>)
      tpu.yield
    }) : () -> ()
    %add3A_165 = arith.constant 160 : i32
    %add3A_166 = arith.addi %mul3A_6, %add3A_165 : i32
    %run_scoped3A_167 = arith.constant 0 : i32
    "tpu.region"() ({
      %run_scoped3A_234 = tpu.sem_alloc : memref<!tpu.dma_semaphore, #tpu.memory_space<semaphore_mem>>
      %dma_start3A_235 = arith.constant 0 : i32
      %dma_start3A_236 = arith.constant 0 : i32
      %dma_start3A_237 = tpu.memref_slice %arg8[%run_scoped3A_167, %dma_start3A_235, %dma_start3A_236] : memref<4x40x128xf32, #tpu.memory_space<vmem>> -> memref<1x40x128xf32, #tpu.memory_space<vmem>>
      %dma_start3A_238 = tpu.memref_squeeze %dma_start3A_237 : memref<1x40x128xf32, #tpu.memory_space<vmem>> -> memref<40x128xf32, #tpu.memory_space<vmem>>
      %dma_start3A_239 = arith.constant 0 : i32
      %dma_start3A_240 = tpu.memref_slice %arg5[%arg0, %add3A_166, %dma_start3A_239] : memref<2x10112x128xf32, #tpu.memory_space<hbm>> -> memref<1x40x128xf32, #tpu.memory_space<hbm>>
      %dma_start3A_241 = tpu.memref_squeeze %dma_start3A_240 : memref<1x40x128xf32, #tpu.memory_space<hbm>> -> memref<40x128xf32, #tpu.memory_space<hbm>>
      %dma_start3A_242 = arith.constant 0 : i32
      %dma_start3A_243 = tpu.memref_slice %arg5[%arg0, %add3A_166, %dma_start3A_242] : memref<2x10112x128xf32, #tpu.memory_space<hbm>> -> memref<1x40x128xf32, #tpu.memory_space<hbm>>
      %dma_start3A_244 = tpu.memref_squeeze %dma_start3A_243 : memref<1x40x128xf32, #tpu.memory_space<hbm>> -> memref<40x128xf32, #tpu.memory_space<hbm>>
      %dma_start3A_245 = arith.constant 0 : i32
      %dma_start3A_246 = arith.constant 0 : i32
      %dma_start3A_247 = tpu.memref_slice %arg8[%run_scoped3A_167, %dma_start3A_245, %dma_start3A_246] : memref<4x40x128xf32, #tpu.memory_space<vmem>> -> memref<1x40x128xf32, #tpu.memory_space<vmem>>
      %dma_start3A_248 = tpu.memref_squeeze %dma_start3A_247 : memref<1x40x128xf32, #tpu.memory_space<vmem>> -> memref<40x128xf32, #tpu.memory_space<vmem>>
      tpu.enqueue_dma source(%dma_start3A_248 : memref<40x128xf32, #tpu.memory_space<vmem>>) target(%dma_start3A_244 : memref<40x128xf32, #tpu.memory_space<hbm>>) target_semaphore(%run_scoped3A_234 : memref<!tpu.dma_semaphore, #tpu.memory_space<semaphore_mem>>)
      %dma_wait3A_249 = arith.constant 0 : i32
      %dma_wait3A_250 = arith.constant 0 : i32
      %dma_wait3A_251 = tpu.memref_slice %arg8[%run_scoped3A_167, %dma_wait3A_249, %dma_wait3A_250] : memref<4x40x128xf32, #tpu.memory_space<vmem>> -> memref<1x40x128xf32, #tpu.memory_space<vmem>>
      %dma_wait3A_252 = tpu.memref_squeeze %dma_wait3A_251 : memref<1x40x128xf32, #tpu.memory_space<vmem>> -> memref<40x128xf32, #tpu.memory_space<vmem>>
      %dma_wait3A_253 = arith.constant 0 : i32
      %dma_wait3A_254 = tpu.memref_slice %arg5[%arg0, %add3A_166, %dma_wait3A_253] : memref<2x10112x128xf32, #tpu.memory_space<hbm>> -> memref<1x40x128xf32, #tpu.memory_space<hbm>>
      %dma_wait3A_255 = tpu.memref_squeeze %dma_wait3A_254 : memref<1x40x128xf32, #tpu.memory_space<hbm>> -> memref<40x128xf32, #tpu.memory_space<hbm>>
      %dma_wait3A_256 = arith.constant 0 : i32
      %dma_wait3A_257 = tpu.memref_slice %arg5[%arg0, %add3A_166, %dma_wait3A_256] : memref<2x10112x128xf32, #tpu.memory_space<hbm>> -> memref<1x40x128xf32, #tpu.memory_space<hbm>>
      %dma_wait3A_258 = tpu.memref_squeeze %dma_wait3A_257 : memref<1x40x128xf32, #tpu.memory_space<hbm>> -> memref<40x128xf32, #tpu.memory_space<hbm>>
      %dma_wait3A_259 = arith.constant 0 : i32
      %dma_wait3A_260 = arith.constant 0 : i32
      %dma_wait3A_261 = tpu.memref_slice %arg8[%run_scoped3A_167, %dma_wait3A_259, %dma_wait3A_260] : memref<4x40x128xf32, #tpu.memory_space<vmem>> -> memref<1x40x128xf32, #tpu.memory_space<vmem>>
      %dma_wait3A_262 = tpu.memref_squeeze %dma_wait3A_261 : memref<1x40x128xf32, #tpu.memory_space<vmem>> -> memref<40x128xf32, #tpu.memory_space<vmem>>
      tpu.wait_dma2 semaphore(%run_scoped3A_234 : memref<!tpu.dma_semaphore, #tpu.memory_space<semaphore_mem>>) src(%dma_wait3A_262 : memref<40x128xf32, #tpu.memory_space<vmem>>) dst(%dma_wait3A_258 : memref<40x128xf32, #tpu.memory_space<hbm>>)
      tpu.yield
    }) : () -> ()
    %add3A_168 = arith.constant 200 : i32
    %add3A_169 = arith.addi %mul3A_6, %add3A_168 : i32
    %run_scoped3A_170 = arith.constant 0 : i32
    "tpu.region"() ({
      %run_scoped3A_234 = tpu.sem_alloc : memref<!tpu.dma_semaphore, #tpu.memory_space<semaphore_mem>>
      %dma_start3A_235 = arith.constant 0 : i32
      %dma_start3A_236 = arith.constant 0 : i32
      %dma_start3A_237 = tpu.memref_slice %arg8[%run_scoped3A_170, %dma_start3A_235, %dma_start3A_236] : memref<4x40x128xf32, #tpu.memory_space<vmem>> -> memref<1x40x128xf32, #tpu.memory_space<vmem>>
      %dma_start3A_238 = tpu.memref_squeeze %dma_start3A_237 : memref<1x40x128xf32, #tpu.memory_space<vmem>> -> memref<40x128xf32, #tpu.memory_space<vmem>>
      %dma_start3A_239 = arith.constant 0 : i32
      %dma_start3A_240 = tpu.memref_slice %arg9[%add3A_169, %dma_start3A_239] : memref<10112x128xf32, #tpu.memory_space<vmem_shared>> -> memref<40x128xf32, #tpu.memory_space<vmem_shared>>
      %dma_start3A_241 = arith.constant 0 : i32
      %dma_start3A_242 = arith.constant 0 : i32
      %dma_start3A_243 = tpu.memref_slice %arg8[%run_scoped3A_170, %dma_start3A_241, %dma_start3A_242] : memref<4x40x128xf32, #tpu.memory_space<vmem>> -> memref<1x40x128xf32, #tpu.memory_space<vmem>>
      %dma_start3A_244 = tpu.memref_squeeze %dma_start3A_243 : memref<1x40x128xf32, #tpu.memory_space<vmem>> -> memref<40x128xf32, #tpu.memory_space<vmem>>
      %dma_start3A_245 = arith.constant 0 : i32
      %dma_start3A_246 = tpu.memref_slice %arg9[%add3A_169, %dma_start3A_245] : memref<10112x128xf32, #tpu.memory_space<vmem_shared>> -> memref<40x128xf32, #tpu.memory_space<vmem_shared>>
      tpu.enqueue_dma source(%dma_start3A_246 : memref<40x128xf32, #tpu.memory_space<vmem_shared>>) target(%dma_start3A_244 : memref<40x128xf32, #tpu.memory_space<vmem>>) target_semaphore(%run_scoped3A_234 : memref<!tpu.dma_semaphore, #tpu.memory_space<semaphore_mem>>)
      %dma_wait3A_247 = arith.constant 0 : i32
      %dma_wait3A_248 = arith.constant 0 : i32
      %dma_wait3A_249 = tpu.memref_slice %arg8[%run_scoped3A_170, %dma_wait3A_247, %dma_wait3A_248] : memref<4x40x128xf32, #tpu.memory_space<vmem>> -> memref<1x40x128xf32, #tpu.memory_space<vmem>>
      %dma_wait3A_250 = tpu.memref_squeeze %dma_wait3A_249 : memref<1x40x128xf32, #tpu.memory_space<vmem>> -> memref<40x128xf32, #tpu.memory_space<vmem>>
      %dma_wait3A_251 = arith.constant 0 : i32
      %dma_wait3A_252 = tpu.memref_slice %arg9[%add3A_169, %dma_wait3A_251] : memref<10112x128xf32, #tpu.memory_space<vmem_shared>> -> memref<40x128xf32, #tpu.memory_space<vmem_shared>>
      %dma_wait3A_253 = arith.constant 0 : i32
      %dma_wait3A_254 = arith.constant 0 : i32
      %dma_wait3A_255 = tpu.memref_slice %arg8[%run_scoped3A_170, %dma_wait3A_253, %dma_wait3A_254] : memref<4x40x128xf32, #tpu.memory_space<vmem>> -> memref<1x40x128xf32, #tpu.memory_space<vmem>>
      %dma_wait3A_256 = tpu.memref_squeeze %dma_wait3A_255 : memref<1x40x128xf32, #tpu.memory_space<vmem>> -> memref<40x128xf32, #tpu.memory_space<vmem>>
      %dma_wait3A_257 = arith.constant 0 : i32
      %dma_wait3A_258 = tpu.memref_slice %arg9[%add3A_169, %dma_wait3A_257] : memref<10112x128xf32, #tpu.memory_space<vmem_shared>> -> memref<40x128xf32, #tpu.memory_space<vmem_shared>>
      tpu.wait_dma2 semaphore(%run_scoped3A_234 : memref<!tpu.dma_semaphore, #tpu.memory_space<semaphore_mem>>) src(%dma_wait3A_258 : memref<40x128xf32, #tpu.memory_space<vmem_shared>>) dst(%dma_wait3A_256 : memref<40x128xf32, #tpu.memory_space<vmem>>)
      tpu.yield
    }) : () -> ()
    %add3A_171 = arith.constant 200 : i32
    %add3A_172 = arith.addi %mul3A_6, %add3A_171 : i32
    %run_scoped3A_173 = arith.constant 0 : i32
    "tpu.region"() ({
      %run_scoped3A_234 = tpu.sem_alloc : memref<!tpu.dma_semaphore, #tpu.memory_space<semaphore_mem>>
      %dma_start3A_235 = arith.constant 0 : i32
      %dma_start3A_236 = arith.constant 0 : i32
      %dma_start3A_237 = tpu.memref_slice %arg8[%run_scoped3A_173, %dma_start3A_235, %dma_start3A_236] : memref<4x40x128xf32, #tpu.memory_space<vmem>> -> memref<1x40x128xf32, #tpu.memory_space<vmem>>
      %dma_start3A_238 = tpu.memref_squeeze %dma_start3A_237 : memref<1x40x128xf32, #tpu.memory_space<vmem>> -> memref<40x128xf32, #tpu.memory_space<vmem>>
      %dma_start3A_239 = arith.constant 0 : i32
      %dma_start3A_240 = tpu.memref_slice %arg5[%arg0, %add3A_172, %dma_start3A_239] : memref<2x10112x128xf32, #tpu.memory_space<hbm>> -> memref<1x40x128xf32, #tpu.memory_space<hbm>>
      %dma_start3A_241 = tpu.memref_squeeze %dma_start3A_240 : memref<1x40x128xf32, #tpu.memory_space<hbm>> -> memref<40x128xf32, #tpu.memory_space<hbm>>
      %dma_start3A_242 = arith.constant 0 : i32
      %dma_start3A_243 = tpu.memref_slice %arg5[%arg0, %add3A_172, %dma_start3A_242] : memref<2x10112x128xf32, #tpu.memory_space<hbm>> -> memref<1x40x128xf32, #tpu.memory_space<hbm>>
      %dma_start3A_244 = tpu.memref_squeeze %dma_start3A_243 : memref<1x40x128xf32, #tpu.memory_space<hbm>> -> memref<40x128xf32, #tpu.memory_space<hbm>>
      %dma_start3A_245 = arith.constant 0 : i32
      %dma_start3A_246 = arith.constant 0 : i32
      %dma_start3A_247 = tpu.memref_slice %arg8[%run_scoped3A_173, %dma_start3A_245, %dma_start3A_246] : memref<4x40x128xf32, #tpu.memory_space<vmem>> -> memref<1x40x128xf32, #tpu.memory_space<vmem>>
      %dma_start3A_248 = tpu.memref_squeeze %dma_start3A_247 : memref<1x40x128xf32, #tpu.memory_space<vmem>> -> memref<40x128xf32, #tpu.memory_space<vmem>>
      tpu.enqueue_dma source(%dma_start3A_248 : memref<40x128xf32, #tpu.memory_space<vmem>>) target(%dma_start3A_244 : memref<40x128xf32, #tpu.memory_space<hbm>>) target_semaphore(%run_scoped3A_234 : memref<!tpu.dma_semaphore, #tpu.memory_space<semaphore_mem>>)
      %dma_wait3A_249 = arith.constant 0 : i32
      %dma_wait3A_250 = arith.constant 0 : i32
      %dma_wait3A_251 = tpu.memref_slice %arg8[%run_scoped3A_173, %dma_wait3A_249, %dma_wait3A_250] : memref<4x40x128xf32, #tpu.memory_space<vmem>> -> memref<1x40x128xf32, #tpu.memory_space<vmem>>
      %dma_wait3A_252 = tpu.memref_squeeze %dma_wait3A_251 : memref<1x40x128xf32, #tpu.memory_space<vmem>> -> memref<40x128xf32, #tpu.memory_space<vmem>>
      %dma_wait3A_253 = arith.constant 0 : i32
      %dma_wait3A_254 = tpu.memref_slice %arg5[%arg0, %add3A_172, %dma_wait3A_253] : memref<2x10112x128xf32, #tpu.memory_space<hbm>> -> memref<1x40x128xf32, #tpu.memory_space<hbm>>
      %dma_wait3A_255 = tpu.memref_squeeze %dma_wait3A_254 : memref<1x40x128xf32, #tpu.memory_space<hbm>> -> memref<40x128xf32, #tpu.memory_space<hbm>>
      %dma_wait3A_256 = arith.constant 0 : i32
      %dma_wait3A_257 = tpu.memref_slice %arg5[%arg0, %add3A_172, %dma_wait3A_256] : memref<2x10112x128xf32, #tpu.memory_space<hbm>> -> memref<1x40x128xf32, #tpu.memory_space<hbm>>
      %dma_wait3A_258 = tpu.memref_squeeze %dma_wait3A_257 : memref<1x40x128xf32, #tpu.memory_space<hbm>> -> memref<40x128xf32, #tpu.memory_space<hbm>>
      %dma_wait3A_259 = arith.constant 0 : i32
      %dma_wait3A_260 = arith.constant 0 : i32
      %dma_wait3A_261 = tpu.memref_slice %arg8[%run_scoped3A_173, %dma_wait3A_259, %dma_wait3A_260] : memref<4x40x128xf32, #tpu.memory_space<vmem>> -> memref<1x40x128xf32, #tpu.memory_space<vmem>>
      %dma_wait3A_262 = tpu.memref_squeeze %dma_wait3A_261 : memref<1x40x128xf32, #tpu.memory_space<vmem>> -> memref<40x128xf32, #tpu.memory_space<vmem>>
      tpu.wait_dma2 semaphore(%run_scoped3A_234 : memref<!tpu.dma_semaphore, #tpu.memory_space<semaphore_mem>>) src(%dma_wait3A_262 : memref<40x128xf32, #tpu.memory_space<vmem>>) dst(%dma_wait3A_258 : memref<40x128xf32, #tpu.memory_space<hbm>>)
      tpu.yield
    }) : () -> ()
    %add3A_174 = arith.constant 240 : i32
    %add3A_175 = arith.addi %mul3A_6, %add3A_174 : i32
    %run_scoped3A_176 = arith.constant 0 : i32
    "tpu.region"() ({
      %run_scoped3A_234 = tpu.sem_alloc : memref<!tpu.dma_semaphore, #tpu.memory_space<semaphore_mem>>
      %dma_start3A_235 = arith.constant 0 : i32
      %dma_start3A_236 = arith.constant 0 : i32
      %dma_start3A_237 = tpu.memref_slice %arg8[%run_scoped3A_176, %dma_start3A_235, %dma_start3A_236] : memref<4x40x128xf32, #tpu.memory_space<vmem>> -> memref<1x40x128xf32, #tpu.memory_space<vmem>>
      %dma_start3A_238 = tpu.memref_squeeze %dma_start3A_237 : memref<1x40x128xf32, #tpu.memory_space<vmem>> -> memref<40x128xf32, #tpu.memory_space<vmem>>
      %dma_start3A_239 = arith.constant 0 : i32
      %dma_start3A_240 = tpu.memref_slice %arg9[%add3A_175, %dma_start3A_239] : memref<10112x128xf32, #tpu.memory_space<vmem_shared>> -> memref<40x128xf32, #tpu.memory_space<vmem_shared>>
      %dma_start3A_241 = arith.constant 0 : i32
      %dma_start3A_242 = arith.constant 0 : i32
      %dma_start3A_243 = tpu.memref_slice %arg8[%run_scoped3A_176, %dma_start3A_241, %dma_start3A_242] : memref<4x40x128xf32, #tpu.memory_space<vmem>> -> memref<1x40x128xf32, #tpu.memory_space<vmem>>
      %dma_start3A_244 = tpu.memref_squeeze %dma_start3A_243 : memref<1x40x128xf32, #tpu.memory_space<vmem>> -> memref<40x128xf32, #tpu.memory_space<vmem>>
      %dma_start3A_245 = arith.constant 0 : i32
      %dma_start3A_246 = tpu.memref_slice %arg9[%add3A_175, %dma_start3A_245] : memref<10112x128xf32, #tpu.memory_space<vmem_shared>> -> memref<40x128xf32, #tpu.memory_space<vmem_shared>>
      tpu.enqueue_dma source(%dma_start3A_246 : memref<40x128xf32, #tpu.memory_space<vmem_shared>>) target(%dma_start3A_244 : memref<40x128xf32, #tpu.memory_space<vmem>>) target_semaphore(%run_scoped3A_234 : memref<!tpu.dma_semaphore, #tpu.memory_space<semaphore_mem>>)
      %dma_wait3A_247 = arith.constant 0 : i32
      %dma_wait3A_248 = arith.constant 0 : i32
      %dma_wait3A_249 = tpu.memref_slice %arg8[%run_scoped3A_176, %dma_wait3A_247, %dma_wait3A_248] : memref<4x40x128xf32, #tpu.memory_space<vmem>> -> memref<1x40x128xf32, #tpu.memory_space<vmem>>
      %dma_wait3A_250 = tpu.memref_squeeze %dma_wait3A_249 : memref<1x40x128xf32, #tpu.memory_space<vmem>> -> memref<40x128xf32, #tpu.memory_space<vmem>>
      %dma_wait3A_251 = arith.constant 0 : i32
      %dma_wait3A_252 = tpu.memref_slice %arg9[%add3A_175, %dma_wait3A_251] : memref<10112x128xf32, #tpu.memory_space<vmem_shared>> -> memref<40x128xf32, #tpu.memory_space<vmem_shared>>
      %dma_wait3A_253 = arith.constant 0 : i32
      %dma_wait3A_254 = arith.constant 0 : i32
      %dma_wait3A_255 = tpu.memref_slice %arg8[%run_scoped3A_176, %dma_wait3A_253, %dma_wait3A_254] : memref<4x40x128xf32, #tpu.memory_space<vmem>> -> memref<1x40x128xf32, #tpu.memory_space<vmem>>
      %dma_wait3A_256 = tpu.memref_squeeze %dma_wait3A_255 : memref<1x40x128xf32, #tpu.memory_space<vmem>> -> memref<40x128xf32, #tpu.memory_space<vmem>>
      %dma_wait3A_257 = arith.constant 0 : i32
      %dma_wait3A_258 = tpu.memref_slice %arg9[%add3A_175, %dma_wait3A_257] : memref<10112x128xf32, #tpu.memory_space<vmem_shared>> -> memref<40x128xf32, #tpu.memory_space<vmem_shared>>
      tpu.wait_dma2 semaphore(%run_scoped3A_234 : memref<!tpu.dma_semaphore, #tpu.memory_space<semaphore_mem>>) src(%dma_wait3A_258 : memref<40x128xf32, #tpu.memory_space<vmem_shared>>) dst(%dma_wait3A_256 : memref<40x128xf32, #tpu.memory_space<vmem>>)
      tpu.yield
    }) : () -> ()
    %add3A_177 = arith.constant 240 : i32
    %add3A_178 = arith.addi %mul3A_6, %add3A_177 : i32
    %run_scoped3A_179 = arith.constant 0 : i32
    "tpu.region"() ({
      %run_scoped3A_234 = tpu.sem_alloc : memref<!tpu.dma_semaphore, #tpu.memory_space<semaphore_mem>>
      %dma_start3A_235 = arith.constant 0 : i32
      %dma_start3A_236 = arith.constant 0 : i32
      %dma_start3A_237 = tpu.memref_slice %arg8[%run_scoped3A_179, %dma_start3A_235, %dma_start3A_236] : memref<4x40x128xf32, #tpu.memory_space<vmem>> -> memref<1x40x128xf32, #tpu.memory_space<vmem>>
      %dma_start3A_238 = tpu.memref_squeeze %dma_start3A_237 : memref<1x40x128xf32, #tpu.memory_space<vmem>> -> memref<40x128xf32, #tpu.memory_space<vmem>>
      %dma_start3A_239 = arith.constant 0 : i32
      %dma_start3A_240 = tpu.memref_slice %arg5[%arg0, %add3A_178, %dma_start3A_239] : memref<2x10112x128xf32, #tpu.memory_space<hbm>> -> memref<1x40x128xf32, #tpu.memory_space<hbm>>
      %dma_start3A_241 = tpu.memref_squeeze %dma_start3A_240 : memref<1x40x128xf32, #tpu.memory_space<hbm>> -> memref<40x128xf32, #tpu.memory_space<hbm>>
      %dma_start3A_242 = arith.constant 0 : i32
      %dma_start3A_243 = tpu.memref_slice %arg5[%arg0, %add3A_178, %dma_start3A_242] : memref<2x10112x128xf32, #tpu.memory_space<hbm>> -> memref<1x40x128xf32, #tpu.memory_space<hbm>>
      %dma_start3A_244 = tpu.memref_squeeze %dma_start3A_243 : memref<1x40x128xf32, #tpu.memory_space<hbm>> -> memref<40x128xf32, #tpu.memory_space<hbm>>
      %dma_start3A_245 = arith.constant 0 : i32
      %dma_start3A_246 = arith.constant 0 : i32
      %dma_start3A_247 = tpu.memref_slice %arg8[%run_scoped3A_179, %dma_start3A_245, %dma_start3A_246] : memref<4x40x128xf32, #tpu.memory_space<vmem>> -> memref<1x40x128xf32, #tpu.memory_space<vmem>>
      %dma_start3A_248 = tpu.memref_squeeze %dma_start3A_247 : memref<1x40x128xf32, #tpu.memory_space<vmem>> -> memref<40x128xf32, #tpu.memory_space<vmem>>
      tpu.enqueue_dma source(%dma_start3A_248 : memref<40x128xf32, #tpu.memory_space<vmem>>) target(%dma_start3A_244 : memref<40x128xf32, #tpu.memory_space<hbm>>) target_semaphore(%run_scoped3A_234 : memref<!tpu.dma_semaphore, #tpu.memory_space<semaphore_mem>>)
      %dma_wait3A_249 = arith.constant 0 : i32
      %dma_wait3A_250 = arith.constant 0 : i32
      %dma_wait3A_251 = tpu.memref_slice %arg8[%run_scoped3A_179, %dma_wait3A_249, %dma_wait3A_250] : memref<4x40x128xf32, #tpu.memory_space<vmem>> -> memref<1x40x128xf32, #tpu.memory_space<vmem>>
      %dma_wait3A_252 = tpu.memref_squeeze %dma_wait3A_251 : memref<1x40x128xf32, #tpu.memory_space<vmem>> -> memref<40x128xf32, #tpu.memory_space<vmem>>
      %dma_wait3A_253 = arith.constant 0 : i32
      %dma_wait3A_254 = tpu.memref_slice %arg5[%arg0, %add3A_178, %dma_wait3A_253] : memref<2x10112x128xf32, #tpu.memory_space<hbm>> -> memref<1x40x128xf32, #tpu.memory_space<hbm>>
      %dma_wait3A_255 = tpu.memref_squeeze %dma_wait3A_254 : memref<1x40x128xf32, #tpu.memory_space<hbm>> -> memref<40x128xf32, #tpu.memory_space<hbm>>
      %dma_wait3A_256 = arith.constant 0 : i32
      %dma_wait3A_257 = tpu.memref_slice %arg5[%arg0, %add3A_178, %dma_wait3A_256] : memref<2x10112x128xf32, #tpu.memory_space<hbm>> -> memref<1x40x128xf32, #tpu.memory_space<hbm>>
      %dma_wait3A_258 = tpu.memref_squeeze %dma_wait3A_257 : memref<1x40x128xf32, #tpu.memory_space<hbm>> -> memref<40x128xf32, #tpu.memory_space<hbm>>
      %dma_wait3A_259 = arith.constant 0 : i32
      %dma_wait3A_260 = arith.constant 0 : i32
      %dma_wait3A_261 = tpu.memref_slice %arg8[%run_scoped3A_179, %dma_wait3A_259, %dma_wait3A_260] : memref<4x40x128xf32, #tpu.memory_space<vmem>> -> memref<1x40x128xf32, #tpu.memory_space<vmem>>
      %dma_wait3A_262 = tpu.memref_squeeze %dma_wait3A_261 : memref<1x40x128xf32, #tpu.memory_space<vmem>> -> memref<40x128xf32, #tpu.memory_space<vmem>>
      tpu.wait_dma2 semaphore(%run_scoped3A_234 : memref<!tpu.dma_semaphore, #tpu.memory_space<semaphore_mem>>) src(%dma_wait3A_262 : memref<40x128xf32, #tpu.memory_space<vmem>>) dst(%dma_wait3A_258 : memref<40x128xf32, #tpu.memory_space<hbm>>)
      tpu.yield
    }) : () -> ()
    %add3A_180 = arith.constant 280 : i32
    %add3A_181 = arith.addi %mul3A_6, %add3A_180 : i32
    %run_scoped3A_182 = arith.constant 0 : i32
    "tpu.region"() ({
      %run_scoped3A_234 = tpu.sem_alloc : memref<!tpu.dma_semaphore, #tpu.memory_space<semaphore_mem>>
      %dma_start3A_235 = arith.constant 0 : i32
      %dma_start3A_236 = arith.constant 0 : i32
      %dma_start3A_237 = tpu.memref_slice %arg8[%run_scoped3A_182, %dma_start3A_235, %dma_start3A_236] : memref<4x40x128xf32, #tpu.memory_space<vmem>> -> memref<1x40x128xf32, #tpu.memory_space<vmem>>
      %dma_start3A_238 = tpu.memref_squeeze %dma_start3A_237 : memref<1x40x128xf32, #tpu.memory_space<vmem>> -> memref<40x128xf32, #tpu.memory_space<vmem>>
      %dma_start3A_239 = arith.constant 0 : i32
      %dma_start3A_240 = tpu.memref_slice %arg9[%add3A_181, %dma_start3A_239] : memref<10112x128xf32, #tpu.memory_space<vmem_shared>> -> memref<40x128xf32, #tpu.memory_space<vmem_shared>>
      %dma_start3A_241 = arith.constant 0 : i32
      %dma_start3A_242 = arith.constant 0 : i32
      %dma_start3A_243 = tpu.memref_slice %arg8[%run_scoped3A_182, %dma_start3A_241, %dma_start3A_242] : memref<4x40x128xf32, #tpu.memory_space<vmem>> -> memref<1x40x128xf32, #tpu.memory_space<vmem>>
      %dma_start3A_244 = tpu.memref_squeeze %dma_start3A_243 : memref<1x40x128xf32, #tpu.memory_space<vmem>> -> memref<40x128xf32, #tpu.memory_space<vmem>>
      %dma_start3A_245 = arith.constant 0 : i32
      %dma_start3A_246 = tpu.memref_slice %arg9[%add3A_181, %dma_start3A_245] : memref<10112x128xf32, #tpu.memory_space<vmem_shared>> -> memref<40x128xf32, #tpu.memory_space<vmem_shared>>
      tpu.enqueue_dma source(%dma_start3A_246 : memref<40x128xf32, #tpu.memory_space<vmem_shared>>) target(%dma_start3A_244 : memref<40x128xf32, #tpu.memory_space<vmem>>) target_semaphore(%run_scoped3A_234 : memref<!tpu.dma_semaphore, #tpu.memory_space<semaphore_mem>>)
      %dma_wait3A_247 = arith.constant 0 : i32
      %dma_wait3A_248 = arith.constant 0 : i32
      %dma_wait3A_249 = tpu.memref_slice %arg8[%run_scoped3A_182, %dma_wait3A_247, %dma_wait3A_248] : memref<4x40x128xf32, #tpu.memory_space<vmem>> -> memref<1x40x128xf32, #tpu.memory_space<vmem>>
      %dma_wait3A_250 = tpu.memref_squeeze %dma_wait3A_249 : memref<1x40x128xf32, #tpu.memory_space<vmem>> -> memref<40x128xf32, #tpu.memory_space<vmem>>
      %dma_wait3A_251 = arith.constant 0 : i32
      %dma_wait3A_252 = tpu.memref_slice %arg9[%add3A_181, %dma_wait3A_251] : memref<10112x128xf32, #tpu.memory_space<vmem_shared>> -> memref<40x128xf32, #tpu.memory_space<vmem_shared>>
      %dma_wait3A_253 = arith.constant 0 : i32
      %dma_wait3A_254 = arith.constant 0 : i32
      %dma_wait3A_255 = tpu.memref_slice %arg8[%run_scoped3A_182, %dma_wait3A_253, %dma_wait3A_254] : memref<4x40x128xf32, #tpu.memory_space<vmem>> -> memref<1x40x128xf32, #tpu.memory_space<vmem>>
      %dma_wait3A_256 = tpu.memref_squeeze %dma_wait3A_255 : memref<1x40x128xf32, #tpu.memory_space<vmem>> -> memref<40x128xf32, #tpu.memory_space<vmem>>
      %dma_wait3A_257 = arith.constant 0 : i32
      %dma_wait3A_258 = tpu.memref_slice %arg9[%add3A_181, %dma_wait3A_257] : memref<10112x128xf32, #tpu.memory_space<vmem_shared>> -> memref<40x128xf32, #tpu.memory_space<vmem_shared>>
      tpu.wait_dma2 semaphore(%run_scoped3A_234 : memref<!tpu.dma_semaphore, #tpu.memory_space<semaphore_mem>>) src(%dma_wait3A_258 : memref<40x128xf32, #tpu.memory_space<vmem_shared>>) dst(%dma_wait3A_256 : memref<40x128xf32, #tpu.memory_space<vmem>>)
      tpu.yield
    }) : () -> ()
    %add3A_183 = arith.constant 280 : i32
    %add3A_184 = arith.addi %mul3A_6, %add3A_183 : i32
    %run_scoped3A_185 = arith.constant 0 : i32
    "tpu.region"() ({
      %run_scoped3A_234 = tpu.sem_alloc : memref<!tpu.dma_semaphore, #tpu.memory_space<semaphore_mem>>
      %dma_start3A_235 = arith.constant 0 : i32
      %dma_start3A_236 = arith.constant 0 : i32
      %dma_start3A_237 = tpu.memref_slice %arg8[%run_scoped3A_185, %dma_start3A_235, %dma_start3A_236] : memref<4x40x128xf32, #tpu.memory_space<vmem>> -> memref<1x40x128xf32, #tpu.memory_space<vmem>>
      %dma_start3A_238 = tpu.memref_squeeze %dma_start3A_237 : memref<1x40x128xf32, #tpu.memory_space<vmem>> -> memref<40x128xf32, #tpu.memory_space<vmem>>
      %dma_start3A_239 = arith.constant 0 : i32
      %dma_start3A_240 = tpu.memref_slice %arg5[%arg0, %add3A_184, %dma_start3A_239] : memref<2x10112x128xf32, #tpu.memory_space<hbm>> -> memref<1x40x128xf32, #tpu.memory_space<hbm>>
      %dma_start3A_241 = tpu.memref_squeeze %dma_start3A_240 : memref<1x40x128xf32, #tpu.memory_space<hbm>> -> memref<40x128xf32, #tpu.memory_space<hbm>>
      %dma_start3A_242 = arith.constant 0 : i32
      %dma_start3A_243 = tpu.memref_slice %arg5[%arg0, %add3A_184, %dma_start3A_242] : memref<2x10112x128xf32, #tpu.memory_space<hbm>> -> memref<1x40x128xf32, #tpu.memory_space<hbm>>
      %dma_start3A_244 = tpu.memref_squeeze %dma_start3A_243 : memref<1x40x128xf32, #tpu.memory_space<hbm>> -> memref<40x128xf32, #tpu.memory_space<hbm>>
      %dma_start3A_245 = arith.constant 0 : i32
      %dma_start3A_246 = arith.constant 0 : i32
      %dma_start3A_247 = tpu.memref_slice %arg8[%run_scoped3A_185, %dma_start3A_245, %dma_start3A_246] : memref<4x40x128xf32, #tpu.memory_space<vmem>> -> memref<1x40x128xf32, #tpu.memory_space<vmem>>
      %dma_start3A_248 = tpu.memref_squeeze %dma_start3A_247 : memref<1x40x128xf32, #tpu.memory_space<vmem>> -> memref<40x128xf32, #tpu.memory_space<vmem>>
      tpu.enqueue_dma source(%dma_start3A_248 : memref<40x128xf32, #tpu.memory_space<vmem>>) target(%dma_start3A_244 : memref<40x128xf32, #tpu.memory_space<hbm>>) target_semaphore(%run_scoped3A_234 : memref<!tpu.dma_semaphore, #tpu.memory_space<semaphore_mem>>)
      %dma_wait3A_249 = arith.constant 0 : i32
      %dma_wait3A_250 = arith.constant 0 : i32
      %dma_wait3A_251 = tpu.memref_slice %arg8[%run_scoped3A_185, %dma_wait3A_249, %dma_wait3A_250] : memref<4x40x128xf32, #tpu.memory_space<vmem>> -> memref<1x40x128xf32, #tpu.memory_space<vmem>>
      %dma_wait3A_252 = tpu.memref_squeeze %dma_wait3A_251 : memref<1x40x128xf32, #tpu.memory_space<vmem>> -> memref<40x128xf32, #tpu.memory_space<vmem>>
      %dma_wait3A_253 = arith.constant 0 : i32
      %dma_wait3A_254 = tpu.memref_slice %arg5[%arg0, %add3A_184, %dma_wait3A_253] : memref<2x10112x128xf32, #tpu.memory_space<hbm>> -> memref<1x40x128xf32, #tpu.memory_space<hbm>>
      %dma_wait3A_255 = tpu.memref_squeeze %dma_wait3A_254 : memref<1x40x128xf32, #tpu.memory_space<hbm>> -> memref<40x128xf32, #tpu.memory_space<hbm>>
      %dma_wait3A_256 = arith.constant 0 : i32
      %dma_wait3A_257 = tpu.memref_slice %arg5[%arg0, %add3A_184, %dma_wait3A_256] : memref<2x10112x128xf32, #tpu.memory_space<hbm>> -> memref<1x40x128xf32, #tpu.memory_space<hbm>>
      %dma_wait3A_258 = tpu.memref_squeeze %dma_wait3A_257 : memref<1x40x128xf32, #tpu.memory_space<hbm>> -> memref<40x128xf32, #tpu.memory_space<hbm>>
      %dma_wait3A_259 = arith.constant 0 : i32
      %dma_wait3A_260 = arith.constant 0 : i32
      %dma_wait3A_261 = tpu.memref_slice %arg8[%run_scoped3A_185, %dma_wait3A_259, %dma_wait3A_260] : memref<4x40x128xf32, #tpu.memory_space<vmem>> -> memref<1x40x128xf32, #tpu.memory_space<vmem>>
      %dma_wait3A_262 = tpu.memref_squeeze %dma_wait3A_261 : memref<1x40x128xf32, #tpu.memory_space<vmem>> -> memref<40x128xf32, #tpu.memory_space<vmem>>
      tpu.wait_dma2 semaphore(%run_scoped3A_234 : memref<!tpu.dma_semaphore, #tpu.memory_space<semaphore_mem>>) src(%dma_wait3A_262 : memref<40x128xf32, #tpu.memory_space<vmem>>) dst(%dma_wait3A_258 : memref<40x128xf32, #tpu.memory_space<hbm>>)
      tpu.yield
    }) : () -> ()
    %add3A_186 = arith.constant 320 : i32
    %add3A_187 = arith.addi %mul3A_6, %add3A_186 : i32
    %run_scoped3A_188 = arith.constant 0 : i32
    "tpu.region"() ({
      %run_scoped3A_234 = tpu.sem_alloc : memref<!tpu.dma_semaphore, #tpu.memory_space<semaphore_mem>>
      %dma_start3A_235 = arith.constant 0 : i32
      %dma_start3A_236 = arith.constant 0 : i32
      %dma_start3A_237 = tpu.memref_slice %arg8[%run_scoped3A_188, %dma_start3A_235, %dma_start3A_236] : memref<4x40x128xf32, #tpu.memory_space<vmem>> -> memref<1x40x128xf32, #tpu.memory_space<vmem>>
      %dma_start3A_238 = tpu.memref_squeeze %dma_start3A_237 : memref<1x40x128xf32, #tpu.memory_space<vmem>> -> memref<40x128xf32, #tpu.memory_space<vmem>>
      %dma_start3A_239 = arith.constant 0 : i32
      %dma_start3A_240 = tpu.memref_slice %arg9[%add3A_187, %dma_start3A_239] : memref<10112x128xf32, #tpu.memory_space<vmem_shared>> -> memref<40x128xf32, #tpu.memory_space<vmem_shared>>
      %dma_start3A_241 = arith.constant 0 : i32
      %dma_start3A_242 = arith.constant 0 : i32
      %dma_start3A_243 = tpu.memref_slice %arg8[%run_scoped3A_188, %dma_start3A_241, %dma_start3A_242] : memref<4x40x128xf32, #tpu.memory_space<vmem>> -> memref<1x40x128xf32, #tpu.memory_space<vmem>>
      %dma_start3A_244 = tpu.memref_squeeze %dma_start3A_243 : memref<1x40x128xf32, #tpu.memory_space<vmem>> -> memref<40x128xf32, #tpu.memory_space<vmem>>
      %dma_start3A_245 = arith.constant 0 : i32
      %dma_start3A_246 = tpu.memref_slice %arg9[%add3A_187, %dma_start3A_245] : memref<10112x128xf32, #tpu.memory_space<vmem_shared>> -> memref<40x128xf32, #tpu.memory_space<vmem_shared>>
      tpu.enqueue_dma source(%dma_start3A_246 : memref<40x128xf32, #tpu.memory_space<vmem_shared>>) target(%dma_start3A_244 : memref<40x128xf32, #tpu.memory_space<vmem>>) target_semaphore(%run_scoped3A_234 : memref<!tpu.dma_semaphore, #tpu.memory_space<semaphore_mem>>)
      %dma_wait3A_247 = arith.constant 0 : i32
      %dma_wait3A_248 = arith.constant 0 : i32
      %dma_wait3A_249 = tpu.memref_slice %arg8[%run_scoped3A_188, %dma_wait3A_247, %dma_wait3A_248] : memref<4x40x128xf32, #tpu.memory_space<vmem>> -> memref<1x40x128xf32, #tpu.memory_space<vmem>>
      %dma_wait3A_250 = tpu.memref_squeeze %dma_wait3A_249 : memref<1x40x128xf32, #tpu.memory_space<vmem>> -> memref<40x128xf32, #tpu.memory_space<vmem>>
      %dma_wait3A_251 = arith.constant 0 : i32
      %dma_wait3A_252 = tpu.memref_slice %arg9[%add3A_187, %dma_wait3A_251] : memref<10112x128xf32, #tpu.memory_space<vmem_shared>> -> memref<40x128xf32, #tpu.memory_space<vmem_shared>>
      %dma_wait3A_253 = arith.constant 0 : i32
      %dma_wait3A_254 = arith.constant 0 : i32
      %dma_wait3A_255 = tpu.memref_slice %arg8[%run_scoped3A_188, %dma_wait3A_253, %dma_wait3A_254] : memref<4x40x128xf32, #tpu.memory_space<vmem>> -> memref<1x40x128xf32, #tpu.memory_space<vmem>>
      %dma_wait3A_256 = tpu.memref_squeeze %dma_wait3A_255 : memref<1x40x128xf32, #tpu.memory_space<vmem>> -> memref<40x128xf32, #tpu.memory_space<vmem>>
      %dma_wait3A_257 = arith.constant 0 : i32
      %dma_wait3A_258 = tpu.memref_slice %arg9[%add3A_187, %dma_wait3A_257] : memref<10112x128xf32, #tpu.memory_space<vmem_shared>> -> memref<40x128xf32, #tpu.memory_space<vmem_shared>>
      tpu.wait_dma2 semaphore(%run_scoped3A_234 : memref<!tpu.dma_semaphore, #tpu.memory_space<semaphore_mem>>) src(%dma_wait3A_258 : memref<40x128xf32, #tpu.memory_space<vmem_shared>>) dst(%dma_wait3A_256 : memref<40x128xf32, #tpu.memory_space<vmem>>)
      tpu.yield
    }) : () -> ()
    %add3A_189 = arith.constant 320 : i32
    %add3A_190 = arith.addi %mul3A_6, %add3A_189 : i32
    %run_scoped3A_191 = arith.constant 0 : i32
    "tpu.region"() ({
      %run_scoped3A_234 = tpu.sem_alloc : memref<!tpu.dma_semaphore, #tpu.memory_space<semaphore_mem>>
      %dma_start3A_235 = arith.constant 0 : i32
      %dma_start3A_236 = arith.constant 0 : i32
      %dma_start3A_237 = tpu.memref_slice %arg8[%run_scoped3A_191, %dma_start3A_235, %dma_start3A_236] : memref<4x40x128xf32, #tpu.memory_space<vmem>> -> memref<1x40x128xf32, #tpu.memory_space<vmem>>
      %dma_start3A_238 = tpu.memref_squeeze %dma_start3A_237 : memref<1x40x128xf32, #tpu.memory_space<vmem>> -> memref<40x128xf32, #tpu.memory_space<vmem>>
      %dma_start3A_239 = arith.constant 0 : i32
      %dma_start3A_240 = tpu.memref_slice %arg5[%arg0, %add3A_190, %dma_start3A_239] : memref<2x10112x128xf32, #tpu.memory_space<hbm>> -> memref<1x40x128xf32, #tpu.memory_space<hbm>>
      %dma_start3A_241 = tpu.memref_squeeze %dma_start3A_240 : memref<1x40x128xf32, #tpu.memory_space<hbm>> -> memref<40x128xf32, #tpu.memory_space<hbm>>
      %dma_start3A_242 = arith.constant 0 : i32
      %dma_start3A_243 = tpu.memref_slice %arg5[%arg0, %add3A_190, %dma_start3A_242] : memref<2x10112x128xf32, #tpu.memory_space<hbm>> -> memref<1x40x128xf32, #tpu.memory_space<hbm>>
      %dma_start3A_244 = tpu.memref_squeeze %dma_start3A_243 : memref<1x40x128xf32, #tpu.memory_space<hbm>> -> memref<40x128xf32, #tpu.memory_space<hbm>>
      %dma_start3A_245 = arith.constant 0 : i32
      %dma_start3A_246 = arith.constant 0 : i32
      %dma_start3A_247 = tpu.memref_slice %arg8[%run_scoped3A_191, %dma_start3A_245, %dma_start3A_246] : memref<4x40x128xf32, #tpu.memory_space<vmem>> -> memref<1x40x128xf32, #tpu.memory_space<vmem>>
      %dma_start3A_248 = tpu.memref_squeeze %dma_start3A_247 : memref<1x40x128xf32, #tpu.memory_space<vmem>> -> memref<40x128xf32, #tpu.memory_space<vmem>>
      tpu.enqueue_dma source(%dma_start3A_248 : memref<40x128xf32, #tpu.memory_space<vmem>>) target(%dma_start3A_244 : memref<40x128xf32, #tpu.memory_space<hbm>>) target_semaphore(%run_scoped3A_234 : memref<!tpu.dma_semaphore, #tpu.memory_space<semaphore_mem>>)
      %dma_wait3A_249 = arith.constant 0 : i32
      %dma_wait3A_250 = arith.constant 0 : i32
      %dma_wait3A_251 = tpu.memref_slice %arg8[%run_scoped3A_191, %dma_wait3A_249, %dma_wait3A_250] : memref<4x40x128xf32, #tpu.memory_space<vmem>> -> memref<1x40x128xf32, #tpu.memory_space<vmem>>
      %dma_wait3A_252 = tpu.memref_squeeze %dma_wait3A_251 : memref<1x40x128xf32, #tpu.memory_space<vmem>> -> memref<40x128xf32, #tpu.memory_space<vmem>>
      %dma_wait3A_253 = arith.constant 0 : i32
      %dma_wait3A_254 = tpu.memref_slice %arg5[%arg0, %add3A_190, %dma_wait3A_253] : memref<2x10112x128xf32, #tpu.memory_space<hbm>> -> memref<1x40x128xf32, #tpu.memory_space<hbm>>
      %dma_wait3A_255 = tpu.memref_squeeze %dma_wait3A_254 : memref<1x40x128xf32, #tpu.memory_space<hbm>> -> memref<40x128xf32, #tpu.memory_space<hbm>>
      %dma_wait3A_256 = arith.constant 0 : i32
      %dma_wait3A_257 = tpu.memref_slice %arg5[%arg0, %add3A_190, %dma_wait3A_256] : memref<2x10112x128xf32, #tpu.memory_space<hbm>> -> memref<1x40x128xf32, #tpu.memory_space<hbm>>
      %dma_wait3A_258 = tpu.memref_squeeze %dma_wait3A_257 : memref<1x40x128xf32, #tpu.memory_space<hbm>> -> memref<40x128xf32, #tpu.memory_space<hbm>>
      %dma_wait3A_259 = arith.constant 0 : i32
      %dma_wait3A_260 = arith.constant 0 : i32
      %dma_wait3A_261 = tpu.memref_slice %arg8[%run_scoped3A_191, %dma_wait3A_259, %dma_wait3A_260] : memref<4x40x128xf32, #tpu.memory_space<vmem>> -> memref<1x40x128xf32, #tpu.memory_space<vmem>>
      %dma_wait3A_262 = tpu.memref_squeeze %dma_wait3A_261 : memref<1x40x128xf32, #tpu.memory_space<vmem>> -> memref<40x128xf32, #tpu.memory_space<vmem>>
      tpu.wait_dma2 semaphore(%run_scoped3A_234 : memref<!tpu.dma_semaphore, #tpu.memory_space<semaphore_mem>>) src(%dma_wait3A_262 : memref<40x128xf32, #tpu.memory_space<vmem>>) dst(%dma_wait3A_258 : memref<40x128xf32, #tpu.memory_space<hbm>>)
      tpu.yield
    }) : () -> ()
    %add3A_192 = arith.constant 360 : i32
    %add3A_193 = arith.addi %mul3A_6, %add3A_192 : i32
    %run_scoped3A_194 = arith.constant 0 : i32
    "tpu.region"() ({
      %run_scoped3A_234 = tpu.sem_alloc : memref<!tpu.dma_semaphore, #tpu.memory_space<semaphore_mem>>
      %dma_start3A_235 = arith.constant 0 : i32
      %dma_start3A_236 = arith.constant 0 : i32
      %dma_start3A_237 = tpu.memref_slice %arg8[%run_scoped3A_194, %dma_start3A_235, %dma_start3A_236] : memref<4x40x128xf32, #tpu.memory_space<vmem>> -> memref<1x40x128xf32, #tpu.memory_space<vmem>>
      %dma_start3A_238 = tpu.memref_squeeze %dma_start3A_237 : memref<1x40x128xf32, #tpu.memory_space<vmem>> -> memref<40x128xf32, #tpu.memory_space<vmem>>
      %dma_start3A_239 = arith.constant 0 : i32
      %dma_start3A_240 = tpu.memref_slice %arg9[%add3A_193, %dma_start3A_239] : memref<10112x128xf32, #tpu.memory_space<vmem_shared>> -> memref<40x128xf32, #tpu.memory_space<vmem_shared>>
      %dma_start3A_241 = arith.constant 0 : i32
      %dma_start3A_242 = arith.constant 0 : i32
      %dma_start3A_243 = tpu.memref_slice %arg8[%run_scoped3A_194, %dma_start3A_241, %dma_start3A_242] : memref<4x40x128xf32, #tpu.memory_space<vmem>> -> memref<1x40x128xf32, #tpu.memory_space<vmem>>
      %dma_start3A_244 = tpu.memref_squeeze %dma_start3A_243 : memref<1x40x128xf32, #tpu.memory_space<vmem>> -> memref<40x128xf32, #tpu.memory_space<vmem>>
      %dma_start3A_245 = arith.constant 0 : i32
      %dma_start3A_246 = tpu.memref_slice %arg9[%add3A_193, %dma_start3A_245] : memref<10112x128xf32, #tpu.memory_space<vmem_shared>> -> memref<40x128xf32, #tpu.memory_space<vmem_shared>>
      tpu.enqueue_dma source(%dma_start3A_246 : memref<40x128xf32, #tpu.memory_space<vmem_shared>>) target(%dma_start3A_244 : memref<40x128xf32, #tpu.memory_space<vmem>>) target_semaphore(%run_scoped3A_234 : memref<!tpu.dma_semaphore, #tpu.memory_space<semaphore_mem>>)
      %dma_wait3A_247 = arith.constant 0 : i32
      %dma_wait3A_248 = arith.constant 0 : i32
      %dma_wait3A_249 = tpu.memref_slice %arg8[%run_scoped3A_194, %dma_wait3A_247, %dma_wait3A_248] : memref<4x40x128xf32, #tpu.memory_space<vmem>> -> memref<1x40x128xf32, #tpu.memory_space<vmem>>
      %dma_wait3A_250 = tpu.memref_squeeze %dma_wait3A_249 : memref<1x40x128xf32, #tpu.memory_space<vmem>> -> memref<40x128xf32, #tpu.memory_space<vmem>>
      %dma_wait3A_251 = arith.constant 0 : i32
      %dma_wait3A_252 = tpu.memref_slice %arg9[%add3A_193, %dma_wait3A_251] : memref<10112x128xf32, #tpu.memory_space<vmem_shared>> -> memref<40x128xf32, #tpu.memory_space<vmem_shared>>
      %dma_wait3A_253 = arith.constant 0 : i32
      %dma_wait3A_254 = arith.constant 0 : i32
      %dma_wait3A_255 = tpu.memref_slice %arg8[%run_scoped3A_194, %dma_wait3A_253, %dma_wait3A_254] : memref<4x40x128xf32, #tpu.memory_space<vmem>> -> memref<1x40x128xf32, #tpu.memory_space<vmem>>
      %dma_wait3A_256 = tpu.memref_squeeze %dma_wait3A_255 : memref<1x40x128xf32, #tpu.memory_space<vmem>> -> memref<40x128xf32, #tpu.memory_space<vmem>>
      %dma_wait3A_257 = arith.constant 0 : i32
      %dma_wait3A_258 = tpu.memref_slice %arg9[%add3A_193, %dma_wait3A_257] : memref<10112x128xf32, #tpu.memory_space<vmem_shared>> -> memref<40x128xf32, #tpu.memory_space<vmem_shared>>
      tpu.wait_dma2 semaphore(%run_scoped3A_234 : memref<!tpu.dma_semaphore, #tpu.memory_space<semaphore_mem>>) src(%dma_wait3A_258 : memref<40x128xf32, #tpu.memory_space<vmem_shared>>) dst(%dma_wait3A_256 : memref<40x128xf32, #tpu.memory_space<vmem>>)
      tpu.yield
    }) : () -> ()
    %add3A_195 = arith.constant 360 : i32
    %add3A_196 = arith.addi %mul3A_6, %add3A_195 : i32
    %run_scoped3A_197 = arith.constant 0 : i32
    "tpu.region"() ({
      %run_scoped3A_234 = tpu.sem_alloc : memref<!tpu.dma_semaphore, #tpu.memory_space<semaphore_mem>>
      %dma_start3A_235 = arith.constant 0 : i32
      %dma_start3A_236 = arith.constant 0 : i32
      %dma_start3A_237 = tpu.memref_slice %arg8[%run_scoped3A_197, %dma_start3A_235, %dma_start3A_236] : memref<4x40x128xf32, #tpu.memory_space<vmem>> -> memref<1x40x128xf32, #tpu.memory_space<vmem>>
      %dma_start3A_238 = tpu.memref_squeeze %dma_start3A_237 : memref<1x40x128xf32, #tpu.memory_space<vmem>> -> memref<40x128xf32, #tpu.memory_space<vmem>>
      %dma_start3A_239 = arith.constant 0 : i32
      %dma_start3A_240 = tpu.memref_slice %arg5[%arg0, %add3A_196, %dma_start3A_239] : memref<2x10112x128xf32, #tpu.memory_space<hbm>> -> memref<1x40x128xf32, #tpu.memory_space<hbm>>
      %dma_start3A_241 = tpu.memref_squeeze %dma_start3A_240 : memref<1x40x128xf32, #tpu.memory_space<hbm>> -> memref<40x128xf32, #tpu.memory_space<hbm>>
      %dma_start3A_242 = arith.constant 0 : i32
      %dma_start3A_243 = tpu.memref_slice %arg5[%arg0, %add3A_196, %dma_start3A_242] : memref<2x10112x128xf32, #tpu.memory_space<hbm>> -> memref<1x40x128xf32, #tpu.memory_space<hbm>>
      %dma_start3A_244 = tpu.memref_squeeze %dma_start3A_243 : memref<1x40x128xf32, #tpu.memory_space<hbm>> -> memref<40x128xf32, #tpu.memory_space<hbm>>
      %dma_start3A_245 = arith.constant 0 : i32
      %dma_start3A_246 = arith.constant 0 : i32
      %dma_start3A_247 = tpu.memref_slice %arg8[%run_scoped3A_197, %dma_start3A_245, %dma_start3A_246] : memref<4x40x128xf32, #tpu.memory_space<vmem>> -> memref<1x40x128xf32, #tpu.memory_space<vmem>>
      %dma_start3A_248 = tpu.memref_squeeze %dma_start3A_247 : memref<1x40x128xf32, #tpu.memory_space<vmem>> -> memref<40x128xf32, #tpu.memory_space<vmem>>
      tpu.enqueue_dma source(%dma_start3A_248 : memref<40x128xf32, #tpu.memory_space<vmem>>) target(%dma_start3A_244 : memref<40x128xf32, #tpu.memory_space<hbm>>) target_semaphore(%run_scoped3A_234 : memref<!tpu.dma_semaphore, #tpu.memory_space<semaphore_mem>>)
      %dma_wait3A_249 = arith.constant 0 : i32
      %dma_wait3A_250 = arith.constant 0 : i32
      %dma_wait3A_251 = tpu.memref_slice %arg8[%run_scoped3A_197, %dma_wait3A_249, %dma_wait3A_250] : memref<4x40x128xf32, #tpu.memory_space<vmem>> -> memref<1x40x128xf32, #tpu.memory_space<vmem>>
      %dma_wait3A_252 = tpu.memref_squeeze %dma_wait3A_251 : memref<1x40x128xf32, #tpu.memory_space<vmem>> -> memref<40x128xf32, #tpu.memory_space<vmem>>
      %dma_wait3A_253 = arith.constant 0 : i32
      %dma_wait3A_254 = tpu.memref_slice %arg5[%arg0, %add3A_196, %dma_wait3A_253] : memref<2x10112x128xf32, #tpu.memory_space<hbm>> -> memref<1x40x128xf32, #tpu.memory_space<hbm>>
      %dma_wait3A_255 = tpu.memref_squeeze %dma_wait3A_254 : memref<1x40x128xf32, #tpu.memory_space<hbm>> -> memref<40x128xf32, #tpu.memory_space<hbm>>
      %dma_wait3A_256 = arith.constant 0 : i32
      %dma_wait3A_257 = tpu.memref_slice %arg5[%arg0, %add3A_196, %dma_wait3A_256] : memref<2x10112x128xf32, #tpu.memory_space<hbm>> -> memref<1x40x128xf32, #tpu.memory_space<hbm>>
      %dma_wait3A_258 = tpu.memref_squeeze %dma_wait3A_257 : memref<1x40x128xf32, #tpu.memory_space<hbm>> -> memref<40x128xf32, #tpu.memory_space<hbm>>
      %dma_wait3A_259 = arith.constant 0 : i32
      %dma_wait3A_260 = arith.constant 0 : i32
      %dma_wait3A_261 = tpu.memref_slice %arg8[%run_scoped3A_197, %dma_wait3A_259, %dma_wait3A_260] : memref<4x40x128xf32, #tpu.memory_space<vmem>> -> memref<1x40x128xf32, #tpu.memory_space<vmem>>
      %dma_wait3A_262 = tpu.memref_squeeze %dma_wait3A_261 : memref<1x40x128xf32, #tpu.memory_space<vmem>> -> memref<40x128xf32, #tpu.memory_space<vmem>>
      tpu.wait_dma2 semaphore(%run_scoped3A_234 : memref<!tpu.dma_semaphore, #tpu.memory_space<semaphore_mem>>) src(%dma_wait3A_262 : memref<40x128xf32, #tpu.memory_space<vmem>>) dst(%dma_wait3A_258 : memref<40x128xf32, #tpu.memory_space<hbm>>)
      tpu.yield
    }) : () -> ()
    %add3A_198 = arith.constant 400 : i32
    %add3A_199 = arith.addi %mul3A_6, %add3A_198 : i32
    %run_scoped3A_200 = arith.constant 0 : i32
    "tpu.region"() ({
      %run_scoped3A_234 = tpu.sem_alloc : memref<!tpu.dma_semaphore, #tpu.memory_space<semaphore_mem>>
      %dma_start3A_235 = arith.constant 0 : i32
      %dma_start3A_236 = arith.constant 0 : i32
      %dma_start3A_237 = tpu.memref_slice %arg8[%run_scoped3A_200, %dma_start3A_235, %dma_start3A_236] : memref<4x40x128xf32, #tpu.memory_space<vmem>> -> memref<1x40x128xf32, #tpu.memory_space<vmem>>
      %dma_start3A_238 = tpu.memref_squeeze %dma_start3A_237 : memref<1x40x128xf32, #tpu.memory_space<vmem>> -> memref<40x128xf32, #tpu.memory_space<vmem>>
      %dma_start3A_239 = arith.constant 0 : i32
      %dma_start3A_240 = tpu.memref_slice %arg9[%add3A_199, %dma_start3A_239] : memref<10112x128xf32, #tpu.memory_space<vmem_shared>> -> memref<40x128xf32, #tpu.memory_space<vmem_shared>>
      %dma_start3A_241 = arith.constant 0 : i32
      %dma_start3A_242 = arith.constant 0 : i32
      %dma_start3A_243 = tpu.memref_slice %arg8[%run_scoped3A_200, %dma_start3A_241, %dma_start3A_242] : memref<4x40x128xf32, #tpu.memory_space<vmem>> -> memref<1x40x128xf32, #tpu.memory_space<vmem>>
      %dma_start3A_244 = tpu.memref_squeeze %dma_start3A_243 : memref<1x40x128xf32, #tpu.memory_space<vmem>> -> memref<40x128xf32, #tpu.memory_space<vmem>>
      %dma_start3A_245 = arith.constant 0 : i32
      %dma_start3A_246 = tpu.memref_slice %arg9[%add3A_199, %dma_start3A_245] : memref<10112x128xf32, #tpu.memory_space<vmem_shared>> -> memref<40x128xf32, #tpu.memory_space<vmem_shared>>
      tpu.enqueue_dma source(%dma_start3A_246 : memref<40x128xf32, #tpu.memory_space<vmem_shared>>) target(%dma_start3A_244 : memref<40x128xf32, #tpu.memory_space<vmem>>) target_semaphore(%run_scoped3A_234 : memref<!tpu.dma_semaphore, #tpu.memory_space<semaphore_mem>>)
      %dma_wait3A_247 = arith.constant 0 : i32
      %dma_wait3A_248 = arith.constant 0 : i32
      %dma_wait3A_249 = tpu.memref_slice %arg8[%run_scoped3A_200, %dma_wait3A_247, %dma_wait3A_248] : memref<4x40x128xf32, #tpu.memory_space<vmem>> -> memref<1x40x128xf32, #tpu.memory_space<vmem>>
      %dma_wait3A_250 = tpu.memref_squeeze %dma_wait3A_249 : memref<1x40x128xf32, #tpu.memory_space<vmem>> -> memref<40x128xf32, #tpu.memory_space<vmem>>
      %dma_wait3A_251 = arith.constant 0 : i32
      %dma_wait3A_252 = tpu.memref_slice %arg9[%add3A_199, %dma_wait3A_251] : memref<10112x128xf32, #tpu.memory_space<vmem_shared>> -> memref<40x128xf32, #tpu.memory_space<vmem_shared>>
      %dma_wait3A_253 = arith.constant 0 : i32
      %dma_wait3A_254 = arith.constant 0 : i32
      %dma_wait3A_255 = tpu.memref_slice %arg8[%run_scoped3A_200, %dma_wait3A_253, %dma_wait3A_254] : memref<4x40x128xf32, #tpu.memory_space<vmem>> -> memref<1x40x128xf32, #tpu.memory_space<vmem>>
      %dma_wait3A_256 = tpu.memref_squeeze %dma_wait3A_255 : memref<1x40x128xf32, #tpu.memory_space<vmem>> -> memref<40x128xf32, #tpu.memory_space<vmem>>
      %dma_wait3A_257 = arith.constant 0 : i32
      %dma_wait3A_258 = tpu.memref_slice %arg9[%add3A_199, %dma_wait3A_257] : memref<10112x128xf32, #tpu.memory_space<vmem_shared>> -> memref<40x128xf32, #tpu.memory_space<vmem_shared>>
      tpu.wait_dma2 semaphore(%run_scoped3A_234 : memref<!tpu.dma_semaphore, #tpu.memory_space<semaphore_mem>>) src(%dma_wait3A_258 : memref<40x128xf32, #tpu.memory_space<vmem_shared>>) dst(%dma_wait3A_256 : memref<40x128xf32, #tpu.memory_space<vmem>>)
      tpu.yield
    }) : () -> ()
    %add3A_201 = arith.constant 400 : i32
    %add3A_202 = arith.addi %mul3A_6, %add3A_201 : i32
    %run_scoped3A_203 = arith.constant 0 : i32
    "tpu.region"() ({
      %run_scoped3A_234 = tpu.sem_alloc : memref<!tpu.dma_semaphore, #tpu.memory_space<semaphore_mem>>
      %dma_start3A_235 = arith.constant 0 : i32
      %dma_start3A_236 = arith.constant 0 : i32
      %dma_start3A_237 = tpu.memref_slice %arg8[%run_scoped3A_203, %dma_start3A_235, %dma_start3A_236] : memref<4x40x128xf32, #tpu.memory_space<vmem>> -> memref<1x40x128xf32, #tpu.memory_space<vmem>>
      %dma_start3A_238 = tpu.memref_squeeze %dma_start3A_237 : memref<1x40x128xf32, #tpu.memory_space<vmem>> -> memref<40x128xf32, #tpu.memory_space<vmem>>
      %dma_start3A_239 = arith.constant 0 : i32
      %dma_start3A_240 = tpu.memref_slice %arg5[%arg0, %add3A_202, %dma_start3A_239] : memref<2x10112x128xf32, #tpu.memory_space<hbm>> -> memref<1x40x128xf32, #tpu.memory_space<hbm>>
      %dma_start3A_241 = tpu.memref_squeeze %dma_start3A_240 : memref<1x40x128xf32, #tpu.memory_space<hbm>> -> memref<40x128xf32, #tpu.memory_space<hbm>>
      %dma_start3A_242 = arith.constant 0 : i32
      %dma_start3A_243 = tpu.memref_slice %arg5[%arg0, %add3A_202, %dma_start3A_242] : memref<2x10112x128xf32, #tpu.memory_space<hbm>> -> memref<1x40x128xf32, #tpu.memory_space<hbm>>
      %dma_start3A_244 = tpu.memref_squeeze %dma_start3A_243 : memref<1x40x128xf32, #tpu.memory_space<hbm>> -> memref<40x128xf32, #tpu.memory_space<hbm>>
      %dma_start3A_245 = arith.constant 0 : i32
      %dma_start3A_246 = arith.constant 0 : i32
      %dma_start3A_247 = tpu.memref_slice %arg8[%run_scoped3A_203, %dma_start3A_245, %dma_start3A_246] : memref<4x40x128xf32, #tpu.memory_space<vmem>> -> memref<1x40x128xf32, #tpu.memory_space<vmem>>
      %dma_start3A_248 = tpu.memref_squeeze %dma_start3A_247 : memref<1x40x128xf32, #tpu.memory_space<vmem>> -> memref<40x128xf32, #tpu.memory_space<vmem>>
      tpu.enqueue_dma source(%dma_start3A_248 : memref<40x128xf32, #tpu.memory_space<vmem>>) target(%dma_start3A_244 : memref<40x128xf32, #tpu.memory_space<hbm>>) target_semaphore(%run_scoped3A_234 : memref<!tpu.dma_semaphore, #tpu.memory_space<semaphore_mem>>)
      %dma_wait3A_249 = arith.constant 0 : i32
      %dma_wait3A_250 = arith.constant 0 : i32
      %dma_wait3A_251 = tpu.memref_slice %arg8[%run_scoped3A_203, %dma_wait3A_249, %dma_wait3A_250] : memref<4x40x128xf32, #tpu.memory_space<vmem>> -> memref<1x40x128xf32, #tpu.memory_space<vmem>>
      %dma_wait3A_252 = tpu.memref_squeeze %dma_wait3A_251 : memref<1x40x128xf32, #tpu.memory_space<vmem>> -> memref<40x128xf32, #tpu.memory_space<vmem>>
      %dma_wait3A_253 = arith.constant 0 : i32
      %dma_wait3A_254 = tpu.memref_slice %arg5[%arg0, %add3A_202, %dma_wait3A_253] : memref<2x10112x128xf32, #tpu.memory_space<hbm>> -> memref<1x40x128xf32, #tpu.memory_space<hbm>>
      %dma_wait3A_255 = tpu.memref_squeeze %dma_wait3A_254 : memref<1x40x128xf32, #tpu.memory_space<hbm>> -> memref<40x128xf32, #tpu.memory_space<hbm>>
      %dma_wait3A_256 = arith.constant 0 : i32
      %dma_wait3A_257 = tpu.memref_slice %arg5[%arg0, %add3A_202, %dma_wait3A_256] : memref<2x10112x128xf32, #tpu.memory_space<hbm>> -> memref<1x40x128xf32, #tpu.memory_space<hbm>>
      %dma_wait3A_258 = tpu.memref_squeeze %dma_wait3A_257 : memref<1x40x128xf32, #tpu.memory_space<hbm>> -> memref<40x128xf32, #tpu.memory_space<hbm>>
      %dma_wait3A_259 = arith.constant 0 : i32
      %dma_wait3A_260 = arith.constant 0 : i32
      %dma_wait3A_261 = tpu.memref_slice %arg8[%run_scoped3A_203, %dma_wait3A_259, %dma_wait3A_260] : memref<4x40x128xf32, #tpu.memory_space<vmem>> -> memref<1x40x128xf32, #tpu.memory_space<vmem>>
      %dma_wait3A_262 = tpu.memref_squeeze %dma_wait3A_261 : memref<1x40x128xf32, #tpu.memory_space<vmem>> -> memref<40x128xf32, #tpu.memory_space<vmem>>
      tpu.wait_dma2 semaphore(%run_scoped3A_234 : memref<!tpu.dma_semaphore, #tpu.memory_space<semaphore_mem>>) src(%dma_wait3A_262 : memref<40x128xf32, #tpu.memory_space<vmem>>) dst(%dma_wait3A_258 : memref<40x128xf32, #tpu.memory_space<hbm>>)
      tpu.yield
    }) : () -> ()
    %add3A_204 = arith.constant 440 : i32
    %add3A_205 = arith.addi %mul3A_6, %add3A_204 : i32
    %run_scoped3A_206 = arith.constant 0 : i32
    "tpu.region"() ({
      %run_scoped3A_234 = tpu.sem_alloc : memref<!tpu.dma_semaphore, #tpu.memory_space<semaphore_mem>>
      %dma_start3A_235 = arith.constant 0 : i32
      %dma_start3A_236 = arith.constant 0 : i32
      %dma_start3A_237 = tpu.memref_slice %arg8[%run_scoped3A_206, %dma_start3A_235, %dma_start3A_236] : memref<4x40x128xf32, #tpu.memory_space<vmem>> -> memref<1x40x128xf32, #tpu.memory_space<vmem>>
      %dma_start3A_238 = tpu.memref_squeeze %dma_start3A_237 : memref<1x40x128xf32, #tpu.memory_space<vmem>> -> memref<40x128xf32, #tpu.memory_space<vmem>>
      %dma_start3A_239 = arith.constant 0 : i32
      %dma_start3A_240 = tpu.memref_slice %arg9[%add3A_205, %dma_start3A_239] : memref<10112x128xf32, #tpu.memory_space<vmem_shared>> -> memref<40x128xf32, #tpu.memory_space<vmem_shared>>
      %dma_start3A_241 = arith.constant 0 : i32
      %dma_start3A_242 = arith.constant 0 : i32
      %dma_start3A_243 = tpu.memref_slice %arg8[%run_scoped3A_206, %dma_start3A_241, %dma_start3A_242] : memref<4x40x128xf32, #tpu.memory_space<vmem>> -> memref<1x40x128xf32, #tpu.memory_space<vmem>>
      %dma_start3A_244 = tpu.memref_squeeze %dma_start3A_243 : memref<1x40x128xf32, #tpu.memory_space<vmem>> -> memref<40x128xf32, #tpu.memory_space<vmem>>
      %dma_start3A_245 = arith.constant 0 : i32
      %dma_start3A_246 = tpu.memref_slice %arg9[%add3A_205, %dma_start3A_245] : memref<10112x128xf32, #tpu.memory_space<vmem_shared>> -> memref<40x128xf32, #tpu.memory_space<vmem_shared>>
      tpu.enqueue_dma source(%dma_start3A_246 : memref<40x128xf32, #tpu.memory_space<vmem_shared>>) target(%dma_start3A_244 : memref<40x128xf32, #tpu.memory_space<vmem>>) target_semaphore(%run_scoped3A_234 : memref<!tpu.dma_semaphore, #tpu.memory_space<semaphore_mem>>)
      %dma_wait3A_247 = arith.constant 0 : i32
      %dma_wait3A_248 = arith.constant 0 : i32
      %dma_wait3A_249 = tpu.memref_slice %arg8[%run_scoped3A_206, %dma_wait3A_247, %dma_wait3A_248] : memref<4x40x128xf32, #tpu.memory_space<vmem>> -> memref<1x40x128xf32, #tpu.memory_space<vmem>>
      %dma_wait3A_250 = tpu.memref_squeeze %dma_wait3A_249 : memref<1x40x128xf32, #tpu.memory_space<vmem>> -> memref<40x128xf32, #tpu.memory_space<vmem>>
      %dma_wait3A_251 = arith.constant 0 : i32
      %dma_wait3A_252 = tpu.memref_slice %arg9[%add3A_205, %dma_wait3A_251] : memref<10112x128xf32, #tpu.memory_space<vmem_shared>> -> memref<40x128xf32, #tpu.memory_space<vmem_shared>>
      %dma_wait3A_253 = arith.constant 0 : i32
      %dma_wait3A_254 = arith.constant 0 : i32
      %dma_wait3A_255 = tpu.memref_slice %arg8[%run_scoped3A_206, %dma_wait3A_253, %dma_wait3A_254] : memref<4x40x128xf32, #tpu.memory_space<vmem>> -> memref<1x40x128xf32, #tpu.memory_space<vmem>>
      %dma_wait3A_256 = tpu.memref_squeeze %dma_wait3A_255 : memref<1x40x128xf32, #tpu.memory_space<vmem>> -> memref<40x128xf32, #tpu.memory_space<vmem>>
      %dma_wait3A_257 = arith.constant 0 : i32
      %dma_wait3A_258 = tpu.memref_slice %arg9[%add3A_205, %dma_wait3A_257] : memref<10112x128xf32, #tpu.memory_space<vmem_shared>> -> memref<40x128xf32, #tpu.memory_space<vmem_shared>>
      tpu.wait_dma2 semaphore(%run_scoped3A_234 : memref<!tpu.dma_semaphore, #tpu.memory_space<semaphore_mem>>) src(%dma_wait3A_258 : memref<40x128xf32, #tpu.memory_space<vmem_shared>>) dst(%dma_wait3A_256 : memref<40x128xf32, #tpu.memory_space<vmem>>)
      tpu.yield
    }) : () -> ()
    %add3A_207 = arith.constant 440 : i32
    %add3A_208 = arith.addi %mul3A_6, %add3A_207 : i32
    %run_scoped3A_209 = arith.constant 0 : i32
    "tpu.region"() ({
      %run_scoped3A_234 = tpu.sem_alloc : memref<!tpu.dma_semaphore, #tpu.memory_space<semaphore_mem>>
      %dma_start3A_235 = arith.constant 0 : i32
      %dma_start3A_236 = arith.constant 0 : i32
      %dma_start3A_237 = tpu.memref_slice %arg8[%run_scoped3A_209, %dma_start3A_235, %dma_start3A_236] : memref<4x40x128xf32, #tpu.memory_space<vmem>> -> memref<1x40x128xf32, #tpu.memory_space<vmem>>
      %dma_start3A_238 = tpu.memref_squeeze %dma_start3A_237 : memref<1x40x128xf32, #tpu.memory_space<vmem>> -> memref<40x128xf32, #tpu.memory_space<vmem>>
      %dma_start3A_239 = arith.constant 0 : i32
      %dma_start3A_240 = tpu.memref_slice %arg5[%arg0, %add3A_208, %dma_start3A_239] : memref<2x10112x128xf32, #tpu.memory_space<hbm>> -> memref<1x40x128xf32, #tpu.memory_space<hbm>>
      %dma_start3A_241 = tpu.memref_squeeze %dma_start3A_240 : memref<1x40x128xf32, #tpu.memory_space<hbm>> -> memref<40x128xf32, #tpu.memory_space<hbm>>
      %dma_start3A_242 = arith.constant 0 : i32
      %dma_start3A_243 = tpu.memref_slice %arg5[%arg0, %add3A_208, %dma_start3A_242] : memref<2x10112x128xf32, #tpu.memory_space<hbm>> -> memref<1x40x128xf32, #tpu.memory_space<hbm>>
      %dma_start3A_244 = tpu.memref_squeeze %dma_start3A_243 : memref<1x40x128xf32, #tpu.memory_space<hbm>> -> memref<40x128xf32, #tpu.memory_space<hbm>>
      %dma_start3A_245 = arith.constant 0 : i32
      %dma_start3A_246 = arith.constant 0 : i32
      %dma_start3A_247 = tpu.memref_slice %arg8[%run_scoped3A_209, %dma_start3A_245, %dma_start3A_246] : memref<4x40x128xf32, #tpu.memory_space<vmem>> -> memref<1x40x128xf32, #tpu.memory_space<vmem>>
      %dma_start3A_248 = tpu.memref_squeeze %dma_start3A_247 : memref<1x40x128xf32, #tpu.memory_space<vmem>> -> memref<40x128xf32, #tpu.memory_space<vmem>>
      tpu.enqueue_dma source(%dma_start3A_248 : memref<40x128xf32, #tpu.memory_space<vmem>>) target(%dma_start3A_244 : memref<40x128xf32, #tpu.memory_space<hbm>>) target_semaphore(%run_scoped3A_234 : memref<!tpu.dma_semaphore, #tpu.memory_space<semaphore_mem>>)
      %dma_wait3A_249 = arith.constant 0 : i32
      %dma_wait3A_250 = arith.constant 0 : i32
      %dma_wait3A_251 = tpu.memref_slice %arg8[%run_scoped3A_209, %dma_wait3A_249, %dma_wait3A_250] : memref<4x40x128xf32, #tpu.memory_space<vmem>> -> memref<1x40x128xf32, #tpu.memory_space<vmem>>
      %dma_wait3A_252 = tpu.memref_squeeze %dma_wait3A_251 : memref<1x40x128xf32, #tpu.memory_space<vmem>> -> memref<40x128xf32, #tpu.memory_space<vmem>>
      %dma_wait3A_253 = arith.constant 0 : i32
      %dma_wait3A_254 = tpu.memref_slice %arg5[%arg0, %add3A_208, %dma_wait3A_253] : memref<2x10112x128xf32, #tpu.memory_space<hbm>> -> memref<1x40x128xf32, #tpu.memory_space<hbm>>
      %dma_wait3A_255 = tpu.memref_squeeze %dma_wait3A_254 : memref<1x40x128xf32, #tpu.memory_space<hbm>> -> memref<40x128xf32, #tpu.memory_space<hbm>>
      %dma_wait3A_256 = arith.constant 0 : i32
      %dma_wait3A_257 = tpu.memref_slice %arg5[%arg0, %add3A_208, %dma_wait3A_256] : memref<2x10112x128xf32, #tpu.memory_space<hbm>> -> memref<1x40x128xf32, #tpu.memory_space<hbm>>
      %dma_wait3A_258 = tpu.memref_squeeze %dma_wait3A_257 : memref<1x40x128xf32, #tpu.memory_space<hbm>> -> memref<40x128xf32, #tpu.memory_space<hbm>>
      %dma_wait3A_259 = arith.constant 0 : i32
      %dma_wait3A_260 = arith.constant 0 : i32
      %dma_wait3A_261 = tpu.memref_slice %arg8[%run_scoped3A_209, %dma_wait3A_259, %dma_wait3A_260] : memref<4x40x128xf32, #tpu.memory_space<vmem>> -> memref<1x40x128xf32, #tpu.memory_space<vmem>>
      %dma_wait3A_262 = tpu.memref_squeeze %dma_wait3A_261 : memref<1x40x128xf32, #tpu.memory_space<vmem>> -> memref<40x128xf32, #tpu.memory_space<vmem>>
      tpu.wait_dma2 semaphore(%run_scoped3A_234 : memref<!tpu.dma_semaphore, #tpu.memory_space<semaphore_mem>>) src(%dma_wait3A_262 : memref<40x128xf32, #tpu.memory_space<vmem>>) dst(%dma_wait3A_258 : memref<40x128xf32, #tpu.memory_space<hbm>>)
      tpu.yield
    }) : () -> ()
    %add3A_210 = arith.constant 480 : i32
    %add3A_211 = arith.addi %mul3A_6, %add3A_210 : i32
    %run_scoped3A_212 = arith.constant 0 : i32
    "tpu.region"() ({
      %run_scoped3A_234 = tpu.sem_alloc : memref<!tpu.dma_semaphore, #tpu.memory_space<semaphore_mem>>
      %dma_start3A_235 = arith.constant 0 : i32
      %dma_start3A_236 = arith.constant 0 : i32
      %dma_start3A_237 = tpu.memref_slice %arg8[%run_scoped3A_212, %dma_start3A_235, %dma_start3A_236] : memref<4x40x128xf32, #tpu.memory_space<vmem>> -> memref<1x40x128xf32, #tpu.memory_space<vmem>>
      %dma_start3A_238 = tpu.memref_squeeze %dma_start3A_237 : memref<1x40x128xf32, #tpu.memory_space<vmem>> -> memref<40x128xf32, #tpu.memory_space<vmem>>
      %dma_start3A_239 = arith.constant 0 : i32
      %dma_start3A_240 = tpu.memref_slice %arg9[%add3A_211, %dma_start3A_239] : memref<10112x128xf32, #tpu.memory_space<vmem_shared>> -> memref<40x128xf32, #tpu.memory_space<vmem_shared>>
      %dma_start3A_241 = arith.constant 0 : i32
      %dma_start3A_242 = arith.constant 0 : i32
      %dma_start3A_243 = tpu.memref_slice %arg8[%run_scoped3A_212, %dma_start3A_241, %dma_start3A_242] : memref<4x40x128xf32, #tpu.memory_space<vmem>> -> memref<1x40x128xf32, #tpu.memory_space<vmem>>
      %dma_start3A_244 = tpu.memref_squeeze %dma_start3A_243 : memref<1x40x128xf32, #tpu.memory_space<vmem>> -> memref<40x128xf32, #tpu.memory_space<vmem>>
      %dma_start3A_245 = arith.constant 0 : i32
      %dma_start3A_246 = tpu.memref_slice %arg9[%add3A_211, %dma_start3A_245] : memref<10112x128xf32, #tpu.memory_space<vmem_shared>> -> memref<40x128xf32, #tpu.memory_space<vmem_shared>>
      tpu.enqueue_dma source(%dma_start3A_246 : memref<40x128xf32, #tpu.memory_space<vmem_shared>>) target(%dma_start3A_244 : memref<40x128xf32, #tpu.memory_space<vmem>>) target_semaphore(%run_scoped3A_234 : memref<!tpu.dma_semaphore, #tpu.memory_space<semaphore_mem>>)
      %dma_wait3A_247 = arith.constant 0 : i32
      %dma_wait3A_248 = arith.constant 0 : i32
      %dma_wait3A_249 = tpu.memref_slice %arg8[%run_scoped3A_212, %dma_wait3A_247, %dma_wait3A_248] : memref<4x40x128xf32, #tpu.memory_space<vmem>> -> memref<1x40x128xf32, #tpu.memory_space<vmem>>
      %dma_wait3A_250 = tpu.memref_squeeze %dma_wait3A_249 : memref<1x40x128xf32, #tpu.memory_space<vmem>> -> memref<40x128xf32, #tpu.memory_space<vmem>>
      %dma_wait3A_251 = arith.constant 0 : i32
      %dma_wait3A_252 = tpu.memref_slice %arg9[%add3A_211, %dma_wait3A_251] : memref<10112x128xf32, #tpu.memory_space<vmem_shared>> -> memref<40x128xf32, #tpu.memory_space<vmem_shared>>
      %dma_wait3A_253 = arith.constant 0 : i32
      %dma_wait3A_254 = arith.constant 0 : i32
      %dma_wait3A_255 = tpu.memref_slice %arg8[%run_scoped3A_212, %dma_wait3A_253, %dma_wait3A_254] : memref<4x40x128xf32, #tpu.memory_space<vmem>> -> memref<1x40x128xf32, #tpu.memory_space<vmem>>
      %dma_wait3A_256 = tpu.memref_squeeze %dma_wait3A_255 : memref<1x40x128xf32, #tpu.memory_space<vmem>> -> memref<40x128xf32, #tpu.memory_space<vmem>>
      %dma_wait3A_257 = arith.constant 0 : i32
      %dma_wait3A_258 = tpu.memref_slice %arg9[%add3A_211, %dma_wait3A_257] : memref<10112x128xf32, #tpu.memory_space<vmem_shared>> -> memref<40x128xf32, #tpu.memory_space<vmem_shared>>
      tpu.wait_dma2 semaphore(%run_scoped3A_234 : memref<!tpu.dma_semaphore, #tpu.memory_space<semaphore_mem>>) src(%dma_wait3A_258 : memref<40x128xf32, #tpu.memory_space<vmem_shared>>) dst(%dma_wait3A_256 : memref<40x128xf32, #tpu.memory_space<vmem>>)
      tpu.yield
    }) : () -> ()
    %add3A_213 = arith.constant 480 : i32
    %add3A_214 = arith.addi %mul3A_6, %add3A_213 : i32
    %run_scoped3A_215 = arith.constant 0 : i32
    "tpu.region"() ({
      %run_scoped3A_234 = tpu.sem_alloc : memref<!tpu.dma_semaphore, #tpu.memory_space<semaphore_mem>>
      %dma_start3A_235 = arith.constant 0 : i32
      %dma_start3A_236 = arith.constant 0 : i32
      %dma_start3A_237 = tpu.memref_slice %arg8[%run_scoped3A_215, %dma_start3A_235, %dma_start3A_236] : memref<4x40x128xf32, #tpu.memory_space<vmem>> -> memref<1x40x128xf32, #tpu.memory_space<vmem>>
      %dma_start3A_238 = tpu.memref_squeeze %dma_start3A_237 : memref<1x40x128xf32, #tpu.memory_space<vmem>> -> memref<40x128xf32, #tpu.memory_space<vmem>>
      %dma_start3A_239 = arith.constant 0 : i32
      %dma_start3A_240 = tpu.memref_slice %arg5[%arg0, %add3A_214, %dma_start3A_239] : memref<2x10112x128xf32, #tpu.memory_space<hbm>> -> memref<1x40x128xf32, #tpu.memory_space<hbm>>
      %dma_start3A_241 = tpu.memref_squeeze %dma_start3A_240 : memref<1x40x128xf32, #tpu.memory_space<hbm>> -> memref<40x128xf32, #tpu.memory_space<hbm>>
      %dma_start3A_242 = arith.constant 0 : i32
      %dma_start3A_243 = tpu.memref_slice %arg5[%arg0, %add3A_214, %dma_start3A_242] : memref<2x10112x128xf32, #tpu.memory_space<hbm>> -> memref<1x40x128xf32, #tpu.memory_space<hbm>>
      %dma_start3A_244 = tpu.memref_squeeze %dma_start3A_243 : memref<1x40x128xf32, #tpu.memory_space<hbm>> -> memref<40x128xf32, #tpu.memory_space<hbm>>
      %dma_start3A_245 = arith.constant 0 : i32
      %dma_start3A_246 = arith.constant 0 : i32
      %dma_start3A_247 = tpu.memref_slice %arg8[%run_scoped3A_215, %dma_start3A_245, %dma_start3A_246] : memref<4x40x128xf32, #tpu.memory_space<vmem>> -> memref<1x40x128xf32, #tpu.memory_space<vmem>>
      %dma_start3A_248 = tpu.memref_squeeze %dma_start3A_247 : memref<1x40x128xf32, #tpu.memory_space<vmem>> -> memref<40x128xf32, #tpu.memory_space<vmem>>
      tpu.enqueue_dma source(%dma_start3A_248 : memref<40x128xf32, #tpu.memory_space<vmem>>) target(%dma_start3A_244 : memref<40x128xf32, #tpu.memory_space<hbm>>) target_semaphore(%run_scoped3A_234 : memref<!tpu.dma_semaphore, #tpu.memory_space<semaphore_mem>>)
      %dma_wait3A_249 = arith.constant 0 : i32
      %dma_wait3A_250 = arith.constant 0 : i32
      %dma_wait3A_251 = tpu.memref_slice %arg8[%run_scoped3A_215, %dma_wait3A_249, %dma_wait3A_250] : memref<4x40x128xf32, #tpu.memory_space<vmem>> -> memref<1x40x128xf32, #tpu.memory_space<vmem>>
      %dma_wait3A_252 = tpu.memref_squeeze %dma_wait3A_251 : memref<1x40x128xf32, #tpu.memory_space<vmem>> -> memref<40x128xf32, #tpu.memory_space<vmem>>
      %dma_wait3A_253 = arith.constant 0 : i32
      %dma_wait3A_254 = tpu.memref_slice %arg5[%arg0, %add3A_214, %dma_wait3A_253] : memref<2x10112x128xf32, #tpu.memory_space<hbm>> -> memref<1x40x128xf32, #tpu.memory_space<hbm>>
      %dma_wait3A_255 = tpu.memref_squeeze %dma_wait3A_254 : memref<1x40x128xf32, #tpu.memory_space<hbm>> -> memref<40x128xf32, #tpu.memory_space<hbm>>
      %dma_wait3A_256 = arith.constant 0 : i32
      %dma_wait3A_257 = tpu.memref_slice %arg5[%arg0, %add3A_214, %dma_wait3A_256] : memref<2x10112x128xf32, #tpu.memory_space<hbm>> -> memref<1x40x128xf32, #tpu.memory_space<hbm>>
      %dma_wait3A_258 = tpu.memref_squeeze %dma_wait3A_257 : memref<1x40x128xf32, #tpu.memory_space<hbm>> -> memref<40x128xf32, #tpu.memory_space<hbm>>
      %dma_wait3A_259 = arith.constant 0 : i32
      %dma_wait3A_260 = arith.constant 0 : i32
      %dma_wait3A_261 = tpu.memref_slice %arg8[%run_scoped3A_215, %dma_wait3A_259, %dma_wait3A_260] : memref<4x40x128xf32, #tpu.memory_space<vmem>> -> memref<1x40x128xf32, #tpu.memory_space<vmem>>
      %dma_wait3A_262 = tpu.memref_squeeze %dma_wait3A_261 : memref<1x40x128xf32, #tpu.memory_space<vmem>> -> memref<40x128xf32, #tpu.memory_space<vmem>>
      tpu.wait_dma2 semaphore(%run_scoped3A_234 : memref<!tpu.dma_semaphore, #tpu.memory_space<semaphore_mem>>) src(%dma_wait3A_262 : memref<40x128xf32, #tpu.memory_space<vmem>>) dst(%dma_wait3A_258 : memref<40x128xf32, #tpu.memory_space<hbm>>)
      tpu.yield
    }) : () -> ()
    %add3A_216 = arith.constant 520 : i32
    %add3A_217 = arith.addi %mul3A_6, %add3A_216 : i32
    %run_scoped3A_218 = arith.constant 0 : i32
    "tpu.region"() ({
      %run_scoped3A_234 = tpu.sem_alloc : memref<!tpu.dma_semaphore, #tpu.memory_space<semaphore_mem>>
      %dma_start3A_235 = arith.constant 0 : i32
      %dma_start3A_236 = arith.constant 0 : i32
      %dma_start3A_237 = tpu.memref_slice %arg8[%run_scoped3A_218, %dma_start3A_235, %dma_start3A_236] : memref<4x40x128xf32, #tpu.memory_space<vmem>> -> memref<1x40x128xf32, #tpu.memory_space<vmem>>
      %dma_start3A_238 = tpu.memref_squeeze %dma_start3A_237 : memref<1x40x128xf32, #tpu.memory_space<vmem>> -> memref<40x128xf32, #tpu.memory_space<vmem>>
      %dma_start3A_239 = arith.constant 0 : i32
      %dma_start3A_240 = tpu.memref_slice %arg9[%add3A_217, %dma_start3A_239] : memref<10112x128xf32, #tpu.memory_space<vmem_shared>> -> memref<40x128xf32, #tpu.memory_space<vmem_shared>>
      %dma_start3A_241 = arith.constant 0 : i32
      %dma_start3A_242 = arith.constant 0 : i32
      %dma_start3A_243 = tpu.memref_slice %arg8[%run_scoped3A_218, %dma_start3A_241, %dma_start3A_242] : memref<4x40x128xf32, #tpu.memory_space<vmem>> -> memref<1x40x128xf32, #tpu.memory_space<vmem>>
      %dma_start3A_244 = tpu.memref_squeeze %dma_start3A_243 : memref<1x40x128xf32, #tpu.memory_space<vmem>> -> memref<40x128xf32, #tpu.memory_space<vmem>>
      %dma_start3A_245 = arith.constant 0 : i32
      %dma_start3A_246 = tpu.memref_slice %arg9[%add3A_217, %dma_start3A_245] : memref<10112x128xf32, #tpu.memory_space<vmem_shared>> -> memref<40x128xf32, #tpu.memory_space<vmem_shared>>
      tpu.enqueue_dma source(%dma_start3A_246 : memref<40x128xf32, #tpu.memory_space<vmem_shared>>) target(%dma_start3A_244 : memref<40x128xf32, #tpu.memory_space<vmem>>) target_semaphore(%run_scoped3A_234 : memref<!tpu.dma_semaphore, #tpu.memory_space<semaphore_mem>>)
      %dma_wait3A_247 = arith.constant 0 : i32
      %dma_wait3A_248 = arith.constant 0 : i32
      %dma_wait3A_249 = tpu.memref_slice %arg8[%run_scoped3A_218, %dma_wait3A_247, %dma_wait3A_248] : memref<4x40x128xf32, #tpu.memory_space<vmem>> -> memref<1x40x128xf32, #tpu.memory_space<vmem>>
      %dma_wait3A_250 = tpu.memref_squeeze %dma_wait3A_249 : memref<1x40x128xf32, #tpu.memory_space<vmem>> -> memref<40x128xf32, #tpu.memory_space<vmem>>
      %dma_wait3A_251 = arith.constant 0 : i32
      %dma_wait3A_252 = tpu.memref_slice %arg9[%add3A_217, %dma_wait3A_251] : memref<10112x128xf32, #tpu.memory_space<vmem_shared>> -> memref<40x128xf32, #tpu.memory_space<vmem_shared>>
      %dma_wait3A_253 = arith.constant 0 : i32
      %dma_wait3A_254 = arith.constant 0 : i32
      %dma_wait3A_255 = tpu.memref_slice %arg8[%run_scoped3A_218, %dma_wait3A_253, %dma_wait3A_254] : memref<4x40x128xf32, #tpu.memory_space<vmem>> -> memref<1x40x128xf32, #tpu.memory_space<vmem>>
      %dma_wait3A_256 = tpu.memref_squeeze %dma_wait3A_255 : memref<1x40x128xf32, #tpu.memory_space<vmem>> -> memref<40x128xf32, #tpu.memory_space<vmem>>
      %dma_wait3A_257 = arith.constant 0 : i32
      %dma_wait3A_258 = tpu.memref_slice %arg9[%add3A_217, %dma_wait3A_257] : memref<10112x128xf32, #tpu.memory_space<vmem_shared>> -> memref<40x128xf32, #tpu.memory_space<vmem_shared>>
      tpu.wait_dma2 semaphore(%run_scoped3A_234 : memref<!tpu.dma_semaphore, #tpu.memory_space<semaphore_mem>>) src(%dma_wait3A_258 : memref<40x128xf32, #tpu.memory_space<vmem_shared>>) dst(%dma_wait3A_256 : memref<40x128xf32, #tpu.memory_space<vmem>>)
      tpu.yield
    }) : () -> ()
    %add3A_219 = arith.constant 520 : i32
    %add3A_220 = arith.addi %mul3A_6, %add3A_219 : i32
    %run_scoped3A_221 = arith.constant 0 : i32
    "tpu.region"() ({
      %run_scoped3A_234 = tpu.sem_alloc : memref<!tpu.dma_semaphore, #tpu.memory_space<semaphore_mem>>
      %dma_start3A_235 = arith.constant 0 : i32
      %dma_start3A_236 = arith.constant 0 : i32
      %dma_start3A_237 = tpu.memref_slice %arg8[%run_scoped3A_221, %dma_start3A_235, %dma_start3A_236] : memref<4x40x128xf32, #tpu.memory_space<vmem>> -> memref<1x40x128xf32, #tpu.memory_space<vmem>>
      %dma_start3A_238 = tpu.memref_squeeze %dma_start3A_237 : memref<1x40x128xf32, #tpu.memory_space<vmem>> -> memref<40x128xf32, #tpu.memory_space<vmem>>
      %dma_start3A_239 = arith.constant 0 : i32
      %dma_start3A_240 = tpu.memref_slice %arg5[%arg0, %add3A_220, %dma_start3A_239] : memref<2x10112x128xf32, #tpu.memory_space<hbm>> -> memref<1x40x128xf32, #tpu.memory_space<hbm>>
      %dma_start3A_241 = tpu.memref_squeeze %dma_start3A_240 : memref<1x40x128xf32, #tpu.memory_space<hbm>> -> memref<40x128xf32, #tpu.memory_space<hbm>>
      %dma_start3A_242 = arith.constant 0 : i32
      %dma_start3A_243 = tpu.memref_slice %arg5[%arg0, %add3A_220, %dma_start3A_242] : memref<2x10112x128xf32, #tpu.memory_space<hbm>> -> memref<1x40x128xf32, #tpu.memory_space<hbm>>
      %dma_start3A_244 = tpu.memref_squeeze %dma_start3A_243 : memref<1x40x128xf32, #tpu.memory_space<hbm>> -> memref<40x128xf32, #tpu.memory_space<hbm>>
      %dma_start3A_245 = arith.constant 0 : i32
      %dma_start3A_246 = arith.constant 0 : i32
      %dma_start3A_247 = tpu.memref_slice %arg8[%run_scoped3A_221, %dma_start3A_245, %dma_start3A_246] : memref<4x40x128xf32, #tpu.memory_space<vmem>> -> memref<1x40x128xf32, #tpu.memory_space<vmem>>
      %dma_start3A_248 = tpu.memref_squeeze %dma_start3A_247 : memref<1x40x128xf32, #tpu.memory_space<vmem>> -> memref<40x128xf32, #tpu.memory_space<vmem>>
      tpu.enqueue_dma source(%dma_start3A_248 : memref<40x128xf32, #tpu.memory_space<vmem>>) target(%dma_start3A_244 : memref<40x128xf32, #tpu.memory_space<hbm>>) target_semaphore(%run_scoped3A_234 : memref<!tpu.dma_semaphore, #tpu.memory_space<semaphore_mem>>)
      %dma_wait3A_249 = arith.constant 0 : i32
      %dma_wait3A_250 = arith.constant 0 : i32
      %dma_wait3A_251 = tpu.memref_slice %arg8[%run_scoped3A_221, %dma_wait3A_249, %dma_wait3A_250] : memref<4x40x128xf32, #tpu.memory_space<vmem>> -> memref<1x40x128xf32, #tpu.memory_space<vmem>>
      %dma_wait3A_252 = tpu.memref_squeeze %dma_wait3A_251 : memref<1x40x128xf32, #tpu.memory_space<vmem>> -> memref<40x128xf32, #tpu.memory_space<vmem>>
      %dma_wait3A_253 = arith.constant 0 : i32
      %dma_wait3A_254 = tpu.memref_slice %arg5[%arg0, %add3A_220, %dma_wait3A_253] : memref<2x10112x128xf32, #tpu.memory_space<hbm>> -> memref<1x40x128xf32, #tpu.memory_space<hbm>>
      %dma_wait3A_255 = tpu.memref_squeeze %dma_wait3A_254 : memref<1x40x128xf32, #tpu.memory_space<hbm>> -> memref<40x128xf32, #tpu.memory_space<hbm>>
      %dma_wait3A_256 = arith.constant 0 : i32
      %dma_wait3A_257 = tpu.memref_slice %arg5[%arg0, %add3A_220, %dma_wait3A_256] : memref<2x10112x128xf32, #tpu.memory_space<hbm>> -> memref<1x40x128xf32, #tpu.memory_space<hbm>>
      %dma_wait3A_258 = tpu.memref_squeeze %dma_wait3A_257 : memref<1x40x128xf32, #tpu.memory_space<hbm>> -> memref<40x128xf32, #tpu.memory_space<hbm>>
      %dma_wait3A_259 = arith.constant 0 : i32
      %dma_wait3A_260 = arith.constant 0 : i32
      %dma_wait3A_261 = tpu.memref_slice %arg8[%run_scoped3A_221, %dma_wait3A_259, %dma_wait3A_260] : memref<4x40x128xf32, #tpu.memory_space<vmem>> -> memref<1x40x128xf32, #tpu.memory_space<vmem>>
      %dma_wait3A_262 = tpu.memref_squeeze %dma_wait3A_261 : memref<1x40x128xf32, #tpu.memory_space<vmem>> -> memref<40x128xf32, #tpu.memory_space<vmem>>
      tpu.wait_dma2 semaphore(%run_scoped3A_234 : memref<!tpu.dma_semaphore, #tpu.memory_space<semaphore_mem>>) src(%dma_wait3A_262 : memref<40x128xf32, #tpu.memory_space<vmem>>) dst(%dma_wait3A_258 : memref<40x128xf32, #tpu.memory_space<hbm>>)
      tpu.yield
    }) : () -> ()
    %add3A_222 = arith.constant 560 : i32
    %add3A_223 = arith.addi %mul3A_6, %add3A_222 : i32
    %run_scoped3A_224 = arith.constant 0 : i32
    "tpu.region"() ({
      %run_scoped3A_234 = tpu.sem_alloc : memref<!tpu.dma_semaphore, #tpu.memory_space<semaphore_mem>>
      %dma_start3A_235 = arith.constant 0 : i32
      %dma_start3A_236 = arith.constant 0 : i32
      %dma_start3A_237 = tpu.memref_slice %arg8[%run_scoped3A_224, %dma_start3A_235, %dma_start3A_236] : memref<4x40x128xf32, #tpu.memory_space<vmem>> -> memref<1x40x128xf32, #tpu.memory_space<vmem>>
      %dma_start3A_238 = tpu.memref_squeeze %dma_start3A_237 : memref<1x40x128xf32, #tpu.memory_space<vmem>> -> memref<40x128xf32, #tpu.memory_space<vmem>>
      %dma_start3A_239 = arith.constant 0 : i32
      %dma_start3A_240 = tpu.memref_slice %arg9[%add3A_223, %dma_start3A_239] : memref<10112x128xf32, #tpu.memory_space<vmem_shared>> -> memref<40x128xf32, #tpu.memory_space<vmem_shared>>
      %dma_start3A_241 = arith.constant 0 : i32
      %dma_start3A_242 = arith.constant 0 : i32
      %dma_start3A_243 = tpu.memref_slice %arg8[%run_scoped3A_224, %dma_start3A_241, %dma_start3A_242] : memref<4x40x128xf32, #tpu.memory_space<vmem>> -> memref<1x40x128xf32, #tpu.memory_space<vmem>>
      %dma_start3A_244 = tpu.memref_squeeze %dma_start3A_243 : memref<1x40x128xf32, #tpu.memory_space<vmem>> -> memref<40x128xf32, #tpu.memory_space<vmem>>
      %dma_start3A_245 = arith.constant 0 : i32
      %dma_start3A_246 = tpu.memref_slice %arg9[%add3A_223, %dma_start3A_245] : memref<10112x128xf32, #tpu.memory_space<vmem_shared>> -> memref<40x128xf32, #tpu.memory_space<vmem_shared>>
      tpu.enqueue_dma source(%dma_start3A_246 : memref<40x128xf32, #tpu.memory_space<vmem_shared>>) target(%dma_start3A_244 : memref<40x128xf32, #tpu.memory_space<vmem>>) target_semaphore(%run_scoped3A_234 : memref<!tpu.dma_semaphore, #tpu.memory_space<semaphore_mem>>)
      %dma_wait3A_247 = arith.constant 0 : i32
      %dma_wait3A_248 = arith.constant 0 : i32
      %dma_wait3A_249 = tpu.memref_slice %arg8[%run_scoped3A_224, %dma_wait3A_247, %dma_wait3A_248] : memref<4x40x128xf32, #tpu.memory_space<vmem>> -> memref<1x40x128xf32, #tpu.memory_space<vmem>>
      %dma_wait3A_250 = tpu.memref_squeeze %dma_wait3A_249 : memref<1x40x128xf32, #tpu.memory_space<vmem>> -> memref<40x128xf32, #tpu.memory_space<vmem>>
      %dma_wait3A_251 = arith.constant 0 : i32
      %dma_wait3A_252 = tpu.memref_slice %arg9[%add3A_223, %dma_wait3A_251] : memref<10112x128xf32, #tpu.memory_space<vmem_shared>> -> memref<40x128xf32, #tpu.memory_space<vmem_shared>>
      %dma_wait3A_253 = arith.constant 0 : i32
      %dma_wait3A_254 = arith.constant 0 : i32
      %dma_wait3A_255 = tpu.memref_slice %arg8[%run_scoped3A_224, %dma_wait3A_253, %dma_wait3A_254] : memref<4x40x128xf32, #tpu.memory_space<vmem>> -> memref<1x40x128xf32, #tpu.memory_space<vmem>>
      %dma_wait3A_256 = tpu.memref_squeeze %dma_wait3A_255 : memref<1x40x128xf32, #tpu.memory_space<vmem>> -> memref<40x128xf32, #tpu.memory_space<vmem>>
      %dma_wait3A_257 = arith.constant 0 : i32
      %dma_wait3A_258 = tpu.memref_slice %arg9[%add3A_223, %dma_wait3A_257] : memref<10112x128xf32, #tpu.memory_space<vmem_shared>> -> memref<40x128xf32, #tpu.memory_space<vmem_shared>>
      tpu.wait_dma2 semaphore(%run_scoped3A_234 : memref<!tpu.dma_semaphore, #tpu.memory_space<semaphore_mem>>) src(%dma_wait3A_258 : memref<40x128xf32, #tpu.memory_space<vmem_shared>>) dst(%dma_wait3A_256 : memref<40x128xf32, #tpu.memory_space<vmem>>)
      tpu.yield
    }) : () -> ()
    %add3A_225 = arith.constant 560 : i32
    %add3A_226 = arith.addi %mul3A_6, %add3A_225 : i32
    %run_scoped3A_227 = arith.constant 0 : i32
    "tpu.region"() ({
      %run_scoped3A_234 = tpu.sem_alloc : memref<!tpu.dma_semaphore, #tpu.memory_space<semaphore_mem>>
      %dma_start3A_235 = arith.constant 0 : i32
      %dma_start3A_236 = arith.constant 0 : i32
      %dma_start3A_237 = tpu.memref_slice %arg8[%run_scoped3A_227, %dma_start3A_235, %dma_start3A_236] : memref<4x40x128xf32, #tpu.memory_space<vmem>> -> memref<1x40x128xf32, #tpu.memory_space<vmem>>
      %dma_start3A_238 = tpu.memref_squeeze %dma_start3A_237 : memref<1x40x128xf32, #tpu.memory_space<vmem>> -> memref<40x128xf32, #tpu.memory_space<vmem>>
      %dma_start3A_239 = arith.constant 0 : i32
      %dma_start3A_240 = tpu.memref_slice %arg5[%arg0, %add3A_226, %dma_start3A_239] : memref<2x10112x128xf32, #tpu.memory_space<hbm>> -> memref<1x40x128xf32, #tpu.memory_space<hbm>>
      %dma_start3A_241 = tpu.memref_squeeze %dma_start3A_240 : memref<1x40x128xf32, #tpu.memory_space<hbm>> -> memref<40x128xf32, #tpu.memory_space<hbm>>
      %dma_start3A_242 = arith.constant 0 : i32
      %dma_start3A_243 = tpu.memref_slice %arg5[%arg0, %add3A_226, %dma_start3A_242] : memref<2x10112x128xf32, #tpu.memory_space<hbm>> -> memref<1x40x128xf32, #tpu.memory_space<hbm>>
      %dma_start3A_244 = tpu.memref_squeeze %dma_start3A_243 : memref<1x40x128xf32, #tpu.memory_space<hbm>> -> memref<40x128xf32, #tpu.memory_space<hbm>>
      %dma_start3A_245 = arith.constant 0 : i32
      %dma_start3A_246 = arith.constant 0 : i32
      %dma_start3A_247 = tpu.memref_slice %arg8[%run_scoped3A_227, %dma_start3A_245, %dma_start3A_246] : memref<4x40x128xf32, #tpu.memory_space<vmem>> -> memref<1x40x128xf32, #tpu.memory_space<vmem>>
      %dma_start3A_248 = tpu.memref_squeeze %dma_start3A_247 : memref<1x40x128xf32, #tpu.memory_space<vmem>> -> memref<40x128xf32, #tpu.memory_space<vmem>>
      tpu.enqueue_dma source(%dma_start3A_248 : memref<40x128xf32, #tpu.memory_space<vmem>>) target(%dma_start3A_244 : memref<40x128xf32, #tpu.memory_space<hbm>>) target_semaphore(%run_scoped3A_234 : memref<!tpu.dma_semaphore, #tpu.memory_space<semaphore_mem>>)
      %dma_wait3A_249 = arith.constant 0 : i32
      %dma_wait3A_250 = arith.constant 0 : i32
      %dma_wait3A_251 = tpu.memref_slice %arg8[%run_scoped3A_227, %dma_wait3A_249, %dma_wait3A_250] : memref<4x40x128xf32, #tpu.memory_space<vmem>> -> memref<1x40x128xf32, #tpu.memory_space<vmem>>
      %dma_wait3A_252 = tpu.memref_squeeze %dma_wait3A_251 : memref<1x40x128xf32, #tpu.memory_space<vmem>> -> memref<40x128xf32, #tpu.memory_space<vmem>>
      %dma_wait3A_253 = arith.constant 0 : i32
      %dma_wait3A_254 = tpu.memref_slice %arg5[%arg0, %add3A_226, %dma_wait3A_253] : memref<2x10112x128xf32, #tpu.memory_space<hbm>> -> memref<1x40x128xf32, #tpu.memory_space<hbm>>
      %dma_wait3A_255 = tpu.memref_squeeze %dma_wait3A_254 : memref<1x40x128xf32, #tpu.memory_space<hbm>> -> memref<40x128xf32, #tpu.memory_space<hbm>>
      %dma_wait3A_256 = arith.constant 0 : i32
      %dma_wait3A_257 = tpu.memref_slice %arg5[%arg0, %add3A_226, %dma_wait3A_256] : memref<2x10112x128xf32, #tpu.memory_space<hbm>> -> memref<1x40x128xf32, #tpu.memory_space<hbm>>
      %dma_wait3A_258 = tpu.memref_squeeze %dma_wait3A_257 : memref<1x40x128xf32, #tpu.memory_space<hbm>> -> memref<40x128xf32, #tpu.memory_space<hbm>>
      %dma_wait3A_259 = arith.constant 0 : i32
      %dma_wait3A_260 = arith.constant 0 : i32
      %dma_wait3A_261 = tpu.memref_slice %arg8[%run_scoped3A_227, %dma_wait3A_259, %dma_wait3A_260] : memref<4x40x128xf32, #tpu.memory_space<vmem>> -> memref<1x40x128xf32, #tpu.memory_space<vmem>>
      %dma_wait3A_262 = tpu.memref_squeeze %dma_wait3A_261 : memref<1x40x128xf32, #tpu.memory_space<vmem>> -> memref<40x128xf32, #tpu.memory_space<vmem>>
      tpu.wait_dma2 semaphore(%run_scoped3A_234 : memref<!tpu.dma_semaphore, #tpu.memory_space<semaphore_mem>>) src(%dma_wait3A_262 : memref<40x128xf32, #tpu.memory_space<vmem>>) dst(%dma_wait3A_258 : memref<40x128xf32, #tpu.memory_space<hbm>>)
      tpu.yield
    }) : () -> ()
    %add3A_228 = arith.constant 600 : i32
    %add3A_229 = arith.addi %mul3A_6, %add3A_228 : i32
    %run_scoped3A_230 = arith.constant 0 : i32
    "tpu.region"() ({
      %run_scoped3A_234 = tpu.sem_alloc : memref<!tpu.dma_semaphore, #tpu.memory_space<semaphore_mem>>
      %dma_start3A_235 = arith.constant 0 : i32
      %dma_start3A_236 = arith.constant 0 : i32
      %dma_start3A_237 = tpu.memref_slice %arg8[%run_scoped3A_230, %dma_start3A_235, %dma_start3A_236] : memref<4x40x128xf32, #tpu.memory_space<vmem>> -> memref<1x32x128xf32, #tpu.memory_space<vmem>>
      %dma_start3A_238 = tpu.memref_squeeze %dma_start3A_237 : memref<1x32x128xf32, #tpu.memory_space<vmem>> -> memref<32x128xf32, #tpu.memory_space<vmem>>
      %dma_start3A_239 = arith.constant 0 : i32
      %dma_start3A_240 = tpu.memref_slice %arg9[%add3A_229, %dma_start3A_239] : memref<10112x128xf32, #tpu.memory_space<vmem_shared>> -> memref<32x128xf32, #tpu.memory_space<vmem_shared>>
      %dma_start3A_241 = arith.constant 0 : i32
      %dma_start3A_242 = arith.constant 0 : i32
      %dma_start3A_243 = tpu.memref_slice %arg8[%run_scoped3A_230, %dma_start3A_241, %dma_start3A_242] : memref<4x40x128xf32, #tpu.memory_space<vmem>> -> memref<1x32x128xf32, #tpu.memory_space<vmem>>
      %dma_start3A_244 = tpu.memref_squeeze %dma_start3A_243 : memref<1x32x128xf32, #tpu.memory_space<vmem>> -> memref<32x128xf32, #tpu.memory_space<vmem>>
      %dma_start3A_245 = arith.constant 0 : i32
      %dma_start3A_246 = tpu.memref_slice %arg9[%add3A_229, %dma_start3A_245] : memref<10112x128xf32, #tpu.memory_space<vmem_shared>> -> memref<32x128xf32, #tpu.memory_space<vmem_shared>>
      tpu.enqueue_dma source(%dma_start3A_246 : memref<32x128xf32, #tpu.memory_space<vmem_shared>>) target(%dma_start3A_244 : memref<32x128xf32, #tpu.memory_space<vmem>>) target_semaphore(%run_scoped3A_234 : memref<!tpu.dma_semaphore, #tpu.memory_space<semaphore_mem>>)
      %dma_wait3A_247 = arith.constant 0 : i32
      %dma_wait3A_248 = arith.constant 0 : i32
      %dma_wait3A_249 = tpu.memref_slice %arg8[%run_scoped3A_230, %dma_wait3A_247, %dma_wait3A_248] : memref<4x40x128xf32, #tpu.memory_space<vmem>> -> memref<1x32x128xf32, #tpu.memory_space<vmem>>
      %dma_wait3A_250 = tpu.memref_squeeze %dma_wait3A_249 : memref<1x32x128xf32, #tpu.memory_space<vmem>> -> memref<32x128xf32, #tpu.memory_space<vmem>>
      %dma_wait3A_251 = arith.constant 0 : i32
      %dma_wait3A_252 = tpu.memref_slice %arg9[%add3A_229, %dma_wait3A_251] : memref<10112x128xf32, #tpu.memory_space<vmem_shared>> -> memref<32x128xf32, #tpu.memory_space<vmem_shared>>
      %dma_wait3A_253 = arith.constant 0 : i32
      %dma_wait3A_254 = arith.constant 0 : i32
      %dma_wait3A_255 = tpu.memref_slice %arg8[%run_scoped3A_230, %dma_wait3A_253, %dma_wait3A_254] : memref<4x40x128xf32, #tpu.memory_space<vmem>> -> memref<1x32x128xf32, #tpu.memory_space<vmem>>
      %dma_wait3A_256 = tpu.memref_squeeze %dma_wait3A_255 : memref<1x32x128xf32, #tpu.memory_space<vmem>> -> memref<32x128xf32, #tpu.memory_space<vmem>>
      %dma_wait3A_257 = arith.constant 0 : i32
      %dma_wait3A_258 = tpu.memref_slice %arg9[%add3A_229, %dma_wait3A_257] : memref<10112x128xf32, #tpu.memory_space<vmem_shared>> -> memref<32x128xf32, #tpu.memory_space<vmem_shared>>
      tpu.wait_dma2 semaphore(%run_scoped3A_234 : memref<!tpu.dma_semaphore, #tpu.memory_space<semaphore_mem>>) src(%dma_wait3A_258 : memref<32x128xf32, #tpu.memory_space<vmem_shared>>) dst(%dma_wait3A_256 : memref<32x128xf32, #tpu.memory_space<vmem>>)
      tpu.yield
    }) : () -> ()
    %add3A_231 = arith.constant 600 : i32
    %add3A_232 = arith.addi %mul3A_6, %add3A_231 : i32
    %run_scoped3A_233 = arith.constant 0 : i32
    "tpu.region"() ({
      %run_scoped3A_234 = tpu.sem_alloc : memref<!tpu.dma_semaphore, #tpu.memory_space<semaphore_mem>>
      %dma_start3A_235 = arith.constant 0 : i32
      %dma_start3A_236 = arith.constant 0 : i32
      %dma_start3A_237 = tpu.memref_slice %arg8[%run_scoped3A_233, %dma_start3A_235, %dma_start3A_236] : memref<4x40x128xf32, #tpu.memory_space<vmem>> -> memref<1x32x128xf32, #tpu.memory_space<vmem>>
      %dma_start3A_238 = tpu.memref_squeeze %dma_start3A_237 : memref<1x32x128xf32, #tpu.memory_space<vmem>> -> memref<32x128xf32, #tpu.memory_space<vmem>>
      %dma_start3A_239 = arith.constant 0 : i32
      %dma_start3A_240 = tpu.memref_slice %arg5[%arg0, %add3A_232, %dma_start3A_239] : memref<2x10112x128xf32, #tpu.memory_space<hbm>> -> memref<1x32x128xf32, #tpu.memory_space<hbm>>
      %dma_start3A_241 = tpu.memref_squeeze %dma_start3A_240 : memref<1x32x128xf32, #tpu.memory_space<hbm>> -> memref<32x128xf32, #tpu.memory_space<hbm>>
      %dma_start3A_242 = arith.constant 0 : i32
      %dma_start3A_243 = tpu.memref_slice %arg5[%arg0, %add3A_232, %dma_start3A_242] : memref<2x10112x128xf32, #tpu.memory_space<hbm>> -> memref<1x32x128xf32, #tpu.memory_space<hbm>>
      %dma_start3A_244 = tpu.memref_squeeze %dma_start3A_243 : memref<1x32x128xf32, #tpu.memory_space<hbm>> -> memref<32x128xf32, #tpu.memory_space<hbm>>
      %dma_start3A_245 = arith.constant 0 : i32
      %dma_start3A_246 = arith.constant 0 : i32
      %dma_start3A_247 = tpu.memref_slice %arg8[%run_scoped3A_233, %dma_start3A_245, %dma_start3A_246] : memref<4x40x128xf32, #tpu.memory_space<vmem>> -> memref<1x32x128xf32, #tpu.memory_space<vmem>>
      %dma_start3A_248 = tpu.memref_squeeze %dma_start3A_247 : memref<1x32x128xf32, #tpu.memory_space<vmem>> -> memref<32x128xf32, #tpu.memory_space<vmem>>
      tpu.enqueue_dma source(%dma_start3A_248 : memref<32x128xf32, #tpu.memory_space<vmem>>) target(%dma_start3A_244 : memref<32x128xf32, #tpu.memory_space<hbm>>) target_semaphore(%run_scoped3A_234 : memref<!tpu.dma_semaphore, #tpu.memory_space<semaphore_mem>>)
      %dma_wait3A_249 = arith.constant 0 : i32
      %dma_wait3A_250 = arith.constant 0 : i32
      %dma_wait3A_251 = tpu.memref_slice %arg8[%run_scoped3A_233, %dma_wait3A_249, %dma_wait3A_250] : memref<4x40x128xf32, #tpu.memory_space<vmem>> -> memref<1x32x128xf32, #tpu.memory_space<vmem>>
      %dma_wait3A_252 = tpu.memref_squeeze %dma_wait3A_251 : memref<1x32x128xf32, #tpu.memory_space<vmem>> -> memref<32x128xf32, #tpu.memory_space<vmem>>
      %dma_wait3A_253 = arith.constant 0 : i32
      %dma_wait3A_254 = tpu.memref_slice %arg5[%arg0, %add3A_232, %dma_wait3A_253] : memref<2x10112x128xf32, #tpu.memory_space<hbm>> -> memref<1x32x128xf32, #tpu.memory_space<hbm>>
      %dma_wait3A_255 = tpu.memref_squeeze %dma_wait3A_254 : memref<1x32x128xf32, #tpu.memory_space<hbm>> -> memref<32x128xf32, #tpu.memory_space<hbm>>
      %dma_wait3A_256 = arith.constant 0 : i32
      %dma_wait3A_257 = tpu.memref_slice %arg5[%arg0, %add3A_232, %dma_wait3A_256] : memref<2x10112x128xf32, #tpu.memory_space<hbm>> -> memref<1x32x128xf32, #tpu.memory_space<hbm>>
      %dma_wait3A_258 = tpu.memref_squeeze %dma_wait3A_257 : memref<1x32x128xf32, #tpu.memory_space<hbm>> -> memref<32x128xf32, #tpu.memory_space<hbm>>
      %dma_wait3A_259 = arith.constant 0 : i32
      %dma_wait3A_260 = arith.constant 0 : i32
      %dma_wait3A_261 = tpu.memref_slice %arg8[%run_scoped3A_233, %dma_wait3A_259, %dma_wait3A_260] : memref<4x40x128xf32, #tpu.memory_space<vmem>> -> memref<1x32x128xf32, #tpu.memory_space<vmem>>
      %dma_wait3A_262 = tpu.memref_squeeze %dma_wait3A_261 : memref<1x32x128xf32, #tpu.memory_space<vmem>> -> memref<32x128xf32, #tpu.memory_space<vmem>>
      tpu.wait_dma2 semaphore(%run_scoped3A_234 : memref<!tpu.dma_semaphore, #tpu.memory_space<semaphore_mem>>) src(%dma_wait3A_262 : memref<32x128xf32, #tpu.memory_space<vmem>>) dst(%dma_wait3A_258 : memref<32x128xf32, #tpu.memory_space<hbm>>)
      tpu.yield
    }) : () -> ()
    return
  }
}

module attributes {stable_mosaic.version = 14 : i64} {
  func.func @_fin_body(%arg0: memref<2x10112x128xf32, #tpu.memory_space<vmem>>, %arg1: memref<10112x128xf32, #tpu.memory_space<vmem>>, %arg2: memref<10112x1xf32, #tpu.memory_space<vmem>>, %arg3: memref<1x128xf32, #tpu.memory_space<vmem>>, %arg4: memref<10112x128xf32, #tpu.memory_space<vmem>>) attributes {dimension_semantics = [], scalar_prefetch = 0 : i64, scratch_operands = 0 : i64, tpu.core_type = #tpu.core_type<tc>} {
    %get3A = arith.constant 0 : index
    %get3A_0 = arith.constant 0 : index
    %get3A_1 = arith.constant 0 : index
    %get3A_2 = vector.load %arg0[%get3A, %get3A_0, %get3A_1] : memref<2x10112x128xf32, #tpu.memory_space<vmem>>, vector<1x10112x128xf32>
    %get3A_3 = vector.shape_cast %get3A_2 : vector<1x10112x128xf32> to vector<10112x128xf32>
    %get3A_4 = arith.constant 1 : index
    %get3A_5 = arith.constant 0 : index
    %get3A_6 = arith.constant 0 : index
    %get3A_7 = vector.load %arg0[%get3A_4, %get3A_5, %get3A_6] : memref<2x10112x128xf32, #tpu.memory_space<vmem>>, vector<1x10112x128xf32>
    %get3A_8 = vector.shape_cast %get3A_7 : vector<1x10112x128xf32> to vector<10112x128xf32>
    %add3A = arith.addf %get3A_3, %get3A_8 : vector<10112x128xf32>
    %get3A_9 = arith.constant 0 : index
    %get3A_10 = arith.constant 0 : index
    %get3A_11 = vector.load %arg1[%get3A_9, %get3A_10] : memref<10112x128xf32, #tpu.memory_space<vmem>>, vector<10112x128xf32>
    %add3A_12 = arith.addf %add3A, %get3A_11 : vector<10112x128xf32>
    %get3A_13 = arith.constant 0 : index
    %get3A_14 = arith.constant 0 : index
    %get3A_15 = vector.load %arg2[%get3A_13, %get3A_14] : memref<10112x1xf32, #tpu.memory_space<vmem>>, vector<10112x1xf32>
    %mul3A = vector.broadcast %get3A_15 : vector<10112x1xf32> to vector<10112x128xf32>
    %mul3A_16 = arith.mulf %add3A_12, %mul3A : vector<10112x128xf32>
    %get3A_17 = arith.constant 0 : index
    %get3A_18 = arith.constant 0 : index
    %get3A_19 = vector.load %arg3[%get3A_17, %get3A_18] : memref<1x128xf32, #tpu.memory_space<vmem>>, vector<1x128xf32>
    %add3A_20 = vector.broadcast %get3A_19 : vector<1x128xf32> to vector<10112x128xf32>
    %add3A_21 = arith.addf %mul3A_16, %add3A_20 : vector<10112x128xf32>
    %max3A = arith.constant 0.000000e+00 : f32
    %max3A_22 = vector.broadcast %max3A : f32 to vector<10112x128xf32>
    %max3A_23 = arith.maximumf %add3A_21, %max3A_22 : vector<10112x128xf32>
    %swap3A = arith.constant 0 : index
    %swap3A_24 = arith.constant 0 : index
    %swap3A_25 = vector.load %arg4[%swap3A, %swap3A_24] : memref<10112x128xf32, #tpu.memory_space<vmem>>, vector<10112x128xf32>
    tpu.vector_store %arg4[%swap3A, %swap3A_24], %max3A_23 {strides = array<i32>} : memref<10112x128xf32, #tpu.memory_space<vmem>>, vector<10112x128xf32>,
    return
  }
}

module attributes {stable_mosaic.version = 14 : i64} {
  func.func @_lin_body(%arg0: memref<10112x32xf32, #tpu.memory_space<vmem>>, %arg1: memref<10112x128xf32, #tpu.memory_space<vmem>>, %arg2: memref<128x128xf32, #tpu.memory_space<vmem>>, %arg3: memref<10112x128xf32, #tpu.memory_space<vmem>>, %arg4: memref<2x10112x128xf32, #tpu.memory_space<vmem>>, %arg5: memref<10112x1xf32, #tpu.memory_space<vmem>>) attributes {dimension_semantics = [], scalar_prefetch = 0 : i64, scratch_operands = 0 : i64, tpu.core_type = #tpu.core_type<tc>} {
    %get3A = arith.constant 0 : index
    %get3A_0 = arith.constant 0 : index
    %get3A_1 = vector.load %arg0[%get3A, %get3A_0] : memref<10112x32xf32, #tpu.memory_space<vmem>>, vector<10112x32xf32>
    %reduce_sum3A = arith.constant dense<0.000000e+00> : vector<10112xf32>
    %reduce_sum3A_2 = vector.multi_reduction <add>, %get3A_1, %reduce_sum3A [1] : vector<10112x32xf32> to vector<10112xf32>
    %broadcast_in_dim3A = vector.shape_cast %reduce_sum3A_2 : vector<10112xf32> to vector<10112x1xf32>
    %add3A = arith.constant 1.000000e+00 : f32
    %add3A_3 = vector.broadcast %add3A : f32 to vector<10112x1xf32>
    %add3A_4 = arith.addf %broadcast_in_dim3A, %add3A_3 : vector<10112x1xf32>
    %rsqrt3A = math.rsqrt %add3A_4 : vector<10112x1xf32>
    %get3A_5 = arith.constant 0 : index
    %get3A_6 = arith.constant 0 : index
    %get3A_7 = vector.load %arg1[%get3A_5, %get3A_6] : memref<10112x128xf32, #tpu.memory_space<vmem>>, vector<10112x128xf32>
    %get3A_8 = arith.constant 0 : index
    %get3A_9 = arith.constant 0 : index
    %get3A_10 = vector.load %arg2[%get3A_8, %get3A_9] : memref<128x128xf32, #tpu.memory_space<vmem>>, vector<128x128xf32>
    %dot_general3A = arith.constant dense<0.000000e+00> : vector<10112x128xf32>
    %dot_general3A_11 = tpu.matmul %get3A_7, %get3A_10, %dot_general3A {dimension_numbers = #tpu.dot_dimension_numbers<[1], [0], [0], [1], [0, 0, 1, 1], [], []>, transpose_lhs_hint = false} : vector<10112x128xf32>, vector<128x128xf32>, vector<10112x128xf32> -> vector<10112x128xf32>
    %mul3A = vector.broadcast %rsqrt3A : vector<10112x1xf32> to vector<10112x128xf32>
    %mul3A_12 = arith.mulf %dot_general3A_11, %mul3A : vector<10112x128xf32>
    %swap3A = arith.constant 0 : index
    %swap3A_13 = arith.constant 0 : index
    %swap3A_14 = vector.load %arg3[%swap3A, %swap3A_13] : memref<10112x128xf32, #tpu.memory_space<vmem>>, vector<10112x128xf32>
    tpu.vector_store %arg3[%swap3A, %swap3A_13], %mul3A_12 {strides = array<i32>} : memref<10112x128xf32, #tpu.memory_space<vmem>>, vector<10112x128xf32>,
    %swap3A_15 = arith.constant 0 : index
    %swap3A_16 = arith.constant 0 : index
    %swap3A_17 = arith.constant 0 : index
    %swap3A_18 = vector.load %arg4[%swap3A_15, %swap3A_16, %swap3A_17] : memref<2x10112x128xf32, #tpu.memory_space<vmem>>, vector<1x10112x128xf32>
    %swap3A_19 = vector.shape_cast %swap3A_18 : vector<1x10112x128xf32> to vector<10112x128xf32>
    %swap3A_20 = vector.shape_cast %mul3A_12 : vector<10112x128xf32> to vector<1x10112x128xf32>
    tpu.vector_store %arg4[%swap3A_15, %swap3A_16, %swap3A_17], %swap3A_20 {strides = array<i32>} : memref<2x10112x128xf32, #tpu.memory_space<vmem>>, vector<1x10112x128xf32>,
    %swap3A_21 = arith.constant 1 : index
    %swap3A_22 = arith.constant 0 : index
    %swap3A_23 = arith.constant 0 : index
    %swap3A_24 = vector.load %arg4[%swap3A_21, %swap3A_22, %swap3A_23] : memref<2x10112x128xf32, #tpu.memory_space<vmem>>, vector<1x10112x128xf32>
    %swap3A_25 = vector.shape_cast %swap3A_24 : vector<1x10112x128xf32> to vector<10112x128xf32>
    %swap3A_26 = vector.shape_cast %mul3A_12 : vector<10112x128xf32> to vector<1x10112x128xf32>
    tpu.vector_store %arg4[%swap3A_21, %swap3A_22, %swap3A_23], %swap3A_26 {strides = array<i32>} : memref<2x10112x128xf32, #tpu.memory_space<vmem>>, vector<1x10112x128xf32>,
    %swap3A_27 = arith.constant 0 : index
    %swap3A_28 = arith.constant 0 : index
    %swap3A_29 = vector.load %arg5[%swap3A_27, %swap3A_28] : memref<10112x1xf32, #tpu.memory_space<vmem>>, vector<10112x1xf32>
    tpu.vector_store %arg5[%swap3A_27, %swap3A_28], %rsqrt3A {strides = array<i32>} : memref<10112x1xf32, #tpu.memory_space<vmem>>, vector<10112x1xf32>,
    return
  }
}

</mosaic_0001>

<sc_bundles>
// kernel: kernel.6.cloned.1.call-start
scs
__scs_entry_jumppad:
0x0: {  	(pc) =	sbr.rel $0x88, $3  }
0x1: {  	(tag) =	ssettag $0x0;
	lr =	simm.s32 $0x1  }
0x2: {  	[smem:$0x3F9D] =	sst lr;
	_ =	strace $0xD0000000  }
0x3: {  	_ = 	snop  }
0x4: {  	_ = 	snop  }
0x5: {  	_ = 	snop  }
0x6: {  	_ = 	snop  }
0x7: {  	_ = 	snop  }
__scs_overlays_trampoline_lowered:
0x8: {  	[smem:$0x3FAC] =	sst s0  }
0x9: {  	[smem:$0x3FAD] =	sst s1  }
0xa: {  	[smem:$0x3FAE] =	sst s2  }
0xb: {  	[smem:$0x3FAF] =	sst s3  }
0xc: {  	[smem:$0x3FB0] =	sst s4  }
0xd: {  	[smem:$0x3FB1] =	sst s5  }
0xe: {  	[smem:$0x3FB2] =	sst s6  }
0xf: {  	[smem:$0x3FB3] =	sst s7  }
0x10: {  	[smem:$0x3FB4] =	sst s8  }
0x11: {  	[smem:$0x3FB5] =	sst s9;
	s0 =	simm.s32 @!p0 $0x0  }
0x12: {  	s1 =	sld [smem:$0x3F9B];
	s0 =	simm.s32 @p0 $0x1  }
0x13: {  	[smem:$0x3FB6] =	sst s0;
	s0 =	simm.s32 @!p1 $0x0  }
0x14: {  	s2 =	sld [smem:$0x3F9A];
	s0 =	simm.s32 @p1 $0x1  }
0x15: {  	[smem:$0x3FB7] =	sst s0;
	s0 =	simm.s32 @!p2 $0x0  }
0x16: {  	s3 =	sld [smem:$0x3FDB];
	s0 =	simm.s32 @p2 $0x1  }
0x17: {  	s4 =	simm.s32 $0x1BF5;
	[smem:$0x3FB9] =	sst s0  }
0x18: {  	s0 =	sld [smem:$0x3F9C];
	_ =	swait.ge [sflag:s4], $0x0  }
0x19: {  	s7 =	sld [smem:$0x3F9D]  }
0x1a: {  	s8 =	sadd.s32 $0xFFFFE003, lr  }
0x1b: {  	s9 =	sadd.s32 $0xFFFFFEF7, lr;
	s5 =	simm.s32 $0xFFFFFFFF;
	p2 =	slt.u32 s8, $0xFFFFF086  }
0x1c: {  	p1 =	slt.u32 s9, $0xF7A;
	s5 =	simm.s32 @!p2 $0x0  }
0x1d: {  	s5 =	simm.s32 @p1 $0x1;
	p0 =	seq.s32 s7, s2  }
0x1e: {  	s7 =	smul.u32 @!p0 $0xF7A, s2;
	p2 =	seq.s32 @!p0 s5, $0x0  }
0x1f: {  	s9 =	smul.u32 $0xF7A, s1;
	s8 =	simm.s32 @!p0 $0x1BF5;
	p2 =	por !p2, p0  }
0x20: {  	[sflag:s8] =	ssyncset.s32 @!p0 $0xFFFFF086;
	s6 =	sadd.s32 @!p0 s3, s7;
	s7 =	simm.s32 @!p0 $0x108  }
0x21: {  	s3 =	sadd.s32 s3, s9;
	s6 =	sadd.s32 @!p0 $0x88, s6;
	s7 =	simm.s32 @p2 $0x1082  }
0x22: {  	[simem:s7], [sflag:s8] =	dma.local @!p0 [hbm:s6], $0xF7A  }
0x23: {  	s9 =	sor.u32 $0xD0000000, s2;
	s6 =	simm.s32 $0x108;
	_ =	swait.ge @!p0 [sflag:s8], $0x0  }
0x24: {  	s3 =	sadd.s32 $0x88, s3;
	s6 =	simm.s32 @!p1 $0x1082;
	[sflag:s4] =	ssyncset.s32 $0xFFFFF086  }
0x25: {  	[simem:s6], [sflag:s4] =	dma.local [hbm:s3], $0xF7A  }
0x26: {  	[smem:$0x3F9D] =	sst s1;
	(tag) =	ssettag s2;
	_ =	strace s9  }
0x27: {  	s1 =	sld [smem:$0x3FAD]  }
0x28: {  	s2 =	sld [smem:$0x3FAE]  }
0x29: {  	s4 =	sld [smem:$0x3FB0]  }
0x2a: {  	p0 =	seq.s32 s5, $0x0;
	s5 =	sld [smem:$0x3FB1]  }
0x2b: {  	s6 =	sld [smem:$0x3FB2]  }
0x2c: {  	s7 =	sld [smem:$0x3FB3]  }
0x2d: {  	s3 =	simm.s32 $0x108;
	s8 =	sld [smem:$0x3FB4]  }
0x2e: {  	s3 =	simm.s32 @!p0 $0x1082;
	s9 =	sld [smem:$0x3FB5]  }
0x2f: {  	lr =	sadd.s32 s0, s3;
	s0 =	sld [smem:$0x3FAC]  }
0x30: {  	s3 =	sld [smem:$0x3FAF]  }
0x31: {  	[smem:$0x3FB8] =	sst s10  }
0x32: {  	s10 =	sld [smem:$0x3FB6];
	_ =	sdelay $0x3  }
0x33: {  	p0 =	seq.s32 s10, $0x1;
	s10 =	sld [smem:$0x3FB8];
	_ =	sdelay $0x3  }
0x34: {  	[smem:$0x3FB8] =	sst s10  }
0x35: {  	s10 =	sld [smem:$0x3FB7];
	_ =	sdelay $0x3  }
0x36: {  	p1 =	seq.s32 s10, $0x1;
	s10 =	sld [smem:$0x3FB8];
	_ =	sdelay $0x3  }
0x37: {  	[smem:$0x3FB8] =	sst s10  }
0x38: {  	s10 =	sld [smem:$0x3FB9]  }
0x39: {  	_ = 	snop;
	(pc) =	sbr.ind lr, $3  }
0x3a: {  	_ = 	snop  }
0x3b: {  	_ = 	snop  }
0x3c: {  	p2 =	seq.s32 s10, $0x1;
	s10 =	sld [smem:$0x3FB8]  }
0x3d: {  	_ =	shalt  }
0x3e: {  	_ =	shalt  }
0x3f: {  	_ =	shalt  }
0x40: {  	_ =	shalt  }
0x41: {  	_ =	shalt  }
0x42: {  	_ =	shalt  }
0x43: {  	_ =	shalt  }
0x44: {  	_ =	shalt  }
0x45: {  	_ =	shalt  }
0x46: {  	_ =	shalt  }
0x47: {  	_ =	shalt  }
0x48: {  	_ =	shalt  }
0x49: {  	_ =	shalt  }
0x4a: {  	_ =	shalt  }
0x4b: {  	_ =	shalt  }
0x4c: {  	_ =	shalt  }
0x4d: {  	_ =	shalt  }
0x4e: {  	_ =	shalt  }
0x4f: {  	_ =	shalt  }
0x50: {  	_ =	shalt  }
0x51: {  	_ =	shalt  }
0x52: {  	_ =	shalt  }
0x53: {  	_ =	shalt  }
0x54: {  	_ =	shalt  }
0x55: {  	_ =	shalt  }
0x56: {  	_ =	shalt  }
0x57: {  	_ =	shalt  }
0x58: {  	_ =	shalt  }
0x59: {  	_ =	shalt  }
0x5a: {  	_ =	shalt  }
0x5b: {  	_ =	shalt  }
0x5c: {  	_ =	shalt  }
0x5d: {  	_ =	shalt  }
0x5e: {  	_ =	shalt  }
0x5f: {  	_ =	shalt  }
0x60: {  	_ =	shalt  }
0x61: {  	_ =	shalt  }
0x62: {  	_ =	shalt  }
0x63: {  	_ =	shalt  }
0x64: {  	_ =	shalt  }
0x65: {  	_ =	shalt  }
0x66: {  	_ =	shalt  }
0x67: {  	_ =	shalt  }
0x68: {  	_ =	shalt  }
0x69: {  	_ =	shalt  }
0x6a: {  	_ =	shalt  }
0x6b: {  	_ =	shalt  }
0x6c: {  	_ =	shalt  }
0x6d: {  	_ =	shalt  }
0x6e: {  	_ =	shalt  }
0x6f: {  	_ =	shalt  }
0x70: {  	_ =	shalt  }
0x71: {  	_ =	shalt  }
0x72: {  	_ =	shalt  }
0x73: {  	_ =	shalt  }
0x74: {  	_ =	shalt  }
0x75: {  	_ =	shalt  }
0x76: {  	_ =	shalt  }
0x77: {  	_ =	shalt  }
0x78: {  	_ =	shalt  }
0x79: {  	_ =	shalt  }
0x7a: {  	_ =	shalt  }
0x7b: {  	_ =	shalt  }
0x7c: {  	_ =	shalt  }
0x7d: {  	_ =	shalt  }
0x7e: {  	_ =	shalt  }
0x7f: {  	_ =	shalt  }
0x80: {  	_ =	shalt  }
0x81: {  	_ =	shalt  }
0x82: {  	_ =	shalt  }
0x83: {  	_ =	shalt  }
0x84: {  	_ =	shalt  }
0x85: {  	_ =	shalt  }
0x86: {  	_ =	shalt  }
0x87: {  	_ =	shalt  }
.Lfunc_end0:
.L_simem_size_0:
called_computation_lowered:
.L_overlay_start_0:
0x88: {  	s2 =	sld [smem:$0x3FD9]  }
0x89: {  	s3 =	sld [smem:$0x3FFE];
	_ =	sdelay $0x1  }
0x8a: {  	s1 =	srdreg.scid  }
0x8b: {  	s0 =	sand.u32 $0x1, s1  }
0x8c: {  	s17 =	sshll.u32 s0, $0xA;
	s2 =	sadd.s32 s3, s2  }
0x8d: {  	s2 =	sadd.s32 s2, s17  }
0x8e: {  	[smem:$0x3FC4] =	sst s2  }
0x8f: {  	_ = 	snop  }
0x90: {  	s2 =	sld [smem:$0x3FD0];
	(tm) =	ssettm $0x1  }
0x91: {  	s18 =	sld [smem:$0x3FFB];
	_ =	sdelay $0x3  }
0x92: {  	_ =	strace s18  }
0x93: {  	s3 =	sld [smem:$0x3FFC];
	_ =	sdelay $0x3  }
0x94: {  	_ =	strace s3  }
0x95: {  	s3 =	sld [smem:$0x3FFD];
	_ =	sdelay $0x3  }
0x96: {  	_ =	strace s3  }
0x97: {  	_ =	strace $0x8FFFFFFF  }
0x98: {  	s19 =	sld [smem:$0x3FDB];
	_ =	sdelay $0x1  }
0x99: {  	s4 =	simm.s32 $_scs_section_size  }
0x9a: {  	s5 =	simm.s32 $_size__tile_overlayer_lowered;
	s6 =	simm.s32 $_tile_overlayer_lowered  }
0x9b: {  	s22 =	simm.s32 $0x1BFF;
	s21 =	sshll.u32 s6, $0x1;
	s3 =	sadd.s32 s4, s19  }
0x9c: {  	s7 =	simm.s32 $0x0;
	s20 =	sshll.u32 s5, $0x1;
	s5 =	sadd.s32 s21, s3  }
0x9d: {  	[timem:s7], [sflag:s22] =	dma.local [hbm:s5], s20  }
0x9e: {  	_ =	swait.ge [sflag:s22], s20  }
0x9f: {  	s4 =	ssub.s32 $0x0, s20;
	[sflag:s22] =	ssyncset.done $0x0  }
0xa0: {  	[sflag:s22] =	ssyncadd.s32 s4;
	_ =	sdelay $0x1  }
0xa1: {  	s23 =	simm.s32 $0x1B8B  }
0xa2: {  	_ =	swait.ge [sflag:s23], $0x1  }
0xa3: {  	[sflag:s23] =	ssyncset.done $0x0  }
0xa4: {  	s25 =	simm.s32 $0x1B8E;
	s24 =	sld [smem:$0x3FFE];
	[sflag:s23] =	ssyncadd.s32 $0xFFFFFFFF  }
0xa5: {  	s26 =	simm.s32 $execute0_lowered;
	[smem:$0x3FD2] =	sst s25  }
0xa6: {  	s5 =	sshll.u32 s26, $0x1;
	_ =	strace $0x80000046;
	[dreg:$0x1] =	wrdreg $0xFFFFFFFF  }
0xa7: {  	s28 =	simm.s32 $_size_execute0_lowered;
	s3 =	sadd.s32 s3, s5;
	[dreg:$0x0] =	wrdreg $0x0  }
0xa8: {  	s5 =	sshll.u32 s28, $0x1;
	[dreg:$0x2] =	wrdreg s3  }
0xa9: {  	[dreg:$0x3] =	wrdreg s5  }
0xaa: {  	[dreg:$0x4] =	wrdreg $0xC0  }
0xab: {  	_ =	task [dreg:s7], $0x5FFFF  }
0xac: {  	[dreg:$0x1] =	wrdreg $0xFFFFFFFF  }
0xad: {  	[dreg:$0x0] =	wrdreg $0x60  }
0xae: {  	[dreg:$0x2] =	wrdreg s2  }
0xaf: {  	[dreg:$0x3] =	wrdreg s24  }
0xb0: {  	[dreg:$0x4] =	wrdreg $0x9  }
0xb1: {  	_ =	task.clear_ibuf [dreg:s7], $0x5FFFF;
	_ =	strace $0x90000046  }
0xb2: {  	s29 =	simm.s32 $0x9;
	_ =	strace $0x80000048  }
0xb3: {  	_ =	swait.ge [sflag:s29], $0x1  }
0xb4: {  	[sflag:s29] =	ssyncadd.s32 $0xFFFFFFFF  }
0xb5: {  	_ =	strace $0x90000048  }
0xb6: {  	_ =	sfence  }
0xb7: {  	s30 =	sld [smem:$0x0];
	_ =	sdelay $0x2  }
0xb8: {  	s31 =	sshll.u32 s1, $0xD;
	s1 =	sshrl.u32 s1, $0x2  }
0xb9: {  	s3 =	sand.u32 $0x4000, s31;
	s1 =	sadd.s32 s1, s30  }
0xba: {  	s0 =	sor.u32 s3, s0;
	s1 =	sshll.u32 s1, $0x11  }
0xbb: {  	s0 =	sor.u32 s1, s0  }
0xbc: {  	s0 =	sadd.s32 $0x8F2B, s0  }
0xbd: {  	[sflag:s0] =	ssyncadd.remote.s32 $0x1  }
0xbe: {  	_ =	sfence.sel $0xFFFF  }
0xbf: {  	[dreg:$0x0] =	wrdreg $0xFFFFFFFF;
	(pc) =	sbr.abs _section_cstart, $3  }
0xc0: {  	[dreg:$0x1] =	wrdreg $0xFFFFFFFF  }
0xc1: {  	_ =	task.clear_ibuf [dreg:s7], $0x2FFFF;
	_ =	strace $0x9FFFFFFF  }
0xc2: {  	(tm) =	ssettm $0x7FFFFFFF  }
0xc3: {  	_ =	shalt  }
tec
execute0_lowered:
.L_overlay_start_1:
0x0: {  	(tag) =	ssettag $0x1  }
0x1: {  	s0 =	srdreg.scid  }
0x2: {  	s3 =	rddreg [dreg:$0x0];
	s4 =	sand.u32 $0x1, s0  }
0x3: {  	s5 =	rddreg [dreg:$0x1];
	s1 =	stileid.u32;
	s2 =	sshll.u32 s4, $0x4  }
0x4: {  	s0 =	rddreg [dreg:$0x2];
	s6 =	sor.u32 s1, s2  }
0x5: {  	s4 =	ssub.s32 $0x2, s4;
	s2 =	simm.s32 $0x0;
	s7 =	smul.u32 $0x4F0, s6  }
0x6: {  	s8 =	sshrl.u32 s4, $0x1;
	[smem:$0x7FF] =	sst s2;
	s6 =	smul.u32 $0x500, s6  }
0x7: {  	s31 =	ssub.s32 s4, s8;
	s8 =	simm.s32 $0x0;
	_ =	strace $0x80000047  }
0x8: {  	s5 =	sadd.s32 s7, s5;
	s3 =	sadd.s32 s3, s6;
	s6 =	simm.s32 $0x1  }
0x9: {  	v0 =	vimm.f32 $0.0e+00;
	v1 =	vimm.f32 $1.000000000e+00;
	s7 =	simm.s32 $0x2800;
	s4 =	sadd.s32 $0xE00, s5;
	s5 =	smax.u32 s31, $0x1  }
.LBB2_1:
0xa: {  	[tilespmem:s2], [sflag:$0x1] =	stream.linear.gather [hbm4b:s3+s2], $0x2800, $0x38;
	[tilespmem:$0x4F80] =	vst v63  }
0xb: {  	_ =	swait.ge [sflag:s6], $0x2800  }
0xc: {  	[sflag:s6] =	ssyncset.done $0x0  }
0xd: {  	s9 =	simm.s32 $0x0;
	[sflag:s6] =	ssyncadd.s32 $0xFFFFD800  }
.LBB2_2:
0xe: {  	p0 =	sne.s32 s9, $0x9DC0  }
.Ltmp0:
0xf: {  	_ = 	snop;
	(pc) =	sbr.rel @p0 .LBB2_2-.Ltmp0, $3  }
0x10: {  	_ =	sdelay $0x1  }
0x11: {  	s10 =	sshra.s32 s9, $0x2  }
0x12: {  	s9 =	sadd.s32 $0x40, s9;
	[tilespmem:s10+$0x2800] =	vst v0  }
0x13: {  	s10 =	simm.s32 $0x0;
	s9 =	simm.s32 $0x40  }
.LBB2_4:
0x14: {  	p0 =	sne.s32 s9, $0x9FC0;
	v2 =	vld [tilespmem:s10+$0x0];
	_ =	sdelay $0x3  }
.Ltmp1:
0x15: {  	(pc) =	sbr.rel @p0 .LBB2_4-.Ltmp1, $2  }
0x16: {  	_ =	sdelay $0x2  }
0x17: {  	s10 =	sshra.s32 s9, $0x2;
	s9 =	sadd.s32 $0x40, s9;
	[tilespmem:v2+s7+$0x0] =	vst.idx.add.f32.msk $0xffff, v1  }
0x18: {  	v2 =	vld [tilespmem:s10+$0x0];
	_ =	sdelay $0x5  }
0x19: {  	s8 =	sadd.s32 $0x1, s8  }
0x1a: {  	p0 =	sne.s32 s8, s5  }
.Ltmp2:
0x1b: {  	[tilespmem:v2+s7+$0x0] =	vst.idx.add.f32.msk $0xffff, v1;
	(pc) =	sbr.rel @p0 .LBB2_1-.Ltmp2, $4  }
0x1c: {  	[hbm4b:s4+s2] =	stream.linear.scatter [tilespmem:s7], [sflag:$0x1], $0x2780, $0x38;
	[tilespmem:$0x4F80] =	vst v63  }
0x1d: {  	_ =	swait.ge [sflag:s6], $0x2780  }
0x1e: {  	[sflag:s6] =	ssyncset.done $0x0  }
0x1f: {  	[sflag:s6] =	ssyncadd.s32 $0xFFFFD880  }
0x20: {  	_ =	sfence.sel $0x180000  }
0x21: {  	[bflag:$0x0] =	sbarrier.arrive $0xFFFF  }
0x22: {  	p0 =	sne.s32 s1, $0x0;
	_ =	strace $0x90000047  }
0x23: {  	s0 =	sadd.s32 @!p0 $0x100000, s0;
	[bflag:$0x2] =	sbarrier.arrive $0xFFFF  }
0x24: {  	[sflag:s0] =	ssyncadd.tile.s32 @!p0 $0x1;
	_ =	shalt  }
.Lfunc_end2:
_tile_overlayer_lowered:
.L_overlay_start_2:
0x25: {  	(tag) =	ssettag $0x2  }
0x26: {  	s0 =	rddreg [dreg:$0x0];
	s2 =	stileid.u32  }
0x27: {  	s1 =	rddreg [dreg:$0x1];
	p0 =	sne.s32 s2, $0x0  }
0x28: {  	s3 =	rddreg [dreg:$0x2];
	[bflag:$0x3] =	sbarrier.arrive $0xFFFF;
	s2 =	simm.s32 @!p0 $0x1C01  }
0x29: {  	[timem:s3], [sflag:s2] =	dma.local @!p0 [hbm:s0], s1  }
0x2a: {  	s0 =	simm.s32 @!p0 $0x1  }
0x2b: {  	_ =	swait.ge @!p0 [sflag:s0], s1  }
0x2c: {  	s1 =	ssub.s32 @!p0 $0x0, s1;
	[sflag:s0] =	ssyncset.done @!p0 $0x0  }
0x2d: {  	[sflag:s0] =	ssyncadd.s32 @!p0 s1  }
0x2e: {  	[bflag:$0x3] =	sbarrier.arrive $0xFFFF  }
0x2f: {  	_ =	shalt  }

// kernel: kernel.9.cloned.1.call-start
scs
__scs_entry_jumppad:
0x0: {  	(pc) =	sbr.rel $0x88, $3  }
0x1: {  	(tag) =	ssettag $0x0;
	lr =	simm.s32 $0x1  }
0x2: {  	[smem:$0x3F9D] =	sst lr;
	_ =	strace $0xD0000000  }
0x3: {  	_ = 	snop  }
0x4: {  	_ = 	snop  }
0x5: {  	_ = 	snop  }
0x6: {  	_ = 	snop  }
0x7: {  	_ = 	snop  }
__scs_overlays_trampoline_lowered:
0x8: {  	[smem:$0x3FAC] =	sst s0  }
0x9: {  	[smem:$0x3FAD] =	sst s1  }
0xa: {  	[smem:$0x3FAE] =	sst s2  }
0xb: {  	[smem:$0x3FAF] =	sst s3  }
0xc: {  	[smem:$0x3FB0] =	sst s4  }
0xd: {  	[smem:$0x3FB1] =	sst s5  }
0xe: {  	[smem:$0x3FB2] =	sst s6  }
0xf: {  	[smem:$0x3FB3] =	sst s7  }
0x10: {  	[smem:$0x3FB4] =	sst s8  }
0x11: {  	[smem:$0x3FB5] =	sst s9;
	s0 =	simm.s32 @!p0 $0x0  }
0x12: {  	s1 =	sld [smem:$0x3F9B];
	s0 =	simm.s32 @p0 $0x1  }
0x13: {  	[smem:$0x3FB6] =	sst s0;
	s0 =	simm.s32 @!p1 $0x0  }
0x14: {  	s2 =	sld [smem:$0x3F9A];
	s0 =	simm.s32 @p1 $0x1  }
0x15: {  	[smem:$0x3FB7] =	sst s0;
	s0 =	simm.s32 @!p2 $0x0  }
0x16: {  	s3 =	sld [smem:$0x3FDB];
	s0 =	simm.s32 @p2 $0x1  }
0x17: {  	s4 =	simm.s32 $0x1BF5;
	[smem:$0x3FB9] =	sst s0  }
0x18: {  	s0 =	sld [smem:$0x3F9C];
	_ =	swait.ge [sflag:s4], $0x0  }
0x19: {  	s7 =	sld [smem:$0x3F9D]  }
0x1a: {  	s8 =	sadd.s32 $0xFFFFE003, lr  }
0x1b: {  	s9 =	sadd.s32 $0xFFFFFEF7, lr;
	s5 =	simm.s32 $0xFFFFFFFF;
	p2 =	slt.u32 s8, $0xFFFFF086  }
0x1c: {  	p1 =	slt.u32 s9, $0xF7A;
	s5 =	simm.s32 @!p2 $0x0  }
0x1d: {  	s5 =	simm.s32 @p1 $0x1;
	p0 =	seq.s32 s7, s2  }
0x1e: {  	s7 =	smul.u32 @!p0 $0xF7A, s2;
	p2 =	seq.s32 @!p0 s5, $0x0  }
0x1f: {  	s9 =	smul.u32 $0xF7A, s1;
	s8 =	simm.s32 @!p0 $0x1BF5;
	p2 =	por !p2, p0  }
0x20: {  	[sflag:s8] =	ssyncset.s32 @!p0 $0xFFFFF086;
	s6 =	sadd.s32 @!p0 s3, s7;
	s7 =	simm.s32 @!p0 $0x108  }
0x21: {  	s3 =	sadd.s32 s3, s9;
	s6 =	sadd.s32 @!p0 $0x88, s6;
	s7 =	simm.s32 @p2 $0x1082  }
0x22: {  	[simem:s7], [sflag:s8] =	dma.local @!p0 [hbm:s6], $0xF7A  }
0x23: {  	s9 =	sor.u32 $0xD0000000, s2;
	s6 =	simm.s32 $0x108;
	_ =	swait.ge @!p0 [sflag:s8], $0x0  }
0x24: {  	s3 =	sadd.s32 $0x88, s3;
	s6 =	simm.s32 @!p1 $0x1082;
	[sflag:s4] =	ssyncset.s32 $0xFFFFF086  }
0x25: {  	[simem:s6], [sflag:s4] =	dma.local [hbm:s3], $0xF7A  }
0x26: {  	[smem:$0x3F9D] =	sst s1;
	(tag) =	ssettag s2;
	_ =	strace s9  }
0x27: {  	s1 =	sld [smem:$0x3FAD]  }
0x28: {  	s2 =	sld [smem:$0x3FAE]  }
0x29: {  	s4 =	sld [smem:$0x3FB0]  }
0x2a: {  	p0 =	seq.s32 s5, $0x0;
	s5 =	sld [smem:$0x3FB1]  }
0x2b: {  	s6 =	sld [smem:$0x3FB2]  }
0x2c: {  	s7 =	sld [smem:$0x3FB3]  }
0x2d: {  	s3 =	simm.s32 $0x108;
	s8 =	sld [smem:$0x3FB4]  }
0x2e: {  	s3 =	simm.s32 @!p0 $0x1082;
	s9 =	sld [smem:$0x3FB5]  }
0x2f: {  	lr =	sadd.s32 s0, s3;
	s0 =	sld [smem:$0x3FAC]  }
0x30: {  	s3 =	sld [smem:$0x3FAF]  }
0x31: {  	[smem:$0x3FB8] =	sst s10  }
0x32: {  	s10 =	sld [smem:$0x3FB6];
	_ =	sdelay $0x3  }
0x33: {  	p0 =	seq.s32 s10, $0x1;
	s10 =	sld [smem:$0x3FB8];
	_ =	sdelay $0x3  }
0x34: {  	[smem:$0x3FB8] =	sst s10  }
0x35: {  	s10 =	sld [smem:$0x3FB7];
	_ =	sdelay $0x3  }
0x36: {  	p1 =	seq.s32 s10, $0x1;
	s10 =	sld [smem:$0x3FB8];
	_ =	sdelay $0x3  }
0x37: {  	[smem:$0x3FB8] =	sst s10  }
0x38: {  	s10 =	sld [smem:$0x3FB9]  }
0x39: {  	_ = 	snop;
	(pc) =	sbr.ind lr, $3  }
0x3a: {  	_ = 	snop  }
0x3b: {  	_ = 	snop  }
0x3c: {  	p2 =	seq.s32 s10, $0x1;
	s10 =	sld [smem:$0x3FB8]  }
0x3d: {  	_ =	shalt  }
0x3e: {  	_ =	shalt  }
0x3f: {  	_ =	shalt  }
0x40: {  	_ =	shalt  }
0x41: {  	_ =	shalt  }
0x42: {  	_ =	shalt  }
0x43: {  	_ =	shalt  }
0x44: {  	_ =	shalt  }
0x45: {  	_ =	shalt  }
0x46: {  	_ =	shalt  }
0x47: {  	_ =	shalt  }
0x48: {  	_ =	shalt  }
0x49: {  	_ =	shalt  }
0x4a: {  	_ =	shalt  }
0x4b: {  	_ =	shalt  }
0x4c: {  	_ =	shalt  }
0x4d: {  	_ =	shalt  }
0x4e: {  	_ =	shalt  }
0x4f: {  	_ =	shalt  }
0x50: {  	_ =	shalt  }
0x51: {  	_ =	shalt  }
0x52: {  	_ =	shalt  }
0x53: {  	_ =	shalt  }
0x54: {  	_ =	shalt  }
0x55: {  	_ =	shalt  }
0x56: {  	_ =	shalt  }
0x57: {  	_ =	shalt  }
0x58: {  	_ =	shalt  }
0x59: {  	_ =	shalt  }
0x5a: {  	_ =	shalt  }
0x5b: {  	_ =	shalt  }
0x5c: {  	_ =	shalt  }
0x5d: {  	_ =	shalt  }
0x5e: {  	_ =	shalt  }
0x5f: {  	_ =	shalt  }
0x60: {  	_ =	shalt  }
0x61: {  	_ =	shalt  }
0x62: {  	_ =	shalt  }
0x63: {  	_ =	shalt  }
0x64: {  	_ =	shalt  }
0x65: {  	_ =	shalt  }
0x66: {  	_ =	shalt  }
0x67: {  	_ =	shalt  }
0x68: {  	_ =	shalt  }
0x69: {  	_ =	shalt  }
0x6a: {  	_ =	shalt  }
0x6b: {  	_ =	shalt  }
0x6c: {  	_ =	shalt  }
0x6d: {  	_ =	shalt  }
0x6e: {  	_ =	shalt  }
0x6f: {  	_ =	shalt  }
0x70: {  	_ =	shalt  }
0x71: {  	_ =	shalt  }
0x72: {  	_ =	shalt  }
0x73: {  	_ =	shalt  }
0x74: {  	_ =	shalt  }
0x75: {  	_ =	shalt  }
0x76: {  	_ =	shalt  }
0x77: {  	_ =	shalt  }
0x78: {  	_ =	shalt  }
0x79: {  	_ =	shalt  }
0x7a: {  	_ =	shalt  }
0x7b: {  	_ =	shalt  }
0x7c: {  	_ =	shalt  }
0x7d: {  	_ =	shalt  }
0x7e: {  	_ =	shalt  }
0x7f: {  	_ =	shalt  }
0x80: {  	_ =	shalt  }
0x81: {  	_ =	shalt  }
0x82: {  	_ =	shalt  }
0x83: {  	_ =	shalt  }
0x84: {  	_ =	shalt  }
0x85: {  	_ =	shalt  }
0x86: {  	_ =	shalt  }
0x87: {  	_ =	shalt  }
.Lfunc_end0:
.L_simem_size_0:
called_computation.1_lowered:
.L_overlay_start_0:
0x88: {  	s2 =	sld [smem:$0x3FD9]  }
0x89: {  	s3 =	sld [smem:$0x3FFE];
	_ =	sdelay $0x1  }
0x8a: {  	s1 =	srdreg.scid  }
0x8b: {  	s0 =	sand.u32 $0x1, s1  }
0x8c: {  	s17 =	sshll.u32 s0, $0xA;
	s2 =	sadd.s32 s3, s2  }
0x8d: {  	s2 =	sadd.s32 s2, s17  }
0x8e: {  	[smem:$0x3FC4] =	sst s2  }
0x8f: {  	_ = 	snop  }
0x90: {  	s2 =	sld [smem:$0x3FD0];
	(tm) =	ssettm $0x1  }
0x91: {  	s18 =	sld [smem:$0x3FFB];
	_ =	sdelay $0x3  }
0x92: {  	_ =	strace s18  }
0x93: {  	s3 =	sld [smem:$0x3FFC];
	_ =	sdelay $0x3  }
0x94: {  	_ =	strace s3  }
0x95: {  	s3 =	sld [smem:$0x3FFD];
	_ =	sdelay $0x3  }
0x96: {  	_ =	strace s3  }
0x97: {  	_ =	strace $0x8FFFFFFF  }
0x98: {  	s19 =	sld [smem:$0x3FDB];
	_ =	sdelay $0x1  }
0x99: {  	s4 =	simm.s32 $_scs_section_size  }
0x9a: {  	s5 =	simm.s32 $_size__tile_overlayer_lowered;
	s6 =	simm.s32 $_tile_overlayer_lowered  }
0x9b: {  	s22 =	simm.s32 $0x1BFF;
	s21 =	sshll.u32 s6, $0x1;
	s3 =	sadd.s32 s4, s19  }
0x9c: {  	s7 =	simm.s32 $0x0;
	s20 =	sshll.u32 s5, $0x1;
	s5 =	sadd.s32 s21, s3  }
0x9d: {  	[timem:s7], [sflag:s22] =	dma.local [hbm:s5], s20  }
0x9e: {  	_ =	swait.ge [sflag:s22], s20  }
0x9f: {  	s4 =	ssub.s32 $0x0, s20;
	[sflag:s22] =	ssyncset.done $0x0  }
0xa0: {  	[sflag:s22] =	ssyncadd.s32 s4;
	_ =	sdelay $0x1  }
0xa1: {  	s23 =	simm.s32 $0x1B8B  }
0xa2: {  	_ =	swait.ge [sflag:s23], $0x1  }
0xa3: {  	[sflag:s23] =	ssyncset.done $0x0  }
0xa4: {  	s25 =	simm.s32 $0x1B8E;
	s24 =	sld [smem:$0x3FFE];
	[sflag:s23] =	ssyncadd.s32 $0xFFFFFFFF  }
0xa5: {  	s26 =	simm.s32 $execute0_lowered;
	[smem:$0x3FD2] =	sst s25  }
0xa6: {  	s5 =	sshll.u32 s26, $0x1;
	_ =	strace $0x80000049;
	[dreg:$0x1] =	wrdreg $0xFFFFFFFF  }
0xa7: {  	s28 =	simm.s32 $_size_execute0_lowered;
	s3 =	sadd.s32 s3, s5;
	[dreg:$0x0] =	wrdreg $0x0  }
0xa8: {  	s5 =	sshll.u32 s28, $0x1;
	[dreg:$0x2] =	wrdreg s3  }
0xa9: {  	[dreg:$0x3] =	wrdreg s5  }
0xaa: {  	[dreg:$0x4] =	wrdreg $0xC0  }
0xab: {  	_ =	task [dreg:s7], $0x5FFFF  }
0xac: {  	[dreg:$0x1] =	wrdreg $0xFFFFFFFF  }
0xad: {  	[dreg:$0x0] =	wrdreg $0x60  }
0xae: {  	[dreg:$0x2] =	wrdreg s24  }
0xaf: {  	[dreg:$0x3] =	wrdreg s2  }
0xb0: {  	[dreg:$0x4] =	wrdreg $0xA0000  }
0xb1: {  	[dreg:$0x5] =	wrdreg $0x9  }
0xb2: {  	_ =	task.clear_ibuf [dreg:s7], $0x6FFFF;
	_ =	strace $0x90000049  }
0xb3: {  	s29 =	simm.s32 $0x9;
	_ =	strace $0x8000004B  }
0xb4: {  	_ =	swait.ge [sflag:s29], $0x1  }
0xb5: {  	[sflag:s29] =	ssyncadd.s32 $0xFFFFFFFF  }
0xb6: {  	_ =	strace $0x9000004B  }
0xb7: {  	_ =	sfence  }
0xb8: {  	s30 =	sld [smem:$0x0];
	_ =	sdelay $0x2  }
0xb9: {  	s31 =	sshll.u32 s1, $0xD;
	s1 =	sshrl.u32 s1, $0x2  }
0xba: {  	s3 =	sand.u32 $0x4000, s31;
	s1 =	sadd.s32 s1, s30  }
0xbb: {  	s0 =	sor.u32 s3, s0;
	s1 =	sshll.u32 s1, $0x11  }
0xbc: {  	s0 =	sor.u32 s1, s0  }
0xbd: {  	s0 =	sadd.s32 $0x8F2B, s0  }
0xbe: {  	[sflag:s0] =	ssyncadd.remote.s32 $0x1  }
0xbf: {  	_ =	sfence.sel $0xFFFF  }
0xc0: {  	[dreg:$0x0] =	wrdreg $0xFFFFFFFF;
	(pc) =	sbr.abs _section_cstart, $3  }
0xc1: {  	[dreg:$0x1] =	wrdreg $0xFFFFFFFF  }
0xc2: {  	_ =	task.clear_ibuf [dreg:s7], $0x2FFFF;
	_ =	strace $0x9FFFFFFF  }
0xc3: {  	(tm) =	ssettm $0x7FFFFFFF  }
tec
execute0_lowered:
.L_overlay_start_1:
0x0: {  	(tag) =	ssettag $0x1  }
0x1: {  	s0 =	srdreg.scid  }
0x2: {  	s4 =	rddreg [dreg:$0x0];
	s8 =	stileid.u32  }
0x3: {  	s5 =	rddreg [dreg:$0x1];
	s1 =	simm.s32 $0x0;
	s2 =	sand.u32 $0x1, s0  }
0x4: {  	[smem:$0x7FF] =	sst s1;
	s0 =	smul.u32 $0x13C000, s2;
	s3 =	sshll.u32 s2, $0x4  }
0x5: {  	s23 =	ssub.s32 $0x2, s2;
	s2 =	smul.u32 $0x13C00, s8;
	s3 =	sor.u32 s8, s3  }
0x6: {  	s24 =	sshrl.u32 s23, $0x1;
	s6 =	sshrl.u32 s0, $0x3;
	s9 =	smul.u32 $0x500, s3  }
0x7: {  	s8 =	ssub.s32 s23, s24;
	s10 =	sadd.s32 $0x5000, s2;
	s11 =	sadd.s32 $0x6400, s2  }
0x8: {  	s12 =	sadd.s32 $0x7800, s2;
	s13 =	sadd.s32 $0x8C00, s2;
	s14 =	sadd.s32 $0xA000, s2  }
0x9: {  	s16 =	sadd.s32 s2, s0;
	s15 =	sadd.s32 $0xB400, s2;
	s7 =	sadd.s32 s6, s4  }
0xa: {  	s6 =	sadd.s32 $0x2800, s2;
	s16 =	sshrl.u32 s16, $0x3;
	s18 =	sadd.s32 s0, s10  }
0xb: {  	s20 =	sadd.s32 s0, s11;
	s21 =	sadd.s32 s0, s12;
	s22 =	sadd.s32 s0, s13  }
0xc: {  	s8 =	smax.u32 s8, $0x1;
	s3 =	sadd.s32 s9, s4;
	s4 =	sadd.s32 $0x63C00, s4  }
0xd: {  	s5 =	sadd.s32 s5, s9;
	s9 =	sadd.s32 $0x3C00, s2;
	s26 =	sadd.s32 s0, s6  }
0xe: {  	s18 =	sshrl.u32 s18, $0x3;
	s23 =	sshrl.u32 s21, $0x3;
	s24 =	sshrl.u32 s22, $0x3  }
0xf: {  	[dreg:$0x4] =	wrdreg s5;
	s5 =	sadd.s32 $0x1400, s2;
	s16 =	sadd.s32 s4, s16  }
0x10: {  	s29 =	sadd.s32 s0, s9;
	s19 =	sadd.s32 s4, s18;
	[dreg:$0x5] =	wrdreg s16  }
0x11: {  	s17 =	sadd.s32 s0, s5;
	s16 =	sshrl.u32 s26, $0x3;
	[dreg:$0x9] =	wrdreg s19  }
0x12: {  	s26 =	sadd.s32 s0, s14;
	s17 =	sshrl.u32 s17, $0x3;
	s16 =	sadd.s32 s4, s16  }
0x13: {  	s25 =	sadd.s32 s4, s17;
	[dreg:$0x7] =	wrdreg s16;
	s17 =	sshrl.u32 s29, $0x3  }
0x14: {  	s19 =	sadd.s32 $0xC800, s2;
	[dreg:$0x6] =	wrdreg s25;
	s16 =	sadd.s32 s4, s17  }
0x15: {  	[dreg:$0x8] =	wrdreg s16;
	s16 =	sshrl.u32 s20, $0x3;
	s20 =	sadd.s32 s0, s19  }
0x16: {  	s25 =	sadd.s32 s4, s24;
	s16 =	sadd.s32 s4, s16;
	s21 =	sshrl.u32 s20, $0x3  }
0x17: {  	s20 =	sadd.s32 $0xDC00, s2;
	[dreg:$0xa] =	wrdreg s16;
	s16 =	sadd.s32 s4, s23  }
0x18: {  	s22 =	sadd.s32 s0, s20;
	[dreg:$0xb] =	wrdreg s16;
	s16 =	sshrl.u32 s26, $0x3  }
0x19: {  	[dreg:$0xc] =	wrdreg s25;
	s17 =	sshrl.u32 s22, $0x3;
	s16 =	sadd.s32 s4, s16  }
0x1a: {  	s29 =	sadd.s32 s0, s15;
	s17 =	sadd.s32 s4, s17;
	[dreg:$0xd] =	wrdreg s16  }
0x1b: {  	s7 =	sadd.s32 $0x14C00, s7;
	s18 =	sshrl.u32 s29, $0x3;
	[dreg:$0x10] =	wrdreg s17  }
0x1c: {  	s22 =	sadd.s32 $0x11800, s2;
	s16 =	sadd.s32 s4, s18;
	s18 =	rddreg [dreg:$0x2]  }
0x1d: {  	s29 =	sadd.s32 s0, s22;
	[dreg:$0xe] =	wrdreg s16;
	s16 =	sadd.s32 s4, s21  }
0x1e: {  	s21 =	sadd.s32 $0x10400, s2;
	s28 =	sadd.s32 s2, s18;
	s5 =	sadd.s32 s5, s18  }
0x1f: {  	s30 =	sadd.s32 s13, s18;
	s31 =	sadd.s32 s14, s18;
	s13 =	simm.s32 $0x6400  }
0x20: {  	[dreg:$0xf] =	wrdreg s16;
	s16 =	sadd.s32 $0xF000, s2;
	s25 =	sadd.s32 s0, s21  }
0x21: {  	s14 =	simm.s32 $0x7800;
	s23 =	sadd.s32 s0, s16;
	s26 =	sshrl.u32 s25, $0x3  }
0x22: {  	s25 =	sadd.s32 s10, s18;
	s24 =	sshrl.u32 s23, $0x3;
	s23 =	sadd.s32 $0x12C00, s2  }
0x23: {  	s10 =	simm.s32 $0x6;
	s17 =	sadd.s32 s4, s24;
	s0 =	sadd.s32 s0, s23  }
0x24: {  	[dreg:$0x11] =	wrdreg s17;
	s17 =	sadd.s32 s4, s26;
	s0 =	sshrl.u32 s0, $0x3  }
0x25: {  	[dreg:$0x12] =	wrdreg s17;
	s17 =	sshrl.u32 s29, $0x3;
	s0 =	sadd.s32 s4, s0  }
0x26: {  	s2 =	sadd.s32 s20, s18;
	s17 =	sadd.s32 s4, s17;
	[dreg:$0x14] =	wrdreg s0  }
0x27: {  	s20 =	simm.s32 $0x5;
	s4 =	sadd.s32 $0xAC00, s3;
	[dreg:$0x13] =	wrdreg s17  }
0x28: {  	s24 =	sadd.s32 s9, s18;
	_ =	strace $0x8000004A;
	[dreg:$0x15] =	wrdreg s4  }
0x29: {  	s9 =	simm.s32 $0x9;
	s17 =	sadd.s32 s6, s18;
	[dreg:$0x16] =	wrdreg s5  }
0x2a: {  	s26 =	sadd.s32 s11, s18;
	s11 =	simm.s32 $0x5000;
	[dreg:$0x17] =	wrdreg s17  }
0x2b: {  	s29 =	sadd.s32 s12, s18;
	s12 =	simm.s32 $0x28;
	[dreg:$0x18] =	wrdreg s24  }
0x2c: {  	s0 =	sadd.s32 s19, s18;
	s3 =	sadd.s32 s16, s18;
	[dreg:$0x19] =	wrdreg s25  }
0x2d: {  	s16 =	simm.s32 $0x8C00;
	s19 =	simm.s32 $0x2;
	[dreg:$0x1a] =	wrdreg s26  }
0x2e: {  	s6 =	sadd.s32 s23, s18;
	s23 =	simm.s32 $0x8;
	[dreg:$0x1b] =	wrdreg s29  }
0x2f: {  	s17 =	sadd.s32 s15, s18;
	s4 =	sadd.s32 s21, s18;
	s5 =	sadd.s32 s22, s18  }
0x30: {  	[dreg:$0x1c] =	wrdreg s8;
	s15 =	simm.s32 $0x1;
	s21 =	simm.s32 $0x3  }
0x31: {  	v0 =	vimm.f32 $0.0e+00;
	s8 =	simm.s32 $0x4;
	s22 =	simm.s32 $0x7;
	s24 =	simm.s32 $0x0  }
.LBB2_1:
0x32: {  	s25 =	rddreg [dreg:$0x15]  }
0x33: {  	[tilespmem:s1], [sflag:$0x9] =	stream.linear.gather [hbm4b:s25+s1], $0x2800, $0x38;
	[tilespmem:$0x1DC00] =	vst v63  }
0x34: {  	_ =	swait.ge [sflag:s9], $0x2800  }
0x35: {  	[sflag:s9] =	ssyncset.done $0x0  }
0x36: {  	s26 =	simm.s32 $0x2800;
	s29 =	rddreg [dreg:$0x4];
	[sflag:s9] =	ssyncadd.s32 $0xFFFFD800  }
0x37: {  	[tilespmem:s26], [sflag:$0x9] =	stream.linear.gather [hbm4b:s29+s1], $0x2800, $0x38;
	[tilespmem:$0x1DC00] =	vst v63  }
0x38: {  	_ =	swait.ge [sflag:s9], $0x2800  }
0x39: {  	[sflag:s9] =	ssyncset.done $0x0  }
0x3a: {  	s25 =	simm.s32 $0x0;
	s26 =	simm.s32 $0x200;
	[sflag:s9] =	ssyncadd.s32 $0xFFFFD800  }
.LBB2_2:
0x3b: {  	p0 =	sne.s32 s26, $0x4E00;
	[tilespmem:s25+$0x5070] =	vst v0  }
0x3c: {  	[tilespmem:s25+$0x5000] =	vst v0  }
0x3d: {  	[tilespmem:s25+$0x5010] =	vst v0  }
.Ltmp0:
0x3e: {  	[tilespmem:s25+$0x5020] =	vst v0;
	(pc) =	sbr.rel @p0 .LBB2_2-.Ltmp0, $4  }
0x3f: {  	[tilespmem:s25+$0x5030] =	vst v0  }
0x40: {  	[tilespmem:s25+$0x5040] =	vst v0  }
0x41: {  	[tilespmem:s25+$0x5050] =	vst v0  }
0x42: {  	[tilespmem:s25+$0x5060] =	vst v0;
	s25 =	sshra.s32 s26, $0x2;
	s26 =	sadd.s32 $0x200, s26  }
0x43: {  	[tilespmem:s25+$0x5070] =	vst v0  }
0x44: {  	[tilespmem:s25+$0x5000] =	vst v0  }
0x45: {  	[tilespmem:s25+$0x5010] =	vst v0  }
0x46: {  	[tilespmem:s25+$0x5020] =	vst v0  }
0x47: {  	[tilespmem:s25+$0x5030] =	vst v0  }
0x48: {  	[tilespmem:s25+$0x5040] =	vst v0  }
0x49: {  	[tilespmem:s25+$0x5050] =	vst v0  }
0x4a: {  	[tilespmem:s25+$0x5060] =	vst v0  }
0x4b: {  	[spmem:s28] =	stream.linear.scatter [tilespmem:s11], [sflag:$0x9], $0x1400, $0x38;
	[tilespmem:$0x1DC00] =	vst v63  }
0x4c: {  	_ =	swait.ge [sflag:s9], $0x1400  }
0x4d: {  	[sflag:s9] =	ssyncset.done $0x0  }
0x4e: {  	s26 =	rddreg [dreg:$0x16];
	[sflag:s9] =	ssyncadd.s32 $0xFFFFEC00  }
0x4f: {  	[spmem:s26] =	stream.linear.scatter [tilespmem:s11], [sflag:$0x9], $0x1400, $0x38;
	[tilespmem:$0x1DC00] =	vst v63  }
0x50: {  	_ =	swait.ge [sflag:s9], $0x1400  }
0x51: {  	[sflag:s9] =	ssyncset.done $0x0  }
0x52: {  	s29 =	smov.u32 s28;
	s28 =	rddreg [dreg:$0x17];
	[sflag:s9] =	ssyncadd.s32 $0xFFFFEC00  }
0x53: {  	[spmem:s28] =	stream.linear.scatter [tilespmem:s11], [sflag:$0x9], $0x1400, $0x38;
	[tilespmem:$0x1DC00] =	vst v63  }
0x54: {  	_ =	swait.ge [sflag:s9], $0x1400  }
0x55: {  	[sflag:s9] =	ssyncset.done $0x0  }
0x56: {  	s26 =	rddreg [dreg:$0x18];
	[sflag:s9] =	ssyncadd.s32 $0xFFFFEC00  }
0x57: {  	[spmem:s26] =	stream.linear.scatter [tilespmem:s11], [sflag:$0x9], $0x1400, $0x38;
	[tilespmem:$0x1DC00] =	vst v63  }
0x58: {  	_ =	swait.ge [sflag:s9], $0x1400  }
0x59: {  	[sflag:s9] =	ssyncset.done $0x0  }
0x5a: {  	s28 =	rddreg [dreg:$0x19];
	[sflag:s9] =	ssyncadd.s32 $0xFFFFEC00  }
0x5b: {  	[spmem:s28] =	stream.linear.scatter [tilespmem:s11], [sflag:$0x9], $0x1400, $0x38;
	[tilespmem:$0x1DC00] =	vst v63  }
0x5c: {  	_ =	swait.ge [sflag:s9], $0x1400  }
0x5d: {  	[sflag:s9] =	ssyncset.done $0x0  }
0x5e: {  	s26 =	rddreg [dreg:$0x1a];
	[sflag:s9] =	ssyncadd.s32 $0xFFFFEC00  }
0x5f: {  	[spmem:s26] =	stream.linear.scatter [tilespmem:s11], [sflag:$0x9], $0x1400, $0x38;
	[tilespmem:$0x1DC00] =	vst v63  }
0x60: {  	_ =	swait.ge [sflag:s9], $0x1400  }
0x61: {  	[sflag:s9] =	ssyncset.done $0x0  }
0x62: {  	s28 =	rddreg [dreg:$0x1b];
	[sflag:s9] =	ssyncadd.s32 $0xFFFFEC00  }
0x63: {  	[spmem:s28] =	stream.linear.scatter [tilespmem:s11], [sflag:$0x9], $0x1400, $0x38;
	[tilespmem:$0x1DC00] =	vst v63  }
0x64: {  	_ =	swait.ge [sflag:s9], $0x1400  }
0x65: {  	[sflag:s9] =	ssyncset.done $0x0  }
0x66: {  	[sflag:s9] =	ssyncadd.s32 $0xFFFFEC00  }
0x67: {  	[spmem:s30] =	stream.linear.scatter [tilespmem:s11], [sflag:$0x9], $0x1400, $0x38;
	[tilespmem:$0x1DC00] =	vst v63  }
0x68: {  	_ =	swait.ge [sflag:s9], $0x1400  }
0x69: {  	[sflag:s9] =	ssyncset.done $0x0  }
0x6a: {  	[sflag:s9] =	ssyncadd.s32 $0xFFFFEC00  }
0x6b: {  	[spmem:s31] =	stream.linear.scatter [tilespmem:s11], [sflag:$0x9], $0x1400, $0x38;
	[tilespmem:$0x1DC00] =	vst v63  }
0x6c: {  	_ =	swait.ge [sflag:s9], $0x1400  }
0x6d: {  	[sflag:s9] =	ssyncset.done $0x0  }
0x6e: {  	[sflag:s9] =	ssyncadd.s32 $0xFFFFEC00  }
0x6f: {  	[spmem:s17] =	stream.linear.scatter [tilespmem:s11], [sflag:$0x9], $0x1400, $0x38;
	[tilespmem:$0x1DC00] =	vst v63  }
0x70: {  	_ =	swait.ge [sflag:s9], $0x1400  }
0x71: {  	[sflag:s9] =	ssyncset.done $0x0  }
0x72: {  	[sflag:s9] =	ssyncadd.s32 $0xFFFFEC00  }
0x73: {  	[spmem:s0] =	stream.linear.scatter [tilespmem:s11], [sflag:$0x9], $0x1400, $0x38;
	[tilespmem:$0x1DC00] =	vst v63  }
0x74: {  	_ =	swait.ge [sflag:s9], $0x1400  }
0x75: {  	[sflag:s9] =	ssyncset.done $0x0  }
0x76: {  	[sflag:s9] =	ssyncadd.s32 $0xFFFFEC00  }
0x77: {  	[spmem:s2] =	stream.linear.scatter [tilespmem:s11], [sflag:$0x9], $0x1400, $0x38;
	[tilespmem:$0x1DC00] =	vst v63  }
0x78: {  	_ =	swait.ge [sflag:s9], $0x1400  }
0x79: {  	[sflag:s9] =	ssyncset.done $0x0  }
0x7a: {  	[sflag:s9] =	ssyncadd.s32 $0xFFFFEC00  }
0x7b: {  	[spmem:s3] =	stream.linear.scatter [tilespmem:s11], [sflag:$0x9], $0x1400, $0x38;
	[tilespmem:$0x1DC00] =	vst v63  }
0x7c: {  	_ =	swait.ge [sflag:s9], $0x1400  }
0x7d: {  	[sflag:s9] =	ssyncset.done $0x0  }
0x7e: {  	[sflag:s9] =	ssyncadd.s32 $0xFFFFEC00  }
0x7f: {  	[spmem:s4] =	stream.linear.scatter [tilespmem:s11], [sflag:$0x9], $0x1400, $0x38;
	[tilespmem:$0x1DC00] =	vst v63  }
0x80: {  	_ =	swait.ge [sflag:s9], $0x1400  }
0x81: {  	[sflag:s9] =	ssyncset.done $0x0  }
0x82: {  	[sflag:s9] =	ssyncadd.s32 $0xFFFFEC00  }
0x83: {  	[spmem:s5] =	stream.linear.scatter [tilespmem:s11], [sflag:$0x9], $0x1400, $0x38;
	[tilespmem:$0x1DC00] =	vst v63  }
0x84: {  	_ =	swait.ge [sflag:s9], $0x1400  }
0x85: {  	[sflag:s9] =	ssyncset.done $0x0  }
0x86: {  	[sflag:s9] =	ssyncadd.s32 $0xFFFFEC00  }
0x87: {  	[spmem:s6] =	stream.linear.scatter [tilespmem:s11], [sflag:$0x9], $0x1000, $0x38;
	[tilespmem:$0x1DC00] =	vst v63  }
0x88: {  	_ =	swait.ge [sflag:s9], $0x1000  }
0x89: {  	[sflag:s9] =	ssyncset.done $0x0  }
0x8a: {  	[sflag:s9] =	ssyncadd.s32 $0xFFFFF000  }
0x8b: {  	s26 =	simm.s32 $0x0;
	[bflag:$0x0] =	sbarrier.arrive $0xFFFF  }
0x8c: {  	[tilespmem:s11], [sflag:$0x1] =	stream.indirect.gather [hbm4b:s7+s12], $0x80, s26, s12, $0xb8;
	[tilespmem:$0x1DC00] =	vst v63  }
0x8d: {  	_ = 	snop  }
0x8e: {  	[tilespmem:s13], [sflag:$0x2] =	stream.indirect.gather [hbm4b:s7+s12], $0x80, s12, s12, $0xb8;
	[tilespmem:$0x1DC00] =	vst v63  }
0x8f: {  	s28 =	simm.s32 $0x50  }
0x90: {  	[tilespmem:s14], [sflag:$0x3] =	stream.indirect.gather [hbm4b:s7+s12], $0x80, s28, s12, $0xb8;
	[tilespmem:$0x1DC00] =	vst v63  }
0x91: {  	_ =	swait.ge [sflag:s15], $0x1400  }
0x92: {  	[sflag:s15] =	ssyncset.done $0x0  }
0x93: {  	s26 =	simm.s32 $0x2800;
	[sflag:s15] =	ssyncadd.s32 $0xFFFFEC00  }
0x94: {  	[spmem:s18] =	stream.indirect.scatter.add.f32 [tilespmem:s11], [sflag:$0x5], $0x80, s26, s12, $0xb8;
	[tilespmem:$0x1DC00] =	vst v63  }
0x95: {  	s28 =	simm.s32 $0x78  }
0x96: {  	[tilespmem:s16], [sflag:$0x4] =	stream.indirect.gather [hbm4b:s7+s12], $0x80, s28, s12, $0xb8;
	[tilespmem:$0x1DC00] =	vst v63  }
0x97: {  	_ =	swait.ge [sflag:s19], $0x1400  }
0x98: {  	[sflag:s19] =	ssyncset.done $0x0  }
0x99: {  	s26 =	simm.s32 $0x2828;
	[sflag:s19] =	ssyncadd.s32 $0xFFFFEC00  }
0x9a: {  	[spmem:s18] =	stream.indirect.scatter.add.f32 [tilespmem:s13], [sflag:$0x6], $0x80, s26, s12, $0xb8;
	[tilespmem:$0x1DC00] =	vst v63  }
0x9b: {  	_ =	swait.ge [sflag:s20], $0x1400  }
0x9c: {  	[sflag:s20] =	ssyncset.done $0x0  }
0x9d: {  	s28 =	simm.s32 $0xA0;
	[sflag:s20] =	ssyncadd.s32 $0xFFFFEC00  }
0x9e: {  	[tilespmem:s11], [sflag:$0x1] =	stream.indirect.gather [hbm4b:s7+s12], $0x80, s28, s12, $0xb8;
	[tilespmem:$0x1DC00] =	vst v63  }
0x9f: {  	_ =	swait.ge [sflag:s21], $0x1400  }
0xa0: {  	[sflag:s21] =	ssyncset.done $0x0  }
0xa1: {  	s26 =	simm.s32 $0x2850;
	[sflag:s21] =	ssyncadd.s32 $0xFFFFEC00  }
0xa2: {  	[spmem:s18] =	stream.indirect.scatter.add.f32 [tilespmem:s14], [sflag:$0x7], $0x80, s26, s12, $0xb8;
	[tilespmem:$0x1DC00] =	vst v63  }
0xa3: {  	_ =	swait.ge [sflag:s10], $0x1400  }
0xa4: {  	[sflag:s10] =	ssyncset.done $0x0  }
0xa5: {  	s28 =	simm.s32 $0xC8;
	[sflag:s10] =	ssyncadd.s32 $0xFFFFEC00  }
0xa6: {  	[tilespmem:s13], [sflag:$0x2] =	stream.indirect.gather [hbm4b:s7+s12], $0x80, s28, s12, $0xb8;
	[tilespmem:$0x1DC00] =	vst v63  }
0xa7: {  	_ =	swait.ge [sflag:s8], $0x1400  }
0xa8: {  	[sflag:s8] =	ssyncset.done $0x0  }
0xa9: {  	s26 =	simm.s32 $0x2878;
	[sflag:s8] =	ssyncadd.s32 $0xFFFFEC00  }
0xaa: {  	[spmem:s18] =	stream.indirect.scatter.add.f32 [tilespmem:s16], [sflag:$0x8], $0x80, s26, s12, $0xb8;
	[tilespmem:$0x1DC00] =	vst v63  }
0xab: {  	_ =	swait.ge [sflag:s22], $0x1400  }
0xac: {  	[sflag:s22] =	ssyncset.done $0x0  }
0xad: {  	s28 =	simm.s32 $0xF0;
	[sflag:s22] =	ssyncadd.s32 $0xFFFFEC00  }
0xae: {  	[tilespmem:s14], [sflag:$0x3] =	stream.indirect.gather [hbm4b:s7+s12], $0x80, s28, s12, $0xb8;
	[tilespmem:$0x1DC00] =	vst v63  }
0xaf: {  	_ =	swait.ge [sflag:s15], $0x1400  }
0xb0: {  	[sflag:s15] =	ssyncset.done $0x0  }
0xb1: {  	s26 =	simm.s32 $0x28A0;
	[sflag:s15] =	ssyncadd.s32 $0xFFFFEC00  }
0xb2: {  	[spmem:s18] =	stream.indirect.scatter.add.f32 [tilespmem:s11], [sflag:$0x5], $0x80, s26, s12, $0xb8;
	[tilespmem:$0x1DC00] =	vst v63  }
0xb3: {  	_ =	swait.ge [sflag:s23], $0x1400  }
0xb4: {  	[sflag:s23] =	ssyncset.done $0x0  }
0xb5: {  	s28 =	simm.s32 $0x118;
	[sflag:s23] =	ssyncadd.s32 $0xFFFFEC00  }
0xb6: {  	[tilespmem:s16], [sflag:$0x4] =	stream.indirect.gather [hbm4b:s7+s12], $0x80, s28, s12, $0xb8;
	[tilespmem:$0x1DC00] =	vst v63  }
0xb7: {  	_ =	swait.ge [sflag:s19], $0x1400  }
0xb8: {  	[sflag:s19] =	ssyncset.done $0x0  }
0xb9: {  	s26 =	simm.s32 $0x28C8;
	[sflag:s19] =	ssyncadd.s32 $0xFFFFEC00  }
0xba: {  	[spmem:s18] =	stream.indirect.scatter.add.f32 [tilespmem:s13], [sflag:$0x6], $0x80, s26, s12, $0xb8;
	[tilespmem:$0x1DC00] =	vst v63  }
0xbb: {  	_ =	swait.ge [sflag:s20], $0x1400  }
0xbc: {  	[sflag:s20] =	ssyncset.done $0x0  }
0xbd: {  	s28 =	simm.s32 $0x140;
	[sflag:s20] =	ssyncadd.s32 $0xFFFFEC00  }
0xbe: {  	[tilespmem:s11], [sflag:$0x1] =	stream.indirect.gather [hbm4b:s7+s12], $0x80, s28, s12, $0xb8;
	[tilespmem:$0x1DC00] =	vst v63  }
0xbf: {  	_ =	swait.ge [sflag:s21], $0x1400  }
0xc0: {  	[sflag:s21] =	ssyncset.done $0x0  }
0xc1: {  	s26 =	simm.s32 $0x28F0;
	[sflag:s21] =	ssyncadd.s32 $0xFFFFEC00  }
0xc2: {  	[spmem:s18] =	stream.indirect.scatter.add.f32 [tilespmem:s14], [sflag:$0x7], $0x80, s26, s12, $0xb8;
	[tilespmem:$0x1DC00] =	vst v63  }
0xc3: {  	_ =	swait.ge [sflag:s10], $0x1400  }
0xc4: {  	[sflag:s10] =	ssyncset.done $0x0  }
0xc5: {  	s28 =	simm.s32 $0x168;
	[sflag:s10] =	ssyncadd.s32 $0xFFFFEC00  }
0xc6: {  	[tilespmem:s13], [sflag:$0x2] =	stream.indirect.gather [hbm4b:s7+s12], $0x80, s28, s12, $0xb8;
	[tilespmem:$0x1DC00] =	vst v63  }
0xc7: {  	_ =	swait.ge [sflag:s8], $0x1400  }
0xc8: {  	[sflag:s8] =	ssyncset.done $0x0  }
0xc9: {  	s25 =	simm.s32 $0x280;
	s26 =	simm.s32 $0x2918;
	[sflag:s8] =	ssyncadd.s32 $0xFFFFEC00  }
.LBB2_4:
0xca: {  	[spmem:s18] =	stream.indirect.scatter.add.f32 [tilespmem:s16], [sflag:$0x8], $0x80, s26, s12, $0xb8;
	[tilespmem:$0x1DC00] =	vst v63  }
0xcb: {  	s26 =	smov.u32 s25;
	s25 =	sadd.s32 $0x280, s25;
	_ =	swait.ge [sflag:s22], $0x1400  }
0xcc: {  	s26 =	sshra.s32 s26, $0x2;
	p0 =	sne.s32 s25, $0x9B00;
	[sflag:s22] =	ssyncset.done $0x0  }
0xcd: {  	s28 =	sadd.s32 $0xF0, s26;
	[sflag:s22] =	ssyncadd.s32 $0xFFFFEC00  }
0xce: {  	[tilespmem:s14], [sflag:$0x3] =	stream.indirect.gather [hbm4b:s7+s12], $0x80, s28, s12, $0xb8;
	[tilespmem:$0x1DC00] =	vst v63  }
0xcf: {  	_ =	swait.ge [sflag:s15], $0x1400  }
0xd0: {  	[sflag:s15] =	ssyncset.done $0x0  }
0xd1: {  	s28 =	sadd.s32 $0x28A0, s26;
	[sflag:s15] =	ssyncadd.s32 $0xFFFFEC00  }
0xd2: {  	[spmem:s18] =	stream.indirect.scatter.add.f32 [tilespmem:s11], [sflag:$0x5], $0x80, s28, s12, $0xb8;
	[tilespmem:$0x1DC00] =	vst v63  }
0xd3: {  	_ =	swait.ge [sflag:s23], $0x1400  }
0xd4: {  	[sflag:s23] =	ssyncset.done $0x0  }
0xd5: {  	s28 =	sadd.s32 $0x118, s26;
	[sflag:s23] =	ssyncadd.s32 $0xFFFFEC00  }
0xd6: {  	[tilespmem:s16], [sflag:$0x4] =	stream.indirect.gather [hbm4b:s7+s12], $0x80, s28, s12, $0xb8;
	[tilespmem:$0x1DC00] =	vst v63  }
0xd7: {  	_ =	swait.ge [sflag:s19], $0x1400  }
0xd8: {  	[sflag:s19] =	ssyncset.done $0x0  }
0xd9: {  	s28 =	sadd.s32 $0x28C8, s26;
	[sflag:s19] =	ssyncadd.s32 $0xFFFFEC00  }
0xda: {  	[spmem:s18] =	stream.indirect.scatter.add.f32 [tilespmem:s13], [sflag:$0x6], $0x80, s28, s12, $0xb8;
	[tilespmem:$0x1DC00] =	vst v63  }
0xdb: {  	_ =	swait.ge [sflag:s20], $0x1400  }
0xdc: {  	[sflag:s20] =	ssyncset.done $0x0  }
0xdd: {  	s28 =	sadd.s32 $0x140, s26;
	[sflag:s20] =	ssyncadd.s32 $0xFFFFEC00  }
0xde: {  	[tilespmem:s11], [sflag:$0x1] =	stream.indirect.gather [hbm4b:s7+s12], $0x80, s28, s12, $0xb8;
	[tilespmem:$0x1DC00] =	vst v63  }
0xdf: {  	_ =	swait.ge [sflag:s21], $0x1400  }
0xe0: {  	[sflag:s21] =	ssyncset.done $0x0  }
0xe1: {  	s28 =	sadd.s32 $0x28F0, s26;
	[sflag:s21] =	ssyncadd.s32 $0xFFFFEC00  }
0xe2: {  	[spmem:s18] =	stream.indirect.scatter.add.f32 [tilespmem:s14], [sflag:$0x7], $0x80, s28, s12, $0xb8;
	[tilespmem:$0x1DC00] =	vst v63  }
0xe3: {  	_ =	swait.ge [sflag:s10], $0x1400  }
0xe4: {  	[sflag:s10] =	ssyncset.done $0x0  }
.Ltmp1:
0xe5: {  	s28 =	sadd.s32 $0x168, s26;
	[sflag:s10] =	ssyncadd.s32 $0xFFFFEC00;
	(pc) =	sbr.rel @p0 .LBB2_4-.Ltmp1, $4  }
0xe6: {  	[tilespmem:s13], [sflag:$0x2] =	stream.indirect.gather [hbm4b:s7+s12], $0x80, s28, s12, $0xb8;
	[tilespmem:$0x1DC00] =	vst v63  }
0xe7: {  	_ =	swait.ge [sflag:s8], $0x1400  }
0xe8: {  	[sflag:s8] =	ssyncset.done $0x0  }
0xe9: {  	s26 =	sadd.s32 $0x2918, s26;
	[sflag:s8] =	ssyncadd.s32 $0xFFFFEC00  }
0xea: {  	[spmem:s18] =	stream.indirect.scatter.add.f32 [tilespmem:s16], [sflag:$0x8], $0x80, s26, s12, $0xb8;
	[tilespmem:$0x1DC00] =	vst v63  }
0xeb: {  	_ =	swait.ge [sflag:s22], $0x1400  }
0xec: {  	[sflag:s22] =	ssyncset.done $0x0  }
0xed: {  	s26 =	simm.s32 $0x27B0;
	[sflag:s22] =	ssyncadd.s32 $0xFFFFEC00  }
0xee: {  	[tilespmem:s14], [sflag:$0x3] =	stream.indirect.gather [hbm4b:s7+s12], $0x80, s26, s12, $0xb8;
	[tilespmem:$0x1DC00] =	vst v63  }
0xef: {  	_ =	swait.ge [sflag:s15], $0x1400  }
0xf0: {  	s25 =	sshra.s32 s25, $0x2;
	[sflag:s15] =	ssyncset.done $0x0  }
0xf1: {  	s26 =	sadd.s32 $0x28A0, s25;
	[sflag:s15] =	ssyncadd.s32 $0xFFFFEC00  }
0xf2: {  	[spmem:s18] =	stream.indirect.scatter.add.f32 [tilespmem:s11], [sflag:$0x5], $0x80, s26, s12, $0xb8;
	[tilespmem:$0x1DC00] =	vst v63  }
0xf3: {  	_ =	swait.ge [sflag:s23], $0x1400  }
0xf4: {  	[sflag:s23] =	ssyncset.done $0x0  }
0xf5: {  	s26 =	simm.s32 $0x27D8;
	[sflag:s23] =	ssyncadd.s32 $0xFFFFEC00  }
0xf6: {  	[tilespmem:s16], [sflag:$0x4] =	stream.indirect.gather [hbm4b:s7+s12], $0x80, s26, s12, $0xb8;
	[tilespmem:$0x1DC00] =	vst v63  }
0xf7: {  	_ =	swait.ge [sflag:s19], $0x1400  }
0xf8: {  	[sflag:s19] =	ssyncset.done $0x0  }
0xf9: {  	s25 =	sadd.s32 $0x28C8, s25;
	[sflag:s19] =	ssyncadd.s32 $0xFFFFEC00  }
0xfa: {  	[spmem:s18] =	stream.indirect.scatter.add.f32 [tilespmem:s13], [sflag:$0x6], $0x80, s25, s12, $0xb8;
	[tilespmem:$0x1DC00] =	vst v63  }
0xfb: {  	_ =	swait.ge [sflag:s21], $0x1400  }
0xfc: {  	[sflag:s21] =	ssyncset.done $0x0  }
0xfd: {  	s26 =	simm.s32 $0x4FB0;
	[sflag:s21] =	ssyncadd.s32 $0xFFFFEC00  }
0xfe: {  	[spmem:s18] =	stream.indirect.scatter.add.f32 [tilespmem:s14], [sflag:$0x7], $0x80, s26, s12, $0xb8;
	[tilespmem:$0x1DC00] =	vst v63  }
0xff: {  	_ =	swait.ge [sflag:s8], $0x1400  }
0x100: {  	[sflag:s8] =	ssyncset.done $0x0  }
0x101: {  	s26 =	simm.s32 $0x4FD8;
	[sflag:s8] =	ssyncadd.s32 $0xFFFFEC00  }
0x102: {  	[spmem:s18] =	stream.indirect.scatter.add.f32 [tilespmem:s16], [sflag:$0x8], $0x80, s26, s12, $0xb8;
	[tilespmem:$0x1DC00] =	vst v63  }
0x103: {  	_ =	swait.ge [sflag:s20], $0x1400  }
0x104: {  	[sflag:s20] =	ssyncset.done $0x0  }
0x105: {  	[sflag:s20] =	ssyncadd.s32 $0xFFFFEC00  }
0x106: {  	_ =	swait.ge [sflag:s10], $0x1400  }
0x107: {  	[sflag:s10] =	ssyncset.done $0x0  }
0x108: {  	[sflag:s10] =	ssyncadd.s32 $0xFFFFEC00  }
0x109: {  	_ =	swait.ge [sflag:s22], $0x1400  }
0x10a: {  	[sflag:s22] =	ssyncset.done $0x0  }
0x10b: {  	[sflag:s22] =	ssyncadd.s32 $0xFFFFEC00  }
0x10c: {  	_ =	swait.ge [sflag:s23], $0x1400  }
0x10d: {  	[sflag:s23] =	ssyncset.done $0x0  }
0x10e: {  	[sflag:s23] =	ssyncadd.s32 $0xFFFFEC00  }
0x10f: {  	[bflag:$0x0] =	sbarrier.arrive $0xFFFF  }
0x110: {  	[tilespmem:s11], [sflag:$0x9] =	stream.linear.gather [spmem:s29], $0x1400, $0x38;
	[tilespmem:$0x1DC00] =	vst v63  }
0x111: {  	_ =	swait.ge [sflag:s9], $0x1400  }
0x112: {  	[sflag:s9] =	ssyncset.done $0x0  }
0x113: {  	s28 =	smov.u32 s29;
	s29 =	rddreg [dreg:$0x5];
	[sflag:s9] =	ssyncadd.s32 $0xFFFFEC00  }
0x114: {  	[hbm4b:s29+s1] =	stream.linear.scatter [tilespmem:s11], [sflag:$0x9], $0x1400, $0x38;
	[tilespmem:$0x1DC00] =	vst v63  }
0x115: {  	_ =	swait.ge [sflag:s9], $0x1400  }
0x116: {  	[sflag:s9] =	ssyncset.done $0x0  }
0x117: {  	s26 =	rddreg [dreg:$0x16];
	[sflag:s9] =	ssyncadd.s32 $0xFFFFEC00  }
0x118: {  	[tilespmem:s11], [sflag:$0x9] =	stream.linear.gather [spmem:s26], $0x1400, $0x38;
	[tilespmem:$0x1DC00] =	vst v63  }
0x119: {  	_ =	swait.ge [sflag:s9], $0x1400  }
0x11a: {  	[sflag:s9] =	ssyncset.done $0x0  }
0x11b: {  	s29 =	rddreg [dreg:$0x6];
	[sflag:s9] =	ssyncadd.s32 $0xFFFFEC00  }
0x11c: {  	[hbm4b:s29+s1] =	stream.linear.scatter [tilespmem:s11], [sflag:$0x9], $0x1400, $0x38;
	[tilespmem:$0x1DC00] =	vst v63  }
0x11d: {  	_ =	swait.ge [sflag:s9], $0x1400  }
0x11e: {  	[sflag:s9] =	ssyncset.done $0x0  }
0x11f: {  	s26 =	rddreg [dreg:$0x17];
	[sflag:s9] =	ssyncadd.s32 $0xFFFFEC00  }
0x120: {  	[tilespmem:s11], [sflag:$0x9] =	stream.linear.gather [spmem:s26], $0x1400, $0x38;
	[tilespmem:$0x1DC00] =	vst v63  }
0x121: {  	_ =	swait.ge [sflag:s9], $0x1400  }
0x122: {  	[sflag:s9] =	ssyncset.done $0x0  }
0x123: {  	s29 =	rddreg [dreg:$0x7];
	[sflag:s9] =	ssyncadd.s32 $0xFFFFEC00  }
0x124: {  	[hbm4b:s29+s1] =	stream.linear.scatter [tilespmem:s11], [sflag:$0x9], $0x1400, $0x38;
	[tilespmem:$0x1DC00] =	vst v63  }
0x125: {  	_ =	swait.ge [sflag:s9], $0x1400  }
0x126: {  	[sflag:s9] =	ssyncset.done $0x0  }
0x127: {  	s26 =	rddreg [dreg:$0x18];
	[sflag:s9] =	ssyncadd.s32 $0xFFFFEC00  }
0x128: {  	[tilespmem:s11], [sflag:$0x9] =	stream.linear.gather [spmem:s26], $0x1400, $0x38;
	[tilespmem:$0x1DC00] =	vst v63  }
0x129: {  	_ =	swait.ge [sflag:s9], $0x1400  }
0x12a: {  	[sflag:s9] =	ssyncset.done $0x0  }
0x12b: {  	s29 =	rddreg [dreg:$0x8];
	[sflag:s9] =	ssyncadd.s32 $0xFFFFEC00  }
0x12c: {  	[hbm4b:s29+s1] =	stream.linear.scatter [tilespmem:s11], [sflag:$0x9], $0x1400, $0x38;
	[tilespmem:$0x1DC00] =	vst v63  }
0x12d: {  	_ =	swait.ge [sflag:s9], $0x1400  }
0x12e: {  	[sflag:s9] =	ssyncset.done $0x0  }
0x12f: {  	s26 =	rddreg [dreg:$0x19];
	[sflag:s9] =	ssyncadd.s32 $0xFFFFEC00  }
0x130: {  	[tilespmem:s11], [sflag:$0x9] =	stream.linear.gather [spmem:s26], $0x1400, $0x38;
	[tilespmem:$0x1DC00] =	vst v63  }
0x131: {  	_ =	swait.ge [sflag:s9], $0x1400  }
0x132: {  	[sflag:s9] =	ssyncset.done $0x0  }
0x133: {  	s29 =	rddreg [dreg:$0x9];
	[sflag:s9] =	ssyncadd.s32 $0xFFFFEC00  }
0x134: {  	[hbm4b:s29+s1] =	stream.linear.scatter [tilespmem:s11], [sflag:$0x9], $0x1400, $0x38;
	[tilespmem:$0x1DC00] =	vst v63  }
0x135: {  	_ =	swait.ge [sflag:s9], $0x1400  }
0x136: {  	[sflag:s9] =	ssyncset.done $0x0  }
0x137: {  	s26 =	rddreg [dreg:$0x1a];
	[sflag:s9] =	ssyncadd.s32 $0xFFFFEC00  }
0x138: {  	[tilespmem:s11], [sflag:$0x9] =	stream.linear.gather [spmem:s26], $0x1400, $0x38;
	[tilespmem:$0x1DC00] =	vst v63  }
0x139: {  	_ =	swait.ge [sflag:s9], $0x1400  }
0x13a: {  	[sflag:s9] =	ssyncset.done $0x0  }
0x13b: {  	s29 =	rddreg [dreg:$0xa];
	[sflag:s9] =	ssyncadd.s32 $0xFFFFEC00  }
0x13c: {  	[hbm4b:s29+s1] =	stream.linear.scatter [tilespmem:s11], [sflag:$0x9], $0x1400, $0x38;
	[tilespmem:$0x1DC00] =	vst v63  }
0x13d: {  	_ =	swait.ge [sflag:s9], $0x1400  }
0x13e: {  	[sflag:s9] =	ssyncset.done $0x0  }
0x13f: {  	s26 =	rddreg [dreg:$0x1b];
	[sflag:s9] =	ssyncadd.s32 $0xFFFFEC00  }
0x140: {  	[tilespmem:s11], [sflag:$0x9] =	stream.linear.gather [spmem:s26], $0x1400, $0x38;
	[tilespmem:$0x1DC00] =	vst v63  }
0x141: {  	_ =	swait.ge [sflag:s9], $0x1400  }
0x142: {  	[sflag:s9] =	ssyncset.done $0x0  }
0x143: {  	s29 =	rddreg [dreg:$0xb];
	[sflag:s9] =	ssyncadd.s32 $0xFFFFEC00  }
0x144: {  	[hbm4b:s29+s1] =	stream.linear.scatter [tilespmem:s11], [sflag:$0x9], $0x1400, $0x38;
	[tilespmem:$0x1DC00] =	vst v63  }
0x145: {  	_ =	swait.ge [sflag:s9], $0x1400  }
0x146: {  	[sflag:s9] =	ssyncset.done $0x0  }
0x147: {  	[sflag:s9] =	ssyncadd.s32 $0xFFFFEC00  }
0x148: {  	[tilespmem:s11], [sflag:$0x9] =	stream.linear.gather [spmem:s30], $0x1400, $0x38;
	[tilespmem:$0x1DC00] =	vst v63  }
0x149: {  	_ =	swait.ge [sflag:s9], $0x1400  }
0x14a: {  	[sflag:s9] =	ssyncset.done $0x0  }
0x14b: {  	s26 =	rddreg [dreg:$0xc];
	[sflag:s9] =	ssyncadd.s32 $0xFFFFEC00  }
0x14c: {  	[hbm4b:s26+s1] =	stream.linear.scatter [tilespmem:s11], [sflag:$0x9], $0x1400, $0x38;
	[tilespmem:$0x1DC00] =	vst v63  }
0x14d: {  	_ =	swait.ge [sflag:s9], $0x1400  }
0x14e: {  	[sflag:s9] =	ssyncset.done $0x0  }
0x14f: {  	[sflag:s9] =	ssyncadd.s32 $0xFFFFEC00  }
0x150: {  	[tilespmem:s11], [sflag:$0x9] =	stream.linear.gather [spmem:s31], $0x1400, $0x38;
	[tilespmem:$0x1DC00] =	vst v63  }
0x151: {  	_ =	swait.ge [sflag:s9], $0x1400  }
0x152: {  	[sflag:s9] =	ssyncset.done $0x0  }
0x153: {  	s29 =	rddreg [dreg:$0xd];
	[sflag:s9] =	ssyncadd.s32 $0xFFFFEC00  }
0x154: {  	[hbm4b:s29+s1] =	stream.linear.scatter [tilespmem:s11], [sflag:$0x9], $0x1400, $0x38;
	[tilespmem:$0x1DC00] =	vst v63  }
0x155: {  	_ =	swait.ge [sflag:s9], $0x1400  }
0x156: {  	[sflag:s9] =	ssyncset.done $0x0  }
0x157: {  	[sflag:s9] =	ssyncadd.s32 $0xFFFFEC00  }
0x158: {  	[tilespmem:s11], [sflag:$0x9] =	stream.linear.gather [spmem:s17], $0x1400, $0x38;
	[tilespmem:$0x1DC00] =	vst v63  }
0x159: {  	_ =	swait.ge [sflag:s9], $0x1400  }
0x15a: {  	[sflag:s9] =	ssyncset.done $0x0  }
0x15b: {  	s26 =	rddreg [dreg:$0xe];
	[sflag:s9] =	ssyncadd.s32 $0xFFFFEC00  }
0x15c: {  	[hbm4b:s26+s1] =	stream.linear.scatter [tilespmem:s11], [sflag:$0x9], $0x1400, $0x38;
	[tilespmem:$0x1DC00] =	vst v63  }
0x15d: {  	_ =	swait.ge [sflag:s9], $0x1400  }
0x15e: {  	[sflag:s9] =	ssyncset.done $0x0  }
0x15f: {  	[sflag:s9] =	ssyncadd.s32 $0xFFFFEC00  }
0x160: {  	[tilespmem:s11], [sflag:$0x9] =	stream.linear.gather [spmem:s0], $0x1400, $0x38;
	[tilespmem:$0x1DC00] =	vst v63  }
0x161: {  	_ =	swait.ge [sflag:s9], $0x1400  }
0x162: {  	[sflag:s9] =	ssyncset.done $0x0  }
0x163: {  	s29 =	rddreg [dreg:$0xf];
	[sflag:s9] =	ssyncadd.s32 $0xFFFFEC00  }
0x164: {  	[hbm4b:s29+s1] =	stream.linear.scatter [tilespmem:s11], [sflag:$0x9], $0x1400, $0x38;
	[tilespmem:$0x1DC00] =	vst v63  }
0x165: {  	_ =	swait.ge [sflag:s9], $0x1400  }
0x166: {  	[sflag:s9] =	ssyncset.done $0x0  }
0x167: {  	[sflag:s9] =	ssyncadd.s32 $0xFFFFEC00  }
0x168: {  	[tilespmem:s11], [sflag:$0x9] =	stream.linear.gather [spmem:s2], $0x1400, $0x38;
	[tilespmem:$0x1DC00] =	vst v63  }
0x169: {  	_ =	swait.ge [sflag:s9], $0x1400  }
0x16a: {  	[sflag:s9] =	ssyncset.done $0x0  }
0x16b: {  	s26 =	rddreg [dreg:$0x10];
	[sflag:s9] =	ssyncadd.s32 $0xFFFFEC00  }
0x16c: {  	[hbm4b:s26+s1] =	stream.linear.scatter [tilespmem:s11], [sflag:$0x9], $0x1400, $0x38;
	[tilespmem:$0x1DC00] =	vst v63  }
0x16d: {  	_ =	swait.ge [sflag:s9], $0x1400  }
0x16e: {  	[sflag:s9] =	ssyncset.done $0x0  }
0x16f: {  	[sflag:s9] =	ssyncadd.s32 $0xFFFFEC00  }
0x170: {  	[tilespmem:s11], [sflag:$0x9] =	stream.linear.gather [spmem:s3], $0x1400, $0x38;
	[tilespmem:$0x1DC00] =	vst v63  }
0x171: {  	_ =	swait.ge [sflag:s9], $0x1400  }
0x172: {  	[sflag:s9] =	ssyncset.done $0x0  }
0x173: {  	s29 =	rddreg [dreg:$0x11];
	[sflag:s9] =	ssyncadd.s32 $0xFFFFEC00  }
0x174: {  	[hbm4b:s29+s1] =	stream.linear.scatter [tilespmem:s11], [sflag:$0x9], $0x1400, $0x38;
	[tilespmem:$0x1DC00] =	vst v63  }
0x175: {  	_ =	swait.ge [sflag:s9], $0x1400  }
0x176: {  	[sflag:s9] =	ssyncset.done $0x0  }
0x177: {  	[sflag:s9] =	ssyncadd.s32 $0xFFFFEC00  }
0x178: {  	[tilespmem:s11], [sflag:$0x9] =	stream.linear.gather [spmem:s4], $0x1400, $0x38;
	[tilespmem:$0x1DC00] =	vst v63  }
0x179: {  	_ =	swait.ge [sflag:s9], $0x1400  }
0x17a: {  	[sflag:s9] =	ssyncset.done $0x0  }
0x17b: {  	s26 =	rddreg [dreg:$0x12];
	[sflag:s9] =	ssyncadd.s32 $0xFFFFEC00  }
0x17c: {  	[hbm4b:s26+s1] =	stream.linear.scatter [tilespmem:s11], [sflag:$0x9], $0x1400, $0x38;
	[tilespmem:$0x1DC00] =	vst v63  }
0x17d: {  	_ =	swait.ge [sflag:s9], $0x1400  }
0x17e: {  	[sflag:s9] =	ssyncset.done $0x0  }
0x17f: {  	[sflag:s9] =	ssyncadd.s32 $0xFFFFEC00  }
0x180: {  	[tilespmem:s11], [sflag:$0x9] =	stream.linear.gather [spmem:s5], $0x1400, $0x38;
	[tilespmem:$0x1DC00] =	vst v63  }
0x181: {  	_ =	swait.ge [sflag:s9], $0x1400  }
0x182: {  	[sflag:s9] =	ssyncset.done $0x0  }
0x183: {  	s29 =	rddreg [dreg:$0x13];
	[sflag:s9] =	ssyncadd.s32 $0xFFFFEC00  }
0x184: {  	[hbm4b:s29+s1] =	stream.linear.scatter [tilespmem:s11], [sflag:$0x9], $0x1400, $0x38;
	[tilespmem:$0x1DC00] =	vst v63  }
0x185: {  	_ =	swait.ge [sflag:s9], $0x1400  }
0x186: {  	[sflag:s9] =	ssyncset.done $0x0  }
0x187: {  	[sflag:s9] =	ssyncadd.s32 $0xFFFFEC00  }
0x188: {  	[tilespmem:s11], [sflag:$0x9] =	stream.linear.gather [spmem:s6], $0x1000, $0x38;
	[tilespmem:$0x1DC00] =	vst v63  }
0x189: {  	_ =	swait.ge [sflag:s9], $0x1000  }
0x18a: {  	[sflag:s9] =	ssyncset.done $0x0  }
0x18b: {  	s26 =	rddreg [dreg:$0x14];
	[sflag:s9] =	ssyncadd.s32 $0xFFFFF000  }
0x18c: {  	[hbm4b:s26+s1] =	stream.linear.scatter [tilespmem:s11], [sflag:$0x9], $0x1000, $0x38;
	[tilespmem:$0x1DC00] =	vst v63  }
0x18d: {  	_ =	swait.ge [sflag:s9], $0x1000  }
0x18e: {  	s24 =	sadd.s32 $0x1, s24;
	s29 =	rddreg [dreg:$0x1c]  }
0x18f: {  	p0 =	sne.s32 s24, s29  }
.Ltmp2:
0x190: {  	_ = 	snop;
	(pc) =	sbr.rel @p0 .LBB2_1-.Ltmp2, $3  }
0x191: {  	_ =	sdelay $0x1  }
0x192: {  	[sflag:s9] =	ssyncset.done $0x0  }
0x193: {  	[sflag:s9] =	ssyncadd.s32 $0xFFFFF000  }
0x194: {  	_ =	sfence.sel $0x180000  }
0x195: {  	[bflag:$0x0] =	sbarrier.arrive $0xFFFF  }
0x196: {  	_ =	strace $0x9000004A  }
0x197: {  	s0 =	stileid.u32;
	[bflag:$0x2] =	sbarrier.arrive $0xFFFF  }
0x198: {  	p0 =	sne.s32 s0, $0x0;
	s0 =	rddreg [dreg:$0x3]  }
0x199: {  	s0 =	sadd.s32 @!p0 $0x100000, s0  }
0x19a: {  	[sflag:s0] =	ssyncadd.tile.s32 @!p0 $0x1;
	_ =	shalt  }
.Lfunc_end2:
_tile_overlayer_lowered:
.L_overlay_start_2:
0x19b: {  	(tag) =	ssettag $0x2  }
0x19c: {  	s0 =	rddreg [dreg:$0x0];
	s2 =	stileid.u32  }
0x19d: {  	s1 =	rddreg [dreg:$0x1];
	p0 =	sne.s32 s2, $0x0  }
0x19e: {  	s3 =	rddreg [dreg:$0x2];
	[bflag:$0x3] =	sbarrier.arrive $0xFFFF;
	s2 =	simm.s32 @!p0 $0x1C09  }
0x19f: {  	[timem:s3], [sflag:s2] =	dma.local @!p0 [hbm:s0], s1  }
0x1a0: {  	s0 =	simm.s32 @!p0 $0x9  }
0x1a1: {  	_ =	swait.ge @!p0 [sflag:s0], s1  }
0x1a2: {  	s1 =	ssub.s32 @!p0 $0x0, s1;
	[sflag:s0] =	ssyncset.done @!p0 $0x0  }
0x1a3: {  	[sflag:s0] =	ssyncadd.s32 @!p0 s1  }
0x1a4: {  	[bflag:$0x3] =	sbarrier.arrive $0xFFFF  }
0x1a5: {  	_ =	shalt  }

</sc_bundles>
